<compile_context>
chip_gen: v7x
topology: tpu7x:2x2x1
jax: 0.10.2.dev20260603
libtpu: 0.0.44.dev20260713+nightly
codegen_flags: <defaults>
</compile_context>

<pallas_src>
import functools

import jax
import jax.numpy as jnp
from jax import lax
from jax.experimental import pallas as pl
from jax.experimental.pallas import tpu as pltpu
from jax.experimental.pallas import tpu_sc as plsc

NC = 2
NS = 16
NW = NC * NS
LANES = 16

CHUNK = 80


def _ab_body(feat_ref, w1a_ref, w1b_ref, a_ref, b_ref):
    f = feat_ref[...]
    a_ref[...] = jnp.dot(f, w1a_ref[...], preferred_element_type=jnp.float32)
    b_ref[...] = jnp.dot(f, w1b_ref[...], preferred_element_type=jnp.float32)


def _final_body(s_ref, feat_ref, w2_ref, lw_ref, bias_ref, o_ref):
    s = s_ref[0] + s_ref[1]
    o_ref[...] = (
        jnp.dot(s, w2_ref[...], preferred_element_type=jnp.float32)
        + jnp.dot(feat_ref[...], lw_ref[...], preferred_element_type=jnp.float32)
        + bias_ref[...]
    )


def _make_sc_edge_kernel(n_nodes, d, n_chunks_total):
    chunks_per_worker = n_chunks_total // NW
    rows_per_tile = (n_nodes // NS) & ~7
    rows_rem = n_nodes - rows_per_tile * NS
    pieces = []
    off = 0
    while off < rows_per_tile:
        sz = min(CHUNK, rows_per_tile - off)
        pieces.append((off, sz))
        off += sz
    idx_rows = min(32, chunks_per_worker)
    phases = []
    off = 0
    while off < chunks_per_worker:
        sz = min(idx_rows, chunks_per_worker - off)
        phases.append((off, sz))
        off += sz
    mesh = plsc.VectorSubcoreMesh(core_axis_name="c", subcore_axis_name="s")

    @functools.partial(
        pl.kernel,
        out_type=jax.ShapeDtypeStruct((NC, n_nodes, d), jnp.float32),
        mesh=mesh,
        scratch_types=[
            pltpu.VMEM((idx_rows, CHUNK), jnp.int32),
            pltpu.VMEM((idx_rows, CHUNK), jnp.int32),
            pltpu.VMEM((CHUNK, d), jnp.float32),
            pltpu.VMEM((CHUNK, d), jnp.float32),
            pltpu.VMEM((CHUNK, d), jnp.float32),
            pltpu.VMEM_SHARED((n_nodes, d), jnp.float32),
            [pltpu.SemaphoreType.DMA] * 3,
            [pltpu.SemaphoreType.DMA] * 3,
            [pltpu.SemaphoreType.DMA] * 3,
        ],
    )
    def sc_edge(a_hbm, b_hbm, src_hbm, dst_hbm, out_hbm,
                idx_s, idx_d, rows0, rows1, rows2, acc, bsems, asems, ssems):
        cid = lax.axis_index("c")
        sid = lax.axis_index("s")
        wid = sid * NC + cid
        tile_base = sid * rows_per_tile

        zero = jnp.zeros((LANES,), jnp.float32)

        def zrow(r, carry):
            for cix in range(d // LANES):
                rows0[r, pl.ds(cix * LANES, LANES)] = zero
            return carry

        lax.fori_loop(0, CHUNK, zrow, 0)
        for poff, psz in pieces:
            pltpu.sync_copy(rows0.at[pl.ds(0, psz)],
                            acc.at[pl.ds(tile_base + poff, psz)])
        if rows_rem:
            @pl.when(sid == NS - 1)
            def _zero_rem():
                pltpu.sync_copy(rows0.at[pl.ds(0, rows_rem)],
                                acc.at[pl.ds(NS * rows_per_tile, rows_rem)])
        plsc.subcore_barrier()

        bufs = (rows0, rows1, rows2)

        def start_b(i, rr, sem):
            pltpu.async_copy(b_hbm.at[idx_d.at[i]], rr, sem)

        def wait_b(rr, sem):
            pltpu.make_async_copy(b_hbm.at[idx_d.at[0]], rr, sem).wait()

        def start_a(i, rr, sem):
            pltpu.async_copy(a_hbm.at[idx_s.at[i]], rr, sem, add=True)

        def wait_a(rr, sem):
            pltpu.make_async_copy(a_hbm.at[idx_s.at[0]], rr, sem).wait()

        def wait_scatter(rr, ssem):
            pltpu.make_async_copy(rr, acc.at[idx_d.at[0]], ssem).wait()

        def crunch(i, rr, ssem):
            def vrow(r, c2):
                for cix in range(d // LANES):
                    sl = pl.ds(cix * LANES, LANES)
                    rr[r, sl] = jnp.maximum(rr[r, sl], 0.0)
                return c2

            lax.fori_loop(0, CHUNK, vrow, 0)
            pltpu.async_copy(rr, acc.at[idx_d.at[i]], ssem, add=True)

        for phoff, phsz in phases:
            pltpu.sync_copy(src_hbm.at[wid].at[pl.ds(phoff, phsz)],
                            idx_s.at[pl.ds(0, phsz)])
            pltpu.sync_copy(dst_hbm.at[wid].at[pl.ds(phoff, phsz)],
                            idx_d.at[pl.ds(0, phsz)])
            start_b(0, bufs[0], bsems[0])
            if phsz > 1:
                start_b(1, bufs[1], bsems[1])
            wait_b(bufs[0], bsems[0])
            start_a(0, bufs[0], asems[0])

            def tstep(k, carry):
                for s in range(3):
                    j = 3 * k + s
                    x, y, z = s % 3, (s + 1) % 3, (s + 2) % 3

                    @pl.when(j < phsz)
                    def _do(j=j, x=x, y=y, z=z):
                        @pl.when(j >= 1)
                        def _wz():
                            wait_scatter(bufs[z], ssems[z])

                        @pl.when(j + 2 < phsz)
                        def _bz():
                            start_b(j + 2, bufs[z], bsems[z])

                        @pl.when(j + 1 < phsz)
                        def _ay():
                            wait_b(bufs[y], bsems[y])
                            start_a(j + 1, bufs[y], asems[y])

                        wait_a(bufs[x], asems[x])
                        crunch(j, bufs[x], ssems[x])

                return carry

            lax.fori_loop(0, (phsz + 2) // 3, tstep, 0)

            wait_scatter(bufs[(phsz - 1) % 3], ssems[(phsz - 1) % 3])

        plsc.subcore_barrier()
        for poff, psz in pieces:
            pltpu.sync_copy(acc.at[pl.ds(tile_base + poff, psz)],
                            rows0.at[pl.ds(0, psz)])
            pltpu.sync_copy(rows0.at[pl.ds(0, psz)],
                            out_hbm.at[cid].at[pl.ds(tile_base + poff, psz)])
        if rows_rem:
            @pl.when(sid == NS - 1)
            def _copy_rem():
                pltpu.sync_copy(acc.at[pl.ds(NS * rows_per_tile, rows_rem)],
                                rows0.at[pl.ds(0, rows_rem)])
                pltpu.sync_copy(rows0.at[pl.ds(0, rows_rem)],
                                out_hbm.at[cid].at[pl.ds(NS * rows_per_tile, rows_rem)])

    return sc_edge


def kernel(feat, edge_index, weight1, weight2, loop_weight, bias):
    n, d = feat.shape
    e = edge_index.shape[1]
    w1a = weight1[:d]
    w1b = weight1[d:]

    row_block = 1000
    grid = (n // row_block,)
    ab = pl.pallas_call(
        _ab_body,
        grid=grid,
        in_specs=[
            pl.BlockSpec((row_block, d), lambda i: (i, 0)),
            pl.BlockSpec((d, d), lambda i: (0, 0)),
            pl.BlockSpec((d, d), lambda i: (0, 0)),
        ],
        out_specs=[
            pl.BlockSpec((row_block, d), lambda i: (i, 0)),
            pl.BlockSpec((row_block, d), lambda i: (i, 0)),
        ],
        out_shape=[
            jax.ShapeDtypeStruct((n, d), jnp.float32),
            jax.ShapeDtypeStruct((n, d), jnp.float32),
        ],
    )(feat, w1a, w1b)
    a, b = ab

    n_chunks = e // CHUNK
    src2d = edge_index[0].reshape(NW, n_chunks // NW, CHUNK)
    dst2d = edge_index[1].reshape(NW, n_chunks // NW, CHUNK)

    sc_edge = _make_sc_edge_kernel(n, d, n_chunks)
    partials = sc_edge(a, b, src2d, dst2d)

    bias2d = bias.reshape(1, d)
    out = pl.pallas_call(
        _final_body,
        grid=grid,
        in_specs=[
            pl.BlockSpec((2, row_block, d), lambda i: (0, i, 0)),
            pl.BlockSpec((row_block, d), lambda i: (i, 0)),
            pl.BlockSpec((d, d), lambda i: (0, 0)),
            pl.BlockSpec((d, d), lambda i: (0, 0)),
            pl.BlockSpec((1, d), lambda i: (0, 0)),
        ],
        out_specs=pl.BlockSpec((row_block, d), lambda i: (i, 0)),
        out_shape=jax.ShapeDtypeStruct((n, d), jnp.float32),
    )(partials, feat, weight2, loop_weight, bias2d)
    return out

# --- scband reference (transcript-rebuilt; emitter-appended) ---
"""Pipeline reference for scband-interact-conv-22179211116725 (READ-ONLY COPY).

The authoritative reference and input builder live on the scoring server;
editing this copy changes nothing except your own understanding.
"""

import jax, jax.numpy as jnp
import numpy as np

N_NODES = 10000
N_EDGES = 320000
D_IN = 128
D_OUT = 128

def _xavier_uniform(key, shape, gain=1.0):
    fan_in, fan_out = shape[0], shape[1]
    a = gain * np.sqrt(6.0 / (fan_in + fan_out))
    return jax.random.uniform(key, shape, dtype=jnp.float32, minval=-a, maxval=a)

def setup_inputs(seed: int = 0) -> dict:
    key = jax.random.key(seed)
    k1, k2, k3, k4, k5 = jax.random.split(key, 5)
    feat = jax.random.normal(k1, (N_NODES, D_IN), dtype=jnp.float32)
    edge_index = jax.random.randint(k2, (2, N_EDGES), 0, N_NODES, dtype=jnp.int32)
    # learned parameters per InteractConv.__init__(in_feats=128, out_feats=128)
    weight1 = _xavier_uniform(k3, (2 * D_IN, D_IN))
    weight2 = _xavier_uniform(k4, (D_IN, D_OUT))
    # loop_weight uses gain=calculate_gain('relu')=sqrt(2)
    loop_weight = _xavier_uniform(k5, (D_IN, D_OUT), gain=np.sqrt(2.0))
    bias = jnp.zeros((D_OUT,), dtype=jnp.float32)
    return {"feat": feat, "edge_index": edge_index, "weight1": weight1,
            "weight2": weight2, "loop_weight": loop_weight, "bias": bias}

def reference(feat, edge_index, weight1, weight2, loop_weight, bias):
    src = edge_index[0]
    dst = edge_index[1]
    # apply_edges: concat source and destination features per edge
    el = jnp.take(feat, src, axis=0)          # [E, D_IN]
    er = jnp.take(feat, dst, axis=0)          # [E, D_IN]
    feat_msg = jnp.concatenate([el, er], axis=-1)  # [E, 2*D_IN]
    # per-edge 2-layer interaction MLP
    e_msg = jnp.matmul(jax.nn.relu(jnp.matmul(feat_msg, weight1)), weight2)  # [E, D_OUT]
    # update_all: copy_edge + sum -> scatter-add messages into dst nodes
    h = jax.ops.segment_sum(e_msg, dst, num_segments=N_NODES)  # [N, D_OUT]
    # residual self-loop message
    loop_message = jnp.matmul(feat, loop_weight)  # [N, D_OUT]
    rst = h + bias
    rst = rst + loop_message
    return rst

if __name__ == "__main__":
    import jax
    _d = setup_inputs()
    print(jax.jit(kernel)(*tuple(_d.values())))

</pallas_src>

<mosaic_0001>
#map = affine_map<(d0, d1) -> (0, 0)>
#map1 = affine_map<(d0, d1) -> (0, 0, 0)>
module attributes {stable_mosaic.version = 14 : i64} {
  func.func @sc_edge(%arg0: i32, %arg1: i32, %arg2: memref<10000x128xf32, #tpu.memory_space<hbm>>, %arg3: memref<10000x128xf32, #tpu.memory_space<hbm>>, %arg4: memref<32x125x80xi32, #tpu.memory_space<hbm>>, %arg5: memref<32x125x80xi32, #tpu.memory_space<hbm>>, %arg6: memref<2x10000x128xf32, #tpu.memory_space<hbm>>, %arg7: memref<32x80xi32, #tpu.memory_space<vmem>>, %arg8: memref<32x80xi32, #tpu.memory_space<vmem>>, %arg9: memref<80x128xf32, #tpu.memory_space<vmem>>, %arg10: memref<80x128xf32, #tpu.memory_space<vmem>>, %arg11: memref<80x128xf32, #tpu.memory_space<vmem>>, %arg12: memref<10000x128xf32, #tpu.memory_space<vmem_shared>>, %arg13: memref<!tpu.dma_semaphore, #tpu.memory_space<semaphore_mem>>, %arg14: memref<!tpu.dma_semaphore, #tpu.memory_space<semaphore_mem>>, %arg15: memref<!tpu.dma_semaphore, #tpu.memory_space<semaphore_mem>>, %arg16: memref<!tpu.dma_semaphore, #tpu.memory_space<semaphore_mem>>, %arg17: memref<!tpu.dma_semaphore, #tpu.memory_space<semaphore_mem>>, %arg18: memref<!tpu.dma_semaphore, #tpu.memory_space<semaphore_mem>>, %arg19: memref<!tpu.dma_semaphore, #tpu.memory_space<semaphore_mem>>, %arg20: memref<!tpu.dma_semaphore, #tpu.memory_space<semaphore_mem>>, %arg21: memref<!tpu.dma_semaphore, #tpu.memory_space<semaphore_mem>>) attributes {dimension_semantics = [#tpu.dimension_semantics<core_parallel>, #tpu.dimension_semantics<subcore_parallel>], iteration_bounds = array<i64: 2, 16>, scalar_prefetch = 0 : i64, scratch_operands = 15 : i64, tpu.core_type = #tpu.core_type<sc_vector_subcore>, window_params = [{transform_indices = #map}, {transform_indices = #map}, {transform_indices = #map1}, {transform_indices = #map1}, {transform_indices = #map1}]} {
    %mul3A = arith.constant 2 : i32
    %mul3A_0 = arith.muli %arg1, %mul3A : i32
    %add3A = arith.addi %mul3A_0, %arg0 : i32
    %mul3A_1 = arith.constant 624 : i32
    %mul3A_2 = arith.muli %arg1, %mul3A_1 : i32
    %broadcast_in_dim3A = arith.constant 0.000000e+00 : f32
    %broadcast_in_dim3A_3 = vector.broadcast %broadcast_in_dim3A : f32 to vector<16xf32>
    %scan3A = arith.constant 0 : i32
    %scan3A_4 = arith.constant 0 : i32
    %scan3A_5 = arith.constant 80 : i32
    %scan3A_6 = arith.addi %scan3A_4, %scan3A_5 : i32
    %scan3A_7 = arith.constant 1 : i32
    scf.for %scan3A_227 = %scan3A_4 to %scan3A_6 step %scan3A_7  : i32 {
      %swap3A = arith.index_cast %scan3A_227 : i32 to index
      %swap3A_228 = arith.constant 0 : index
      %swap3A_229 = tpu.vector_load %arg9[%swap3A, %swap3A_228] {strides = array<i32>} : memref<80x128xf32, #tpu.memory_space<vmem>>, vector<1x16xf32>,
      %swap3A_230 = vector.shape_cast %swap3A_229 : vector<1x16xf32> to vector<16xf32>
      %swap3A_231 = vector.shape_cast %broadcast_in_dim3A_3 : vector<16xf32> to vector<1x16xf32>
      tpu.vector_store %arg9[%swap3A, %swap3A_228], %swap3A_231 {strides = array<i32>} : memref<80x128xf32, #tpu.memory_space<vmem>>, vector<1x16xf32>,
      %swap3A_232 = arith.index_cast %scan3A_227 : i32 to index
      %swap3A_233 = arith.constant 16 : index
      %swap3A_234 = tpu.vector_load %arg9[%swap3A_232, %swap3A_233] {strides = array<i32>} : memref<80x128xf32, #tpu.memory_space<vmem>>, vector<1x16xf32>,
      %swap3A_235 = vector.shape_cast %swap3A_234 : vector<1x16xf32> to vector<16xf32>
      %swap3A_236 = vector.shape_cast %broadcast_in_dim3A_3 : vector<16xf32> to vector<1x16xf32>
      tpu.vector_store %arg9[%swap3A_232, %swap3A_233], %swap3A_236 {strides = array<i32>} : memref<80x128xf32, #tpu.memory_space<vmem>>, vector<1x16xf32>,
      %swap3A_237 = arith.index_cast %scan3A_227 : i32 to index
      %swap3A_238 = arith.constant 32 : index
      %swap3A_239 = tpu.vector_load %arg9[%swap3A_237, %swap3A_238] {strides = array<i32>} : memref<80x128xf32, #tpu.memory_space<vmem>>, vector<1x16xf32>,
      %swap3A_240 = vector.shape_cast %swap3A_239 : vector<1x16xf32> to vector<16xf32>
      %swap3A_241 = vector.shape_cast %broadcast_in_dim3A_3 : vector<16xf32> to vector<1x16xf32>
      tpu.vector_store %arg9[%swap3A_237, %swap3A_238], %swap3A_241 {strides = array<i32>} : memref<80x128xf32, #tpu.memory_space<vmem>>, vector<1x16xf32>,
      %swap3A_242 = arith.index_cast %scan3A_227 : i32 to index
      %swap3A_243 = arith.constant 48 : index
      %swap3A_244 = tpu.vector_load %arg9[%swap3A_242, %swap3A_243] {strides = array<i32>} : memref<80x128xf32, #tpu.memory_space<vmem>>, vector<1x16xf32>,
      %swap3A_245 = vector.shape_cast %swap3A_244 : vector<1x16xf32> to vector<16xf32>
      %swap3A_246 = vector.shape_cast %broadcast_in_dim3A_3 : vector<16xf32> to vector<1x16xf32>
      tpu.vector_store %arg9[%swap3A_242, %swap3A_243], %swap3A_246 {strides = array<i32>} : memref<80x128xf32, #tpu.memory_space<vmem>>, vector<1x16xf32>,
      %swap3A_247 = arith.index_cast %scan3A_227 : i32 to index
      %swap3A_248 = arith.constant 64 : index
      %swap3A_249 = tpu.vector_load %arg9[%swap3A_247, %swap3A_248] {strides = array<i32>} : memref<80x128xf32, #tpu.memory_space<vmem>>, vector<1x16xf32>,
      %swap3A_250 = vector.shape_cast %swap3A_249 : vector<1x16xf32> to vector<16xf32>
      %swap3A_251 = vector.shape_cast %broadcast_in_dim3A_3 : vector<16xf32> to vector<1x16xf32>
      tpu.vector_store %arg9[%swap3A_247, %swap3A_248], %swap3A_251 {strides = array<i32>} : memref<80x128xf32, #tpu.memory_space<vmem>>, vector<1x16xf32>,
      %swap3A_252 = arith.index_cast %scan3A_227 : i32 to index
      %swap3A_253 = arith.constant 80 : index
      %swap3A_254 = tpu.vector_load %arg9[%swap3A_252, %swap3A_253] {strides = array<i32>} : memref<80x128xf32, #tpu.memory_space<vmem>>, vector<1x16xf32>,
      %swap3A_255 = vector.shape_cast %swap3A_254 : vector<1x16xf32> to vector<16xf32>
      %swap3A_256 = vector.shape_cast %broadcast_in_dim3A_3 : vector<16xf32> to vector<1x16xf32>
      tpu.vector_store %arg9[%swap3A_252, %swap3A_253], %swap3A_256 {strides = array<i32>} : memref<80x128xf32, #tpu.memory_space<vmem>>, vector<1x16xf32>,
      %swap3A_257 = arith.index_cast %scan3A_227 : i32 to index
      %swap3A_258 = arith.constant 96 : index
      %swap3A_259 = tpu.vector_load %arg9[%swap3A_257, %swap3A_258] {strides = array<i32>} : memref<80x128xf32, #tpu.memory_space<vmem>>, vector<1x16xf32>,
      %swap3A_260 = vector.shape_cast %swap3A_259 : vector<1x16xf32> to vector<16xf32>
      %swap3A_261 = vector.shape_cast %broadcast_in_dim3A_3 : vector<16xf32> to vector<1x16xf32>
      tpu.vector_store %arg9[%swap3A_257, %swap3A_258], %swap3A_261 {strides = array<i32>} : memref<80x128xf32, #tpu.memory_space<vmem>>, vector<1x16xf32>,
      %swap3A_262 = arith.index_cast %scan3A_227 : i32 to index
      %swap3A_263 = arith.constant 112 : index
      %swap3A_264 = tpu.vector_load %arg9[%swap3A_262, %swap3A_263] {strides = array<i32>} : memref<80x128xf32, #tpu.memory_space<vmem>>, vector<1x16xf32>,
      %swap3A_265 = vector.shape_cast %swap3A_264 : vector<1x16xf32> to vector<16xf32>
      %swap3A_266 = vector.shape_cast %broadcast_in_dim3A_3 : vector<16xf32> to vector<1x16xf32>
      tpu.vector_store %arg9[%swap3A_262, %swap3A_263], %swap3A_266 {strides = array<i32>} : memref<80x128xf32, #tpu.memory_space<vmem>>, vector<1x16xf32>,
    }
    %scan3A_8 = arith.constant 80 : i32
    %add3A_9 = arith.constant 0 : i32
    %add3A_10 = arith.addi %mul3A_2, %add3A_9 : i32
    "tpu.region"() ({
      %run_scoped3A = tpu.sem_alloc : memref<!tpu.dma_semaphore, #tpu.memory_space<semaphore_mem>>
      %dma_start3A_227 = arith.constant 0 : i32
      %dma_start3A_228 = arith.constant 0 : i32
      %dma_start3A_229 = tpu.memref_slice %arg9[%dma_start3A_227, %dma_start3A_228] : memref<80x128xf32, #tpu.memory_space<vmem>> -> memref<80x128xf32, #tpu.memory_space<vmem>>
      %dma_start3A_230 = arith.constant 0 : i32
      %dma_start3A_231 = tpu.memref_slice %arg12[%add3A_10, %dma_start3A_230] : memref<10000x128xf32, #tpu.memory_space<vmem_shared>> -> memref<80x128xf32, #tpu.memory_space<vmem_shared>>
      %dma_start3A_232 = arith.constant 0 : i32
      %dma_start3A_233 = tpu.memref_slice %arg12[%add3A_10, %dma_start3A_232] : memref<10000x128xf32, #tpu.memory_space<vmem_shared>> -> memref<80x128xf32, #tpu.memory_space<vmem_shared>>
      %dma_start3A_234 = arith.constant 0 : i32
      %dma_start3A_235 = arith.constant 0 : i32
      %dma_start3A_236 = tpu.memref_slice %arg9[%dma_start3A_234, %dma_start3A_235] : memref<80x128xf32, #tpu.memory_space<vmem>> -> memref<80x128xf32, #tpu.memory_space<vmem>>
      tpu.enqueue_dma source(%dma_start3A_236 : memref<80x128xf32, #tpu.memory_space<vmem>>) target(%dma_start3A_233 : memref<80x128xf32, #tpu.memory_space<vmem_shared>>) target_semaphore(%run_scoped3A : memref<!tpu.dma_semaphore, #tpu.memory_space<semaphore_mem>>)
      %dma_wait3A_237 = arith.constant 0 : i32
      %dma_wait3A_238 = arith.constant 0 : i32
      %dma_wait3A_239 = tpu.memref_slice %arg9[%dma_wait3A_237, %dma_wait3A_238] : memref<80x128xf32, #tpu.memory_space<vmem>> -> memref<80x128xf32, #tpu.memory_space<vmem>>
      %dma_wait3A_240 = arith.constant 0 : i32
      %dma_wait3A_241 = tpu.memref_slice %arg12[%add3A_10, %dma_wait3A_240] : memref<10000x128xf32, #tpu.memory_space<vmem_shared>> -> memref<80x128xf32, #tpu.memory_space<vmem_shared>>
      %dma_wait3A_242 = arith.constant 0 : i32
      %dma_wait3A_243 = tpu.memref_slice %arg12[%add3A_10, %dma_wait3A_242] : memref<10000x128xf32, #tpu.memory_space<vmem_shared>> -> memref<80x128xf32, #tpu.memory_space<vmem_shared>>
      %dma_wait3A_244 = arith.constant 0 : i32
      %dma_wait3A_245 = arith.constant 0 : i32
      %dma_wait3A_246 = tpu.memref_slice %arg9[%dma_wait3A_244, %dma_wait3A_245] : memref<80x128xf32, #tpu.memory_space<vmem>> -> memref<80x128xf32, #tpu.memory_space<vmem>>
      tpu.wait_dma2 semaphore(%run_scoped3A : memref<!tpu.dma_semaphore, #tpu.memory_space<semaphore_mem>>) src(%dma_wait3A_246 : memref<80x128xf32, #tpu.memory_space<vmem>>) dst(%dma_wait3A_243 : memref<80x128xf32, #tpu.memory_space<vmem_shared>>)
      tpu.yield
    }) : () -> ()
    %add3A_11 = arith.constant 80 : i32
    %add3A_12 = arith.addi %mul3A_2, %add3A_11 : i32
    "tpu.region"() ({
      %run_scoped3A = tpu.sem_alloc : memref<!tpu.dma_semaphore, #tpu.memory_space<semaphore_mem>>
      %dma_start3A_227 = arith.constant 0 : i32
      %dma_start3A_228 = arith.constant 0 : i32
      %dma_start3A_229 = tpu.memref_slice %arg9[%dma_start3A_227, %dma_start3A_228] : memref<80x128xf32, #tpu.memory_space<vmem>> -> memref<80x128xf32, #tpu.memory_space<vmem>>
      %dma_start3A_230 = arith.constant 0 : i32
      %dma_start3A_231 = tpu.memref_slice %arg12[%add3A_12, %dma_start3A_230] : memref<10000x128xf32, #tpu.memory_space<vmem_shared>> -> memref<80x128xf32, #tpu.memory_space<vmem_shared>>
      %dma_start3A_232 = arith.constant 0 : i32
      %dma_start3A_233 = tpu.memref_slice %arg12[%add3A_12, %dma_start3A_232] : memref<10000x128xf32, #tpu.memory_space<vmem_shared>> -> memref<80x128xf32, #tpu.memory_space<vmem_shared>>
      %dma_start3A_234 = arith.constant 0 : i32
      %dma_start3A_235 = arith.constant 0 : i32
      %dma_start3A_236 = tpu.memref_slice %arg9[%dma_start3A_234, %dma_start3A_235] : memref<80x128xf32, #tpu.memory_space<vmem>> -> memref<80x128xf32, #tpu.memory_space<vmem>>
      tpu.enqueue_dma source(%dma_start3A_236 : memref<80x128xf32, #tpu.memory_space<vmem>>) target(%dma_start3A_233 : memref<80x128xf32, #tpu.memory_space<vmem_shared>>) target_semaphore(%run_scoped3A : memref<!tpu.dma_semaphore, #tpu.memory_space<semaphore_mem>>)
      %dma_wait3A_237 = arith.constant 0 : i32
      %dma_wait3A_238 = arith.constant 0 : i32
      %dma_wait3A_239 = tpu.memref_slice %arg9[%dma_wait3A_237, %dma_wait3A_238] : memref<80x128xf32, #tpu.memory_space<vmem>> -> memref<80x128xf32, #tpu.memory_space<vmem>>
      %dma_wait3A_240 = arith.constant 0 : i32
      %dma_wait3A_241 = tpu.memref_slice %arg12[%add3A_12, %dma_wait3A_240] : memref<10000x128xf32, #tpu.memory_space<vmem_shared>> -> memref<80x128xf32, #tpu.memory_space<vmem_shared>>
      %dma_wait3A_242 = arith.constant 0 : i32
      %dma_wait3A_243 = tpu.memref_slice %arg12[%add3A_12, %dma_wait3A_242] : memref<10000x128xf32, #tpu.memory_space<vmem_shared>> -> memref<80x128xf32, #tpu.memory_space<vmem_shared>>
      %dma_wait3A_244 = arith.constant 0 : i32
      %dma_wait3A_245 = arith.constant 0 : i32
      %dma_wait3A_246 = tpu.memref_slice %arg9[%dma_wait3A_244, %dma_wait3A_245] : memref<80x128xf32, #tpu.memory_space<vmem>> -> memref<80x128xf32, #tpu.memory_space<vmem>>
      tpu.wait_dma2 semaphore(%run_scoped3A : memref<!tpu.dma_semaphore, #tpu.memory_space<semaphore_mem>>) src(%dma_wait3A_246 : memref<80x128xf32, #tpu.memory_space<vmem>>) dst(%dma_wait3A_243 : memref<80x128xf32, #tpu.memory_space<vmem_shared>>)
      tpu.yield
    }) : () -> ()
    %add3A_13 = arith.constant 160 : i32
    %add3A_14 = arith.addi %mul3A_2, %add3A_13 : i32
    "tpu.region"() ({
      %run_scoped3A = tpu.sem_alloc : memref<!tpu.dma_semaphore, #tpu.memory_space<semaphore_mem>>
      %dma_start3A_227 = arith.constant 0 : i32
      %dma_start3A_228 = arith.constant 0 : i32
      %dma_start3A_229 = tpu.memref_slice %arg9[%dma_start3A_227, %dma_start3A_228] : memref<80x128xf32, #tpu.memory_space<vmem>> -> memref<80x128xf32, #tpu.memory_space<vmem>>
      %dma_start3A_230 = arith.constant 0 : i32
      %dma_start3A_231 = tpu.memref_slice %arg12[%add3A_14, %dma_start3A_230] : memref<10000x128xf32, #tpu.memory_space<vmem_shared>> -> memref<80x128xf32, #tpu.memory_space<vmem_shared>>
      %dma_start3A_232 = arith.constant 0 : i32
      %dma_start3A_233 = tpu.memref_slice %arg12[%add3A_14, %dma_start3A_232] : memref<10000x128xf32, #tpu.memory_space<vmem_shared>> -> memref<80x128xf32, #tpu.memory_space<vmem_shared>>
      %dma_start3A_234 = arith.constant 0 : i32
      %dma_start3A_235 = arith.constant 0 : i32
      %dma_start3A_236 = tpu.memref_slice %arg9[%dma_start3A_234, %dma_start3A_235] : memref<80x128xf32, #tpu.memory_space<vmem>> -> memref<80x128xf32, #tpu.memory_space<vmem>>
      tpu.enqueue_dma source(%dma_start3A_236 : memref<80x128xf32, #tpu.memory_space<vmem>>) target(%dma_start3A_233 : memref<80x128xf32, #tpu.memory_space<vmem_shared>>) target_semaphore(%run_scoped3A : memref<!tpu.dma_semaphore, #tpu.memory_space<semaphore_mem>>)
      %dma_wait3A_237 = arith.constant 0 : i32
      %dma_wait3A_238 = arith.constant 0 : i32
      %dma_wait3A_239 = tpu.memref_slice %arg9[%dma_wait3A_237, %dma_wait3A_238] : memref<80x128xf32, #tpu.memory_space<vmem>> -> memref<80x128xf32, #tpu.memory_space<vmem>>
      %dma_wait3A_240 = arith.constant 0 : i32
      %dma_wait3A_241 = tpu.memref_slice %arg12[%add3A_14, %dma_wait3A_240] : memref<10000x128xf32, #tpu.memory_space<vmem_shared>> -> memref<80x128xf32, #tpu.memory_space<vmem_shared>>
      %dma_wait3A_242 = arith.constant 0 : i32
      %dma_wait3A_243 = tpu.memref_slice %arg12[%add3A_14, %dma_wait3A_242] : memref<10000x128xf32, #tpu.memory_space<vmem_shared>> -> memref<80x128xf32, #tpu.memory_space<vmem_shared>>
      %dma_wait3A_244 = arith.constant 0 : i32
      %dma_wait3A_245 = arith.constant 0 : i32
      %dma_wait3A_246 = tpu.memref_slice %arg9[%dma_wait3A_244, %dma_wait3A_245] : memref<80x128xf32, #tpu.memory_space<vmem>> -> memref<80x128xf32, #tpu.memory_space<vmem>>
      tpu.wait_dma2 semaphore(%run_scoped3A : memref<!tpu.dma_semaphore, #tpu.memory_space<semaphore_mem>>) src(%dma_wait3A_246 : memref<80x128xf32, #tpu.memory_space<vmem>>) dst(%dma_wait3A_243 : memref<80x128xf32, #tpu.memory_space<vmem_shared>>)
      tpu.yield
    }) : () -> ()
    %add3A_15 = arith.constant 240 : i32
    %add3A_16 = arith.addi %mul3A_2, %add3A_15 : i32
    "tpu.region"() ({
      %run_scoped3A = tpu.sem_alloc : memref<!tpu.dma_semaphore, #tpu.memory_space<semaphore_mem>>
      %dma_start3A_227 = arith.constant 0 : i32
      %dma_start3A_228 = arith.constant 0 : i32
      %dma_start3A_229 = tpu.memref_slice %arg9[%dma_start3A_227, %dma_start3A_228] : memref<80x128xf32, #tpu.memory_space<vmem>> -> memref<80x128xf32, #tpu.memory_space<vmem>>
      %dma_start3A_230 = arith.constant 0 : i32
      %dma_start3A_231 = tpu.memref_slice %arg12[%add3A_16, %dma_start3A_230] : memref<10000x128xf32, #tpu.memory_space<vmem_shared>> -> memref<80x128xf32, #tpu.memory_space<vmem_shared>>
      %dma_start3A_232 = arith.constant 0 : i32
      %dma_start3A_233 = tpu.memref_slice %arg12[%add3A_16, %dma_start3A_232] : memref<10000x128xf32, #tpu.memory_space<vmem_shared>> -> memref<80x128xf32, #tpu.memory_space<vmem_shared>>
      %dma_start3A_234 = arith.constant 0 : i32
      %dma_start3A_235 = arith.constant 0 : i32
      %dma_start3A_236 = tpu.memref_slice %arg9[%dma_start3A_234, %dma_start3A_235] : memref<80x128xf32, #tpu.memory_space<vmem>> -> memref<80x128xf32, #tpu.memory_space<vmem>>
      tpu.enqueue_dma source(%dma_start3A_236 : memref<80x128xf32, #tpu.memory_space<vmem>>) target(%dma_start3A_233 : memref<80x128xf32, #tpu.memory_space<vmem_shared>>) target_semaphore(%run_scoped3A : memref<!tpu.dma_semaphore, #tpu.memory_space<semaphore_mem>>)
      %dma_wait3A_237 = arith.constant 0 : i32
      %dma_wait3A_238 = arith.constant 0 : i32
      %dma_wait3A_239 = tpu.memref_slice %arg9[%dma_wait3A_237, %dma_wait3A_238] : memref<80x128xf32, #tpu.memory_space<vmem>> -> memref<80x128xf32, #tpu.memory_space<vmem>>
      %dma_wait3A_240 = arith.constant 0 : i32
      %dma_wait3A_241 = tpu.memref_slice %arg12[%add3A_16, %dma_wait3A_240] : memref<10000x128xf32, #tpu.memory_space<vmem_shared>> -> memref<80x128xf32, #tpu.memory_space<vmem_shared>>
      %dma_wait3A_242 = arith.constant 0 : i32
      %dma_wait3A_243 = tpu.memref_slice %arg12[%add3A_16, %dma_wait3A_242] : memref<10000x128xf32, #tpu.memory_space<vmem_shared>> -> memref<80x128xf32, #tpu.memory_space<vmem_shared>>
      %dma_wait3A_244 = arith.constant 0 : i32
      %dma_wait3A_245 = arith.constant 0 : i32
      %dma_wait3A_246 = tpu.memref_slice %arg9[%dma_wait3A_244, %dma_wait3A_245] : memref<80x128xf32, #tpu.memory_space<vmem>> -> memref<80x128xf32, #tpu.memory_space<vmem>>
      tpu.wait_dma2 semaphore(%run_scoped3A : memref<!tpu.dma_semaphore, #tpu.memory_space<semaphore_mem>>) src(%dma_wait3A_246 : memref<80x128xf32, #tpu.memory_space<vmem>>) dst(%dma_wait3A_243 : memref<80x128xf32, #tpu.memory_space<vmem_shared>>)
      tpu.yield
    }) : () -> ()
    %add3A_17 = arith.constant 320 : i32
    %add3A_18 = arith.addi %mul3A_2, %add3A_17 : i32
    "tpu.region"() ({
      %run_scoped3A = tpu.sem_alloc : memref<!tpu.dma_semaphore, #tpu.memory_space<semaphore_mem>>
      %dma_start3A_227 = arith.constant 0 : i32
      %dma_start3A_228 = arith.constant 0 : i32
      %dma_start3A_229 = tpu.memref_slice %arg9[%dma_start3A_227, %dma_start3A_228] : memref<80x128xf32, #tpu.memory_space<vmem>> -> memref<80x128xf32, #tpu.memory_space<vmem>>
      %dma_start3A_230 = arith.constant 0 : i32
      %dma_start3A_231 = tpu.memref_slice %arg12[%add3A_18, %dma_start3A_230] : memref<10000x128xf32, #tpu.memory_space<vmem_shared>> -> memref<80x128xf32, #tpu.memory_space<vmem_shared>>
      %dma_start3A_232 = arith.constant 0 : i32
      %dma_start3A_233 = tpu.memref_slice %arg12[%add3A_18, %dma_start3A_232] : memref<10000x128xf32, #tpu.memory_space<vmem_shared>> -> memref<80x128xf32, #tpu.memory_space<vmem_shared>>
      %dma_start3A_234 = arith.constant 0 : i32
      %dma_start3A_235 = arith.constant 0 : i32
      %dma_start3A_236 = tpu.memref_slice %arg9[%dma_start3A_234, %dma_start3A_235] : memref<80x128xf32, #tpu.memory_space<vmem>> -> memref<80x128xf32, #tpu.memory_space<vmem>>
      tpu.enqueue_dma source(%dma_start3A_236 : memref<80x128xf32, #tpu.memory_space<vmem>>) target(%dma_start3A_233 : memref<80x128xf32, #tpu.memory_space<vmem_shared>>) target_semaphore(%run_scoped3A : memref<!tpu.dma_semaphore, #tpu.memory_space<semaphore_mem>>)
      %dma_wait3A_237 = arith.constant 0 : i32
      %dma_wait3A_238 = arith.constant 0 : i32
      %dma_wait3A_239 = tpu.memref_slice %arg9[%dma_wait3A_237, %dma_wait3A_238] : memref<80x128xf32, #tpu.memory_space<vmem>> -> memref<80x128xf32, #tpu.memory_space<vmem>>
      %dma_wait3A_240 = arith.constant 0 : i32
      %dma_wait3A_241 = tpu.memref_slice %arg12[%add3A_18, %dma_wait3A_240] : memref<10000x128xf32, #tpu.memory_space<vmem_shared>> -> memref<80x128xf32, #tpu.memory_space<vmem_shared>>
      %dma_wait3A_242 = arith.constant 0 : i32
      %dma_wait3A_243 = tpu.memref_slice %arg12[%add3A_18, %dma_wait3A_242] : memref<10000x128xf32, #tpu.memory_space<vmem_shared>> -> memref<80x128xf32, #tpu.memory_space<vmem_shared>>
      %dma_wait3A_244 = arith.constant 0 : i32
      %dma_wait3A_245 = arith.constant 0 : i32
      %dma_wait3A_246 = tpu.memref_slice %arg9[%dma_wait3A_244, %dma_wait3A_245] : memref<80x128xf32, #tpu.memory_space<vmem>> -> memref<80x128xf32, #tpu.memory_space<vmem>>
      tpu.wait_dma2 semaphore(%run_scoped3A : memref<!tpu.dma_semaphore, #tpu.memory_space<semaphore_mem>>) src(%dma_wait3A_246 : memref<80x128xf32, #tpu.memory_space<vmem>>) dst(%dma_wait3A_243 : memref<80x128xf32, #tpu.memory_space<vmem_shared>>)
      tpu.yield
    }) : () -> ()
    %add3A_19 = arith.constant 400 : i32
    %add3A_20 = arith.addi %mul3A_2, %add3A_19 : i32
    "tpu.region"() ({
      %run_scoped3A = tpu.sem_alloc : memref<!tpu.dma_semaphore, #tpu.memory_space<semaphore_mem>>
      %dma_start3A_227 = arith.constant 0 : i32
      %dma_start3A_228 = arith.constant 0 : i32
      %dma_start3A_229 = tpu.memref_slice %arg9[%dma_start3A_227, %dma_start3A_228] : memref<80x128xf32, #tpu.memory_space<vmem>> -> memref<80x128xf32, #tpu.memory_space<vmem>>
      %dma_start3A_230 = arith.constant 0 : i32
      %dma_start3A_231 = tpu.memref_slice %arg12[%add3A_20, %dma_start3A_230] : memref<10000x128xf32, #tpu.memory_space<vmem_shared>> -> memref<80x128xf32, #tpu.memory_space<vmem_shared>>
      %dma_start3A_232 = arith.constant 0 : i32
      %dma_start3A_233 = tpu.memref_slice %arg12[%add3A_20, %dma_start3A_232] : memref<10000x128xf32, #tpu.memory_space<vmem_shared>> -> memref<80x128xf32, #tpu.memory_space<vmem_shared>>
      %dma_start3A_234 = arith.constant 0 : i32
      %dma_start3A_235 = arith.constant 0 : i32
      %dma_start3A_236 = tpu.memref_slice %arg9[%dma_start3A_234, %dma_start3A_235] : memref<80x128xf32, #tpu.memory_space<vmem>> -> memref<80x128xf32, #tpu.memory_space<vmem>>
      tpu.enqueue_dma source(%dma_start3A_236 : memref<80x128xf32, #tpu.memory_space<vmem>>) target(%dma_start3A_233 : memref<80x128xf32, #tpu.memory_space<vmem_shared>>) target_semaphore(%run_scoped3A : memref<!tpu.dma_semaphore, #tpu.memory_space<semaphore_mem>>)
      %dma_wait3A_237 = arith.constant 0 : i32
      %dma_wait3A_238 = arith.constant 0 : i32
      %dma_wait3A_239 = tpu.memref_slice %arg9[%dma_wait3A_237, %dma_wait3A_238] : memref<80x128xf32, #tpu.memory_space<vmem>> -> memref<80x128xf32, #tpu.memory_space<vmem>>
      %dma_wait3A_240 = arith.constant 0 : i32
      %dma_wait3A_241 = tpu.memref_slice %arg12[%add3A_20, %dma_wait3A_240] : memref<10000x128xf32, #tpu.memory_space<vmem_shared>> -> memref<80x128xf32, #tpu.memory_space<vmem_shared>>
      %dma_wait3A_242 = arith.constant 0 : i32
      %dma_wait3A_243 = tpu.memref_slice %arg12[%add3A_20, %dma_wait3A_242] : memref<10000x128xf32, #tpu.memory_space<vmem_shared>> -> memref<80x128xf32, #tpu.memory_space<vmem_shared>>
      %dma_wait3A_244 = arith.constant 0 : i32
      %dma_wait3A_245 = arith.constant 0 : i32
      %dma_wait3A_246 = tpu.memref_slice %arg9[%dma_wait3A_244, %dma_wait3A_245] : memref<80x128xf32, #tpu.memory_space<vmem>> -> memref<80x128xf32, #tpu.memory_space<vmem>>
      tpu.wait_dma2 semaphore(%run_scoped3A : memref<!tpu.dma_semaphore, #tpu.memory_space<semaphore_mem>>) src(%dma_wait3A_246 : memref<80x128xf32, #tpu.memory_space<vmem>>) dst(%dma_wait3A_243 : memref<80x128xf32, #tpu.memory_space<vmem_shared>>)
      tpu.yield
    }) : () -> ()
    %add3A_21 = arith.constant 480 : i32
    %add3A_22 = arith.addi %mul3A_2, %add3A_21 : i32
    "tpu.region"() ({
      %run_scoped3A = tpu.sem_alloc : memref<!tpu.dma_semaphore, #tpu.memory_space<semaphore_mem>>
      %dma_start3A_227 = arith.constant 0 : i32
      %dma_start3A_228 = arith.constant 0 : i32
      %dma_start3A_229 = tpu.memref_slice %arg9[%dma_start3A_227, %dma_start3A_228] : memref<80x128xf32, #tpu.memory_space<vmem>> -> memref<80x128xf32, #tpu.memory_space<vmem>>
      %dma_start3A_230 = arith.constant 0 : i32
      %dma_start3A_231 = tpu.memref_slice %arg12[%add3A_22, %dma_start3A_230] : memref<10000x128xf32, #tpu.memory_space<vmem_shared>> -> memref<80x128xf32, #tpu.memory_space<vmem_shared>>
      %dma_start3A_232 = arith.constant 0 : i32
      %dma_start3A_233 = tpu.memref_slice %arg12[%add3A_22, %dma_start3A_232] : memref<10000x128xf32, #tpu.memory_space<vmem_shared>> -> memref<80x128xf32, #tpu.memory_space<vmem_shared>>
      %dma_start3A_234 = arith.constant 0 : i32
      %dma_start3A_235 = arith.constant 0 : i32
      %dma_start3A_236 = tpu.memref_slice %arg9[%dma_start3A_234, %dma_start3A_235] : memref<80x128xf32, #tpu.memory_space<vmem>> -> memref<80x128xf32, #tpu.memory_space<vmem>>
      tpu.enqueue_dma source(%dma_start3A_236 : memref<80x128xf32, #tpu.memory_space<vmem>>) target(%dma_start3A_233 : memref<80x128xf32, #tpu.memory_space<vmem_shared>>) target_semaphore(%run_scoped3A : memref<!tpu.dma_semaphore, #tpu.memory_space<semaphore_mem>>)
      %dma_wait3A_237 = arith.constant 0 : i32
      %dma_wait3A_238 = arith.constant 0 : i32
      %dma_wait3A_239 = tpu.memref_slice %arg9[%dma_wait3A_237, %dma_wait3A_238] : memref<80x128xf32, #tpu.memory_space<vmem>> -> memref<80x128xf32, #tpu.memory_space<vmem>>
      %dma_wait3A_240 = arith.constant 0 : i32
      %dma_wait3A_241 = tpu.memref_slice %arg12[%add3A_22, %dma_wait3A_240] : memref<10000x128xf32, #tpu.memory_space<vmem_shared>> -> memref<80x128xf32, #tpu.memory_space<vmem_shared>>
      %dma_wait3A_242 = arith.constant 0 : i32
      %dma_wait3A_243 = tpu.memref_slice %arg12[%add3A_22, %dma_wait3A_242] : memref<10000x128xf32, #tpu.memory_space<vmem_shared>> -> memref<80x128xf32, #tpu.memory_space<vmem_shared>>
      %dma_wait3A_244 = arith.constant 0 : i32
      %dma_wait3A_245 = arith.constant 0 : i32
      %dma_wait3A_246 = tpu.memref_slice %arg9[%dma_wait3A_244, %dma_wait3A_245] : memref<80x128xf32, #tpu.memory_space<vmem>> -> memref<80x128xf32, #tpu.memory_space<vmem>>
      tpu.wait_dma2 semaphore(%run_scoped3A : memref<!tpu.dma_semaphore, #tpu.memory_space<semaphore_mem>>) src(%dma_wait3A_246 : memref<80x128xf32, #tpu.memory_space<vmem>>) dst(%dma_wait3A_243 : memref<80x128xf32, #tpu.memory_space<vmem_shared>>)
      tpu.yield
    }) : () -> ()
    %add3A_23 = arith.constant 560 : i32
    %add3A_24 = arith.addi %mul3A_2, %add3A_23 : i32
    "tpu.region"() ({
      %run_scoped3A = tpu.sem_alloc : memref<!tpu.dma_semaphore, #tpu.memory_space<semaphore_mem>>
      %dma_start3A_227 = arith.constant 0 : i32
      %dma_start3A_228 = arith.constant 0 : i32
      %dma_start3A_229 = tpu.memref_slice %arg9[%dma_start3A_227, %dma_start3A_228] : memref<80x128xf32, #tpu.memory_space<vmem>> -> memref<64x128xf32, #tpu.memory_space<vmem>>
      %dma_start3A_230 = arith.constant 0 : i32
      %dma_start3A_231 = tpu.memref_slice %arg12[%add3A_24, %dma_start3A_230] : memref<10000x128xf32, #tpu.memory_space<vmem_shared>> -> memref<64x128xf32, #tpu.memory_space<vmem_shared>>
      %dma_start3A_232 = arith.constant 0 : i32
      %dma_start3A_233 = tpu.memref_slice %arg12[%add3A_24, %dma_start3A_232] : memref<10000x128xf32, #tpu.memory_space<vmem_shared>> -> memref<64x128xf32, #tpu.memory_space<vmem_shared>>
      %dma_start3A_234 = arith.constant 0 : i32
      %dma_start3A_235 = arith.constant 0 : i32
      %dma_start3A_236 = tpu.memref_slice %arg9[%dma_start3A_234, %dma_start3A_235] : memref<80x128xf32, #tpu.memory_space<vmem>> -> memref<64x128xf32, #tpu.memory_space<vmem>>
      tpu.enqueue_dma source(%dma_start3A_236 : memref<64x128xf32, #tpu.memory_space<vmem>>) target(%dma_start3A_233 : memref<64x128xf32, #tpu.memory_space<vmem_shared>>) target_semaphore(%run_scoped3A : memref<!tpu.dma_semaphore, #tpu.memory_space<semaphore_mem>>)
      %dma_wait3A_237 = arith.constant 0 : i32
      %dma_wait3A_238 = arith.constant 0 : i32
      %dma_wait3A_239 = tpu.memref_slice %arg9[%dma_wait3A_237, %dma_wait3A_238] : memref<80x128xf32, #tpu.memory_space<vmem>> -> memref<64x128xf32, #tpu.memory_space<vmem>>
      %dma_wait3A_240 = arith.constant 0 : i32
      %dma_wait3A_241 = tpu.memref_slice %arg12[%add3A_24, %dma_wait3A_240] : memref<10000x128xf32, #tpu.memory_space<vmem_shared>> -> memref<64x128xf32, #tpu.memory_space<vmem_shared>>
      %dma_wait3A_242 = arith.constant 0 : i32
      %dma_wait3A_243 = tpu.memref_slice %arg12[%add3A_24, %dma_wait3A_242] : memref<10000x128xf32, #tpu.memory_space<vmem_shared>> -> memref<64x128xf32, #tpu.memory_space<vmem_shared>>
      %dma_wait3A_244 = arith.constant 0 : i32
      %dma_wait3A_245 = arith.constant 0 : i32
      %dma_wait3A_246 = tpu.memref_slice %arg9[%dma_wait3A_244, %dma_wait3A_245] : memref<80x128xf32, #tpu.memory_space<vmem>> -> memref<64x128xf32, #tpu.memory_space<vmem>>
      tpu.wait_dma2 semaphore(%run_scoped3A : memref<!tpu.dma_semaphore, #tpu.memory_space<semaphore_mem>>) src(%dma_wait3A_246 : memref<64x128xf32, #tpu.memory_space<vmem>>) dst(%dma_wait3A_243 : memref<64x128xf32, #tpu.memory_space<vmem_shared>>)
      tpu.yield
    }) : () -> ()
    %eq3A = arith.constant 15 : i32
    %eq3A_25 = arith.cmpi eq, %arg1, %eq3A : i32
    %convert_element_type3A = arith.extui %eq3A_25 : i1 to i32
    %cond3A = arith.constant 0 : i32
    %cond3A_26 = arith.cmpi ne, %convert_element_type3A, %cond3A : i32
    scf.if %cond3A_26 {
      "tpu.region"() ({
        %run_scoped3A = tpu.sem_alloc : memref<!tpu.dma_semaphore, #tpu.memory_space<semaphore_mem>>
        %dma_start3A_227 = arith.constant 0 : i32
        %dma_start3A_228 = arith.constant 0 : i32
        %dma_start3A_229 = tpu.memref_slice %arg9[%dma_start3A_227, %dma_start3A_228] : memref<80x128xf32, #tpu.memory_space<vmem>> -> memref<16x128xf32, #tpu.memory_space<vmem>>
        %dma_start3A_230 = arith.constant 9984 : i32
        %dma_start3A_231 = arith.constant 0 : i32
        %dma_start3A_232 = tpu.memref_slice %arg12[%dma_start3A_230, %dma_start3A_231] : memref<10000x128xf32, #tpu.memory_space<vmem_shared>> -> memref<16x128xf32, #tpu.memory_space<vmem_shared>>
        %dma_start3A_233 = arith.constant 9984 : i32
        %dma_start3A_234 = arith.constant 0 : i32
        %dma_start3A_235 = tpu.memref_slice %arg12[%dma_start3A_233, %dma_start3A_234] : memref<10000x128xf32, #tpu.memory_space<vmem_shared>> -> memref<16x128xf32, #tpu.memory_space<vmem_shared>>
        %dma_start3A_236 = arith.constant 0 : i32
        %dma_start3A_237 = arith.constant 0 : i32
        %dma_start3A_238 = tpu.memref_slice %arg9[%dma_start3A_236, %dma_start3A_237] : memref<80x128xf32, #tpu.memory_space<vmem>> -> memref<16x128xf32, #tpu.memory_space<vmem>>
        tpu.enqueue_dma source(%dma_start3A_238 : memref<16x128xf32, #tpu.memory_space<vmem>>) target(%dma_start3A_235 : memref<16x128xf32, #tpu.memory_space<vmem_shared>>) target_semaphore(%run_scoped3A : memref<!tpu.dma_semaphore, #tpu.memory_space<semaphore_mem>>)
        %dma_wait3A_239 = arith.constant 0 : i32
        %dma_wait3A_240 = arith.constant 0 : i32
        %dma_wait3A_241 = tpu.memref_slice %arg9[%dma_wait3A_239, %dma_wait3A_240] : memref<80x128xf32, #tpu.memory_space<vmem>> -> memref<16x128xf32, #tpu.memory_space<vmem>>
        %dma_wait3A_242 = arith.constant 9984 : i32
        %dma_wait3A_243 = arith.constant 0 : i32
        %dma_wait3A_244 = tpu.memref_slice %arg12[%dma_wait3A_242, %dma_wait3A_243] : memref<10000x128xf32, #tpu.memory_space<vmem_shared>> -> memref<16x128xf32, #tpu.memory_space<vmem_shared>>
        %dma_wait3A_245 = arith.constant 9984 : i32
        %dma_wait3A_246 = arith.constant 0 : i32
        %dma_wait3A_247 = tpu.memref_slice %arg12[%dma_wait3A_245, %dma_wait3A_246] : memref<10000x128xf32, #tpu.memory_space<vmem_shared>> -> memref<16x128xf32, #tpu.memory_space<vmem_shared>>
        %dma_wait3A_248 = arith.constant 0 : i32
        %dma_wait3A_249 = arith.constant 0 : i32
        %dma_wait3A_250 = tpu.memref_slice %arg9[%dma_wait3A_248, %dma_wait3A_249] : memref<80x128xf32, #tpu.memory_space<vmem>> -> memref<16x128xf32, #tpu.memory_space<vmem>>
        tpu.wait_dma2 semaphore(%run_scoped3A : memref<!tpu.dma_semaphore, #tpu.memory_space<semaphore_mem>>) src(%dma_wait3A_250 : memref<16x128xf32, #tpu.memory_space<vmem>>) dst(%dma_wait3A_247 : memref<16x128xf32, #tpu.memory_space<vmem_shared>>)
        tpu.yield
      }) : () -> ()
    } else {
    }
    %barrier3A = arith.constant 0 : index
    tpu.barrier barrier_id(%barrier3A)
    "tpu.region"() ({
      %run_scoped3A = tpu.sem_alloc : memref<!tpu.dma_semaphore, #tpu.memory_space<semaphore_mem>>
      %dma_start3A_227 = arith.constant 0 : i32
      %dma_start3A_228 = arith.constant 0 : i32
      %dma_start3A_229 = tpu.memref_slice %arg7[%dma_start3A_227, %dma_start3A_228] : memref<32x80xi32, #tpu.memory_space<vmem>> -> memref<32x80xi32, #tpu.memory_space<vmem>>
      %dma_start3A_230 = arith.constant 0 : i32
      %dma_start3A_231 = arith.constant 0 : i32
      %dma_start3A_232 = tpu.memref_slice %arg4[%add3A, %dma_start3A_230, %dma_start3A_231] : memref<32x125x80xi32, #tpu.memory_space<hbm>> -> memref<1x125x80xi32, #tpu.memory_space<hbm>>
      %dma_start3A_233 = tpu.memref_squeeze %dma_start3A_232 : memref<1x125x80xi32, #tpu.memory_space<hbm>> -> memref<125x80xi32, #tpu.memory_space<hbm>>
      %dma_start3A_234 = arith.constant 0 : i32
      %dma_start3A_235 = arith.constant 0 : i32
      %dma_start3A_236 = tpu.memref_slice %dma_start3A_233[%dma_start3A_234, %dma_start3A_235] : memref<125x80xi32, #tpu.memory_space<hbm>> -> memref<32x80xi32, #tpu.memory_space<hbm>>
      %dma_start3A_237 = arith.constant 0 : i32
      %dma_start3A_238 = arith.constant 0 : i32
      %dma_start3A_239 = tpu.memref_slice %arg7[%dma_start3A_237, %dma_start3A_238] : memref<32x80xi32, #tpu.memory_space<vmem>> -> memref<32x80xi32, #tpu.memory_space<vmem>>
      %dma_start3A_240 = arith.constant 0 : i32
      %dma_start3A_241 = arith.constant 0 : i32
      %dma_start3A_242 = tpu.memref_slice %arg4[%add3A, %dma_start3A_240, %dma_start3A_241] : memref<32x125x80xi32, #tpu.memory_space<hbm>> -> memref<1x125x80xi32, #tpu.memory_space<hbm>>
      %dma_start3A_243 = tpu.memref_squeeze %dma_start3A_242 : memref<1x125x80xi32, #tpu.memory_space<hbm>> -> memref<125x80xi32, #tpu.memory_space<hbm>>
      %dma_start3A_244 = arith.constant 0 : i32
      %dma_start3A_245 = arith.constant 0 : i32
      %dma_start3A_246 = tpu.memref_slice %dma_start3A_243[%dma_start3A_244, %dma_start3A_245] : memref<125x80xi32, #tpu.memory_space<hbm>> -> memref<32x80xi32, #tpu.memory_space<hbm>>
      tpu.enqueue_dma source(%dma_start3A_246 : memref<32x80xi32, #tpu.memory_space<hbm>>) target(%dma_start3A_239 : memref<32x80xi32, #tpu.memory_space<vmem>>) target_semaphore(%run_scoped3A : memref<!tpu.dma_semaphore, #tpu.memory_space<semaphore_mem>>)
      %dma_wait3A_247 = arith.constant 0 : i32
      %dma_wait3A_248 = arith.constant 0 : i32
      %dma_wait3A_249 = tpu.memref_slice %arg7[%dma_wait3A_247, %dma_wait3A_248] : memref<32x80xi32, #tpu.memory_space<vmem>> -> memref<32x80xi32, #tpu.memory_space<vmem>>
      %dma_wait3A_250 = arith.constant 0 : i32
      %dma_wait3A_251 = arith.constant 0 : i32
      %dma_wait3A_252 = tpu.memref_slice %arg4[%add3A, %dma_wait3A_250, %dma_wait3A_251] : memref<32x125x80xi32, #tpu.memory_space<hbm>> -> memref<1x125x80xi32, #tpu.memory_space<hbm>>
      %dma_wait3A_253 = tpu.memref_squeeze %dma_wait3A_252 : memref<1x125x80xi32, #tpu.memory_space<hbm>> -> memref<125x80xi32, #tpu.memory_space<hbm>>
      %dma_wait3A_254 = arith.constant 0 : i32
      %dma_wait3A_255 = arith.constant 0 : i32
      %dma_wait3A_256 = tpu.memref_slice %dma_wait3A_253[%dma_wait3A_254, %dma_wait3A_255] : memref<125x80xi32, #tpu.memory_space<hbm>> -> memref<32x80xi32, #tpu.memory_space<hbm>>
      %dma_wait3A_257 = arith.constant 0 : i32
      %dma_wait3A_258 = arith.constant 0 : i32
      %dma_wait3A_259 = tpu.memref_slice %arg7[%dma_wait3A_257, %dma_wait3A_258] : memref<32x80xi32, #tpu.memory_space<vmem>> -> memref<32x80xi32, #tpu.memory_space<vmem>>
      %dma_wait3A_260 = arith.constant 0 : i32
      %dma_wait3A_261 = arith.constant 0 : i32
      %dma_wait3A_262 = tpu.memref_slice %arg4[%add3A, %dma_wait3A_260, %dma_wait3A_261] : memref<32x125x80xi32, #tpu.memory_space<hbm>> -> memref<1x125x80xi32, #tpu.memory_space<hbm>>
      %dma_wait3A_263 = tpu.memref_squeeze %dma_wait3A_262 : memref<1x125x80xi32, #tpu.memory_space<hbm>> -> memref<125x80xi32, #tpu.memory_space<hbm>>
      %dma_wait3A_264 = arith.constant 0 : i32
      %dma_wait3A_265 = arith.constant 0 : i32
      %dma_wait3A_266 = tpu.memref_slice %dma_wait3A_263[%dma_wait3A_264, %dma_wait3A_265] : memref<125x80xi32, #tpu.memory_space<hbm>> -> memref<32x80xi32, #tpu.memory_space<hbm>>
      tpu.wait_dma2 semaphore(%run_scoped3A : memref<!tpu.dma_semaphore, #tpu.memory_space<semaphore_mem>>) src(%dma_wait3A_266 : memref<32x80xi32, #tpu.memory_space<hbm>>) dst(%dma_wait3A_259 : memref<32x80xi32, #tpu.memory_space<vmem>>)
      tpu.yield
    }) : () -> ()
    "tpu.region"() ({
      %run_scoped3A = tpu.sem_alloc : memref<!tpu.dma_semaphore, #tpu.memory_space<semaphore_mem>>
      %dma_start3A_227 = arith.constant 0 : i32
      %dma_start3A_228 = arith.constant 0 : i32
      %dma_start3A_229 = tpu.memref_slice %arg8[%dma_start3A_227, %dma_start3A_228] : memref<32x80xi32, #tpu.memory_space<vmem>> -> memref<32x80xi32, #tpu.memory_space<vmem>>
      %dma_start3A_230 = arith.constant 0 : i32
      %dma_start3A_231 = arith.constant 0 : i32
      %dma_start3A_232 = tpu.memref_slice %arg5[%add3A, %dma_start3A_230, %dma_start3A_231] : memref<32x125x80xi32, #tpu.memory_space<hbm>> -> memref<1x125x80xi32, #tpu.memory_space<hbm>>
      %dma_start3A_233 = tpu.memref_squeeze %dma_start3A_232 : memref<1x125x80xi32, #tpu.memory_space<hbm>> -> memref<125x80xi32, #tpu.memory_space<hbm>>
      %dma_start3A_234 = arith.constant 0 : i32
      %dma_start3A_235 = arith.constant 0 : i32
      %dma_start3A_236 = tpu.memref_slice %dma_start3A_233[%dma_start3A_234, %dma_start3A_235] : memref<125x80xi32, #tpu.memory_space<hbm>> -> memref<32x80xi32, #tpu.memory_space<hbm>>
      %dma_start3A_237 = arith.constant 0 : i32
      %dma_start3A_238 = arith.constant 0 : i32
      %dma_start3A_239 = tpu.memref_slice %arg8[%dma_start3A_237, %dma_start3A_238] : memref<32x80xi32, #tpu.memory_space<vmem>> -> memref<32x80xi32, #tpu.memory_space<vmem>>
      %dma_start3A_240 = arith.constant 0 : i32
      %dma_start3A_241 = arith.constant 0 : i32
      %dma_start3A_242 = tpu.memref_slice %arg5[%add3A, %dma_start3A_240, %dma_start3A_241] : memref<32x125x80xi32, #tpu.memory_space<hbm>> -> memref<1x125x80xi32, #tpu.memory_space<hbm>>
      %dma_start3A_243 = tpu.memref_squeeze %dma_start3A_242 : memref<1x125x80xi32, #tpu.memory_space<hbm>> -> memref<125x80xi32, #tpu.memory_space<hbm>>
      %dma_start3A_244 = arith.constant 0 : i32
      %dma_start3A_245 = arith.constant 0 : i32
      %dma_start3A_246 = tpu.memref_slice %dma_start3A_243[%dma_start3A_244, %dma_start3A_245] : memref<125x80xi32, #tpu.memory_space<hbm>> -> memref<32x80xi32, #tpu.memory_space<hbm>>
      tpu.enqueue_dma source(%dma_start3A_246 : memref<32x80xi32, #tpu.memory_space<hbm>>) target(%dma_start3A_239 : memref<32x80xi32, #tpu.memory_space<vmem>>) target_semaphore(%run_scoped3A : memref<!tpu.dma_semaphore, #tpu.memory_space<semaphore_mem>>)
      %dma_wait3A_247 = arith.constant 0 : i32
      %dma_wait3A_248 = arith.constant 0 : i32
      %dma_wait3A_249 = tpu.memref_slice %arg8[%dma_wait3A_247, %dma_wait3A_248] : memref<32x80xi32, #tpu.memory_space<vmem>> -> memref<32x80xi32, #tpu.memory_space<vmem>>
      %dma_wait3A_250 = arith.constant 0 : i32
      %dma_wait3A_251 = arith.constant 0 : i32
      %dma_wait3A_252 = tpu.memref_slice %arg5[%add3A, %dma_wait3A_250, %dma_wait3A_251] : memref<32x125x80xi32, #tpu.memory_space<hbm>> -> memref<1x125x80xi32, #tpu.memory_space<hbm>>
      %dma_wait3A_253 = tpu.memref_squeeze %dma_wait3A_252 : memref<1x125x80xi32, #tpu.memory_space<hbm>> -> memref<125x80xi32, #tpu.memory_space<hbm>>
      %dma_wait3A_254 = arith.constant 0 : i32
      %dma_wait3A_255 = arith.constant 0 : i32
      %dma_wait3A_256 = tpu.memref_slice %dma_wait3A_253[%dma_wait3A_254, %dma_wait3A_255] : memref<125x80xi32, #tpu.memory_space<hbm>> -> memref<32x80xi32, #tpu.memory_space<hbm>>
      %dma_wait3A_257 = arith.constant 0 : i32
      %dma_wait3A_258 = arith.constant 0 : i32
      %dma_wait3A_259 = tpu.memref_slice %arg8[%dma_wait3A_257, %dma_wait3A_258] : memref<32x80xi32, #tpu.memory_space<vmem>> -> memref<32x80xi32, #tpu.memory_space<vmem>>
      %dma_wait3A_260 = arith.constant 0 : i32
      %dma_wait3A_261 = arith.constant 0 : i32
      %dma_wait3A_262 = tpu.memref_slice %arg5[%add3A, %dma_wait3A_260, %dma_wait3A_261] : memref<32x125x80xi32, #tpu.memory_space<hbm>> -> memref<1x125x80xi32, #tpu.memory_space<hbm>>
      %dma_wait3A_263 = tpu.memref_squeeze %dma_wait3A_262 : memref<1x125x80xi32, #tpu.memory_space<hbm>> -> memref<125x80xi32, #tpu.memory_space<hbm>>
      %dma_wait3A_264 = arith.constant 0 : i32
      %dma_wait3A_265 = arith.constant 0 : i32
      %dma_wait3A_266 = tpu.memref_slice %dma_wait3A_263[%dma_wait3A_264, %dma_wait3A_265] : memref<125x80xi32, #tpu.memory_space<hbm>> -> memref<32x80xi32, #tpu.memory_space<hbm>>
      tpu.wait_dma2 semaphore(%run_scoped3A : memref<!tpu.dma_semaphore, #tpu.memory_space<semaphore_mem>>) src(%dma_wait3A_266 : memref<32x80xi32, #tpu.memory_space<hbm>>) dst(%dma_wait3A_259 : memref<32x80xi32, #tpu.memory_space<vmem>>)
      tpu.yield
    }) : () -> ()
    %dma_start3A = arith.constant 0 : i32
    %dma_start3A_27 = arith.constant 0 : i32
    %dma_start3A_28 = tpu.memref_slice %arg8[%dma_start3A, %dma_start3A_27] : memref<32x80xi32, #tpu.memory_space<vmem>> -> memref<1x80xi32, #tpu.memory_space<vmem>>
    %dma_start3A_29 = tpu.memref_squeeze %dma_start3A_28 : memref<1x80xi32, #tpu.memory_space<vmem>> -> memref<80xi32, #tpu.memory_space<vmem>>
    %dma_start3A_30 = arith.constant 0 : i32
    %dma_start3A_31 = arith.constant 0 : i32
    %dma_start3A_32 = tpu.memref_slice %arg3[%dma_start3A_30, %dma_start3A_31] : memref<10000x128xf32, #tpu.memory_space<hbm>> -> memref<10000x128xf32, #tpu.memory_space<hbm>>
    tpu.enqueue_indirect_dma source(%dma_start3A_32 : memref<10000x128xf32, #tpu.memory_space<hbm>>) target(%arg9 : memref<80x128xf32, #tpu.memory_space<vmem>>) offsets(%dma_start3A_29 : memref<80xi32, #tpu.memory_space<vmem>>) semaphore(%arg13 : memref<!tpu.dma_semaphore, #tpu.memory_space<semaphore_mem>>)
    %dma_start3A_33 = arith.constant 1 : i32
    %dma_start3A_34 = arith.constant 0 : i32
    %dma_start3A_35 = tpu.memref_slice %arg8[%dma_start3A_33, %dma_start3A_34] : memref<32x80xi32, #tpu.memory_space<vmem>> -> memref<1x80xi32, #tpu.memory_space<vmem>>
    %dma_start3A_36 = tpu.memref_squeeze %dma_start3A_35 : memref<1x80xi32, #tpu.memory_space<vmem>> -> memref<80xi32, #tpu.memory_space<vmem>>
    %dma_start3A_37 = arith.constant 0 : i32
    %dma_start3A_38 = arith.constant 0 : i32
    %dma_start3A_39 = tpu.memref_slice %arg3[%dma_start3A_37, %dma_start3A_38] : memref<10000x128xf32, #tpu.memory_space<hbm>> -> memref<10000x128xf32, #tpu.memory_space<hbm>>
    tpu.enqueue_indirect_dma source(%dma_start3A_39 : memref<10000x128xf32, #tpu.memory_space<hbm>>) target(%arg10 : memref<80x128xf32, #tpu.memory_space<vmem>>) offsets(%dma_start3A_36 : memref<80xi32, #tpu.memory_space<vmem>>) semaphore(%arg14 : memref<!tpu.dma_semaphore, #tpu.memory_space<semaphore_mem>>)
    %dma_wait3A = arith.constant 0 : i32
    %dma_wait3A_40 = arith.constant 0 : i32
    %dma_wait3A_41 = tpu.memref_slice %arg8[%dma_wait3A, %dma_wait3A_40] : memref<32x80xi32, #tpu.memory_space<vmem>> -> memref<1x80xi32, #tpu.memory_space<vmem>>
    %dma_wait3A_42 = tpu.memref_squeeze %dma_wait3A_41 : memref<1x80xi32, #tpu.memory_space<vmem>> -> memref<80xi32, #tpu.memory_space<vmem>>
    %dma_wait3A_43 = arith.constant 0 : i32
    %dma_wait3A_44 = arith.constant 0 : i32
    %dma_wait3A_45 = tpu.memref_slice %arg3[%dma_wait3A_43, %dma_wait3A_44] : memref<10000x128xf32, #tpu.memory_space<hbm>> -> memref<10000x128xf32, #tpu.memory_space<hbm>>
    tpu.wait_indirect_dma semaphore(%arg13 : memref<!tpu.dma_semaphore, #tpu.memory_space<semaphore_mem>>) src(%dma_wait3A_45 : memref<10000x128xf32, #tpu.memory_space<hbm>>) dst(%arg9 : memref<80x128xf32, #tpu.memory_space<vmem>>)
    %dma_start3A_46 = arith.constant 0 : i32
    %dma_start3A_47 = arith.constant 0 : i32
    %dma_start3A_48 = tpu.memref_slice %arg7[%dma_start3A_46, %dma_start3A_47] : memref<32x80xi32, #tpu.memory_space<vmem>> -> memref<1x80xi32, #tpu.memory_space<vmem>>
    %dma_start3A_49 = tpu.memref_squeeze %dma_start3A_48 : memref<1x80xi32, #tpu.memory_space<vmem>> -> memref<80xi32, #tpu.memory_space<vmem>>
    %dma_start3A_50 = arith.constant 0 : i32
    %dma_start3A_51 = arith.constant 0 : i32
    %dma_start3A_52 = tpu.memref_slice %arg2[%dma_start3A_50, %dma_start3A_51] : memref<10000x128xf32, #tpu.memory_space<hbm>> -> memref<10000x128xf32, #tpu.memory_space<hbm>>
    tpu.enqueue_indirect_dma source(%dma_start3A_52 : memref<10000x128xf32, #tpu.memory_space<hbm>>) target(%arg9 : memref<80x128xf32, #tpu.memory_space<vmem>>) offsets(%dma_start3A_49 : memref<80xi32, #tpu.memory_space<vmem>>) semaphore(%arg16 : memref<!tpu.dma_semaphore, #tpu.memory_space<semaphore_mem>>) {add = true}
    %scan3A_53 = arith.constant 0 : i32
    %scan3A_54 = arith.constant 0 : i32
    %scan3A_55 = arith.constant 11 : i32
    %scan3A_56 = arith.addi %scan3A_54, %scan3A_55 : i32
    %scan3A_57 = arith.constant 1 : i32
    scf.for %scan3A_227 = %scan3A_54 to %scan3A_56 step %scan3A_57  : i32 {
      %mul3A_228 = arith.constant 3 : i32
      %mul3A_229 = arith.muli %mul3A_228, %scan3A_227 : i32
      %add3A_230 = arith.constant 0 : i32
      %add3A_231 = arith.addi %mul3A_229, %add3A_230 : i32
      %lt3A = arith.constant 32 : i32
      %lt3A_232 = arith.cmpi slt, %add3A_231, %lt3A : i32
      %convert_element_type3A_233 = arith.extui %lt3A_232 : i1 to i32
      %cond3A_234 = arith.constant 0 : i32
      %cond3A_235 = arith.cmpi ne, %convert_element_type3A_233, %cond3A_234 : i32
      scf.if %cond3A_235 {
        %ge3A = arith.constant 1 : i32
        %ge3A_254 = arith.cmpi sge, %add3A_231, %ge3A : i32
        %convert_element_type3A_255 = arith.extui %ge3A_254 : i1 to i32
        %cond3A_256 = arith.constant 0 : i32
        %cond3A_257 = arith.cmpi ne, %convert_element_type3A_255, %cond3A_256 : i32
        scf.if %cond3A_257 {
          %dma_wait3A_291 = arith.constant 0 : i32
          %dma_wait3A_292 = arith.constant 0 : i32
          %dma_wait3A_293 = tpu.memref_slice %arg8[%dma_wait3A_291, %dma_wait3A_292] : memref<32x80xi32, #tpu.memory_space<vmem>> -> memref<1x80xi32, #tpu.memory_space<vmem>>
          %dma_wait3A_294 = tpu.memref_squeeze %dma_wait3A_293 : memref<1x80xi32, #tpu.memory_space<vmem>> -> memref<80xi32, #tpu.memory_space<vmem>>
          %dma_wait3A_295 = arith.constant 0 : i32
          %dma_wait3A_296 = arith.constant 0 : i32
          %dma_wait3A_297 = tpu.memref_slice %arg12[%dma_wait3A_295, %dma_wait3A_296] : memref<10000x128xf32, #tpu.memory_space<vmem_shared>> -> memref<10000x128xf32, #tpu.memory_space<vmem_shared>>
          tpu.wait_indirect_dma semaphore(%arg21 : memref<!tpu.dma_semaphore, #tpu.memory_space<semaphore_mem>>) src(%arg11 : memref<80x128xf32, #tpu.memory_space<vmem>>) dst(%dma_wait3A_297 : memref<10000x128xf32, #tpu.memory_space<vmem_shared>>)
        } else {
        }
        %add3A_258 = arith.constant 2 : i32
        %add3A_259 = arith.addi %add3A_231, %add3A_258 : i32
        %lt3A_260 = arith.constant 32 : i32
        %lt3A_261 = arith.cmpi slt, %add3A_259, %lt3A_260 : i32
        %convert_element_type3A_262 = arith.extui %lt3A_261 : i1 to i32
        %cond3A_263 = arith.constant 0 : i32
        %cond3A_264 = arith.cmpi ne, %convert_element_type3A_262, %cond3A_263 : i32
        scf.if %cond3A_264 {
          %add3A_291 = arith.constant 2 : i32
          %add3A_292 = arith.addi %add3A_231, %add3A_291 : i32
          %dma_start3A_293 = arith.constant 0 : i32
          %dma_start3A_294 = tpu.memref_slice %arg8[%add3A_292, %dma_start3A_293] : memref<32x80xi32, #tpu.memory_space<vmem>> -> memref<1x80xi32, #tpu.memory_space<vmem>>
          %dma_start3A_295 = tpu.memref_squeeze %dma_start3A_294 : memref<1x80xi32, #tpu.memory_space<vmem>> -> memref<80xi32, #tpu.memory_space<vmem>>
          %dma_start3A_296 = arith.constant 0 : i32
          %dma_start3A_297 = arith.constant 0 : i32
          %dma_start3A_298 = tpu.memref_slice %arg3[%dma_start3A_296, %dma_start3A_297] : memref<10000x128xf32, #tpu.memory_space<hbm>> -> memref<10000x128xf32, #tpu.memory_space<hbm>>
          tpu.enqueue_indirect_dma source(%dma_start3A_298 : memref<10000x128xf32, #tpu.memory_space<hbm>>) target(%arg11 : memref<80x128xf32, #tpu.memory_space<vmem>>) offsets(%dma_start3A_295 : memref<80xi32, #tpu.memory_space<vmem>>) semaphore(%arg15 : memref<!tpu.dma_semaphore, #tpu.memory_space<semaphore_mem>>)
        } else {
        }
        %add3A_265 = arith.constant 1 : i32
        %add3A_266 = arith.addi %add3A_231, %add3A_265 : i32
        %lt3A_267 = arith.constant 32 : i32
        %lt3A_268 = arith.cmpi slt, %add3A_266, %lt3A_267 : i32
        %convert_element_type3A_269 = arith.extui %lt3A_268 : i1 to i32
        %cond3A_270 = arith.constant 0 : i32
        %cond3A_271 = arith.cmpi ne, %convert_element_type3A_269, %cond3A_270 : i32
        scf.if %cond3A_271 {
          %dma_wait3A_291 = arith.constant 0 : i32
          %dma_wait3A_292 = arith.constant 0 : i32
          %dma_wait3A_293 = tpu.memref_slice %arg8[%dma_wait3A_291, %dma_wait3A_292] : memref<32x80xi32, #tpu.memory_space<vmem>> -> memref<1x80xi32, #tpu.memory_space<vmem>>
          %dma_wait3A_294 = tpu.memref_squeeze %dma_wait3A_293 : memref<1x80xi32, #tpu.memory_space<vmem>> -> memref<80xi32, #tpu.memory_space<vmem>>
          %dma_wait3A_295 = arith.constant 0 : i32
          %dma_wait3A_296 = arith.constant 0 : i32
          %dma_wait3A_297 = tpu.memref_slice %arg3[%dma_wait3A_295, %dma_wait3A_296] : memref<10000x128xf32, #tpu.memory_space<hbm>> -> memref<10000x128xf32, #tpu.memory_space<hbm>>
          tpu.wait_indirect_dma semaphore(%arg14 : memref<!tpu.dma_semaphore, #tpu.memory_space<semaphore_mem>>) src(%dma_wait3A_297 : memref<10000x128xf32, #tpu.memory_space<hbm>>) dst(%arg10 : memref<80x128xf32, #tpu.memory_space<vmem>>)
          %add3A_298 = arith.constant 1 : i32
          %add3A_299 = arith.addi %add3A_231, %add3A_298 : i32
          %dma_start3A_300 = arith.constant 0 : i32
          %dma_start3A_301 = tpu.memref_slice %arg7[%add3A_299, %dma_start3A_300] : memref<32x80xi32, #tpu.memory_space<vmem>> -> memref<1x80xi32, #tpu.memory_space<vmem>>
          %dma_start3A_302 = tpu.memref_squeeze %dma_start3A_301 : memref<1x80xi32, #tpu.memory_space<vmem>> -> memref<80xi32, #tpu.memory_space<vmem>>
          %dma_start3A_303 = arith.constant 0 : i32
          %dma_start3A_304 = arith.constant 0 : i32
          %dma_start3A_305 = tpu.memref_slice %arg2[%dma_start3A_303, %dma_start3A_304] : memref<10000x128xf32, #tpu.memory_space<hbm>> -> memref<10000x128xf32, #tpu.memory_space<hbm>>
          tpu.enqueue_indirect_dma source(%dma_start3A_305 : memref<10000x128xf32, #tpu.memory_space<hbm>>) target(%arg10 : memref<80x128xf32, #tpu.memory_space<vmem>>) offsets(%dma_start3A_302 : memref<80xi32, #tpu.memory_space<vmem>>) semaphore(%arg17 : memref<!tpu.dma_semaphore, #tpu.memory_space<semaphore_mem>>) {add = true}
        } else {
        }
        %dma_wait3A_272 = arith.constant 0 : i32
        %dma_wait3A_273 = arith.constant 0 : i32
        %dma_wait3A_274 = tpu.memref_slice %arg7[%dma_wait3A_272, %dma_wait3A_273] : memref<32x80xi32, #tpu.memory_space<vmem>> -> memref<1x80xi32, #tpu.memory_space<vmem>>
        %dma_wait3A_275 = tpu.memref_squeeze %dma_wait3A_274 : memref<1x80xi32, #tpu.memory_space<vmem>> -> memref<80xi32, #tpu.memory_space<vmem>>
        %dma_wait3A_276 = arith.constant 0 : i32
        %dma_wait3A_277 = arith.constant 0 : i32
        %dma_wait3A_278 = tpu.memref_slice %arg2[%dma_wait3A_276, %dma_wait3A_277] : memref<10000x128xf32, #tpu.memory_space<hbm>> -> memref<10000x128xf32, #tpu.memory_space<hbm>>
        tpu.wait_indirect_dma semaphore(%arg16 : memref<!tpu.dma_semaphore, #tpu.memory_space<semaphore_mem>>) src(%dma_wait3A_278 : memref<10000x128xf32, #tpu.memory_space<hbm>>) dst(%arg9 : memref<80x128xf32, #tpu.memory_space<vmem>>)
        %scan3A_279 = arith.constant 0 : i32
        %scan3A_280 = arith.constant 0 : i32
        %scan3A_281 = arith.constant 80 : i32
        %scan3A_282 = arith.addi %scan3A_280, %scan3A_281 : i32
        %scan3A_283 = arith.constant 1 : i32
        scf.for %scan3A_291 = %scan3A_280 to %scan3A_282 step %scan3A_283  : i32 {
          %get3A = arith.index_cast %scan3A_291 : i32 to index
          %get3A_292 = arith.constant 0 : index
          %get3A_293 = tpu.vector_load %arg9[%get3A, %get3A_292] {strides = array<i32>} : memref<80x128xf32, #tpu.memory_space<vmem>>, vector<1x16xf32>,
          %get3A_294 = vector.shape_cast %get3A_293 : vector<1x16xf32> to vector<16xf32>
          %max3A = arith.constant 0.000000e+00 : f32
          %max3A_295 = vector.broadcast %max3A : f32 to vector<16xf32>
          %max3A_296 = arith.maximumf %get3A_294, %max3A_295 : vector<16xf32>
          %swap3A = arith.index_cast %scan3A_291 : i32 to index
          %swap3A_297 = arith.constant 0 : index
          %swap3A_298 = tpu.vector_load %arg9[%swap3A, %swap3A_297] {strides = array<i32>} : memref<80x128xf32, #tpu.memory_space<vmem>>, vector<1x16xf32>,
          %swap3A_299 = vector.shape_cast %swap3A_298 : vector<1x16xf32> to vector<16xf32>
          %swap3A_300 = vector.shape_cast %max3A_296 : vector<16xf32> to vector<1x16xf32>
          tpu.vector_store %arg9[%swap3A, %swap3A_297], %swap3A_300 {strides = array<i32>} : memref<80x128xf32, #tpu.memory_space<vmem>>, vector<1x16xf32>,
          %get3A_301 = arith.index_cast %scan3A_291 : i32 to index
          %get3A_302 = arith.constant 16 : index
          %get3A_303 = tpu.vector_load %arg9[%get3A_301, %get3A_302] {strides = array<i32>} : memref<80x128xf32, #tpu.memory_space<vmem>>, vector<1x16xf32>,
          %get3A_304 = vector.shape_cast %get3A_303 : vector<1x16xf32> to vector<16xf32>
          %max3A_305 = arith.constant 0.000000e+00 : f32
          %max3A_306 = vector.broadcast %max3A_305 : f32 to vector<16xf32>
          %max3A_307 = arith.maximumf %get3A_304, %max3A_306 : vector<16xf32>
          %swap3A_308 = arith.index_cast %scan3A_291 : i32 to index
          %swap3A_309 = arith.constant 16 : index
          %swap3A_310 = tpu.vector_load %arg9[%swap3A_308, %swap3A_309] {strides = array<i32>} : memref<80x128xf32, #tpu.memory_space<vmem>>, vector<1x16xf32>,
          %swap3A_311 = vector.shape_cast %swap3A_310 : vector<1x16xf32> to vector<16xf32>
          %swap3A_312 = vector.shape_cast %max3A_307 : vector<16xf32> to vector<1x16xf32>
          tpu.vector_store %arg9[%swap3A_308, %swap3A_309], %swap3A_312 {strides = array<i32>} : memref<80x128xf32, #tpu.memory_space<vmem>>, vector<1x16xf32>,
          %get3A_313 = arith.index_cast %scan3A_291 : i32 to index
          %get3A_314 = arith.constant 32 : index
          %get3A_315 = tpu.vector_load %arg9[%get3A_313, %get3A_314] {strides = array<i32>} : memref<80x128xf32, #tpu.memory_space<vmem>>, vector<1x16xf32>,
          %get3A_316 = vector.shape_cast %get3A_315 : vector<1x16xf32> to vector<16xf32>
          %max3A_317 = arith.constant 0.000000e+00 : f32
          %max3A_318 = vector.broadcast %max3A_317 : f32 to vector<16xf32>
          %max3A_319 = arith.maximumf %get3A_316, %max3A_318 : vector<16xf32>
          %swap3A_320 = arith.index_cast %scan3A_291 : i32 to index
          %swap3A_321 = arith.constant 32 : index
          %swap3A_322 = tpu.vector_load %arg9[%swap3A_320, %swap3A_321] {strides = array<i32>} : memref<80x128xf32, #tpu.memory_space<vmem>>, vector<1x16xf32>,
          %swap3A_323 = vector.shape_cast %swap3A_322 : vector<1x16xf32> to vector<16xf32>
          %swap3A_324 = vector.shape_cast %max3A_319 : vector<16xf32> to vector<1x16xf32>
          tpu.vector_store %arg9[%swap3A_320, %swap3A_321], %swap3A_324 {strides = array<i32>} : memref<80x128xf32, #tpu.memory_space<vmem>>, vector<1x16xf32>,
          %get3A_325 = arith.index_cast %scan3A_291 : i32 to index
          %get3A_326 = arith.constant 48 : index
          %get3A_327 = tpu.vector_load %arg9[%get3A_325, %get3A_326] {strides = array<i32>} : memref<80x128xf32, #tpu.memory_space<vmem>>, vector<1x16xf32>,
          %get3A_328 = vector.shape_cast %get3A_327 : vector<1x16xf32> to vector<16xf32>
          %max3A_329 = arith.constant 0.000000e+00 : f32
          %max3A_330 = vector.broadcast %max3A_329 : f32 to vector<16xf32>
          %max3A_331 = arith.maximumf %get3A_328, %max3A_330 : vector<16xf32>
          %swap3A_332 = arith.index_cast %scan3A_291 : i32 to index
          %swap3A_333 = arith.constant 48 : index
          %swap3A_334 = tpu.vector_load %arg9[%swap3A_332, %swap3A_333] {strides = array<i32>} : memref<80x128xf32, #tpu.memory_space<vmem>>, vector<1x16xf32>,
          %swap3A_335 = vector.shape_cast %swap3A_334 : vector<1x16xf32> to vector<16xf32>
          %swap3A_336 = vector.shape_cast %max3A_331 : vector<16xf32> to vector<1x16xf32>
          tpu.vector_store %arg9[%swap3A_332, %swap3A_333], %swap3A_336 {strides = array<i32>} : memref<80x128xf32, #tpu.memory_space<vmem>>, vector<1x16xf32>,
          %get3A_337 = arith.index_cast %scan3A_291 : i32 to index
          %get3A_338 = arith.constant 64 : index
          %get3A_339 = tpu.vector_load %arg9[%get3A_337, %get3A_338] {strides = array<i32>} : memref<80x128xf32, #tpu.memory_space<vmem>>, vector<1x16xf32>,
          %get3A_340 = vector.shape_cast %get3A_339 : vector<1x16xf32> to vector<16xf32>
          %max3A_341 = arith.constant 0.000000e+00 : f32
          %max3A_342 = vector.broadcast %max3A_341 : f32 to vector<16xf32>
          %max3A_343 = arith.maximumf %get3A_340, %max3A_342 : vector<16xf32>
          %swap3A_344 = arith.index_cast %scan3A_291 : i32 to index
          %swap3A_345 = arith.constant 64 : index
          %swap3A_346 = tpu.vector_load %arg9[%swap3A_344, %swap3A_345] {strides = array<i32>} : memref<80x128xf32, #tpu.memory_space<vmem>>, vector<1x16xf32>,
          %swap3A_347 = vector.shape_cast %swap3A_346 : vector<1x16xf32> to vector<16xf32>
          %swap3A_348 = vector.shape_cast %max3A_343 : vector<16xf32> to vector<1x16xf32>
          tpu.vector_store %arg9[%swap3A_344, %swap3A_345], %swap3A_348 {strides = array<i32>} : memref<80x128xf32, #tpu.memory_space<vmem>>, vector<1x16xf32>,
          %get3A_349 = arith.index_cast %scan3A_291 : i32 to index
          %get3A_350 = arith.constant 80 : index
          %get3A_351 = tpu.vector_load %arg9[%get3A_349, %get3A_350] {strides = array<i32>} : memref<80x128xf32, #tpu.memory_space<vmem>>, vector<1x16xf32>,
          %get3A_352 = vector.shape_cast %get3A_351 : vector<1x16xf32> to vector<16xf32>
          %max3A_353 = arith.constant 0.000000e+00 : f32
          %max3A_354 = vector.broadcast %max3A_353 : f32 to vector<16xf32>
          %max3A_355 = arith.maximumf %get3A_352, %max3A_354 : vector<16xf32>
          %swap3A_356 = arith.index_cast %scan3A_291 : i32 to index
          %swap3A_357 = arith.constant 80 : index
          %swap3A_358 = tpu.vector_load %arg9[%swap3A_356, %swap3A_357] {strides = array<i32>} : memref<80x128xf32, #tpu.memory_space<vmem>>, vector<1x16xf32>,
          %swap3A_359 = vector.shape_cast %swap3A_358 : vector<1x16xf32> to vector<16xf32>
          %swap3A_360 = vector.shape_cast %max3A_355 : vector<16xf32> to vector<1x16xf32>
          tpu.vector_store %arg9[%swap3A_356, %swap3A_357], %swap3A_360 {strides = array<i32>} : memref<80x128xf32, #tpu.memory_space<vmem>>, vector<1x16xf32>,
          %get3A_361 = arith.index_cast %scan3A_291 : i32 to index
          %get3A_362 = arith.constant 96 : index
          %get3A_363 = tpu.vector_load %arg9[%get3A_361, %get3A_362] {strides = array<i32>} : memref<80x128xf32, #tpu.memory_space<vmem>>, vector<1x16xf32>,
          %get3A_364 = vector.shape_cast %get3A_363 : vector<1x16xf32> to vector<16xf32>
          %max3A_365 = arith.constant 0.000000e+00 : f32
          %max3A_366 = vector.broadcast %max3A_365 : f32 to vector<16xf32>
          %max3A_367 = arith.maximumf %get3A_364, %max3A_366 : vector<16xf32>
          %swap3A_368 = arith.index_cast %scan3A_291 : i32 to index
          %swap3A_369 = arith.constant 96 : index
          %swap3A_370 = tpu.vector_load %arg9[%swap3A_368, %swap3A_369] {strides = array<i32>} : memref<80x128xf32, #tpu.memory_space<vmem>>, vector<1x16xf32>,
          %swap3A_371 = vector.shape_cast %swap3A_370 : vector<1x16xf32> to vector<16xf32>
          %swap3A_372 = vector.shape_cast %max3A_367 : vector<16xf32> to vector<1x16xf32>
          tpu.vector_store %arg9[%swap3A_368, %swap3A_369], %swap3A_372 {strides = array<i32>} : memref<80x128xf32, #tpu.memory_space<vmem>>, vector<1x16xf32>,
          %get3A_373 = arith.index_cast %scan3A_291 : i32 to index
          %get3A_374 = arith.constant 112 : index
          %get3A_375 = tpu.vector_load %arg9[%get3A_373, %get3A_374] {strides = array<i32>} : memref<80x128xf32, #tpu.memory_space<vmem>>, vector<1x16xf32>,
          %get3A_376 = vector.shape_cast %get3A_375 : vector<1x16xf32> to vector<16xf32>
          %max3A_377 = arith.constant 0.000000e+00 : f32
          %max3A_378 = vector.broadcast %max3A_377 : f32 to vector<16xf32>
          %max3A_379 = arith.maximumf %get3A_376, %max3A_378 : vector<16xf32>
          %swap3A_380 = arith.index_cast %scan3A_291 : i32 to index
          %swap3A_381 = arith.constant 112 : index
          %swap3A_382 = tpu.vector_load %arg9[%swap3A_380, %swap3A_381] {strides = array<i32>} : memref<80x128xf32, #tpu.memory_space<vmem>>, vector<1x16xf32>,
          %swap3A_383 = vector.shape_cast %swap3A_382 : vector<1x16xf32> to vector<16xf32>
          %swap3A_384 = vector.shape_cast %max3A_379 : vector<16xf32> to vector<1x16xf32>
          tpu.vector_store %arg9[%swap3A_380, %swap3A_381], %swap3A_384 {strides = array<i32>} : memref<80x128xf32, #tpu.memory_space<vmem>>, vector<1x16xf32>,
        }
        %scan3A_284 = arith.constant 80 : i32
        %dma_start3A_285 = arith.constant 0 : i32
        %dma_start3A_286 = tpu.memref_slice %arg8[%add3A_231, %dma_start3A_285] : memref<32x80xi32, #tpu.memory_space<vmem>> -> memref<1x80xi32, #tpu.memory_space<vmem>>
        %dma_start3A_287 = tpu.memref_squeeze %dma_start3A_286 : memref<1x80xi32, #tpu.memory_space<vmem>> -> memref<80xi32, #tpu.memory_space<vmem>>
        %dma_start3A_288 = arith.constant 0 : i32
        %dma_start3A_289 = arith.constant 0 : i32
        %dma_start3A_290 = tpu.memref_slice %arg12[%dma_start3A_288, %dma_start3A_289] : memref<10000x128xf32, #tpu.memory_space<vmem_shared>> -> memref<10000x128xf32, #tpu.memory_space<vmem_shared>>
        tpu.enqueue_indirect_dma source(%arg9 : memref<80x128xf32, #tpu.memory_space<vmem>>) target(%dma_start3A_290 : memref<10000x128xf32, #tpu.memory_space<vmem_shared>>) offsets(%dma_start3A_287 : memref<80xi32, #tpu.memory_space<vmem>>) semaphore(%arg19 : memref<!tpu.dma_semaphore, #tpu.memory_space<semaphore_mem>>) {add = true}
      } else {
      }
      %mul3A_236 = arith.constant 3 : i32
      %mul3A_237 = arith.muli %mul3A_236, %scan3A_227 : i32
      %add3A_238 = arith.constant 1 : i32
      %add3A_239 = arith.addi %mul3A_237, %add3A_238 : i32
      %lt3A_240 = arith.constant 32 : i32
      %lt3A_241 = arith.cmpi slt, %add3A_239, %lt3A_240 : i32
      %convert_element_type3A_242 = arith.extui %lt3A_241 : i1 to i32
      %cond3A_243 = arith.constant 0 : i32
      %cond3A_244 = arith.cmpi ne, %convert_element_type3A_242, %cond3A_243 : i32
      scf.if %cond3A_244 {
        %ge3A = arith.constant 1 : i32
        %ge3A_254 = arith.cmpi sge, %add3A_239, %ge3A : i32
        %convert_element_type3A_255 = arith.extui %ge3A_254 : i1 to i32
        %cond3A_256 = arith.constant 0 : i32
        %cond3A_257 = arith.cmpi ne, %convert_element_type3A_255, %cond3A_256 : i32
        scf.if %cond3A_257 {
          %dma_wait3A_291 = arith.constant 0 : i32
          %dma_wait3A_292 = arith.constant 0 : i32
          %dma_wait3A_293 = tpu.memref_slice %arg8[%dma_wait3A_291, %dma_wait3A_292] : memref<32x80xi32, #tpu.memory_space<vmem>> -> memref<1x80xi32, #tpu.memory_space<vmem>>
          %dma_wait3A_294 = tpu.memref_squeeze %dma_wait3A_293 : memref<1x80xi32, #tpu.memory_space<vmem>> -> memref<80xi32, #tpu.memory_space<vmem>>
          %dma_wait3A_295 = arith.constant 0 : i32
          %dma_wait3A_296 = arith.constant 0 : i32
          %dma_wait3A_297 = tpu.memref_slice %arg12[%dma_wait3A_295, %dma_wait3A_296] : memref<10000x128xf32, #tpu.memory_space<vmem_shared>> -> memref<10000x128xf32, #tpu.memory_space<vmem_shared>>
          tpu.wait_indirect_dma semaphore(%arg19 : memref<!tpu.dma_semaphore, #tpu.memory_space<semaphore_mem>>) src(%arg9 : memref<80x128xf32, #tpu.memory_space<vmem>>) dst(%dma_wait3A_297 : memref<10000x128xf32, #tpu.memory_space<vmem_shared>>)
        } else {
        }
        %add3A_258 = arith.constant 2 : i32
        %add3A_259 = arith.addi %add3A_239, %add3A_258 : i32
        %lt3A_260 = arith.constant 32 : i32
        %lt3A_261 = arith.cmpi slt, %add3A_259, %lt3A_260 : i32
        %convert_element_type3A_262 = arith.extui %lt3A_261 : i1 to i32
        %cond3A_263 = arith.constant 0 : i32
        %cond3A_264 = arith.cmpi ne, %convert_element_type3A_262, %cond3A_263 : i32
        scf.if %cond3A_264 {
          %add3A_291 = arith.constant 2 : i32
          %add3A_292 = arith.addi %add3A_239, %add3A_291 : i32
          %dma_start3A_293 = arith.constant 0 : i32
          %dma_start3A_294 = tpu.memref_slice %arg8[%add3A_292, %dma_start3A_293] : memref<32x80xi32, #tpu.memory_space<vmem>> -> memref<1x80xi32, #tpu.memory_space<vmem>>
          %dma_start3A_295 = tpu.memref_squeeze %dma_start3A_294 : memref<1x80xi32, #tpu.memory_space<vmem>> -> memref<80xi32, #tpu.memory_space<vmem>>
          %dma_start3A_296 = arith.constant 0 : i32
          %dma_start3A_297 = arith.constant 0 : i32
          %dma_start3A_298 = tpu.memref_slice %arg3[%dma_start3A_296, %dma_start3A_297] : memref<10000x128xf32, #tpu.memory_space<hbm>> -> memref<10000x128xf32, #tpu.memory_space<hbm>>
          tpu.enqueue_indirect_dma source(%dma_start3A_298 : memref<10000x128xf32, #tpu.memory_space<hbm>>) target(%arg9 : memref<80x128xf32, #tpu.memory_space<vmem>>) offsets(%dma_start3A_295 : memref<80xi32, #tpu.memory_space<vmem>>) semaphore(%arg13 : memref<!tpu.dma_semaphore, #tpu.memory_space<semaphore_mem>>)
        } else {
        }
        %add3A_265 = arith.constant 1 : i32
        %add3A_266 = arith.addi %add3A_239, %add3A_265 : i32
        %lt3A_267 = arith.constant 32 : i32
        %lt3A_268 = arith.cmpi slt, %add3A_266, %lt3A_267 : i32
        %convert_element_type3A_269 = arith.extui %lt3A_268 : i1 to i32
        %cond3A_270 = arith.constant 0 : i32
        %cond3A_271 = arith.cmpi ne, %convert_element_type3A_269, %cond3A_270 : i32
        scf.if %cond3A_271 {
          %dma_wait3A_291 = arith.constant 0 : i32
          %dma_wait3A_292 = arith.constant 0 : i32
          %dma_wait3A_293 = tpu.memref_slice %arg8[%dma_wait3A_291, %dma_wait3A_292] : memref<32x80xi32, #tpu.memory_space<vmem>> -> memref<1x80xi32, #tpu.memory_space<vmem>>
          %dma_wait3A_294 = tpu.memref_squeeze %dma_wait3A_293 : memref<1x80xi32, #tpu.memory_space<vmem>> -> memref<80xi32, #tpu.memory_space<vmem>>
          %dma_wait3A_295 = arith.constant 0 : i32
          %dma_wait3A_296 = arith.constant 0 : i32
          %dma_wait3A_297 = tpu.memref_slice %arg3[%dma_wait3A_295, %dma_wait3A_296] : memref<10000x128xf32, #tpu.memory_space<hbm>> -> memref<10000x128xf32, #tpu.memory_space<hbm>>
          tpu.wait_indirect_dma semaphore(%arg15 : memref<!tpu.dma_semaphore, #tpu.memory_space<semaphore_mem>>) src(%dma_wait3A_297 : memref<10000x128xf32, #tpu.memory_space<hbm>>) dst(%arg11 : memref<80x128xf32, #tpu.memory_space<vmem>>)
          %add3A_298 = arith.constant 1 : i32
          %add3A_299 = arith.addi %add3A_239, %add3A_298 : i32
          %dma_start3A_300 = arith.constant 0 : i32
          %dma_start3A_301 = tpu.memref_slice %arg7[%add3A_299, %dma_start3A_300] : memref<32x80xi32, #tpu.memory_space<vmem>> -> memref<1x80xi32, #tpu.memory_space<vmem>>
          %dma_start3A_302 = tpu.memref_squeeze %dma_start3A_301 : memref<1x80xi32, #tpu.memory_space<vmem>> -> memref<80xi32, #tpu.memory_space<vmem>>
          %dma_start3A_303 = arith.constant 0 : i32
          %dma_start3A_304 = arith.constant 0 : i32
          %dma_start3A_305 = tpu.memref_slice %arg2[%dma_start3A_303, %dma_start3A_304] : memref<10000x128xf32, #tpu.memory_space<hbm>> -> memref<10000x128xf32, #tpu.memory_space<hbm>>
          tpu.enqueue_indirect_dma source(%dma_start3A_305 : memref<10000x128xf32, #tpu.memory_space<hbm>>) target(%arg11 : memref<80x128xf32, #tpu.memory_space<vmem>>) offsets(%dma_start3A_302 : memref<80xi32, #tpu.memory_space<vmem>>) semaphore(%arg18 : memref<!tpu.dma_semaphore, #tpu.memory_space<semaphore_mem>>) {add = true}
        } else {
        }
        %dma_wait3A_272 = arith.constant 0 : i32
        %dma_wait3A_273 = arith.constant 0 : i32
        %dma_wait3A_274 = tpu.memref_slice %arg7[%dma_wait3A_272, %dma_wait3A_273] : memref<32x80xi32, #tpu.memory_space<vmem>> -> memref<1x80xi32, #tpu.memory_space<vmem>>
        %dma_wait3A_275 = tpu.memref_squeeze %dma_wait3A_274 : memref<1x80xi32, #tpu.memory_space<vmem>> -> memref<80xi32, #tpu.memory_space<vmem>>
        %dma_wait3A_276 = arith.constant 0 : i32
        %dma_wait3A_277 = arith.constant 0 : i32
        %dma_wait3A_278 = tpu.memref_slice %arg2[%dma_wait3A_276, %dma_wait3A_277] : memref<10000x128xf32, #tpu.memory_space<hbm>> -> memref<10000x128xf32, #tpu.memory_space<hbm>>
        tpu.wait_indirect_dma semaphore(%arg17 : memref<!tpu.dma_semaphore, #tpu.memory_space<semaphore_mem>>) src(%dma_wait3A_278 : memref<10000x128xf32, #tpu.memory_space<hbm>>) dst(%arg10 : memref<80x128xf32, #tpu.memory_space<vmem>>)
        %scan3A_279 = arith.constant 0 : i32
        %scan3A_280 = arith.constant 0 : i32
        %scan3A_281 = arith.constant 80 : i32
        %scan3A_282 = arith.addi %scan3A_280, %scan3A_281 : i32
        %scan3A_283 = arith.constant 1 : i32
        scf.for %scan3A_291 = %scan3A_280 to %scan3A_282 step %scan3A_283  : i32 {
          %get3A = arith.index_cast %scan3A_291 : i32 to index
          %get3A_292 = arith.constant 0 : index
          %get3A_293 = tpu.vector_load %arg10[%get3A, %get3A_292] {strides = array<i32>} : memref<80x128xf32, #tpu.memory_space<vmem>>, vector<1x16xf32>,
          %get3A_294 = vector.shape_cast %get3A_293 : vector<1x16xf32> to vector<16xf32>
          %max3A = arith.constant 0.000000e+00 : f32
          %max3A_295 = vector.broadcast %max3A : f32 to vector<16xf32>
          %max3A_296 = arith.maximumf %get3A_294, %max3A_295 : vector<16xf32>
          %swap3A = arith.index_cast %scan3A_291 : i32 to index
          %swap3A_297 = arith.constant 0 : index
          %swap3A_298 = tpu.vector_load %arg10[%swap3A, %swap3A_297] {strides = array<i32>} : memref<80x128xf32, #tpu.memory_space<vmem>>, vector<1x16xf32>,
          %swap3A_299 = vector.shape_cast %swap3A_298 : vector<1x16xf32> to vector<16xf32>
          %swap3A_300 = vector.shape_cast %max3A_296 : vector<16xf32> to vector<1x16xf32>
          tpu.vector_store %arg10[%swap3A, %swap3A_297], %swap3A_300 {strides = array<i32>} : memref<80x128xf32, #tpu.memory_space<vmem>>, vector<1x16xf32>,
          %get3A_301 = arith.index_cast %scan3A_291 : i32 to index
          %get3A_302 = arith.constant 16 : index
          %get3A_303 = tpu.vector_load %arg10[%get3A_301, %get3A_302] {strides = array<i32>} : memref<80x128xf32, #tpu.memory_space<vmem>>, vector<1x16xf32>,
          %get3A_304 = vector.shape_cast %get3A_303 : vector<1x16xf32> to vector<16xf32>
          %max3A_305 = arith.constant 0.000000e+00 : f32
          %max3A_306 = vector.broadcast %max3A_305 : f32 to vector<16xf32>
          %max3A_307 = arith.maximumf %get3A_304, %max3A_306 : vector<16xf32>
          %swap3A_308 = arith.index_cast %scan3A_291 : i32 to index
          %swap3A_309 = arith.constant 16 : index
          %swap3A_310 = tpu.vector_load %arg10[%swap3A_308, %swap3A_309] {strides = array<i32>} : memref<80x128xf32, #tpu.memory_space<vmem>>, vector<1x16xf32>,
          %swap3A_311 = vector.shape_cast %swap3A_310 : vector<1x16xf32> to vector<16xf32>
          %swap3A_312 = vector.shape_cast %max3A_307 : vector<16xf32> to vector<1x16xf32>
          tpu.vector_store %arg10[%swap3A_308, %swap3A_309], %swap3A_312 {strides = array<i32>} : memref<80x128xf32, #tpu.memory_space<vmem>>, vector<1x16xf32>,
          %get3A_313 = arith.index_cast %scan3A_291 : i32 to index
          %get3A_314 = arith.constant 32 : index
          %get3A_315 = tpu.vector_load %arg10[%get3A_313, %get3A_314] {strides = array<i32>} : memref<80x128xf32, #tpu.memory_space<vmem>>, vector<1x16xf32>,
          %get3A_316 = vector.shape_cast %get3A_315 : vector<1x16xf32> to vector<16xf32>
          %max3A_317 = arith.constant 0.000000e+00 : f32
          %max3A_318 = vector.broadcast %max3A_317 : f32 to vector<16xf32>
          %max3A_319 = arith.maximumf %get3A_316, %max3A_318 : vector<16xf32>
          %swap3A_320 = arith.index_cast %scan3A_291 : i32 to index
          %swap3A_321 = arith.constant 32 : index
          %swap3A_322 = tpu.vector_load %arg10[%swap3A_320, %swap3A_321] {strides = array<i32>} : memref<80x128xf32, #tpu.memory_space<vmem>>, vector<1x16xf32>,
          %swap3A_323 = vector.shape_cast %swap3A_322 : vector<1x16xf32> to vector<16xf32>
          %swap3A_324 = vector.shape_cast %max3A_319 : vector<16xf32> to vector<1x16xf32>
          tpu.vector_store %arg10[%swap3A_320, %swap3A_321], %swap3A_324 {strides = array<i32>} : memref<80x128xf32, #tpu.memory_space<vmem>>, vector<1x16xf32>,
          %get3A_325 = arith.index_cast %scan3A_291 : i32 to index
          %get3A_326 = arith.constant 48 : index
          %get3A_327 = tpu.vector_load %arg10[%get3A_325, %get3A_326] {strides = array<i32>} : memref<80x128xf32, #tpu.memory_space<vmem>>, vector<1x16xf32>,
          %get3A_328 = vector.shape_cast %get3A_327 : vector<1x16xf32> to vector<16xf32>
          %max3A_329 = arith.constant 0.000000e+00 : f32
          %max3A_330 = vector.broadcast %max3A_329 : f32 to vector<16xf32>
          %max3A_331 = arith.maximumf %get3A_328, %max3A_330 : vector<16xf32>
          %swap3A_332 = arith.index_cast %scan3A_291 : i32 to index
          %swap3A_333 = arith.constant 48 : index
          %swap3A_334 = tpu.vector_load %arg10[%swap3A_332, %swap3A_333] {strides = array<i32>} : memref<80x128xf32, #tpu.memory_space<vmem>>, vector<1x16xf32>,
          %swap3A_335 = vector.shape_cast %swap3A_334 : vector<1x16xf32> to vector<16xf32>
          %swap3A_336 = vector.shape_cast %max3A_331 : vector<16xf32> to vector<1x16xf32>
          tpu.vector_store %arg10[%swap3A_332, %swap3A_333], %swap3A_336 {strides = array<i32>} : memref<80x128xf32, #tpu.memory_space<vmem>>, vector<1x16xf32>,
          %get3A_337 = arith.index_cast %scan3A_291 : i32 to index
          %get3A_338 = arith.constant 64 : index
          %get3A_339 = tpu.vector_load %arg10[%get3A_337, %get3A_338] {strides = array<i32>} : memref<80x128xf32, #tpu.memory_space<vmem>>, vector<1x16xf32>,
          %get3A_340 = vector.shape_cast %get3A_339 : vector<1x16xf32> to vector<16xf32>
          %max3A_341 = arith.constant 0.000000e+00 : f32
          %max3A_342 = vector.broadcast %max3A_341 : f32 to vector<16xf32>
          %max3A_343 = arith.maximumf %get3A_340, %max3A_342 : vector<16xf32>
          %swap3A_344 = arith.index_cast %scan3A_291 : i32 to index
          %swap3A_345 = arith.constant 64 : index
          %swap3A_346 = tpu.vector_load %arg10[%swap3A_344, %swap3A_345] {strides = array<i32>} : memref<80x128xf32, #tpu.memory_space<vmem>>, vector<1x16xf32>,
          %swap3A_347 = vector.shape_cast %swap3A_346 : vector<1x16xf32> to vector<16xf32>
          %swap3A_348 = vector.shape_cast %max3A_343 : vector<16xf32> to vector<1x16xf32>
          tpu.vector_store %arg10[%swap3A_344, %swap3A_345], %swap3A_348 {strides = array<i32>} : memref<80x128xf32, #tpu.memory_space<vmem>>, vector<1x16xf32>,
          %get3A_349 = arith.index_cast %scan3A_291 : i32 to index
          %get3A_350 = arith.constant 80 : index
          %get3A_351 = tpu.vector_load %arg10[%get3A_349, %get3A_350] {strides = array<i32>} : memref<80x128xf32, #tpu.memory_space<vmem>>, vector<1x16xf32>,
          %get3A_352 = vector.shape_cast %get3A_351 : vector<1x16xf32> to vector<16xf32>
          %max3A_353 = arith.constant 0.000000e+00 : f32
          %max3A_354 = vector.broadcast %max3A_353 : f32 to vector<16xf32>
          %max3A_355 = arith.maximumf %get3A_352, %max3A_354 : vector<16xf32>
          %swap3A_356 = arith.index_cast %scan3A_291 : i32 to index
          %swap3A_357 = arith.constant 80 : index
          %swap3A_358 = tpu.vector_load %arg10[%swap3A_356, %swap3A_357] {strides = array<i32>} : memref<80x128xf32, #tpu.memory_space<vmem>>, vector<1x16xf32>,
          %swap3A_359 = vector.shape_cast %swap3A_358 : vector<1x16xf32> to vector<16xf32>
          %swap3A_360 = vector.shape_cast %max3A_355 : vector<16xf32> to vector<1x16xf32>
          tpu.vector_store %arg10[%swap3A_356, %swap3A_357], %swap3A_360 {strides = array<i32>} : memref<80x128xf32, #tpu.memory_space<vmem>>, vector<1x16xf32>,
          %get3A_361 = arith.index_cast %scan3A_291 : i32 to index
          %get3A_362 = arith.constant 96 : index
          %get3A_363 = tpu.vector_load %arg10[%get3A_361, %get3A_362] {strides = array<i32>} : memref<80x128xf32, #tpu.memory_space<vmem>>, vector<1x16xf32>,
          %get3A_364 = vector.shape_cast %get3A_363 : vector<1x16xf32> to vector<16xf32>
          %max3A_365 = arith.constant 0.000000e+00 : f32
          %max3A_366 = vector.broadcast %max3A_365 : f32 to vector<16xf32>
          %max3A_367 = arith.maximumf %get3A_364, %max3A_366 : vector<16xf32>
          %swap3A_368 = arith.index_cast %scan3A_291 : i32 to index
          %swap3A_369 = arith.constant 96 : index
          %swap3A_370 = tpu.vector_load %arg10[%swap3A_368, %swap3A_369] {strides = array<i32>} : memref<80x128xf32, #tpu.memory_space<vmem>>, vector<1x16xf32>,
          %swap3A_371 = vector.shape_cast %swap3A_370 : vector<1x16xf32> to vector<16xf32>
          %swap3A_372 = vector.shape_cast %max3A_367 : vector<16xf32> to vector<1x16xf32>
          tpu.vector_store %arg10[%swap3A_368, %swap3A_369], %swap3A_372 {strides = array<i32>} : memref<80x128xf32, #tpu.memory_space<vmem>>, vector<1x16xf32>,
          %get3A_373 = arith.index_cast %scan3A_291 : i32 to index
          %get3A_374 = arith.constant 112 : index
          %get3A_375 = tpu.vector_load %arg10[%get3A_373, %get3A_374] {strides = array<i32>} : memref<80x128xf32, #tpu.memory_space<vmem>>, vector<1x16xf32>,
          %get3A_376 = vector.shape_cast %get3A_375 : vector<1x16xf32> to vector<16xf32>
          %max3A_377 = arith.constant 0.000000e+00 : f32
          %max3A_378 = vector.broadcast %max3A_377 : f32 to vector<16xf32>
          %max3A_379 = arith.maximumf %get3A_376, %max3A_378 : vector<16xf32>
          %swap3A_380 = arith.index_cast %scan3A_291 : i32 to index
          %swap3A_381 = arith.constant 112 : index
          %swap3A_382 = tpu.vector_load %arg10[%swap3A_380, %swap3A_381] {strides = array<i32>} : memref<80x128xf32, #tpu.memory_space<vmem>>, vector<1x16xf32>,
          %swap3A_383 = vector.shape_cast %swap3A_382 : vector<1x16xf32> to vector<16xf32>
          %swap3A_384 = vector.shape_cast %max3A_379 : vector<16xf32> to vector<1x16xf32>
          tpu.vector_store %arg10[%swap3A_380, %swap3A_381], %swap3A_384 {strides = array<i32>} : memref<80x128xf32, #tpu.memory_space<vmem>>, vector<1x16xf32>,
        }
        %scan3A_284 = arith.constant 80 : i32
        %dma_start3A_285 = arith.constant 0 : i32
        %dma_start3A_286 = tpu.memref_slice %arg8[%add3A_239, %dma_start3A_285] : memref<32x80xi32, #tpu.memory_space<vmem>> -> memref<1x80xi32, #tpu.memory_space<vmem>>
        %dma_start3A_287 = tpu.memref_squeeze %dma_start3A_286 : memref<1x80xi32, #tpu.memory_space<vmem>> -> memref<80xi32, #tpu.memory_space<vmem>>
        %dma_start3A_288 = arith.constant 0 : i32
        %dma_start3A_289 = arith.constant 0 : i32
        %dma_start3A_290 = tpu.memref_slice %arg12[%dma_start3A_288, %dma_start3A_289] : memref<10000x128xf32, #tpu.memory_space<vmem_shared>> -> memref<10000x128xf32, #tpu.memory_space<vmem_shared>>
        tpu.enqueue_indirect_dma source(%arg10 : memref<80x128xf32, #tpu.memory_space<vmem>>) target(%dma_start3A_290 : memref<10000x128xf32, #tpu.memory_space<vmem_shared>>) offsets(%dma_start3A_287 : memref<80xi32, #tpu.memory_space<vmem>>) semaphore(%arg20 : memref<!tpu.dma_semaphore, #tpu.memory_space<semaphore_mem>>) {add = true}
      } else {
      }
      %mul3A_245 = arith.constant 3 : i32
      %mul3A_246 = arith.muli %mul3A_245, %scan3A_227 : i32
      %add3A_247 = arith.constant 2 : i32
      %add3A_248 = arith.addi %mul3A_246, %add3A_247 : i32
      %lt3A_249 = arith.constant 32 : i32
      %lt3A_250 = arith.cmpi slt, %add3A_248, %lt3A_249 : i32
      %convert_element_type3A_251 = arith.extui %lt3A_250 : i1 to i32
      %cond3A_252 = arith.constant 0 : i32
      %cond3A_253 = arith.cmpi ne, %convert_element_type3A_251, %cond3A_252 : i32
      scf.if %cond3A_253 {
        %ge3A = arith.constant 1 : i32
        %ge3A_254 = arith.cmpi sge, %add3A_248, %ge3A : i32
        %convert_element_type3A_255 = arith.extui %ge3A_254 : i1 to i32
        %cond3A_256 = arith.constant 0 : i32
        %cond3A_257 = arith.cmpi ne, %convert_element_type3A_255, %cond3A_256 : i32
        scf.if %cond3A_257 {
          %dma_wait3A_291 = arith.constant 0 : i32
          %dma_wait3A_292 = arith.constant 0 : i32
          %dma_wait3A_293 = tpu.memref_slice %arg8[%dma_wait3A_291, %dma_wait3A_292] : memref<32x80xi32, #tpu.memory_space<vmem>> -> memref<1x80xi32, #tpu.memory_space<vmem>>
          %dma_wait3A_294 = tpu.memref_squeeze %dma_wait3A_293 : memref<1x80xi32, #tpu.memory_space<vmem>> -> memref<80xi32, #tpu.memory_space<vmem>>
          %dma_wait3A_295 = arith.constant 0 : i32
          %dma_wait3A_296 = arith.constant 0 : i32
          %dma_wait3A_297 = tpu.memref_slice %arg12[%dma_wait3A_295, %dma_wait3A_296] : memref<10000x128xf32, #tpu.memory_space<vmem_shared>> -> memref<10000x128xf32, #tpu.memory_space<vmem_shared>>
          tpu.wait_indirect_dma semaphore(%arg20 : memref<!tpu.dma_semaphore, #tpu.memory_space<semaphore_mem>>) src(%arg10 : memref<80x128xf32, #tpu.memory_space<vmem>>) dst(%dma_wait3A_297 : memref<10000x128xf32, #tpu.memory_space<vmem_shared>>)
        } else {
        }
        %add3A_258 = arith.constant 2 : i32
        %add3A_259 = arith.addi %add3A_248, %add3A_258 : i32
        %lt3A_260 = arith.constant 32 : i32
        %lt3A_261 = arith.cmpi slt, %add3A_259, %lt3A_260 : i32
        %convert_element_type3A_262 = arith.extui %lt3A_261 : i1 to i32
        %cond3A_263 = arith.constant 0 : i32
        %cond3A_264 = arith.cmpi ne, %convert_element_type3A_262, %cond3A_263 : i32
        scf.if %cond3A_264 {
          %add3A_291 = arith.constant 2 : i32
          %add3A_292 = arith.addi %add3A_248, %add3A_291 : i32
          %dma_start3A_293 = arith.constant 0 : i32
          %dma_start3A_294 = tpu.memref_slice %arg8[%add3A_292, %dma_start3A_293] : memref<32x80xi32, #tpu.memory_space<vmem>> -> memref<1x80xi32, #tpu.memory_space<vmem>>
          %dma_start3A_295 = tpu.memref_squeeze %dma_start3A_294 : memref<1x80xi32, #tpu.memory_space<vmem>> -> memref<80xi32, #tpu.memory_space<vmem>>
          %dma_start3A_296 = arith.constant 0 : i32
          %dma_start3A_297 = arith.constant 0 : i32
          %dma_start3A_298 = tpu.memref_slice %arg3[%dma_start3A_296, %dma_start3A_297] : memref<10000x128xf32, #tpu.memory_space<hbm>> -> memref<10000x128xf32, #tpu.memory_space<hbm>>
          tpu.enqueue_indirect_dma source(%dma_start3A_298 : memref<10000x128xf32, #tpu.memory_space<hbm>>) target(%arg10 : memref<80x128xf32, #tpu.memory_space<vmem>>) offsets(%dma_start3A_295 : memref<80xi32, #tpu.memory_space<vmem>>) semaphore(%arg14 : memref<!tpu.dma_semaphore, #tpu.memory_space<semaphore_mem>>)
        } else {
        }
        %add3A_265 = arith.constant 1 : i32
        %add3A_266 = arith.addi %add3A_248, %add3A_265 : i32
        %lt3A_267 = arith.constant 32 : i32
        %lt3A_268 = arith.cmpi slt, %add3A_266, %lt3A_267 : i32
        %convert_element_type3A_269 = arith.extui %lt3A_268 : i1 to i32
        %cond3A_270 = arith.constant 0 : i32
        %cond3A_271 = arith.cmpi ne, %convert_element_type3A_269, %cond3A_270 : i32
        scf.if %cond3A_271 {
          %dma_wait3A_291 = arith.constant 0 : i32
          %dma_wait3A_292 = arith.constant 0 : i32
          %dma_wait3A_293 = tpu.memref_slice %arg8[%dma_wait3A_291, %dma_wait3A_292] : memref<32x80xi32, #tpu.memory_space<vmem>> -> memref<1x80xi32, #tpu.memory_space<vmem>>
          %dma_wait3A_294 = tpu.memref_squeeze %dma_wait3A_293 : memref<1x80xi32, #tpu.memory_space<vmem>> -> memref<80xi32, #tpu.memory_space<vmem>>
          %dma_wait3A_295 = arith.constant 0 : i32
          %dma_wait3A_296 = arith.constant 0 : i32
          %dma_wait3A_297 = tpu.memref_slice %arg3[%dma_wait3A_295, %dma_wait3A_296] : memref<10000x128xf32, #tpu.memory_space<hbm>> -> memref<10000x128xf32, #tpu.memory_space<hbm>>
          tpu.wait_indirect_dma semaphore(%arg13 : memref<!tpu.dma_semaphore, #tpu.memory_space<semaphore_mem>>) src(%dma_wait3A_297 : memref<10000x128xf32, #tpu.memory_space<hbm>>) dst(%arg9 : memref<80x128xf32, #tpu.memory_space<vmem>>)
          %add3A_298 = arith.constant 1 : i32
          %add3A_299 = arith.addi %add3A_248, %add3A_298 : i32
          %dma_start3A_300 = arith.constant 0 : i32
          %dma_start3A_301 = tpu.memref_slice %arg7[%add3A_299, %dma_start3A_300] : memref<32x80xi32, #tpu.memory_space<vmem>> -> memref<1x80xi32, #tpu.memory_space<vmem>>
          %dma_start3A_302 = tpu.memref_squeeze %dma_start3A_301 : memref<1x80xi32, #tpu.memory_space<vmem>> -> memref<80xi32, #tpu.memory_space<vmem>>
          %dma_start3A_303 = arith.constant 0 : i32
          %dma_start3A_304 = arith.constant 0 : i32
          %dma_start3A_305 = tpu.memref_slice %arg2[%dma_start3A_303, %dma_start3A_304] : memref<10000x128xf32, #tpu.memory_space<hbm>> -> memref<10000x128xf32, #tpu.memory_space<hbm>>
          tpu.enqueue_indirect_dma source(%dma_start3A_305 : memref<10000x128xf32, #tpu.memory_space<hbm>>) target(%arg9 : memref<80x128xf32, #tpu.memory_space<vmem>>) offsets(%dma_start3A_302 : memref<80xi32, #tpu.memory_space<vmem>>) semaphore(%arg16 : memref<!tpu.dma_semaphore, #tpu.memory_space<semaphore_mem>>) {add = true}
        } else {
        }
        %dma_wait3A_272 = arith.constant 0 : i32
        %dma_wait3A_273 = arith.constant 0 : i32
        %dma_wait3A_274 = tpu.memref_slice %arg7[%dma_wait3A_272, %dma_wait3A_273] : memref<32x80xi32, #tpu.memory_space<vmem>> -> memref<1x80xi32, #tpu.memory_space<vmem>>
        %dma_wait3A_275 = tpu.memref_squeeze %dma_wait3A_274 : memref<1x80xi32, #tpu.memory_space<vmem>> -> memref<80xi32, #tpu.memory_space<vmem>>
        %dma_wait3A_276 = arith.constant 0 : i32
        %dma_wait3A_277 = arith.constant 0 : i32
        %dma_wait3A_278 = tpu.memref_slice %arg2[%dma_wait3A_276, %dma_wait3A_277] : memref<10000x128xf32, #tpu.memory_space<hbm>> -> memref<10000x128xf32, #tpu.memory_space<hbm>>
        tpu.wait_indirect_dma semaphore(%arg18 : memref<!tpu.dma_semaphore, #tpu.memory_space<semaphore_mem>>) src(%dma_wait3A_278 : memref<10000x128xf32, #tpu.memory_space<hbm>>) dst(%arg11 : memref<80x128xf32, #tpu.memory_space<vmem>>)
        %scan3A_279 = arith.constant 0 : i32
        %scan3A_280 = arith.constant 0 : i32
        %scan3A_281 = arith.constant 80 : i32
        %scan3A_282 = arith.addi %scan3A_280, %scan3A_281 : i32
        %scan3A_283 = arith.constant 1 : i32
        scf.for %scan3A_291 = %scan3A_280 to %scan3A_282 step %scan3A_283  : i32 {
          %get3A = arith.index_cast %scan3A_291 : i32 to index
          %get3A_292 = arith.constant 0 : index
          %get3A_293 = tpu.vector_load %arg11[%get3A, %get3A_292] {strides = array<i32>} : memref<80x128xf32, #tpu.memory_space<vmem>>, vector<1x16xf32>,
          %get3A_294 = vector.shape_cast %get3A_293 : vector<1x16xf32> to vector<16xf32>
          %max3A = arith.constant 0.000000e+00 : f32
          %max3A_295 = vector.broadcast %max3A : f32 to vector<16xf32>
          %max3A_296 = arith.maximumf %get3A_294, %max3A_295 : vector<16xf32>
          %swap3A = arith.index_cast %scan3A_291 : i32 to index
          %swap3A_297 = arith.constant 0 : index
          %swap3A_298 = tpu.vector_load %arg11[%swap3A, %swap3A_297] {strides = array<i32>} : memref<80x128xf32, #tpu.memory_space<vmem>>, vector<1x16xf32>,
          %swap3A_299 = vector.shape_cast %swap3A_298 : vector<1x16xf32> to vector<16xf32>
          %swap3A_300 = vector.shape_cast %max3A_296 : vector<16xf32> to vector<1x16xf32>
          tpu.vector_store %arg11[%swap3A, %swap3A_297], %swap3A_300 {strides = array<i32>} : memref<80x128xf32, #tpu.memory_space<vmem>>, vector<1x16xf32>,
          %get3A_301 = arith.index_cast %scan3A_291 : i32 to index
          %get3A_302 = arith.constant 16 : index
          %get3A_303 = tpu.vector_load %arg11[%get3A_301, %get3A_302] {strides = array<i32>} : memref<80x128xf32, #tpu.memory_space<vmem>>, vector<1x16xf32>,
          %get3A_304 = vector.shape_cast %get3A_303 : vector<1x16xf32> to vector<16xf32>
          %max3A_305 = arith.constant 0.000000e+00 : f32
          %max3A_306 = vector.broadcast %max3A_305 : f32 to vector<16xf32>
          %max3A_307 = arith.maximumf %get3A_304, %max3A_306 : vector<16xf32>
          %swap3A_308 = arith.index_cast %scan3A_291 : i32 to index
          %swap3A_309 = arith.constant 16 : index
          %swap3A_310 = tpu.vector_load %arg11[%swap3A_308, %swap3A_309] {strides = array<i32>} : memref<80x128xf32, #tpu.memory_space<vmem>>, vector<1x16xf32>,
          %swap3A_311 = vector.shape_cast %swap3A_310 : vector<1x16xf32> to vector<16xf32>
          %swap3A_312 = vector.shape_cast %max3A_307 : vector<16xf32> to vector<1x16xf32>
          tpu.vector_store %arg11[%swap3A_308, %swap3A_309], %swap3A_312 {strides = array<i32>} : memref<80x128xf32, #tpu.memory_space<vmem>>, vector<1x16xf32>,
          %get3A_313 = arith.index_cast %scan3A_291 : i32 to index
          %get3A_314 = arith.constant 32 : index
          %get3A_315 = tpu.vector_load %arg11[%get3A_313, %get3A_314] {strides = array<i32>} : memref<80x128xf32, #tpu.memory_space<vmem>>, vector<1x16xf32>,
          %get3A_316 = vector.shape_cast %get3A_315 : vector<1x16xf32> to vector<16xf32>
          %max3A_317 = arith.constant 0.000000e+00 : f32
          %max3A_318 = vector.broadcast %max3A_317 : f32 to vector<16xf32>
          %max3A_319 = arith.maximumf %get3A_316, %max3A_318 : vector<16xf32>
          %swap3A_320 = arith.index_cast %scan3A_291 : i32 to index
          %swap3A_321 = arith.constant 32 : index
          %swap3A_322 = tpu.vector_load %arg11[%swap3A_320, %swap3A_321] {strides = array<i32>} : memref<80x128xf32, #tpu.memory_space<vmem>>, vector<1x16xf32>,
          %swap3A_323 = vector.shape_cast %swap3A_322 : vector<1x16xf32> to vector<16xf32>
          %swap3A_324 = vector.shape_cast %max3A_319 : vector<16xf32> to vector<1x16xf32>
          tpu.vector_store %arg11[%swap3A_320, %swap3A_321], %swap3A_324 {strides = array<i32>} : memref<80x128xf32, #tpu.memory_space<vmem>>, vector<1x16xf32>,
          %get3A_325 = arith.index_cast %scan3A_291 : i32 to index
          %get3A_326 = arith.constant 48 : index
          %get3A_327 = tpu.vector_load %arg11[%get3A_325, %get3A_326] {strides = array<i32>} : memref<80x128xf32, #tpu.memory_space<vmem>>, vector<1x16xf32>,
          %get3A_328 = vector.shape_cast %get3A_327 : vector<1x16xf32> to vector<16xf32>
          %max3A_329 = arith.constant 0.000000e+00 : f32
          %max3A_330 = vector.broadcast %max3A_329 : f32 to vector<16xf32>
          %max3A_331 = arith.maximumf %get3A_328, %max3A_330 : vector<16xf32>
          %swap3A_332 = arith.index_cast %scan3A_291 : i32 to index
          %swap3A_333 = arith.constant 48 : index
          %swap3A_334 = tpu.vector_load %arg11[%swap3A_332, %swap3A_333] {strides = array<i32>} : memref<80x128xf32, #tpu.memory_space<vmem>>, vector<1x16xf32>,
          %swap3A_335 = vector.shape_cast %swap3A_334 : vector<1x16xf32> to vector<16xf32>
          %swap3A_336 = vector.shape_cast %max3A_331 : vector<16xf32> to vector<1x16xf32>
          tpu.vector_store %arg11[%swap3A_332, %swap3A_333], %swap3A_336 {strides = array<i32>} : memref<80x128xf32, #tpu.memory_space<vmem>>, vector<1x16xf32>,
          %get3A_337 = arith.index_cast %scan3A_291 : i32 to index
          %get3A_338 = arith.constant 64 : index
          %get3A_339 = tpu.vector_load %arg11[%get3A_337, %get3A_338] {strides = array<i32>} : memref<80x128xf32, #tpu.memory_space<vmem>>, vector<1x16xf32>,
          %get3A_340 = vector.shape_cast %get3A_339 : vector<1x16xf32> to vector<16xf32>
          %max3A_341 = arith.constant 0.000000e+00 : f32
          %max3A_342 = vector.broadcast %max3A_341 : f32 to vector<16xf32>
          %max3A_343 = arith.maximumf %get3A_340, %max3A_342 : vector<16xf32>
          %swap3A_344 = arith.index_cast %scan3A_291 : i32 to index
          %swap3A_345 = arith.constant 64 : index
          %swap3A_346 = tpu.vector_load %arg11[%swap3A_344, %swap3A_345] {strides = array<i32>} : memref<80x128xf32, #tpu.memory_space<vmem>>, vector<1x16xf32>,
          %swap3A_347 = vector.shape_cast %swap3A_346 : vector<1x16xf32> to vector<16xf32>
          %swap3A_348 = vector.shape_cast %max3A_343 : vector<16xf32> to vector<1x16xf32>
          tpu.vector_store %arg11[%swap3A_344, %swap3A_345], %swap3A_348 {strides = array<i32>} : memref<80x128xf32, #tpu.memory_space<vmem>>, vector<1x16xf32>,
          %get3A_349 = arith.index_cast %scan3A_291 : i32 to index
          %get3A_350 = arith.constant 80 : index
          %get3A_351 = tpu.vector_load %arg11[%get3A_349, %get3A_350] {strides = array<i32>} : memref<80x128xf32, #tpu.memory_space<vmem>>, vector<1x16xf32>,
          %get3A_352 = vector.shape_cast %get3A_351 : vector<1x16xf32> to vector<16xf32>
          %max3A_353 = arith.constant 0.000000e+00 : f32
          %max3A_354 = vector.broadcast %max3A_353 : f32 to vector<16xf32>
          %max3A_355 = arith.maximumf %get3A_352, %max3A_354 : vector<16xf32>
          %swap3A_356 = arith.index_cast %scan3A_291 : i32 to index
          %swap3A_357 = arith.constant 80 : index
          %swap3A_358 = tpu.vector_load %arg11[%swap3A_356, %swap3A_357] {strides = array<i32>} : memref<80x128xf32, #tpu.memory_space<vmem>>, vector<1x16xf32>,
          %swap3A_359 = vector.shape_cast %swap3A_358 : vector<1x16xf32> to vector<16xf32>
          %swap3A_360 = vector.shape_cast %max3A_355 : vector<16xf32> to vector<1x16xf32>
          tpu.vector_store %arg11[%swap3A_356, %swap3A_357], %swap3A_360 {strides = array<i32>} : memref<80x128xf32, #tpu.memory_space<vmem>>, vector<1x16xf32>,
          %get3A_361 = arith.index_cast %scan3A_291 : i32 to index
          %get3A_362 = arith.constant 96 : index
          %get3A_363 = tpu.vector_load %arg11[%get3A_361, %get3A_362] {strides = array<i32>} : memref<80x128xf32, #tpu.memory_space<vmem>>, vector<1x16xf32>,
          %get3A_364 = vector.shape_cast %get3A_363 : vector<1x16xf32> to vector<16xf32>
          %max3A_365 = arith.constant 0.000000e+00 : f32
          %max3A_366 = vector.broadcast %max3A_365 : f32 to vector<16xf32>
          %max3A_367 = arith.maximumf %get3A_364, %max3A_366 : vector<16xf32>
          %swap3A_368 = arith.index_cast %scan3A_291 : i32 to index
          %swap3A_369 = arith.constant 96 : index
          %swap3A_370 = tpu.vector_load %arg11[%swap3A_368, %swap3A_369] {strides = array<i32>} : memref<80x128xf32, #tpu.memory_space<vmem>>, vector<1x16xf32>,
          %swap3A_371 = vector.shape_cast %swap3A_370 : vector<1x16xf32> to vector<16xf32>
          %swap3A_372 = vector.shape_cast %max3A_367 : vector<16xf32> to vector<1x16xf32>
          tpu.vector_store %arg11[%swap3A_368, %swap3A_369], %swap3A_372 {strides = array<i32>} : memref<80x128xf32, #tpu.memory_space<vmem>>, vector<1x16xf32>,
          %get3A_373 = arith.index_cast %scan3A_291 : i32 to index
          %get3A_374 = arith.constant 112 : index
          %get3A_375 = tpu.vector_load %arg11[%get3A_373, %get3A_374] {strides = array<i32>} : memref<80x128xf32, #tpu.memory_space<vmem>>, vector<1x16xf32>,
          %get3A_376 = vector.shape_cast %get3A_375 : vector<1x16xf32> to vector<16xf32>
          %max3A_377 = arith.constant 0.000000e+00 : f32
          %max3A_378 = vector.broadcast %max3A_377 : f32 to vector<16xf32>
          %max3A_379 = arith.maximumf %get3A_376, %max3A_378 : vector<16xf32>
          %swap3A_380 = arith.index_cast %scan3A_291 : i32 to index
          %swap3A_381 = arith.constant 112 : index
          %swap3A_382 = tpu.vector_load %arg11[%swap3A_380, %swap3A_381] {strides = array<i32>} : memref<80x128xf32, #tpu.memory_space<vmem>>, vector<1x16xf32>,
          %swap3A_383 = vector.shape_cast %swap3A_382 : vector<1x16xf32> to vector<16xf32>
          %swap3A_384 = vector.shape_cast %max3A_379 : vector<16xf32> to vector<1x16xf32>
          tpu.vector_store %arg11[%swap3A_380, %swap3A_381], %swap3A_384 {strides = array<i32>} : memref<80x128xf32, #tpu.memory_space<vmem>>, vector<1x16xf32>,
        }
        %scan3A_284 = arith.constant 80 : i32
        %dma_start3A_285 = arith.constant 0 : i32
        %dma_start3A_286 = tpu.memref_slice %arg8[%add3A_248, %dma_start3A_285] : memref<32x80xi32, #tpu.memory_space<vmem>> -> memref<1x80xi32, #tpu.memory_space<vmem>>
        %dma_start3A_287 = tpu.memref_squeeze %dma_start3A_286 : memref<1x80xi32, #tpu.memory_space<vmem>> -> memref<80xi32, #tpu.memory_space<vmem>>
        %dma_start3A_288 = arith.constant 0 : i32
        %dma_start3A_289 = arith.constant 0 : i32
        %dma_start3A_290 = tpu.memref_slice %arg12[%dma_start3A_288, %dma_start3A_289] : memref<10000x128xf32, #tpu.memory_space<vmem_shared>> -> memref<10000x128xf32, #tpu.memory_space<vmem_shared>>
        tpu.enqueue_indirect_dma source(%arg11 : memref<80x128xf32, #tpu.memory_space<vmem>>) target(%dma_start3A_290 : memref<10000x128xf32, #tpu.memory_space<vmem_shared>>) offsets(%dma_start3A_287 : memref<80xi32, #tpu.memory_space<vmem>>) semaphore(%arg21 : memref<!tpu.dma_semaphore, #tpu.memory_space<semaphore_mem>>) {add = true}
      } else {
      }
    }
    %scan3A_58 = arith.constant 11 : i32
    %dma_wait3A_59 = arith.constant 0 : i32
    %dma_wait3A_60 = arith.constant 0 : i32
    %dma_wait3A_61 = tpu.memref_slice %arg8[%dma_wait3A_59, %dma_wait3A_60] : memref<32x80xi32, #tpu.memory_space<vmem>> -> memref<1x80xi32, #tpu.memory_space<vmem>>
    %dma_wait3A_62 = tpu.memref_squeeze %dma_wait3A_61 : memref<1x80xi32, #tpu.memory_space<vmem>> -> memref<80xi32, #tpu.memory_space<vmem>>
    %dma_wait3A_63 = arith.constant 0 : i32
    %dma_wait3A_64 = arith.constant 0 : i32
    %dma_wait3A_65 = tpu.memref_slice %arg12[%dma_wait3A_63, %dma_wait3A_64] : memref<10000x128xf32, #tpu.memory_space<vmem_shared>> -> memref<10000x128xf32, #tpu.memory_space<vmem_shared>>
    tpu.wait_indirect_dma semaphore(%arg20 : memref<!tpu.dma_semaphore, #tpu.memory_space<semaphore_mem>>) src(%arg10 : memref<80x128xf32, #tpu.memory_space<vmem>>) dst(%dma_wait3A_65 : memref<10000x128xf32, #tpu.memory_space<vmem_shared>>)
    "tpu.region"() ({
      %run_scoped3A = tpu.sem_alloc : memref<!tpu.dma_semaphore, #tpu.memory_space<semaphore_mem>>
      %dma_start3A_227 = arith.constant 0 : i32
      %dma_start3A_228 = arith.constant 0 : i32
      %dma_start3A_229 = tpu.memref_slice %arg7[%dma_start3A_227, %dma_start3A_228] : memref<32x80xi32, #tpu.memory_space<vmem>> -> memref<32x80xi32, #tpu.memory_space<vmem>>
      %dma_start3A_230 = arith.constant 0 : i32
      %dma_start3A_231 = arith.constant 0 : i32
      %dma_start3A_232 = tpu.memref_slice %arg4[%add3A, %dma_start3A_230, %dma_start3A_231] : memref<32x125x80xi32, #tpu.memory_space<hbm>> -> memref<1x125x80xi32, #tpu.memory_space<hbm>>
      %dma_start3A_233 = tpu.memref_squeeze %dma_start3A_232 : memref<1x125x80xi32, #tpu.memory_space<hbm>> -> memref<125x80xi32, #tpu.memory_space<hbm>>
      %dma_start3A_234 = arith.constant 32 : i32
      %dma_start3A_235 = arith.constant 0 : i32
      %dma_start3A_236 = tpu.memref_slice %dma_start3A_233[%dma_start3A_234, %dma_start3A_235] : memref<125x80xi32, #tpu.memory_space<hbm>> -> memref<32x80xi32, #tpu.memory_space<hbm>>
      %dma_start3A_237 = arith.constant 0 : i32
      %dma_start3A_238 = arith.constant 0 : i32
      %dma_start3A_239 = tpu.memref_slice %arg7[%dma_start3A_237, %dma_start3A_238] : memref<32x80xi32, #tpu.memory_space<vmem>> -> memref<32x80xi32, #tpu.memory_space<vmem>>
      %dma_start3A_240 = arith.constant 0 : i32
      %dma_start3A_241 = arith.constant 0 : i32
      %dma_start3A_242 = tpu.memref_slice %arg4[%add3A, %dma_start3A_240, %dma_start3A_241] : memref<32x125x80xi32, #tpu.memory_space<hbm>> -> memref<1x125x80xi32, #tpu.memory_space<hbm>>
      %dma_start3A_243 = tpu.memref_squeeze %dma_start3A_242 : memref<1x125x80xi32, #tpu.memory_space<hbm>> -> memref<125x80xi32, #tpu.memory_space<hbm>>
      %dma_start3A_244 = arith.constant 32 : i32
      %dma_start3A_245 = arith.constant 0 : i32
      %dma_start3A_246 = tpu.memref_slice %dma_start3A_243[%dma_start3A_244, %dma_start3A_245] : memref<125x80xi32, #tpu.memory_space<hbm>> -> memref<32x80xi32, #tpu.memory_space<hbm>>
      tpu.enqueue_dma source(%dma_start3A_246 : memref<32x80xi32, #tpu.memory_space<hbm>>) target(%dma_start3A_239 : memref<32x80xi32, #tpu.memory_space<vmem>>) target_semaphore(%run_scoped3A : memref<!tpu.dma_semaphore, #tpu.memory_space<semaphore_mem>>)
      %dma_wait3A_247 = arith.constant 0 : i32
      %dma_wait3A_248 = arith.constant 0 : i32
      %dma_wait3A_249 = tpu.memref_slice %arg7[%dma_wait3A_247, %dma_wait3A_248] : memref<32x80xi32, #tpu.memory_space<vmem>> -> memref<32x80xi32, #tpu.memory_space<vmem>>
      %dma_wait3A_250 = arith.constant 0 : i32
      %dma_wait3A_251 = arith.constant 0 : i32
      %dma_wait3A_252 = tpu.memref_slice %arg4[%add3A, %dma_wait3A_250, %dma_wait3A_251] : memref<32x125x80xi32, #tpu.memory_space<hbm>> -> memref<1x125x80xi32, #tpu.memory_space<hbm>>
      %dma_wait3A_253 = tpu.memref_squeeze %dma_wait3A_252 : memref<1x125x80xi32, #tpu.memory_space<hbm>> -> memref<125x80xi32, #tpu.memory_space<hbm>>
      %dma_wait3A_254 = arith.constant 32 : i32
      %dma_wait3A_255 = arith.constant 0 : i32
      %dma_wait3A_256 = tpu.memref_slice %dma_wait3A_253[%dma_wait3A_254, %dma_wait3A_255] : memref<125x80xi32, #tpu.memory_space<hbm>> -> memref<32x80xi32, #tpu.memory_space<hbm>>
      %dma_wait3A_257 = arith.constant 0 : i32
      %dma_wait3A_258 = arith.constant 0 : i32
      %dma_wait3A_259 = tpu.memref_slice %arg7[%dma_wait3A_257, %dma_wait3A_258] : memref<32x80xi32, #tpu.memory_space<vmem>> -> memref<32x80xi32, #tpu.memory_space<vmem>>
      %dma_wait3A_260 = arith.constant 0 : i32
      %dma_wait3A_261 = arith.constant 0 : i32
      %dma_wait3A_262 = tpu.memref_slice %arg4[%add3A, %dma_wait3A_260, %dma_wait3A_261] : memref<32x125x80xi32, #tpu.memory_space<hbm>> -> memref<1x125x80xi32, #tpu.memory_space<hbm>>
      %dma_wait3A_263 = tpu.memref_squeeze %dma_wait3A_262 : memref<1x125x80xi32, #tpu.memory_space<hbm>> -> memref<125x80xi32, #tpu.memory_space<hbm>>
      %dma_wait3A_264 = arith.constant 32 : i32
      %dma_wait3A_265 = arith.constant 0 : i32
      %dma_wait3A_266 = tpu.memref_slice %dma_wait3A_263[%dma_wait3A_264, %dma_wait3A_265] : memref<125x80xi32, #tpu.memory_space<hbm>> -> memref<32x80xi32, #tpu.memory_space<hbm>>
      tpu.wait_dma2 semaphore(%run_scoped3A : memref<!tpu.dma_semaphore, #tpu.memory_space<semaphore_mem>>) src(%dma_wait3A_266 : memref<32x80xi32, #tpu.memory_space<hbm>>) dst(%dma_wait3A_259 : memref<32x80xi32, #tpu.memory_space<vmem>>)
      tpu.yield
    }) : () -> ()
    "tpu.region"() ({
      %run_scoped3A = tpu.sem_alloc : memref<!tpu.dma_semaphore, #tpu.memory_space<semaphore_mem>>
      %dma_start3A_227 = arith.constant 0 : i32
      %dma_start3A_228 = arith.constant 0 : i32
      %dma_start3A_229 = tpu.memref_slice %arg8[%dma_start3A_227, %dma_start3A_228] : memref<32x80xi32, #tpu.memory_space<vmem>> -> memref<32x80xi32, #tpu.memory_space<vmem>>
      %dma_start3A_230 = arith.constant 0 : i32
      %dma_start3A_231 = arith.constant 0 : i32
      %dma_start3A_232 = tpu.memref_slice %arg5[%add3A, %dma_start3A_230, %dma_start3A_231] : memref<32x125x80xi32, #tpu.memory_space<hbm>> -> memref<1x125x80xi32, #tpu.memory_space<hbm>>
      %dma_start3A_233 = tpu.memref_squeeze %dma_start3A_232 : memref<1x125x80xi32, #tpu.memory_space<hbm>> -> memref<125x80xi32, #tpu.memory_space<hbm>>
      %dma_start3A_234 = arith.constant 32 : i32
      %dma_start3A_235 = arith.constant 0 : i32
      %dma_start3A_236 = tpu.memref_slice %dma_start3A_233[%dma_start3A_234, %dma_start3A_235] : memref<125x80xi32, #tpu.memory_space<hbm>> -> memref<32x80xi32, #tpu.memory_space<hbm>>
      %dma_start3A_237 = arith.constant 0 : i32
      %dma_start3A_238 = arith.constant 0 : i32
      %dma_start3A_239 = tpu.memref_slice %arg8[%dma_start3A_237, %dma_start3A_238] : memref<32x80xi32, #tpu.memory_space<vmem>> -> memref<32x80xi32, #tpu.memory_space<vmem>>
      %dma_start3A_240 = arith.constant 0 : i32
      %dma_start3A_241 = arith.constant 0 : i32
      %dma_start3A_242 = tpu.memref_slice %arg5[%add3A, %dma_start3A_240, %dma_start3A_241] : memref<32x125x80xi32, #tpu.memory_space<hbm>> -> memref<1x125x80xi32, #tpu.memory_space<hbm>>
      %dma_start3A_243 = tpu.memref_squeeze %dma_start3A_242 : memref<1x125x80xi32, #tpu.memory_space<hbm>> -> memref<125x80xi32, #tpu.memory_space<hbm>>
      %dma_start3A_244 = arith.constant 32 : i32
      %dma_start3A_245 = arith.constant 0 : i32
      %dma_start3A_246 = tpu.memref_slice %dma_start3A_243[%dma_start3A_244, %dma_start3A_245] : memref<125x80xi32, #tpu.memory_space<hbm>> -> memref<32x80xi32, #tpu.memory_space<hbm>>
      tpu.enqueue_dma source(%dma_start3A_246 : memref<32x80xi32, #tpu.memory_space<hbm>>) target(%dma_start3A_239 : memref<32x80xi32, #tpu.memory_space<vmem>>) target_semaphore(%run_scoped3A : memref<!tpu.dma_semaphore, #tpu.memory_space<semaphore_mem>>)
      %dma_wait3A_247 = arith.constant 0 : i32
      %dma_wait3A_248 = arith.constant 0 : i32
      %dma_wait3A_249 = tpu.memref_slice %arg8[%dma_wait3A_247, %dma_wait3A_248] : memref<32x80xi32, #tpu.memory_space<vmem>> -> memref<32x80xi32, #tpu.memory_space<vmem>>
      %dma_wait3A_250 = arith.constant 0 : i32
      %dma_wait3A_251 = arith.constant 0 : i32
      %dma_wait3A_252 = tpu.memref_slice %arg5[%add3A, %dma_wait3A_250, %dma_wait3A_251] : memref<32x125x80xi32, #tpu.memory_space<hbm>> -> memref<1x125x80xi32, #tpu.memory_space<hbm>>
      %dma_wait3A_253 = tpu.memref_squeeze %dma_wait3A_252 : memref<1x125x80xi32, #tpu.memory_space<hbm>> -> memref<125x80xi32, #tpu.memory_space<hbm>>
      %dma_wait3A_254 = arith.constant 32 : i32
      %dma_wait3A_255 = arith.constant 0 : i32
      %dma_wait3A_256 = tpu.memref_slice %dma_wait3A_253[%dma_wait3A_254, %dma_wait3A_255] : memref<125x80xi32, #tpu.memory_space<hbm>> -> memref<32x80xi32, #tpu.memory_space<hbm>>
      %dma_wait3A_257 = arith.constant 0 : i32
      %dma_wait3A_258 = arith.constant 0 : i32
      %dma_wait3A_259 = tpu.memref_slice %arg8[%dma_wait3A_257, %dma_wait3A_258] : memref<32x80xi32, #tpu.memory_space<vmem>> -> memref<32x80xi32, #tpu.memory_space<vmem>>
      %dma_wait3A_260 = arith.constant 0 : i32
      %dma_wait3A_261 = arith.constant 0 : i32
      %dma_wait3A_262 = tpu.memref_slice %arg5[%add3A, %dma_wait3A_260, %dma_wait3A_261] : memref<32x125x80xi32, #tpu.memory_space<hbm>> -> memref<1x125x80xi32, #tpu.memory_space<hbm>>
      %dma_wait3A_263 = tpu.memref_squeeze %dma_wait3A_262 : memref<1x125x80xi32, #tpu.memory_space<hbm>> -> memref<125x80xi32, #tpu.memory_space<hbm>>
      %dma_wait3A_264 = arith.constant 32 : i32
      %dma_wait3A_265 = arith.constant 0 : i32
      %dma_wait3A_266 = tpu.memref_slice %dma_wait3A_263[%dma_wait3A_264, %dma_wait3A_265] : memref<125x80xi32, #tpu.memory_space<hbm>> -> memref<32x80xi32, #tpu.memory_space<hbm>>
      tpu.wait_dma2 semaphore(%run_scoped3A : memref<!tpu.dma_semaphore, #tpu.memory_space<semaphore_mem>>) src(%dma_wait3A_266 : memref<32x80xi32, #tpu.memory_space<hbm>>) dst(%dma_wait3A_259 : memref<32x80xi32, #tpu.memory_space<vmem>>)
      tpu.yield
    }) : () -> ()
    %dma_start3A_66 = arith.constant 0 : i32
    %dma_start3A_67 = arith.constant 0 : i32
    %dma_start3A_68 = tpu.memref_slice %arg8[%dma_start3A_66, %dma_start3A_67] : memref<32x80xi32, #tpu.memory_space<vmem>> -> memref<1x80xi32, #tpu.memory_space<vmem>>
    %dma_start3A_69 = tpu.memref_squeeze %dma_start3A_68 : memref<1x80xi32, #tpu.memory_space<vmem>> -> memref<80xi32, #tpu.memory_space<vmem>>
    %dma_start3A_70 = arith.constant 0 : i32
    %dma_start3A_71 = arith.constant 0 : i32
    %dma_start3A_72 = tpu.memref_slice %arg3[%dma_start3A_70, %dma_start3A_71] : memref<10000x128xf32, #tpu.memory_space<hbm>> -> memref<10000x128xf32, #tpu.memory_space<hbm>>
    tpu.enqueue_indirect_dma source(%dma_start3A_72 : memref<10000x128xf32, #tpu.memory_space<hbm>>) target(%arg9 : memref<80x128xf32, #tpu.memory_space<vmem>>) offsets(%dma_start3A_69 : memref<80xi32, #tpu.memory_space<vmem>>) semaphore(%arg13 : memref<!tpu.dma_semaphore, #tpu.memory_space<semaphore_mem>>)
    %dma_start3A_73 = arith.constant 1 : i32
    %dma_start3A_74 = arith.constant 0 : i32
    %dma_start3A_75 = tpu.memref_slice %arg8[%dma_start3A_73, %dma_start3A_74] : memref<32x80xi32, #tpu.memory_space<vmem>> -> memref<1x80xi32, #tpu.memory_space<vmem>>
    %dma_start3A_76 = tpu.memref_squeeze %dma_start3A_75 : memref<1x80xi32, #tpu.memory_space<vmem>> -> memref<80xi32, #tpu.memory_space<vmem>>
    %dma_start3A_77 = arith.constant 0 : i32
    %dma_start3A_78 = arith.constant 0 : i32
    %dma_start3A_79 = tpu.memref_slice %arg3[%dma_start3A_77, %dma_start3A_78] : memref<10000x128xf32, #tpu.memory_space<hbm>> -> memref<10000x128xf32, #tpu.memory_space<hbm>>
    tpu.enqueue_indirect_dma source(%dma_start3A_79 : memref<10000x128xf32, #tpu.memory_space<hbm>>) target(%arg10 : memref<80x128xf32, #tpu.memory_space<vmem>>) offsets(%dma_start3A_76 : memref<80xi32, #tpu.memory_space<vmem>>) semaphore(%arg14 : memref<!tpu.dma_semaphore, #tpu.memory_space<semaphore_mem>>)
    %dma_wait3A_80 = arith.constant 0 : i32
    %dma_wait3A_81 = arith.constant 0 : i32
    %dma_wait3A_82 = tpu.memref_slice %arg8[%dma_wait3A_80, %dma_wait3A_81] : memref<32x80xi32, #tpu.memory_space<vmem>> -> memref<1x80xi32, #tpu.memory_space<vmem>>
    %dma_wait3A_83 = tpu.memref_squeeze %dma_wait3A_82 : memref<1x80xi32, #tpu.memory_space<vmem>> -> memref<80xi32, #tpu.memory_space<vmem>>
    %dma_wait3A_84 = arith.constant 0 : i32
    %dma_wait3A_85 = arith.constant 0 : i32
    %dma_wait3A_86 = tpu.memref_slice %arg3[%dma_wait3A_84, %dma_wait3A_85] : memref<10000x128xf32, #tpu.memory_space<hbm>> -> memref<10000x128xf32, #tpu.memory_space<hbm>>
    tpu.wait_indirect_dma semaphore(%arg13 : memref<!tpu.dma_semaphore, #tpu.memory_space<semaphore_mem>>) src(%dma_wait3A_86 : memref<10000x128xf32, #tpu.memory_space<hbm>>) dst(%arg9 : memref<80x128xf32, #tpu.memory_space<vmem>>)
    %dma_start3A_87 = arith.constant 0 : i32
    %dma_start3A_88 = arith.constant 0 : i32
    %dma_start3A_89 = tpu.memref_slice %arg7[%dma_start3A_87, %dma_start3A_88] : memref<32x80xi32, #tpu.memory_space<vmem>> -> memref<1x80xi32, #tpu.memory_space<vmem>>
    %dma_start3A_90 = tpu.memref_squeeze %dma_start3A_89 : memref<1x80xi32, #tpu.memory_space<vmem>> -> memref<80xi32, #tpu.memory_space<vmem>>
    %dma_start3A_91 = arith.constant 0 : i32
    %dma_start3A_92 = arith.constant 0 : i32
    %dma_start3A_93 = tpu.memref_slice %arg2[%dma_start3A_91, %dma_start3A_92] : memref<10000x128xf32, #tpu.memory_space<hbm>> -> memref<10000x128xf32, #tpu.memory_space<hbm>>
    tpu.enqueue_indirect_dma source(%dma_start3A_93 : memref<10000x128xf32, #tpu.memory_space<hbm>>) target(%arg9 : memref<80x128xf32, #tpu.memory_space<vmem>>) offsets(%dma_start3A_90 : memref<80xi32, #tpu.memory_space<vmem>>) semaphore(%arg16 : memref<!tpu.dma_semaphore, #tpu.memory_space<semaphore_mem>>) {add = true}
    %scan3A_94 = arith.constant 0 : i32
    %scan3A_95 = arith.constant 0 : i32
    %scan3A_96 = arith.constant 11 : i32
    %scan3A_97 = arith.addi %scan3A_95, %scan3A_96 : i32
    %scan3A_98 = arith.constant 1 : i32
    scf.for %scan3A_227 = %scan3A_95 to %scan3A_97 step %scan3A_98  : i32 {
      %mul3A_228 = arith.constant 3 : i32
      %mul3A_229 = arith.muli %mul3A_228, %scan3A_227 : i32
      %add3A_230 = arith.constant 0 : i32
      %add3A_231 = arith.addi %mul3A_229, %add3A_230 : i32
      %lt3A = arith.constant 32 : i32
      %lt3A_232 = arith.cmpi slt, %add3A_231, %lt3A : i32
      %convert_element_type3A_233 = arith.extui %lt3A_232 : i1 to i32
      %cond3A_234 = arith.constant 0 : i32
      %cond3A_235 = arith.cmpi ne, %convert_element_type3A_233, %cond3A_234 : i32
      scf.if %cond3A_235 {
        %ge3A = arith.constant 1 : i32
        %ge3A_254 = arith.cmpi sge, %add3A_231, %ge3A : i32
        %convert_element_type3A_255 = arith.extui %ge3A_254 : i1 to i32
        %cond3A_256 = arith.constant 0 : i32
        %cond3A_257 = arith.cmpi ne, %convert_element_type3A_255, %cond3A_256 : i32
        scf.if %cond3A_257 {
          %dma_wait3A_291 = arith.constant 0 : i32
          %dma_wait3A_292 = arith.constant 0 : i32
          %dma_wait3A_293 = tpu.memref_slice %arg8[%dma_wait3A_291, %dma_wait3A_292] : memref<32x80xi32, #tpu.memory_space<vmem>> -> memref<1x80xi32, #tpu.memory_space<vmem>>
          %dma_wait3A_294 = tpu.memref_squeeze %dma_wait3A_293 : memref<1x80xi32, #tpu.memory_space<vmem>> -> memref<80xi32, #tpu.memory_space<vmem>>
          %dma_wait3A_295 = arith.constant 0 : i32
          %dma_wait3A_296 = arith.constant 0 : i32
          %dma_wait3A_297 = tpu.memref_slice %arg12[%dma_wait3A_295, %dma_wait3A_296] : memref<10000x128xf32, #tpu.memory_space<vmem_shared>> -> memref<10000x128xf32, #tpu.memory_space<vmem_shared>>
          tpu.wait_indirect_dma semaphore(%arg21 : memref<!tpu.dma_semaphore, #tpu.memory_space<semaphore_mem>>) src(%arg11 : memref<80x128xf32, #tpu.memory_space<vmem>>) dst(%dma_wait3A_297 : memref<10000x128xf32, #tpu.memory_space<vmem_shared>>)
        } else {
        }
        %add3A_258 = arith.constant 2 : i32
        %add3A_259 = arith.addi %add3A_231, %add3A_258 : i32
        %lt3A_260 = arith.constant 32 : i32
        %lt3A_261 = arith.cmpi slt, %add3A_259, %lt3A_260 : i32
        %convert_element_type3A_262 = arith.extui %lt3A_261 : i1 to i32
        %cond3A_263 = arith.constant 0 : i32
        %cond3A_264 = arith.cmpi ne, %convert_element_type3A_262, %cond3A_263 : i32
        scf.if %cond3A_264 {
          %add3A_291 = arith.constant 2 : i32
          %add3A_292 = arith.addi %add3A_231, %add3A_291 : i32
          %dma_start3A_293 = arith.constant 0 : i32
          %dma_start3A_294 = tpu.memref_slice %arg8[%add3A_292, %dma_start3A_293] : memref<32x80xi32, #tpu.memory_space<vmem>> -> memref<1x80xi32, #tpu.memory_space<vmem>>
          %dma_start3A_295 = tpu.memref_squeeze %dma_start3A_294 : memref<1x80xi32, #tpu.memory_space<vmem>> -> memref<80xi32, #tpu.memory_space<vmem>>
          %dma_start3A_296 = arith.constant 0 : i32
          %dma_start3A_297 = arith.constant 0 : i32
          %dma_start3A_298 = tpu.memref_slice %arg3[%dma_start3A_296, %dma_start3A_297] : memref<10000x128xf32, #tpu.memory_space<hbm>> -> memref<10000x128xf32, #tpu.memory_space<hbm>>
          tpu.enqueue_indirect_dma source(%dma_start3A_298 : memref<10000x128xf32, #tpu.memory_space<hbm>>) target(%arg11 : memref<80x128xf32, #tpu.memory_space<vmem>>) offsets(%dma_start3A_295 : memref<80xi32, #tpu.memory_space<vmem>>) semaphore(%arg15 : memref<!tpu.dma_semaphore, #tpu.memory_space<semaphore_mem>>)
        } else {
        }
        %add3A_265 = arith.constant 1 : i32
        %add3A_266 = arith.addi %add3A_231, %add3A_265 : i32
        %lt3A_267 = arith.constant 32 : i32
        %lt3A_268 = arith.cmpi slt, %add3A_266, %lt3A_267 : i32
        %convert_element_type3A_269 = arith.extui %lt3A_268 : i1 to i32
        %cond3A_270 = arith.constant 0 : i32
        %cond3A_271 = arith.cmpi ne, %convert_element_type3A_269, %cond3A_270 : i32
        scf.if %cond3A_271 {
          %dma_wait3A_291 = arith.constant 0 : i32
          %dma_wait3A_292 = arith.constant 0 : i32
          %dma_wait3A_293 = tpu.memref_slice %arg8[%dma_wait3A_291, %dma_wait3A_292] : memref<32x80xi32, #tpu.memory_space<vmem>> -> memref<1x80xi32, #tpu.memory_space<vmem>>
          %dma_wait3A_294 = tpu.memref_squeeze %dma_wait3A_293 : memref<1x80xi32, #tpu.memory_space<vmem>> -> memref<80xi32, #tpu.memory_space<vmem>>
          %dma_wait3A_295 = arith.constant 0 : i32
          %dma_wait3A_296 = arith.constant 0 : i32
          %dma_wait3A_297 = tpu.memref_slice %arg3[%dma_wait3A_295, %dma_wait3A_296] : memref<10000x128xf32, #tpu.memory_space<hbm>> -> memref<10000x128xf32, #tpu.memory_space<hbm>>
          tpu.wait_indirect_dma semaphore(%arg14 : memref<!tpu.dma_semaphore, #tpu.memory_space<semaphore_mem>>) src(%dma_wait3A_297 : memref<10000x128xf32, #tpu.memory_space<hbm>>) dst(%arg10 : memref<80x128xf32, #tpu.memory_space<vmem>>)
          %add3A_298 = arith.constant 1 : i32
          %add3A_299 = arith.addi %add3A_231, %add3A_298 : i32
          %dma_start3A_300 = arith.constant 0 : i32
          %dma_start3A_301 = tpu.memref_slice %arg7[%add3A_299, %dma_start3A_300] : memref<32x80xi32, #tpu.memory_space<vmem>> -> memref<1x80xi32, #tpu.memory_space<vmem>>
          %dma_start3A_302 = tpu.memref_squeeze %dma_start3A_301 : memref<1x80xi32, #tpu.memory_space<vmem>> -> memref<80xi32, #tpu.memory_space<vmem>>
          %dma_start3A_303 = arith.constant 0 : i32
          %dma_start3A_304 = arith.constant 0 : i32
          %dma_start3A_305 = tpu.memref_slice %arg2[%dma_start3A_303, %dma_start3A_304] : memref<10000x128xf32, #tpu.memory_space<hbm>> -> memref<10000x128xf32, #tpu.memory_space<hbm>>
          tpu.enqueue_indirect_dma source(%dma_start3A_305 : memref<10000x128xf32, #tpu.memory_space<hbm>>) target(%arg10 : memref<80x128xf32, #tpu.memory_space<vmem>>) offsets(%dma_start3A_302 : memref<80xi32, #tpu.memory_space<vmem>>) semaphore(%arg17 : memref<!tpu.dma_semaphore, #tpu.memory_space<semaphore_mem>>) {add = true}
        } else {
        }
        %dma_wait3A_272 = arith.constant 0 : i32
        %dma_wait3A_273 = arith.constant 0 : i32
        %dma_wait3A_274 = tpu.memref_slice %arg7[%dma_wait3A_272, %dma_wait3A_273] : memref<32x80xi32, #tpu.memory_space<vmem>> -> memref<1x80xi32, #tpu.memory_space<vmem>>
        %dma_wait3A_275 = tpu.memref_squeeze %dma_wait3A_274 : memref<1x80xi32, #tpu.memory_space<vmem>> -> memref<80xi32, #tpu.memory_space<vmem>>
        %dma_wait3A_276 = arith.constant 0 : i32
        %dma_wait3A_277 = arith.constant 0 : i32
        %dma_wait3A_278 = tpu.memref_slice %arg2[%dma_wait3A_276, %dma_wait3A_277] : memref<10000x128xf32, #tpu.memory_space<hbm>> -> memref<10000x128xf32, #tpu.memory_space<hbm>>
        tpu.wait_indirect_dma semaphore(%arg16 : memref<!tpu.dma_semaphore, #tpu.memory_space<semaphore_mem>>) src(%dma_wait3A_278 : memref<10000x128xf32, #tpu.memory_space<hbm>>) dst(%arg9 : memref<80x128xf32, #tpu.memory_space<vmem>>)
        %scan3A_279 = arith.constant 0 : i32
        %scan3A_280 = arith.constant 0 : i32
        %scan3A_281 = arith.constant 80 : i32
        %scan3A_282 = arith.addi %scan3A_280, %scan3A_281 : i32
        %scan3A_283 = arith.constant 1 : i32
        scf.for %scan3A_291 = %scan3A_280 to %scan3A_282 step %scan3A_283  : i32 {
          %get3A = arith.index_cast %scan3A_291 : i32 to index
          %get3A_292 = arith.constant 0 : index
          %get3A_293 = tpu.vector_load %arg9[%get3A, %get3A_292] {strides = array<i32>} : memref<80x128xf32, #tpu.memory_space<vmem>>, vector<1x16xf32>,
          %get3A_294 = vector.shape_cast %get3A_293 : vector<1x16xf32> to vector<16xf32>
          %max3A = arith.constant 0.000000e+00 : f32
          %max3A_295 = vector.broadcast %max3A : f32 to vector<16xf32>
          %max3A_296 = arith.maximumf %get3A_294, %max3A_295 : vector<16xf32>
          %swap3A = arith.index_cast %scan3A_291 : i32 to index
          %swap3A_297 = arith.constant 0 : index
          %swap3A_298 = tpu.vector_load %arg9[%swap3A, %swap3A_297] {strides = array<i32>} : memref<80x128xf32, #tpu.memory_space<vmem>>, vector<1x16xf32>,
          %swap3A_299 = vector.shape_cast %swap3A_298 : vector<1x16xf32> to vector<16xf32>
          %swap3A_300 = vector.shape_cast %max3A_296 : vector<16xf32> to vector<1x16xf32>
          tpu.vector_store %arg9[%swap3A, %swap3A_297], %swap3A_300 {strides = array<i32>} : memref<80x128xf32, #tpu.memory_space<vmem>>, vector<1x16xf32>,
          %get3A_301 = arith.index_cast %scan3A_291 : i32 to index
          %get3A_302 = arith.constant 16 : index
          %get3A_303 = tpu.vector_load %arg9[%get3A_301, %get3A_302] {strides = array<i32>} : memref<80x128xf32, #tpu.memory_space<vmem>>, vector<1x16xf32>,
          %get3A_304 = vector.shape_cast %get3A_303 : vector<1x16xf32> to vector<16xf32>
          %max3A_305 = arith.constant 0.000000e+00 : f32
          %max3A_306 = vector.broadcast %max3A_305 : f32 to vector<16xf32>
          %max3A_307 = arith.maximumf %get3A_304, %max3A_306 : vector<16xf32>
          %swap3A_308 = arith.index_cast %scan3A_291 : i32 to index
          %swap3A_309 = arith.constant 16 : index
          %swap3A_310 = tpu.vector_load %arg9[%swap3A_308, %swap3A_309] {strides = array<i32>} : memref<80x128xf32, #tpu.memory_space<vmem>>, vector<1x16xf32>,
          %swap3A_311 = vector.shape_cast %swap3A_310 : vector<1x16xf32> to vector<16xf32>
          %swap3A_312 = vector.shape_cast %max3A_307 : vector<16xf32> to vector<1x16xf32>
          tpu.vector_store %arg9[%swap3A_308, %swap3A_309], %swap3A_312 {strides = array<i32>} : memref<80x128xf32, #tpu.memory_space<vmem>>, vector<1x16xf32>,
          %get3A_313 = arith.index_cast %scan3A_291 : i32 to index
          %get3A_314 = arith.constant 32 : index
          %get3A_315 = tpu.vector_load %arg9[%get3A_313, %get3A_314] {strides = array<i32>} : memref<80x128xf32, #tpu.memory_space<vmem>>, vector<1x16xf32>,
          %get3A_316 = vector.shape_cast %get3A_315 : vector<1x16xf32> to vector<16xf32>
          %max3A_317 = arith.constant 0.000000e+00 : f32
          %max3A_318 = vector.broadcast %max3A_317 : f32 to vector<16xf32>
          %max3A_319 = arith.maximumf %get3A_316, %max3A_318 : vector<16xf32>
          %swap3A_320 = arith.index_cast %scan3A_291 : i32 to index
          %swap3A_321 = arith.constant 32 : index
          %swap3A_322 = tpu.vector_load %arg9[%swap3A_320, %swap3A_321] {strides = array<i32>} : memref<80x128xf32, #tpu.memory_space<vmem>>, vector<1x16xf32>,
          %swap3A_323 = vector.shape_cast %swap3A_322 : vector<1x16xf32> to vector<16xf32>
          %swap3A_324 = vector.shape_cast %max3A_319 : vector<16xf32> to vector<1x16xf32>
          tpu.vector_store %arg9[%swap3A_320, %swap3A_321], %swap3A_324 {strides = array<i32>} : memref<80x128xf32, #tpu.memory_space<vmem>>, vector<1x16xf32>,
          %get3A_325 = arith.index_cast %scan3A_291 : i32 to index
          %get3A_326 = arith.constant 48 : index
          %get3A_327 = tpu.vector_load %arg9[%get3A_325, %get3A_326] {strides = array<i32>} : memref<80x128xf32, #tpu.memory_space<vmem>>, vector<1x16xf32>,
          %get3A_328 = vector.shape_cast %get3A_327 : vector<1x16xf32> to vector<16xf32>
          %max3A_329 = arith.constant 0.000000e+00 : f32
          %max3A_330 = vector.broadcast %max3A_329 : f32 to vector<16xf32>
          %max3A_331 = arith.maximumf %get3A_328, %max3A_330 : vector<16xf32>
          %swap3A_332 = arith.index_cast %scan3A_291 : i32 to index
          %swap3A_333 = arith.constant 48 : index
          %swap3A_334 = tpu.vector_load %arg9[%swap3A_332, %swap3A_333] {strides = array<i32>} : memref<80x128xf32, #tpu.memory_space<vmem>>, vector<1x16xf32>,
          %swap3A_335 = vector.shape_cast %swap3A_334 : vector<1x16xf32> to vector<16xf32>
          %swap3A_336 = vector.shape_cast %max3A_331 : vector<16xf32> to vector<1x16xf32>
          tpu.vector_store %arg9[%swap3A_332, %swap3A_333], %swap3A_336 {strides = array<i32>} : memref<80x128xf32, #tpu.memory_space<vmem>>, vector<1x16xf32>,
          %get3A_337 = arith.index_cast %scan3A_291 : i32 to index
          %get3A_338 = arith.constant 64 : index
          %get3A_339 = tpu.vector_load %arg9[%get3A_337, %get3A_338] {strides = array<i32>} : memref<80x128xf32, #tpu.memory_space<vmem>>, vector<1x16xf32>,
          %get3A_340 = vector.shape_cast %get3A_339 : vector<1x16xf32> to vector<16xf32>
          %max3A_341 = arith.constant 0.000000e+00 : f32
          %max3A_342 = vector.broadcast %max3A_341 : f32 to vector<16xf32>
          %max3A_343 = arith.maximumf %get3A_340, %max3A_342 : vector<16xf32>
          %swap3A_344 = arith.index_cast %scan3A_291 : i32 to index
          %swap3A_345 = arith.constant 64 : index
          %swap3A_346 = tpu.vector_load %arg9[%swap3A_344, %swap3A_345] {strides = array<i32>} : memref<80x128xf32, #tpu.memory_space<vmem>>, vector<1x16xf32>,
          %swap3A_347 = vector.shape_cast %swap3A_346 : vector<1x16xf32> to vector<16xf32>
          %swap3A_348 = vector.shape_cast %max3A_343 : vector<16xf32> to vector<1x16xf32>
          tpu.vector_store %arg9[%swap3A_344, %swap3A_345], %swap3A_348 {strides = array<i32>} : memref<80x128xf32, #tpu.memory_space<vmem>>, vector<1x16xf32>,
          %get3A_349 = arith.index_cast %scan3A_291 : i32 to index
          %get3A_350 = arith.constant 80 : index
          %get3A_351 = tpu.vector_load %arg9[%get3A_349, %get3A_350] {strides = array<i32>} : memref<80x128xf32, #tpu.memory_space<vmem>>, vector<1x16xf32>,
          %get3A_352 = vector.shape_cast %get3A_351 : vector<1x16xf32> to vector<16xf32>
          %max3A_353 = arith.constant 0.000000e+00 : f32
          %max3A_354 = vector.broadcast %max3A_353 : f32 to vector<16xf32>
          %max3A_355 = arith.maximumf %get3A_352, %max3A_354 : vector<16xf32>
          %swap3A_356 = arith.index_cast %scan3A_291 : i32 to index
          %swap3A_357 = arith.constant 80 : index
          %swap3A_358 = tpu.vector_load %arg9[%swap3A_356, %swap3A_357] {strides = array<i32>} : memref<80x128xf32, #tpu.memory_space<vmem>>, vector<1x16xf32>,
          %swap3A_359 = vector.shape_cast %swap3A_358 : vector<1x16xf32> to vector<16xf32>
          %swap3A_360 = vector.shape_cast %max3A_355 : vector<16xf32> to vector<1x16xf32>
          tpu.vector_store %arg9[%swap3A_356, %swap3A_357], %swap3A_360 {strides = array<i32>} : memref<80x128xf32, #tpu.memory_space<vmem>>, vector<1x16xf32>,
          %get3A_361 = arith.index_cast %scan3A_291 : i32 to index
          %get3A_362 = arith.constant 96 : index
          %get3A_363 = tpu.vector_load %arg9[%get3A_361, %get3A_362] {strides = array<i32>} : memref<80x128xf32, #tpu.memory_space<vmem>>, vector<1x16xf32>,
          %get3A_364 = vector.shape_cast %get3A_363 : vector<1x16xf32> to vector<16xf32>
          %max3A_365 = arith.constant 0.000000e+00 : f32
          %max3A_366 = vector.broadcast %max3A_365 : f32 to vector<16xf32>
          %max3A_367 = arith.maximumf %get3A_364, %max3A_366 : vector<16xf32>
          %swap3A_368 = arith.index_cast %scan3A_291 : i32 to index
          %swap3A_369 = arith.constant 96 : index
          %swap3A_370 = tpu.vector_load %arg9[%swap3A_368, %swap3A_369] {strides = array<i32>} : memref<80x128xf32, #tpu.memory_space<vmem>>, vector<1x16xf32>,
          %swap3A_371 = vector.shape_cast %swap3A_370 : vector<1x16xf32> to vector<16xf32>
          %swap3A_372 = vector.shape_cast %max3A_367 : vector<16xf32> to vector<1x16xf32>
          tpu.vector_store %arg9[%swap3A_368, %swap3A_369], %swap3A_372 {strides = array<i32>} : memref<80x128xf32, #tpu.memory_space<vmem>>, vector<1x16xf32>,
          %get3A_373 = arith.index_cast %scan3A_291 : i32 to index
          %get3A_374 = arith.constant 112 : index
          %get3A_375 = tpu.vector_load %arg9[%get3A_373, %get3A_374] {strides = array<i32>} : memref<80x128xf32, #tpu.memory_space<vmem>>, vector<1x16xf32>,
          %get3A_376 = vector.shape_cast %get3A_375 : vector<1x16xf32> to vector<16xf32>
          %max3A_377 = arith.constant 0.000000e+00 : f32
          %max3A_378 = vector.broadcast %max3A_377 : f32 to vector<16xf32>
          %max3A_379 = arith.maximumf %get3A_376, %max3A_378 : vector<16xf32>
          %swap3A_380 = arith.index_cast %scan3A_291 : i32 to index
          %swap3A_381 = arith.constant 112 : index
          %swap3A_382 = tpu.vector_load %arg9[%swap3A_380, %swap3A_381] {strides = array<i32>} : memref<80x128xf32, #tpu.memory_space<vmem>>, vector<1x16xf32>,
          %swap3A_383 = vector.shape_cast %swap3A_382 : vector<1x16xf32> to vector<16xf32>
          %swap3A_384 = vector.shape_cast %max3A_379 : vector<16xf32> to vector<1x16xf32>
          tpu.vector_store %arg9[%swap3A_380, %swap3A_381], %swap3A_384 {strides = array<i32>} : memref<80x128xf32, #tpu.memory_space<vmem>>, vector<1x16xf32>,
        }
        %scan3A_284 = arith.constant 80 : i32
        %dma_start3A_285 = arith.constant 0 : i32
        %dma_start3A_286 = tpu.memref_slice %arg8[%add3A_231, %dma_start3A_285] : memref<32x80xi32, #tpu.memory_space<vmem>> -> memref<1x80xi32, #tpu.memory_space<vmem>>
        %dma_start3A_287 = tpu.memref_squeeze %dma_start3A_286 : memref<1x80xi32, #tpu.memory_space<vmem>> -> memref<80xi32, #tpu.memory_space<vmem>>
        %dma_start3A_288 = arith.constant 0 : i32
        %dma_start3A_289 = arith.constant 0 : i32
        %dma_start3A_290 = tpu.memref_slice %arg12[%dma_start3A_288, %dma_start3A_289] : memref<10000x128xf32, #tpu.memory_space<vmem_shared>> -> memref<10000x128xf32, #tpu.memory_space<vmem_shared>>
        tpu.enqueue_indirect_dma source(%arg9 : memref<80x128xf32, #tpu.memory_space<vmem>>) target(%dma_start3A_290 : memref<10000x128xf32, #tpu.memory_space<vmem_shared>>) offsets(%dma_start3A_287 : memref<80xi32, #tpu.memory_space<vmem>>) semaphore(%arg19 : memref<!tpu.dma_semaphore, #tpu.memory_space<semaphore_mem>>) {add = true}
      } else {
      }
      %mul3A_236 = arith.constant 3 : i32
      %mul3A_237 = arith.muli %mul3A_236, %scan3A_227 : i32
      %add3A_238 = arith.constant 1 : i32
      %add3A_239 = arith.addi %mul3A_237, %add3A_238 : i32
      %lt3A_240 = arith.constant 32 : i32
      %lt3A_241 = arith.cmpi slt, %add3A_239, %lt3A_240 : i32
      %convert_element_type3A_242 = arith.extui %lt3A_241 : i1 to i32
      %cond3A_243 = arith.constant 0 : i32
      %cond3A_244 = arith.cmpi ne, %convert_element_type3A_242, %cond3A_243 : i32
      scf.if %cond3A_244 {
        %ge3A = arith.constant 1 : i32
        %ge3A_254 = arith.cmpi sge, %add3A_239, %ge3A : i32
        %convert_element_type3A_255 = arith.extui %ge3A_254 : i1 to i32
        %cond3A_256 = arith.constant 0 : i32
        %cond3A_257 = arith.cmpi ne, %convert_element_type3A_255, %cond3A_256 : i32
        scf.if %cond3A_257 {
          %dma_wait3A_291 = arith.constant 0 : i32
          %dma_wait3A_292 = arith.constant 0 : i32
          %dma_wait3A_293 = tpu.memref_slice %arg8[%dma_wait3A_291, %dma_wait3A_292] : memref<32x80xi32, #tpu.memory_space<vmem>> -> memref<1x80xi32, #tpu.memory_space<vmem>>
          %dma_wait3A_294 = tpu.memref_squeeze %dma_wait3A_293 : memref<1x80xi32, #tpu.memory_space<vmem>> -> memref<80xi32, #tpu.memory_space<vmem>>
          %dma_wait3A_295 = arith.constant 0 : i32
          %dma_wait3A_296 = arith.constant 0 : i32
          %dma_wait3A_297 = tpu.memref_slice %arg12[%dma_wait3A_295, %dma_wait3A_296] : memref<10000x128xf32, #tpu.memory_space<vmem_shared>> -> memref<10000x128xf32, #tpu.memory_space<vmem_shared>>
          tpu.wait_indirect_dma semaphore(%arg19 : memref<!tpu.dma_semaphore, #tpu.memory_space<semaphore_mem>>) src(%arg9 : memref<80x128xf32, #tpu.memory_space<vmem>>) dst(%dma_wait3A_297 : memref<10000x128xf32, #tpu.memory_space<vmem_shared>>)
        } else {
        }
        %add3A_258 = arith.constant 2 : i32
        %add3A_259 = arith.addi %add3A_239, %add3A_258 : i32
        %lt3A_260 = arith.constant 32 : i32
        %lt3A_261 = arith.cmpi slt, %add3A_259, %lt3A_260 : i32
        %convert_element_type3A_262 = arith.extui %lt3A_261 : i1 to i32
        %cond3A_263 = arith.constant 0 : i32
        %cond3A_264 = arith.cmpi ne, %convert_element_type3A_262, %cond3A_263 : i32
        scf.if %cond3A_264 {
          %add3A_291 = arith.constant 2 : i32
          %add3A_292 = arith.addi %add3A_239, %add3A_291 : i32
          %dma_start3A_293 = arith.constant 0 : i32
          %dma_start3A_294 = tpu.memref_slice %arg8[%add3A_292, %dma_start3A_293] : memref<32x80xi32, #tpu.memory_space<vmem>> -> memref<1x80xi32, #tpu.memory_space<vmem>>
          %dma_start3A_295 = tpu.memref_squeeze %dma_start3A_294 : memref<1x80xi32, #tpu.memory_space<vmem>> -> memref<80xi32, #tpu.memory_space<vmem>>
          %dma_start3A_296 = arith.constant 0 : i32
          %dma_start3A_297 = arith.constant 0 : i32
          %dma_start3A_298 = tpu.memref_slice %arg3[%dma_start3A_296, %dma_start3A_297] : memref<10000x128xf32, #tpu.memory_space<hbm>> -> memref<10000x128xf32, #tpu.memory_space<hbm>>
          tpu.enqueue_indirect_dma source(%dma_start3A_298 : memref<10000x128xf32, #tpu.memory_space<hbm>>) target(%arg9 : memref<80x128xf32, #tpu.memory_space<vmem>>) offsets(%dma_start3A_295 : memref<80xi32, #tpu.memory_space<vmem>>) semaphore(%arg13 : memref<!tpu.dma_semaphore, #tpu.memory_space<semaphore_mem>>)
        } else {
        }
        %add3A_265 = arith.constant 1 : i32
        %add3A_266 = arith.addi %add3A_239, %add3A_265 : i32
        %lt3A_267 = arith.constant 32 : i32
        %lt3A_268 = arith.cmpi slt, %add3A_266, %lt3A_267 : i32
        %convert_element_type3A_269 = arith.extui %lt3A_268 : i1 to i32
        %cond3A_270 = arith.constant 0 : i32
        %cond3A_271 = arith.cmpi ne, %convert_element_type3A_269, %cond3A_270 : i32
        scf.if %cond3A_271 {
          %dma_wait3A_291 = arith.constant 0 : i32
          %dma_wait3A_292 = arith.constant 0 : i32
          %dma_wait3A_293 = tpu.memref_slice %arg8[%dma_wait3A_291, %dma_wait3A_292] : memref<32x80xi32, #tpu.memory_space<vmem>> -> memref<1x80xi32, #tpu.memory_space<vmem>>
          %dma_wait3A_294 = tpu.memref_squeeze %dma_wait3A_293 : memref<1x80xi32, #tpu.memory_space<vmem>> -> memref<80xi32, #tpu.memory_space<vmem>>
          %dma_wait3A_295 = arith.constant 0 : i32
          %dma_wait3A_296 = arith.constant 0 : i32
          %dma_wait3A_297 = tpu.memref_slice %arg3[%dma_wait3A_295, %dma_wait3A_296] : memref<10000x128xf32, #tpu.memory_space<hbm>> -> memref<10000x128xf32, #tpu.memory_space<hbm>>
          tpu.wait_indirect_dma semaphore(%arg15 : memref<!tpu.dma_semaphore, #tpu.memory_space<semaphore_mem>>) src(%dma_wait3A_297 : memref<10000x128xf32, #tpu.memory_space<hbm>>) dst(%arg11 : memref<80x128xf32, #tpu.memory_space<vmem>>)
          %add3A_298 = arith.constant 1 : i32
          %add3A_299 = arith.addi %add3A_239, %add3A_298 : i32
          %dma_start3A_300 = arith.constant 0 : i32
          %dma_start3A_301 = tpu.memref_slice %arg7[%add3A_299, %dma_start3A_300] : memref<32x80xi32, #tpu.memory_space<vmem>> -> memref<1x80xi32, #tpu.memory_space<vmem>>
          %dma_start3A_302 = tpu.memref_squeeze %dma_start3A_301 : memref<1x80xi32, #tpu.memory_space<vmem>> -> memref<80xi32, #tpu.memory_space<vmem>>
          %dma_start3A_303 = arith.constant 0 : i32
          %dma_start3A_304 = arith.constant 0 : i32
          %dma_start3A_305 = tpu.memref_slice %arg2[%dma_start3A_303, %dma_start3A_304] : memref<10000x128xf32, #tpu.memory_space<hbm>> -> memref<10000x128xf32, #tpu.memory_space<hbm>>
          tpu.enqueue_indirect_dma source(%dma_start3A_305 : memref<10000x128xf32, #tpu.memory_space<hbm>>) target(%arg11 : memref<80x128xf32, #tpu.memory_space<vmem>>) offsets(%dma_start3A_302 : memref<80xi32, #tpu.memory_space<vmem>>) semaphore(%arg18 : memref<!tpu.dma_semaphore, #tpu.memory_space<semaphore_mem>>) {add = true}
        } else {
        }
        %dma_wait3A_272 = arith.constant 0 : i32
        %dma_wait3A_273 = arith.constant 0 : i32
        %dma_wait3A_274 = tpu.memref_slice %arg7[%dma_wait3A_272, %dma_wait3A_273] : memref<32x80xi32, #tpu.memory_space<vmem>> -> memref<1x80xi32, #tpu.memory_space<vmem>>
        %dma_wait3A_275 = tpu.memref_squeeze %dma_wait3A_274 : memref<1x80xi32, #tpu.memory_space<vmem>> -> memref<80xi32, #tpu.memory_space<vmem>>
        %dma_wait3A_276 = arith.constant 0 : i32
        %dma_wait3A_277 = arith.constant 0 : i32
        %dma_wait3A_278 = tpu.memref_slice %arg2[%dma_wait3A_276, %dma_wait3A_277] : memref<10000x128xf32, #tpu.memory_space<hbm>> -> memref<10000x128xf32, #tpu.memory_space<hbm>>
        tpu.wait_indirect_dma semaphore(%arg17 : memref<!tpu.dma_semaphore, #tpu.memory_space<semaphore_mem>>) src(%dma_wait3A_278 : memref<10000x128xf32, #tpu.memory_space<hbm>>) dst(%arg10 : memref<80x128xf32, #tpu.memory_space<vmem>>)
        %scan3A_279 = arith.constant 0 : i32
        %scan3A_280 = arith.constant 0 : i32
        %scan3A_281 = arith.constant 80 : i32
        %scan3A_282 = arith.addi %scan3A_280, %scan3A_281 : i32
        %scan3A_283 = arith.constant 1 : i32
        scf.for %scan3A_291 = %scan3A_280 to %scan3A_282 step %scan3A_283  : i32 {
          %get3A = arith.index_cast %scan3A_291 : i32 to index
          %get3A_292 = arith.constant 0 : index
          %get3A_293 = tpu.vector_load %arg10[%get3A, %get3A_292] {strides = array<i32>} : memref<80x128xf32, #tpu.memory_space<vmem>>, vector<1x16xf32>,
          %get3A_294 = vector.shape_cast %get3A_293 : vector<1x16xf32> to vector<16xf32>
          %max3A = arith.constant 0.000000e+00 : f32
          %max3A_295 = vector.broadcast %max3A : f32 to vector<16xf32>
          %max3A_296 = arith.maximumf %get3A_294, %max3A_295 : vector<16xf32>
          %swap3A = arith.index_cast %scan3A_291 : i32 to index
          %swap3A_297 = arith.constant 0 : index
          %swap3A_298 = tpu.vector_load %arg10[%swap3A, %swap3A_297] {strides = array<i32>} : memref<80x128xf32, #tpu.memory_space<vmem>>, vector<1x16xf32>,
          %swap3A_299 = vector.shape_cast %swap3A_298 : vector<1x16xf32> to vector<16xf32>
          %swap3A_300 = vector.shape_cast %max3A_296 : vector<16xf32> to vector<1x16xf32>
          tpu.vector_store %arg10[%swap3A, %swap3A_297], %swap3A_300 {strides = array<i32>} : memref<80x128xf32, #tpu.memory_space<vmem>>, vector<1x16xf32>,
          %get3A_301 = arith.index_cast %scan3A_291 : i32 to index
          %get3A_302 = arith.constant 16 : index
          %get3A_303 = tpu.vector_load %arg10[%get3A_301, %get3A_302] {strides = array<i32>} : memref<80x128xf32, #tpu.memory_space<vmem>>, vector<1x16xf32>,
          %get3A_304 = vector.shape_cast %get3A_303 : vector<1x16xf32> to vector<16xf32>
          %max3A_305 = arith.constant 0.000000e+00 : f32
          %max3A_306 = vector.broadcast %max3A_305 : f32 to vector<16xf32>
          %max3A_307 = arith.maximumf %get3A_304, %max3A_306 : vector<16xf32>
          %swap3A_308 = arith.index_cast %scan3A_291 : i32 to index
          %swap3A_309 = arith.constant 16 : index
          %swap3A_310 = tpu.vector_load %arg10[%swap3A_308, %swap3A_309] {strides = array<i32>} : memref<80x128xf32, #tpu.memory_space<vmem>>, vector<1x16xf32>,
          %swap3A_311 = vector.shape_cast %swap3A_310 : vector<1x16xf32> to vector<16xf32>
          %swap3A_312 = vector.shape_cast %max3A_307 : vector<16xf32> to vector<1x16xf32>
          tpu.vector_store %arg10[%swap3A_308, %swap3A_309], %swap3A_312 {strides = array<i32>} : memref<80x128xf32, #tpu.memory_space<vmem>>, vector<1x16xf32>,
          %get3A_313 = arith.index_cast %scan3A_291 : i32 to index
          %get3A_314 = arith.constant 32 : index
          %get3A_315 = tpu.vector_load %arg10[%get3A_313, %get3A_314] {strides = array<i32>} : memref<80x128xf32, #tpu.memory_space<vmem>>, vector<1x16xf32>,
          %get3A_316 = vector.shape_cast %get3A_315 : vector<1x16xf32> to vector<16xf32>
          %max3A_317 = arith.constant 0.000000e+00 : f32
          %max3A_318 = vector.broadcast %max3A_317 : f32 to vector<16xf32>
          %max3A_319 = arith.maximumf %get3A_316, %max3A_318 : vector<16xf32>
          %swap3A_320 = arith.index_cast %scan3A_291 : i32 to index
          %swap3A_321 = arith.constant 32 : index
          %swap3A_322 = tpu.vector_load %arg10[%swap3A_320, %swap3A_321] {strides = array<i32>} : memref<80x128xf32, #tpu.memory_space<vmem>>, vector<1x16xf32>,
          %swap3A_323 = vector.shape_cast %swap3A_322 : vector<1x16xf32> to vector<16xf32>
          %swap3A_324 = vector.shape_cast %max3A_319 : vector<16xf32> to vector<1x16xf32>
          tpu.vector_store %arg10[%swap3A_320, %swap3A_321], %swap3A_324 {strides = array<i32>} : memref<80x128xf32, #tpu.memory_space<vmem>>, vector<1x16xf32>,
          %get3A_325 = arith.index_cast %scan3A_291 : i32 to index
          %get3A_326 = arith.constant 48 : index
          %get3A_327 = tpu.vector_load %arg10[%get3A_325, %get3A_326] {strides = array<i32>} : memref<80x128xf32, #tpu.memory_space<vmem>>, vector<1x16xf32>,
          %get3A_328 = vector.shape_cast %get3A_327 : vector<1x16xf32> to vector<16xf32>
          %max3A_329 = arith.constant 0.000000e+00 : f32
          %max3A_330 = vector.broadcast %max3A_329 : f32 to vector<16xf32>
          %max3A_331 = arith.maximumf %get3A_328, %max3A_330 : vector<16xf32>
          %swap3A_332 = arith.index_cast %scan3A_291 : i32 to index
          %swap3A_333 = arith.constant 48 : index
          %swap3A_334 = tpu.vector_load %arg10[%swap3A_332, %swap3A_333] {strides = array<i32>} : memref<80x128xf32, #tpu.memory_space<vmem>>, vector<1x16xf32>,
          %swap3A_335 = vector.shape_cast %swap3A_334 : vector<1x16xf32> to vector<16xf32>
          %swap3A_336 = vector.shape_cast %max3A_331 : vector<16xf32> to vector<1x16xf32>
          tpu.vector_store %arg10[%swap3A_332, %swap3A_333], %swap3A_336 {strides = array<i32>} : memref<80x128xf32, #tpu.memory_space<vmem>>, vector<1x16xf32>,
          %get3A_337 = arith.index_cast %scan3A_291 : i32 to index
          %get3A_338 = arith.constant 64 : index
          %get3A_339 = tpu.vector_load %arg10[%get3A_337, %get3A_338] {strides = array<i32>} : memref<80x128xf32, #tpu.memory_space<vmem>>, vector<1x16xf32>,
          %get3A_340 = vector.shape_cast %get3A_339 : vector<1x16xf32> to vector<16xf32>
          %max3A_341 = arith.constant 0.000000e+00 : f32
          %max3A_342 = vector.broadcast %max3A_341 : f32 to vector<16xf32>
          %max3A_343 = arith.maximumf %get3A_340, %max3A_342 : vector<16xf32>
          %swap3A_344 = arith.index_cast %scan3A_291 : i32 to index
          %swap3A_345 = arith.constant 64 : index
          %swap3A_346 = tpu.vector_load %arg10[%swap3A_344, %swap3A_345] {strides = array<i32>} : memref<80x128xf32, #tpu.memory_space<vmem>>, vector<1x16xf32>,
          %swap3A_347 = vector.shape_cast %swap3A_346 : vector<1x16xf32> to vector<16xf32>
          %swap3A_348 = vector.shape_cast %max3A_343 : vector<16xf32> to vector<1x16xf32>
          tpu.vector_store %arg10[%swap3A_344, %swap3A_345], %swap3A_348 {strides = array<i32>} : memref<80x128xf32, #tpu.memory_space<vmem>>, vector<1x16xf32>,
          %get3A_349 = arith.index_cast %scan3A_291 : i32 to index
          %get3A_350 = arith.constant 80 : index
          %get3A_351 = tpu.vector_load %arg10[%get3A_349, %get3A_350] {strides = array<i32>} : memref<80x128xf32, #tpu.memory_space<vmem>>, vector<1x16xf32>,
          %get3A_352 = vector.shape_cast %get3A_351 : vector<1x16xf32> to vector<16xf32>
          %max3A_353 = arith.constant 0.000000e+00 : f32
          %max3A_354 = vector.broadcast %max3A_353 : f32 to vector<16xf32>
          %max3A_355 = arith.maximumf %get3A_352, %max3A_354 : vector<16xf32>
          %swap3A_356 = arith.index_cast %scan3A_291 : i32 to index
          %swap3A_357 = arith.constant 80 : index
          %swap3A_358 = tpu.vector_load %arg10[%swap3A_356, %swap3A_357] {strides = array<i32>} : memref<80x128xf32, #tpu.memory_space<vmem>>, vector<1x16xf32>,
          %swap3A_359 = vector.shape_cast %swap3A_358 : vector<1x16xf32> to vector<16xf32>
          %swap3A_360 = vector.shape_cast %max3A_355 : vector<16xf32> to vector<1x16xf32>
          tpu.vector_store %arg10[%swap3A_356, %swap3A_357], %swap3A_360 {strides = array<i32>} : memref<80x128xf32, #tpu.memory_space<vmem>>, vector<1x16xf32>,
          %get3A_361 = arith.index_cast %scan3A_291 : i32 to index
          %get3A_362 = arith.constant 96 : index
          %get3A_363 = tpu.vector_load %arg10[%get3A_361, %get3A_362] {strides = array<i32>} : memref<80x128xf32, #tpu.memory_space<vmem>>, vector<1x16xf32>,
          %get3A_364 = vector.shape_cast %get3A_363 : vector<1x16xf32> to vector<16xf32>
          %max3A_365 = arith.constant 0.000000e+00 : f32
          %max3A_366 = vector.broadcast %max3A_365 : f32 to vector<16xf32>
          %max3A_367 = arith.maximumf %get3A_364, %max3A_366 : vector<16xf32>
          %swap3A_368 = arith.index_cast %scan3A_291 : i32 to index
          %swap3A_369 = arith.constant 96 : index
          %swap3A_370 = tpu.vector_load %arg10[%swap3A_368, %swap3A_369] {strides = array<i32>} : memref<80x128xf32, #tpu.memory_space<vmem>>, vector<1x16xf32>,
          %swap3A_371 = vector.shape_cast %swap3A_370 : vector<1x16xf32> to vector<16xf32>
          %swap3A_372 = vector.shape_cast %max3A_367 : vector<16xf32> to vector<1x16xf32>
          tpu.vector_store %arg10[%swap3A_368, %swap3A_369], %swap3A_372 {strides = array<i32>} : memref<80x128xf32, #tpu.memory_space<vmem>>, vector<1x16xf32>,
          %get3A_373 = arith.index_cast %scan3A_291 : i32 to index
          %get3A_374 = arith.constant 112 : index
          %get3A_375 = tpu.vector_load %arg10[%get3A_373, %get3A_374] {strides = array<i32>} : memref<80x128xf32, #tpu.memory_space<vmem>>, vector<1x16xf32>,
          %get3A_376 = vector.shape_cast %get3A_375 : vector<1x16xf32> to vector<16xf32>
          %max3A_377 = arith.constant 0.000000e+00 : f32
          %max3A_378 = vector.broadcast %max3A_377 : f32 to vector<16xf32>
          %max3A_379 = arith.maximumf %get3A_376, %max3A_378 : vector<16xf32>
          %swap3A_380 = arith.index_cast %scan3A_291 : i32 to index
          %swap3A_381 = arith.constant 112 : index
          %swap3A_382 = tpu.vector_load %arg10[%swap3A_380, %swap3A_381] {strides = array<i32>} : memref<80x128xf32, #tpu.memory_space<vmem>>, vector<1x16xf32>,
          %swap3A_383 = vector.shape_cast %swap3A_382 : vector<1x16xf32> to vector<16xf32>
          %swap3A_384 = vector.shape_cast %max3A_379 : vector<16xf32> to vector<1x16xf32>
          tpu.vector_store %arg10[%swap3A_380, %swap3A_381], %swap3A_384 {strides = array<i32>} : memref<80x128xf32, #tpu.memory_space<vmem>>, vector<1x16xf32>,
        }
        %scan3A_284 = arith.constant 80 : i32
        %dma_start3A_285 = arith.constant 0 : i32
        %dma_start3A_286 = tpu.memref_slice %arg8[%add3A_239, %dma_start3A_285] : memref<32x80xi32, #tpu.memory_space<vmem>> -> memref<1x80xi32, #tpu.memory_space<vmem>>
        %dma_start3A_287 = tpu.memref_squeeze %dma_start3A_286 : memref<1x80xi32, #tpu.memory_space<vmem>> -> memref<80xi32, #tpu.memory_space<vmem>>
        %dma_start3A_288 = arith.constant 0 : i32
        %dma_start3A_289 = arith.constant 0 : i32
        %dma_start3A_290 = tpu.memref_slice %arg12[%dma_start3A_288, %dma_start3A_289] : memref<10000x128xf32, #tpu.memory_space<vmem_shared>> -> memref<10000x128xf32, #tpu.memory_space<vmem_shared>>
        tpu.enqueue_indirect_dma source(%arg10 : memref<80x128xf32, #tpu.memory_space<vmem>>) target(%dma_start3A_290 : memref<10000x128xf32, #tpu.memory_space<vmem_shared>>) offsets(%dma_start3A_287 : memref<80xi32, #tpu.memory_space<vmem>>) semaphore(%arg20 : memref<!tpu.dma_semaphore, #tpu.memory_space<semaphore_mem>>) {add = true}
      } else {
      }
      %mul3A_245 = arith.constant 3 : i32
      %mul3A_246 = arith.muli %mul3A_245, %scan3A_227 : i32
      %add3A_247 = arith.constant 2 : i32
      %add3A_248 = arith.addi %mul3A_246, %add3A_247 : i32
      %lt3A_249 = arith.constant 32 : i32
      %lt3A_250 = arith.cmpi slt, %add3A_248, %lt3A_249 : i32
      %convert_element_type3A_251 = arith.extui %lt3A_250 : i1 to i32
      %cond3A_252 = arith.constant 0 : i32
      %cond3A_253 = arith.cmpi ne, %convert_element_type3A_251, %cond3A_252 : i32
      scf.if %cond3A_253 {
        %ge3A = arith.constant 1 : i32
        %ge3A_254 = arith.cmpi sge, %add3A_248, %ge3A : i32
        %convert_element_type3A_255 = arith.extui %ge3A_254 : i1 to i32
        %cond3A_256 = arith.constant 0 : i32
        %cond3A_257 = arith.cmpi ne, %convert_element_type3A_255, %cond3A_256 : i32
        scf.if %cond3A_257 {
          %dma_wait3A_291 = arith.constant 0 : i32
          %dma_wait3A_292 = arith.constant 0 : i32
          %dma_wait3A_293 = tpu.memref_slice %arg8[%dma_wait3A_291, %dma_wait3A_292] : memref<32x80xi32, #tpu.memory_space<vmem>> -> memref<1x80xi32, #tpu.memory_space<vmem>>
          %dma_wait3A_294 = tpu.memref_squeeze %dma_wait3A_293 : memref<1x80xi32, #tpu.memory_space<vmem>> -> memref<80xi32, #tpu.memory_space<vmem>>
          %dma_wait3A_295 = arith.constant 0 : i32
          %dma_wait3A_296 = arith.constant 0 : i32
          %dma_wait3A_297 = tpu.memref_slice %arg12[%dma_wait3A_295, %dma_wait3A_296] : memref<10000x128xf32, #tpu.memory_space<vmem_shared>> -> memref<10000x128xf32, #tpu.memory_space<vmem_shared>>
          tpu.wait_indirect_dma semaphore(%arg20 : memref<!tpu.dma_semaphore, #tpu.memory_space<semaphore_mem>>) src(%arg10 : memref<80x128xf32, #tpu.memory_space<vmem>>) dst(%dma_wait3A_297 : memref<10000x128xf32, #tpu.memory_space<vmem_shared>>)
        } else {
        }
        %add3A_258 = arith.constant 2 : i32
        %add3A_259 = arith.addi %add3A_248, %add3A_258 : i32
        %lt3A_260 = arith.constant 32 : i32
        %lt3A_261 = arith.cmpi slt, %add3A_259, %lt3A_260 : i32
        %convert_element_type3A_262 = arith.extui %lt3A_261 : i1 to i32
        %cond3A_263 = arith.constant 0 : i32
        %cond3A_264 = arith.cmpi ne, %convert_element_type3A_262, %cond3A_263 : i32
        scf.if %cond3A_264 {
          %add3A_291 = arith.constant 2 : i32
          %add3A_292 = arith.addi %add3A_248, %add3A_291 : i32
          %dma_start3A_293 = arith.constant 0 : i32
          %dma_start3A_294 = tpu.memref_slice %arg8[%add3A_292, %dma_start3A_293] : memref<32x80xi32, #tpu.memory_space<vmem>> -> memref<1x80xi32, #tpu.memory_space<vmem>>
          %dma_start3A_295 = tpu.memref_squeeze %dma_start3A_294 : memref<1x80xi32, #tpu.memory_space<vmem>> -> memref<80xi32, #tpu.memory_space<vmem>>
          %dma_start3A_296 = arith.constant 0 : i32
          %dma_start3A_297 = arith.constant 0 : i32
          %dma_start3A_298 = tpu.memref_slice %arg3[%dma_start3A_296, %dma_start3A_297] : memref<10000x128xf32, #tpu.memory_space<hbm>> -> memref<10000x128xf32, #tpu.memory_space<hbm>>
          tpu.enqueue_indirect_dma source(%dma_start3A_298 : memref<10000x128xf32, #tpu.memory_space<hbm>>) target(%arg10 : memref<80x128xf32, #tpu.memory_space<vmem>>) offsets(%dma_start3A_295 : memref<80xi32, #tpu.memory_space<vmem>>) semaphore(%arg14 : memref<!tpu.dma_semaphore, #tpu.memory_space<semaphore_mem>>)
        } else {
        }
        %add3A_265 = arith.constant 1 : i32
        %add3A_266 = arith.addi %add3A_248, %add3A_265 : i32
        %lt3A_267 = arith.constant 32 : i32
        %lt3A_268 = arith.cmpi slt, %add3A_266, %lt3A_267 : i32
        %convert_element_type3A_269 = arith.extui %lt3A_268 : i1 to i32
        %cond3A_270 = arith.constant 0 : i32
        %cond3A_271 = arith.cmpi ne, %convert_element_type3A_269, %cond3A_270 : i32
        scf.if %cond3A_271 {
          %dma_wait3A_291 = arith.constant 0 : i32
          %dma_wait3A_292 = arith.constant 0 : i32
          %dma_wait3A_293 = tpu.memref_slice %arg8[%dma_wait3A_291, %dma_wait3A_292] : memref<32x80xi32, #tpu.memory_space<vmem>> -> memref<1x80xi32, #tpu.memory_space<vmem>>
          %dma_wait3A_294 = tpu.memref_squeeze %dma_wait3A_293 : memref<1x80xi32, #tpu.memory_space<vmem>> -> memref<80xi32, #tpu.memory_space<vmem>>
          %dma_wait3A_295 = arith.constant 0 : i32
          %dma_wait3A_296 = arith.constant 0 : i32
          %dma_wait3A_297 = tpu.memref_slice %arg3[%dma_wait3A_295, %dma_wait3A_296] : memref<10000x128xf32, #tpu.memory_space<hbm>> -> memref<10000x128xf32, #tpu.memory_space<hbm>>
          tpu.wait_indirect_dma semaphore(%arg13 : memref<!tpu.dma_semaphore, #tpu.memory_space<semaphore_mem>>) src(%dma_wait3A_297 : memref<10000x128xf32, #tpu.memory_space<hbm>>) dst(%arg9 : memref<80x128xf32, #tpu.memory_space<vmem>>)
          %add3A_298 = arith.constant 1 : i32
          %add3A_299 = arith.addi %add3A_248, %add3A_298 : i32
          %dma_start3A_300 = arith.constant 0 : i32
          %dma_start3A_301 = tpu.memref_slice %arg7[%add3A_299, %dma_start3A_300] : memref<32x80xi32, #tpu.memory_space<vmem>> -> memref<1x80xi32, #tpu.memory_space<vmem>>
          %dma_start3A_302 = tpu.memref_squeeze %dma_start3A_301 : memref<1x80xi32, #tpu.memory_space<vmem>> -> memref<80xi32, #tpu.memory_space<vmem>>
          %dma_start3A_303 = arith.constant 0 : i32
          %dma_start3A_304 = arith.constant 0 : i32
          %dma_start3A_305 = tpu.memref_slice %arg2[%dma_start3A_303, %dma_start3A_304] : memref<10000x128xf32, #tpu.memory_space<hbm>> -> memref<10000x128xf32, #tpu.memory_space<hbm>>
          tpu.enqueue_indirect_dma source(%dma_start3A_305 : memref<10000x128xf32, #tpu.memory_space<hbm>>) target(%arg9 : memref<80x128xf32, #tpu.memory_space<vmem>>) offsets(%dma_start3A_302 : memref<80xi32, #tpu.memory_space<vmem>>) semaphore(%arg16 : memref<!tpu.dma_semaphore, #tpu.memory_space<semaphore_mem>>) {add = true}
        } else {
        }
        %dma_wait3A_272 = arith.constant 0 : i32
        %dma_wait3A_273 = arith.constant 0 : i32
        %dma_wait3A_274 = tpu.memref_slice %arg7[%dma_wait3A_272, %dma_wait3A_273] : memref<32x80xi32, #tpu.memory_space<vmem>> -> memref<1x80xi32, #tpu.memory_space<vmem>>
        %dma_wait3A_275 = tpu.memref_squeeze %dma_wait3A_274 : memref<1x80xi32, #tpu.memory_space<vmem>> -> memref<80xi32, #tpu.memory_space<vmem>>
        %dma_wait3A_276 = arith.constant 0 : i32
        %dma_wait3A_277 = arith.constant 0 : i32
        %dma_wait3A_278 = tpu.memref_slice %arg2[%dma_wait3A_276, %dma_wait3A_277] : memref<10000x128xf32, #tpu.memory_space<hbm>> -> memref<10000x128xf32, #tpu.memory_space<hbm>>
        tpu.wait_indirect_dma semaphore(%arg18 : memref<!tpu.dma_semaphore, #tpu.memory_space<semaphore_mem>>) src(%dma_wait3A_278 : memref<10000x128xf32, #tpu.memory_space<hbm>>) dst(%arg11 : memref<80x128xf32, #tpu.memory_space<vmem>>)
        %scan3A_279 = arith.constant 0 : i32
        %scan3A_280 = arith.constant 0 : i32
        %scan3A_281 = arith.constant 80 : i32
        %scan3A_282 = arith.addi %scan3A_280, %scan3A_281 : i32
        %scan3A_283 = arith.constant 1 : i32
        scf.for %scan3A_291 = %scan3A_280 to %scan3A_282 step %scan3A_283  : i32 {
          %get3A = arith.index_cast %scan3A_291 : i32 to index
          %get3A_292 = arith.constant 0 : index
          %get3A_293 = tpu.vector_load %arg11[%get3A, %get3A_292] {strides = array<i32>} : memref<80x128xf32, #tpu.memory_space<vmem>>, vector<1x16xf32>,
          %get3A_294 = vector.shape_cast %get3A_293 : vector<1x16xf32> to vector<16xf32>
          %max3A = arith.constant 0.000000e+00 : f32
          %max3A_295 = vector.broadcast %max3A : f32 to vector<16xf32>
          %max3A_296 = arith.maximumf %get3A_294, %max3A_295 : vector<16xf32>
          %swap3A = arith.index_cast %scan3A_291 : i32 to index
          %swap3A_297 = arith.constant 0 : index
          %swap3A_298 = tpu.vector_load %arg11[%swap3A, %swap3A_297] {strides = array<i32>} : memref<80x128xf32, #tpu.memory_space<vmem>>, vector<1x16xf32>,
          %swap3A_299 = vector.shape_cast %swap3A_298 : vector<1x16xf32> to vector<16xf32>
          %swap3A_300 = vector.shape_cast %max3A_296 : vector<16xf32> to vector<1x16xf32>
          tpu.vector_store %arg11[%swap3A, %swap3A_297], %swap3A_300 {strides = array<i32>} : memref<80x128xf32, #tpu.memory_space<vmem>>, vector<1x16xf32>,
          %get3A_301 = arith.index_cast %scan3A_291 : i32 to index
          %get3A_302 = arith.constant 16 : index
          %get3A_303 = tpu.vector_load %arg11[%get3A_301, %get3A_302] {strides = array<i32>} : memref<80x128xf32, #tpu.memory_space<vmem>>, vector<1x16xf32>,
          %get3A_304 = vector.shape_cast %get3A_303 : vector<1x16xf32> to vector<16xf32>
          %max3A_305 = arith.constant 0.000000e+00 : f32
          %max3A_306 = vector.broadcast %max3A_305 : f32 to vector<16xf32>
          %max3A_307 = arith.maximumf %get3A_304, %max3A_306 : vector<16xf32>
          %swap3A_308 = arith.index_cast %scan3A_291 : i32 to index
          %swap3A_309 = arith.constant 16 : index
          %swap3A_310 = tpu.vector_load %arg11[%swap3A_308, %swap3A_309] {strides = array<i32>} : memref<80x128xf32, #tpu.memory_space<vmem>>, vector<1x16xf32>,
          %swap3A_311 = vector.shape_cast %swap3A_310 : vector<1x16xf32> to vector<16xf32>
          %swap3A_312 = vector.shape_cast %max3A_307 : vector<16xf32> to vector<1x16xf32>
          tpu.vector_store %arg11[%swap3A_308, %swap3A_309], %swap3A_312 {strides = array<i32>} : memref<80x128xf32, #tpu.memory_space<vmem>>, vector<1x16xf32>,
          %get3A_313 = arith.index_cast %scan3A_291 : i32 to index
          %get3A_314 = arith.constant 32 : index
          %get3A_315 = tpu.vector_load %arg11[%get3A_313, %get3A_314] {strides = array<i32>} : memref<80x128xf32, #tpu.memory_space<vmem>>, vector<1x16xf32>,
          %get3A_316 = vector.shape_cast %get3A_315 : vector<1x16xf32> to vector<16xf32>
          %max3A_317 = arith.constant 0.000000e+00 : f32
          %max3A_318 = vector.broadcast %max3A_317 : f32 to vector<16xf32>
          %max3A_319 = arith.maximumf %get3A_316, %max3A_318 : vector<16xf32>
          %swap3A_320 = arith.index_cast %scan3A_291 : i32 to index
          %swap3A_321 = arith.constant 32 : index
          %swap3A_322 = tpu.vector_load %arg11[%swap3A_320, %swap3A_321] {strides = array<i32>} : memref<80x128xf32, #tpu.memory_space<vmem>>, vector<1x16xf32>,
          %swap3A_323 = vector.shape_cast %swap3A_322 : vector<1x16xf32> to vector<16xf32>
          %swap3A_324 = vector.shape_cast %max3A_319 : vector<16xf32> to vector<1x16xf32>
          tpu.vector_store %arg11[%swap3A_320, %swap3A_321], %swap3A_324 {strides = array<i32>} : memref<80x128xf32, #tpu.memory_space<vmem>>, vector<1x16xf32>,
          %get3A_325 = arith.index_cast %scan3A_291 : i32 to index
          %get3A_326 = arith.constant 48 : index
          %get3A_327 = tpu.vector_load %arg11[%get3A_325, %get3A_326] {strides = array<i32>} : memref<80x128xf32, #tpu.memory_space<vmem>>, vector<1x16xf32>,
          %get3A_328 = vector.shape_cast %get3A_327 : vector<1x16xf32> to vector<16xf32>
          %max3A_329 = arith.constant 0.000000e+00 : f32
          %max3A_330 = vector.broadcast %max3A_329 : f32 to vector<16xf32>
          %max3A_331 = arith.maximumf %get3A_328, %max3A_330 : vector<16xf32>
          %swap3A_332 = arith.index_cast %scan3A_291 : i32 to index
          %swap3A_333 = arith.constant 48 : index
          %swap3A_334 = tpu.vector_load %arg11[%swap3A_332, %swap3A_333] {strides = array<i32>} : memref<80x128xf32, #tpu.memory_space<vmem>>, vector<1x16xf32>,
          %swap3A_335 = vector.shape_cast %swap3A_334 : vector<1x16xf32> to vector<16xf32>
          %swap3A_336 = vector.shape_cast %max3A_331 : vector<16xf32> to vector<1x16xf32>
          tpu.vector_store %arg11[%swap3A_332, %swap3A_333], %swap3A_336 {strides = array<i32>} : memref<80x128xf32, #tpu.memory_space<vmem>>, vector<1x16xf32>,
          %get3A_337 = arith.index_cast %scan3A_291 : i32 to index
          %get3A_338 = arith.constant 64 : index
          %get3A_339 = tpu.vector_load %arg11[%get3A_337, %get3A_338] {strides = array<i32>} : memref<80x128xf32, #tpu.memory_space<vmem>>, vector<1x16xf32>,
          %get3A_340 = vector.shape_cast %get3A_339 : vector<1x16xf32> to vector<16xf32>
          %max3A_341 = arith.constant 0.000000e+00 : f32
          %max3A_342 = vector.broadcast %max3A_341 : f32 to vector<16xf32>
          %max3A_343 = arith.maximumf %get3A_340, %max3A_342 : vector<16xf32>
          %swap3A_344 = arith.index_cast %scan3A_291 : i32 to index
          %swap3A_345 = arith.constant 64 : index
          %swap3A_346 = tpu.vector_load %arg11[%swap3A_344, %swap3A_345] {strides = array<i32>} : memref<80x128xf32, #tpu.memory_space<vmem>>, vector<1x16xf32>,
          %swap3A_347 = vector.shape_cast %swap3A_346 : vector<1x16xf32> to vector<16xf32>
          %swap3A_348 = vector.shape_cast %max3A_343 : vector<16xf32> to vector<1x16xf32>
          tpu.vector_store %arg11[%swap3A_344, %swap3A_345], %swap3A_348 {strides = array<i32>} : memref<80x128xf32, #tpu.memory_space<vmem>>, vector<1x16xf32>,
          %get3A_349 = arith.index_cast %scan3A_291 : i32 to index
          %get3A_350 = arith.constant 80 : index
          %get3A_351 = tpu.vector_load %arg11[%get3A_349, %get3A_350] {strides = array<i32>} : memref<80x128xf32, #tpu.memory_space<vmem>>, vector<1x16xf32>,
          %get3A_352 = vector.shape_cast %get3A_351 : vector<1x16xf32> to vector<16xf32>
          %max3A_353 = arith.constant 0.000000e+00 : f32
          %max3A_354 = vector.broadcast %max3A_353 : f32 to vector<16xf32>
          %max3A_355 = arith.maximumf %get3A_352, %max3A_354 : vector<16xf32>
          %swap3A_356 = arith.index_cast %scan3A_291 : i32 to index
          %swap3A_357 = arith.constant 80 : index
          %swap3A_358 = tpu.vector_load %arg11[%swap3A_356, %swap3A_357] {strides = array<i32>} : memref<80x128xf32, #tpu.memory_space<vmem>>, vector<1x16xf32>,
          %swap3A_359 = vector.shape_cast %swap3A_358 : vector<1x16xf32> to vector<16xf32>
          %swap3A_360 = vector.shape_cast %max3A_355 : vector<16xf32> to vector<1x16xf32>
          tpu.vector_store %arg11[%swap3A_356, %swap3A_357], %swap3A_360 {strides = array<i32>} : memref<80x128xf32, #tpu.memory_space<vmem>>, vector<1x16xf32>,
          %get3A_361 = arith.index_cast %scan3A_291 : i32 to index
          %get3A_362 = arith.constant 96 : index
          %get3A_363 = tpu.vector_load %arg11[%get3A_361, %get3A_362] {strides = array<i32>} : memref<80x128xf32, #tpu.memory_space<vmem>>, vector<1x16xf32>,
          %get3A_364 = vector.shape_cast %get3A_363 : vector<1x16xf32> to vector<16xf32>
          %max3A_365 = arith.constant 0.000000e+00 : f32
          %max3A_366 = vector.broadcast %max3A_365 : f32 to vector<16xf32>
          %max3A_367 = arith.maximumf %get3A_364, %max3A_366 : vector<16xf32>
          %swap3A_368 = arith.index_cast %scan3A_291 : i32 to index
          %swap3A_369 = arith.constant 96 : index
          %swap3A_370 = tpu.vector_load %arg11[%swap3A_368, %swap3A_369] {strides = array<i32>} : memref<80x128xf32, #tpu.memory_space<vmem>>, vector<1x16xf32>,
          %swap3A_371 = vector.shape_cast %swap3A_370 : vector<1x16xf32> to vector<16xf32>
          %swap3A_372 = vector.shape_cast %max3A_367 : vector<16xf32> to vector<1x16xf32>
          tpu.vector_store %arg11[%swap3A_368, %swap3A_369], %swap3A_372 {strides = array<i32>} : memref<80x128xf32, #tpu.memory_space<vmem>>, vector<1x16xf32>,
          %get3A_373 = arith.index_cast %scan3A_291 : i32 to index
          %get3A_374 = arith.constant 112 : index
          %get3A_375 = tpu.vector_load %arg11[%get3A_373, %get3A_374] {strides = array<i32>} : memref<80x128xf32, #tpu.memory_space<vmem>>, vector<1x16xf32>,
          %get3A_376 = vector.shape_cast %get3A_375 : vector<1x16xf32> to vector<16xf32>
          %max3A_377 = arith.constant 0.000000e+00 : f32
          %max3A_378 = vector.broadcast %max3A_377 : f32 to vector<16xf32>
          %max3A_379 = arith.maximumf %get3A_376, %max3A_378 : vector<16xf32>
          %swap3A_380 = arith.index_cast %scan3A_291 : i32 to index
          %swap3A_381 = arith.constant 112 : index
          %swap3A_382 = tpu.vector_load %arg11[%swap3A_380, %swap3A_381] {strides = array<i32>} : memref<80x128xf32, #tpu.memory_space<vmem>>, vector<1x16xf32>,
          %swap3A_383 = vector.shape_cast %swap3A_382 : vector<1x16xf32> to vector<16xf32>
          %swap3A_384 = vector.shape_cast %max3A_379 : vector<16xf32> to vector<1x16xf32>
          tpu.vector_store %arg11[%swap3A_380, %swap3A_381], %swap3A_384 {strides = array<i32>} : memref<80x128xf32, #tpu.memory_space<vmem>>, vector<1x16xf32>,
        }
        %scan3A_284 = arith.constant 80 : i32
        %dma_start3A_285 = arith.constant 0 : i32
        %dma_start3A_286 = tpu.memref_slice %arg8[%add3A_248, %dma_start3A_285] : memref<32x80xi32, #tpu.memory_space<vmem>> -> memref<1x80xi32, #tpu.memory_space<vmem>>
        %dma_start3A_287 = tpu.memref_squeeze %dma_start3A_286 : memref<1x80xi32, #tpu.memory_space<vmem>> -> memref<80xi32, #tpu.memory_space<vmem>>
        %dma_start3A_288 = arith.constant 0 : i32
        %dma_start3A_289 = arith.constant 0 : i32
        %dma_start3A_290 = tpu.memref_slice %arg12[%dma_start3A_288, %dma_start3A_289] : memref<10000x128xf32, #tpu.memory_space<vmem_shared>> -> memref<10000x128xf32, #tpu.memory_space<vmem_shared>>
        tpu.enqueue_indirect_dma source(%arg11 : memref<80x128xf32, #tpu.memory_space<vmem>>) target(%dma_start3A_290 : memref<10000x128xf32, #tpu.memory_space<vmem_shared>>) offsets(%dma_start3A_287 : memref<80xi32, #tpu.memory_space<vmem>>) semaphore(%arg21 : memref<!tpu.dma_semaphore, #tpu.memory_space<semaphore_mem>>) {add = true}
      } else {
      }
    }
    %scan3A_99 = arith.constant 11 : i32
    %dma_wait3A_100 = arith.constant 0 : i32
    %dma_wait3A_101 = arith.constant 0 : i32
    %dma_wait3A_102 = tpu.memref_slice %arg8[%dma_wait3A_100, %dma_wait3A_101] : memref<32x80xi32, #tpu.memory_space<vmem>> -> memref<1x80xi32, #tpu.memory_space<vmem>>
    %dma_wait3A_103 = tpu.memref_squeeze %dma_wait3A_102 : memref<1x80xi32, #tpu.memory_space<vmem>> -> memref<80xi32, #tpu.memory_space<vmem>>
    %dma_wait3A_104 = arith.constant 0 : i32
    %dma_wait3A_105 = arith.constant 0 : i32
    %dma_wait3A_106 = tpu.memref_slice %arg12[%dma_wait3A_104, %dma_wait3A_105] : memref<10000x128xf32, #tpu.memory_space<vmem_shared>> -> memref<10000x128xf32, #tpu.memory_space<vmem_shared>>
    tpu.wait_indirect_dma semaphore(%arg20 : memref<!tpu.dma_semaphore, #tpu.memory_space<semaphore_mem>>) src(%arg10 : memref<80x128xf32, #tpu.memory_space<vmem>>) dst(%dma_wait3A_106 : memref<10000x128xf32, #tpu.memory_space<vmem_shared>>)
    "tpu.region"() ({
      %run_scoped3A = tpu.sem_alloc : memref<!tpu.dma_semaphore, #tpu.memory_space<semaphore_mem>>
      %dma_start3A_227 = arith.constant 0 : i32
      %dma_start3A_228 = arith.constant 0 : i32
      %dma_start3A_229 = tpu.memref_slice %arg7[%dma_start3A_227, %dma_start3A_228] : memref<32x80xi32, #tpu.memory_space<vmem>> -> memref<32x80xi32, #tpu.memory_space<vmem>>
      %dma_start3A_230 = arith.constant 0 : i32
      %dma_start3A_231 = arith.constant 0 : i32
      %dma_start3A_232 = tpu.memref_slice %arg4[%add3A, %dma_start3A_230, %dma_start3A_231] : memref<32x125x80xi32, #tpu.memory_space<hbm>> -> memref<1x125x80xi32, #tpu.memory_space<hbm>>
      %dma_start3A_233 = tpu.memref_squeeze %dma_start3A_232 : memref<1x125x80xi32, #tpu.memory_space<hbm>> -> memref<125x80xi32, #tpu.memory_space<hbm>>
      %dma_start3A_234 = arith.constant 64 : i32
      %dma_start3A_235 = arith.constant 0 : i32
      %dma_start3A_236 = tpu.memref_slice %dma_start3A_233[%dma_start3A_234, %dma_start3A_235] : memref<125x80xi32, #tpu.memory_space<hbm>> -> memref<32x80xi32, #tpu.memory_space<hbm>>
      %dma_start3A_237 = arith.constant 0 : i32
      %dma_start3A_238 = arith.constant 0 : i32
      %dma_start3A_239 = tpu.memref_slice %arg7[%dma_start3A_237, %dma_start3A_238] : memref<32x80xi32, #tpu.memory_space<vmem>> -> memref<32x80xi32, #tpu.memory_space<vmem>>
      %dma_start3A_240 = arith.constant 0 : i32
      %dma_start3A_241 = arith.constant 0 : i32
      %dma_start3A_242 = tpu.memref_slice %arg4[%add3A, %dma_start3A_240, %dma_start3A_241] : memref<32x125x80xi32, #tpu.memory_space<hbm>> -> memref<1x125x80xi32, #tpu.memory_space<hbm>>
      %dma_start3A_243 = tpu.memref_squeeze %dma_start3A_242 : memref<1x125x80xi32, #tpu.memory_space<hbm>> -> memref<125x80xi32, #tpu.memory_space<hbm>>
      %dma_start3A_244 = arith.constant 64 : i32
      %dma_start3A_245 = arith.constant 0 : i32
      %dma_start3A_246 = tpu.memref_slice %dma_start3A_243[%dma_start3A_244, %dma_start3A_245] : memref<125x80xi32, #tpu.memory_space<hbm>> -> memref<32x80xi32, #tpu.memory_space<hbm>>
      tpu.enqueue_dma source(%dma_start3A_246 : memref<32x80xi32, #tpu.memory_space<hbm>>) target(%dma_start3A_239 : memref<32x80xi32, #tpu.memory_space<vmem>>) target_semaphore(%run_scoped3A : memref<!tpu.dma_semaphore, #tpu.memory_space<semaphore_mem>>)
      %dma_wait3A_247 = arith.constant 0 : i32
      %dma_wait3A_248 = arith.constant 0 : i32
      %dma_wait3A_249 = tpu.memref_slice %arg7[%dma_wait3A_247, %dma_wait3A_248] : memref<32x80xi32, #tpu.memory_space<vmem>> -> memref<32x80xi32, #tpu.memory_space<vmem>>
      %dma_wait3A_250 = arith.constant 0 : i32
      %dma_wait3A_251 = arith.constant 0 : i32
      %dma_wait3A_252 = tpu.memref_slice %arg4[%add3A, %dma_wait3A_250, %dma_wait3A_251] : memref<32x125x80xi32, #tpu.memory_space<hbm>> -> memref<1x125x80xi32, #tpu.memory_space<hbm>>
      %dma_wait3A_253 = tpu.memref_squeeze %dma_wait3A_252 : memref<1x125x80xi32, #tpu.memory_space<hbm>> -> memref<125x80xi32, #tpu.memory_space<hbm>>
      %dma_wait3A_254 = arith.constant 64 : i32
      %dma_wait3A_255 = arith.constant 0 : i32
      %dma_wait3A_256 = tpu.memref_slice %dma_wait3A_253[%dma_wait3A_254, %dma_wait3A_255] : memref<125x80xi32, #tpu.memory_space<hbm>> -> memref<32x80xi32, #tpu.memory_space<hbm>>
      %dma_wait3A_257 = arith.constant 0 : i32
      %dma_wait3A_258 = arith.constant 0 : i32
      %dma_wait3A_259 = tpu.memref_slice %arg7[%dma_wait3A_257, %dma_wait3A_258] : memref<32x80xi32, #tpu.memory_space<vmem>> -> memref<32x80xi32, #tpu.memory_space<vmem>>
      %dma_wait3A_260 = arith.constant 0 : i32
      %dma_wait3A_261 = arith.constant 0 : i32
      %dma_wait3A_262 = tpu.memref_slice %arg4[%add3A, %dma_wait3A_260, %dma_wait3A_261] : memref<32x125x80xi32, #tpu.memory_space<hbm>> -> memref<1x125x80xi32, #tpu.memory_space<hbm>>
      %dma_wait3A_263 = tpu.memref_squeeze %dma_wait3A_262 : memref<1x125x80xi32, #tpu.memory_space<hbm>> -> memref<125x80xi32, #tpu.memory_space<hbm>>
      %dma_wait3A_264 = arith.constant 64 : i32
      %dma_wait3A_265 = arith.constant 0 : i32
      %dma_wait3A_266 = tpu.memref_slice %dma_wait3A_263[%dma_wait3A_264, %dma_wait3A_265] : memref<125x80xi32, #tpu.memory_space<hbm>> -> memref<32x80xi32, #tpu.memory_space<hbm>>
      tpu.wait_dma2 semaphore(%run_scoped3A : memref<!tpu.dma_semaphore, #tpu.memory_space<semaphore_mem>>) src(%dma_wait3A_266 : memref<32x80xi32, #tpu.memory_space<hbm>>) dst(%dma_wait3A_259 : memref<32x80xi32, #tpu.memory_space<vmem>>)
      tpu.yield
    }) : () -> ()
    "tpu.region"() ({
      %run_scoped3A = tpu.sem_alloc : memref<!tpu.dma_semaphore, #tpu.memory_space<semaphore_mem>>
      %dma_start3A_227 = arith.constant 0 : i32
      %dma_start3A_228 = arith.constant 0 : i32
      %dma_start3A_229 = tpu.memref_slice %arg8[%dma_start3A_227, %dma_start3A_228] : memref<32x80xi32, #tpu.memory_space<vmem>> -> memref<32x80xi32, #tpu.memory_space<vmem>>
      %dma_start3A_230 = arith.constant 0 : i32
      %dma_start3A_231 = arith.constant 0 : i32
      %dma_start3A_232 = tpu.memref_slice %arg5[%add3A, %dma_start3A_230, %dma_start3A_231] : memref<32x125x80xi32, #tpu.memory_space<hbm>> -> memref<1x125x80xi32, #tpu.memory_space<hbm>>
      %dma_start3A_233 = tpu.memref_squeeze %dma_start3A_232 : memref<1x125x80xi32, #tpu.memory_space<hbm>> -> memref<125x80xi32, #tpu.memory_space<hbm>>
      %dma_start3A_234 = arith.constant 64 : i32
      %dma_start3A_235 = arith.constant 0 : i32
      %dma_start3A_236 = tpu.memref_slice %dma_start3A_233[%dma_start3A_234, %dma_start3A_235] : memref<125x80xi32, #tpu.memory_space<hbm>> -> memref<32x80xi32, #tpu.memory_space<hbm>>
      %dma_start3A_237 = arith.constant 0 : i32
      %dma_start3A_238 = arith.constant 0 : i32
      %dma_start3A_239 = tpu.memref_slice %arg8[%dma_start3A_237, %dma_start3A_238] : memref<32x80xi32, #tpu.memory_space<vmem>> -> memref<32x80xi32, #tpu.memory_space<vmem>>
      %dma_start3A_240 = arith.constant 0 : i32
      %dma_start3A_241 = arith.constant 0 : i32
      %dma_start3A_242 = tpu.memref_slice %arg5[%add3A, %dma_start3A_240, %dma_start3A_241] : memref<32x125x80xi32, #tpu.memory_space<hbm>> -> memref<1x125x80xi32, #tpu.memory_space<hbm>>
      %dma_start3A_243 = tpu.memref_squeeze %dma_start3A_242 : memref<1x125x80xi32, #tpu.memory_space<hbm>> -> memref<125x80xi32, #tpu.memory_space<hbm>>
      %dma_start3A_244 = arith.constant 64 : i32
      %dma_start3A_245 = arith.constant 0 : i32
      %dma_start3A_246 = tpu.memref_slice %dma_start3A_243[%dma_start3A_244, %dma_start3A_245] : memref<125x80xi32, #tpu.memory_space<hbm>> -> memref<32x80xi32, #tpu.memory_space<hbm>>
      tpu.enqueue_dma source(%dma_start3A_246 : memref<32x80xi32, #tpu.memory_space<hbm>>) target(%dma_start3A_239 : memref<32x80xi32, #tpu.memory_space<vmem>>) target_semaphore(%run_scoped3A : memref<!tpu.dma_semaphore, #tpu.memory_space<semaphore_mem>>)
      %dma_wait3A_247 = arith.constant 0 : i32
      %dma_wait3A_248 = arith.constant 0 : i32
      %dma_wait3A_249 = tpu.memref_slice %arg8[%dma_wait3A_247, %dma_wait3A_248] : memref<32x80xi32, #tpu.memory_space<vmem>> -> memref<32x80xi32, #tpu.memory_space<vmem>>
      %dma_wait3A_250 = arith.constant 0 : i32
      %dma_wait3A_251 = arith.constant 0 : i32
      %dma_wait3A_252 = tpu.memref_slice %arg5[%add3A, %dma_wait3A_250, %dma_wait3A_251] : memref<32x125x80xi32, #tpu.memory_space<hbm>> -> memref<1x125x80xi32, #tpu.memory_space<hbm>>
      %dma_wait3A_253 = tpu.memref_squeeze %dma_wait3A_252 : memref<1x125x80xi32, #tpu.memory_space<hbm>> -> memref<125x80xi32, #tpu.memory_space<hbm>>
      %dma_wait3A_254 = arith.constant 64 : i32
      %dma_wait3A_255 = arith.constant 0 : i32
      %dma_wait3A_256 = tpu.memref_slice %dma_wait3A_253[%dma_wait3A_254, %dma_wait3A_255] : memref<125x80xi32, #tpu.memory_space<hbm>> -> memref<32x80xi32, #tpu.memory_space<hbm>>
      %dma_wait3A_257 = arith.constant 0 : i32
      %dma_wait3A_258 = arith.constant 0 : i32
      %dma_wait3A_259 = tpu.memref_slice %arg8[%dma_wait3A_257, %dma_wait3A_258] : memref<32x80xi32, #tpu.memory_space<vmem>> -> memref<32x80xi32, #tpu.memory_space<vmem>>
      %dma_wait3A_260 = arith.constant 0 : i32
      %dma_wait3A_261 = arith.constant 0 : i32
      %dma_wait3A_262 = tpu.memref_slice %arg5[%add3A, %dma_wait3A_260, %dma_wait3A_261] : memref<32x125x80xi32, #tpu.memory_space<hbm>> -> memref<1x125x80xi32, #tpu.memory_space<hbm>>
      %dma_wait3A_263 = tpu.memref_squeeze %dma_wait3A_262 : memref<1x125x80xi32, #tpu.memory_space<hbm>> -> memref<125x80xi32, #tpu.memory_space<hbm>>
      %dma_wait3A_264 = arith.constant 64 : i32
      %dma_wait3A_265 = arith.constant 0 : i32
      %dma_wait3A_266 = tpu.memref_slice %dma_wait3A_263[%dma_wait3A_264, %dma_wait3A_265] : memref<125x80xi32, #tpu.memory_space<hbm>> -> memref<32x80xi32, #tpu.memory_space<hbm>>
      tpu.wait_dma2 semaphore(%run_scoped3A : memref<!tpu.dma_semaphore, #tpu.memory_space<semaphore_mem>>) src(%dma_wait3A_266 : memref<32x80xi32, #tpu.memory_space<hbm>>) dst(%dma_wait3A_259 : memref<32x80xi32, #tpu.memory_space<vmem>>)
      tpu.yield
    }) : () -> ()
    %dma_start3A_107 = arith.constant 0 : i32
    %dma_start3A_108 = arith.constant 0 : i32
    %dma_start3A_109 = tpu.memref_slice %arg8[%dma_start3A_107, %dma_start3A_108] : memref<32x80xi32, #tpu.memory_space<vmem>> -> memref<1x80xi32, #tpu.memory_space<vmem>>
    %dma_start3A_110 = tpu.memref_squeeze %dma_start3A_109 : memref<1x80xi32, #tpu.memory_space<vmem>> -> memref<80xi32, #tpu.memory_space<vmem>>
    %dma_start3A_111 = arith.constant 0 : i32
    %dma_start3A_112 = arith.constant 0 : i32
    %dma_start3A_113 = tpu.memref_slice %arg3[%dma_start3A_111, %dma_start3A_112] : memref<10000x128xf32, #tpu.memory_space<hbm>> -> memref<10000x128xf32, #tpu.memory_space<hbm>>
    tpu.enqueue_indirect_dma source(%dma_start3A_113 : memref<10000x128xf32, #tpu.memory_space<hbm>>) target(%arg9 : memref<80x128xf32, #tpu.memory_space<vmem>>) offsets(%dma_start3A_110 : memref<80xi32, #tpu.memory_space<vmem>>) semaphore(%arg13 : memref<!tpu.dma_semaphore, #tpu.memory_space<semaphore_mem>>)
    %dma_start3A_114 = arith.constant 1 : i32
    %dma_start3A_115 = arith.constant 0 : i32
    %dma_start3A_116 = tpu.memref_slice %arg8[%dma_start3A_114, %dma_start3A_115] : memref<32x80xi32, #tpu.memory_space<vmem>> -> memref<1x80xi32, #tpu.memory_space<vmem>>
    %dma_start3A_117 = tpu.memref_squeeze %dma_start3A_116 : memref<1x80xi32, #tpu.memory_space<vmem>> -> memref<80xi32, #tpu.memory_space<vmem>>
    %dma_start3A_118 = arith.constant 0 : i32
    %dma_start3A_119 = arith.constant 0 : i32
    %dma_start3A_120 = tpu.memref_slice %arg3[%dma_start3A_118, %dma_start3A_119] : memref<10000x128xf32, #tpu.memory_space<hbm>> -> memref<10000x128xf32, #tpu.memory_space<hbm>>
    tpu.enqueue_indirect_dma source(%dma_start3A_120 : memref<10000x128xf32, #tpu.memory_space<hbm>>) target(%arg10 : memref<80x128xf32, #tpu.memory_space<vmem>>) offsets(%dma_start3A_117 : memref<80xi32, #tpu.memory_space<vmem>>) semaphore(%arg14 : memref<!tpu.dma_semaphore, #tpu.memory_space<semaphore_mem>>)
    %dma_wait3A_121 = arith.constant 0 : i32
    %dma_wait3A_122 = arith.constant 0 : i32
    %dma_wait3A_123 = tpu.memref_slice %arg8[%dma_wait3A_121, %dma_wait3A_122] : memref<32x80xi32, #tpu.memory_space<vmem>> -> memref<1x80xi32, #tpu.memory_space<vmem>>
    %dma_wait3A_124 = tpu.memref_squeeze %dma_wait3A_123 : memref<1x80xi32, #tpu.memory_space<vmem>> -> memref<80xi32, #tpu.memory_space<vmem>>
    %dma_wait3A_125 = arith.constant 0 : i32
    %dma_wait3A_126 = arith.constant 0 : i32
    %dma_wait3A_127 = tpu.memref_slice %arg3[%dma_wait3A_125, %dma_wait3A_126] : memref<10000x128xf32, #tpu.memory_space<hbm>> -> memref<10000x128xf32, #tpu.memory_space<hbm>>
    tpu.wait_indirect_dma semaphore(%arg13 : memref<!tpu.dma_semaphore, #tpu.memory_space<semaphore_mem>>) src(%dma_wait3A_127 : memref<10000x128xf32, #tpu.memory_space<hbm>>) dst(%arg9 : memref<80x128xf32, #tpu.memory_space<vmem>>)
    %dma_start3A_128 = arith.constant 0 : i32
    %dma_start3A_129 = arith.constant 0 : i32
    %dma_start3A_130 = tpu.memref_slice %arg7[%dma_start3A_128, %dma_start3A_129] : memref<32x80xi32, #tpu.memory_space<vmem>> -> memref<1x80xi32, #tpu.memory_space<vmem>>
    %dma_start3A_131 = tpu.memref_squeeze %dma_start3A_130 : memref<1x80xi32, #tpu.memory_space<vmem>> -> memref<80xi32, #tpu.memory_space<vmem>>
    %dma_start3A_132 = arith.constant 0 : i32
    %dma_start3A_133 = arith.constant 0 : i32
    %dma_start3A_134 = tpu.memref_slice %arg2[%dma_start3A_132, %dma_start3A_133] : memref<10000x128xf32, #tpu.memory_space<hbm>> -> memref<10000x128xf32, #tpu.memory_space<hbm>>
    tpu.enqueue_indirect_dma source(%dma_start3A_134 : memref<10000x128xf32, #tpu.memory_space<hbm>>) target(%arg9 : memref<80x128xf32, #tpu.memory_space<vmem>>) offsets(%dma_start3A_131 : memref<80xi32, #tpu.memory_space<vmem>>) semaphore(%arg16 : memref<!tpu.dma_semaphore, #tpu.memory_space<semaphore_mem>>) {add = true}
    %scan3A_135 = arith.constant 0 : i32
    %scan3A_136 = arith.constant 0 : i32
    %scan3A_137 = arith.constant 11 : i32
    %scan3A_138 = arith.addi %scan3A_136, %scan3A_137 : i32
    %scan3A_139 = arith.constant 1 : i32
    scf.for %scan3A_227 = %scan3A_136 to %scan3A_138 step %scan3A_139  : i32 {
      %mul3A_228 = arith.constant 3 : i32
      %mul3A_229 = arith.muli %mul3A_228, %scan3A_227 : i32
      %add3A_230 = arith.constant 0 : i32
      %add3A_231 = arith.addi %mul3A_229, %add3A_230 : i32
      %lt3A = arith.constant 32 : i32
      %lt3A_232 = arith.cmpi slt, %add3A_231, %lt3A : i32
      %convert_element_type3A_233 = arith.extui %lt3A_232 : i1 to i32
      %cond3A_234 = arith.constant 0 : i32
      %cond3A_235 = arith.cmpi ne, %convert_element_type3A_233, %cond3A_234 : i32
      scf.if %cond3A_235 {
        %ge3A = arith.constant 1 : i32
        %ge3A_254 = arith.cmpi sge, %add3A_231, %ge3A : i32
        %convert_element_type3A_255 = arith.extui %ge3A_254 : i1 to i32
        %cond3A_256 = arith.constant 0 : i32
        %cond3A_257 = arith.cmpi ne, %convert_element_type3A_255, %cond3A_256 : i32
        scf.if %cond3A_257 {
          %dma_wait3A_291 = arith.constant 0 : i32
          %dma_wait3A_292 = arith.constant 0 : i32
          %dma_wait3A_293 = tpu.memref_slice %arg8[%dma_wait3A_291, %dma_wait3A_292] : memref<32x80xi32, #tpu.memory_space<vmem>> -> memref<1x80xi32, #tpu.memory_space<vmem>>
          %dma_wait3A_294 = tpu.memref_squeeze %dma_wait3A_293 : memref<1x80xi32, #tpu.memory_space<vmem>> -> memref<80xi32, #tpu.memory_space<vmem>>
          %dma_wait3A_295 = arith.constant 0 : i32
          %dma_wait3A_296 = arith.constant 0 : i32
          %dma_wait3A_297 = tpu.memref_slice %arg12[%dma_wait3A_295, %dma_wait3A_296] : memref<10000x128xf32, #tpu.memory_space<vmem_shared>> -> memref<10000x128xf32, #tpu.memory_space<vmem_shared>>
          tpu.wait_indirect_dma semaphore(%arg21 : memref<!tpu.dma_semaphore, #tpu.memory_space<semaphore_mem>>) src(%arg11 : memref<80x128xf32, #tpu.memory_space<vmem>>) dst(%dma_wait3A_297 : memref<10000x128xf32, #tpu.memory_space<vmem_shared>>)
        } else {
        }
        %add3A_258 = arith.constant 2 : i32
        %add3A_259 = arith.addi %add3A_231, %add3A_258 : i32
        %lt3A_260 = arith.constant 32 : i32
        %lt3A_261 = arith.cmpi slt, %add3A_259, %lt3A_260 : i32
        %convert_element_type3A_262 = arith.extui %lt3A_261 : i1 to i32
        %cond3A_263 = arith.constant 0 : i32
        %cond3A_264 = arith.cmpi ne, %convert_element_type3A_262, %cond3A_263 : i32
        scf.if %cond3A_264 {
          %add3A_291 = arith.constant 2 : i32
          %add3A_292 = arith.addi %add3A_231, %add3A_291 : i32
          %dma_start3A_293 = arith.constant 0 : i32
          %dma_start3A_294 = tpu.memref_slice %arg8[%add3A_292, %dma_start3A_293] : memref<32x80xi32, #tpu.memory_space<vmem>> -> memref<1x80xi32, #tpu.memory_space<vmem>>
          %dma_start3A_295 = tpu.memref_squeeze %dma_start3A_294 : memref<1x80xi32, #tpu.memory_space<vmem>> -> memref<80xi32, #tpu.memory_space<vmem>>
          %dma_start3A_296 = arith.constant 0 : i32
          %dma_start3A_297 = arith.constant 0 : i32
          %dma_start3A_298 = tpu.memref_slice %arg3[%dma_start3A_296, %dma_start3A_297] : memref<10000x128xf32, #tpu.memory_space<hbm>> -> memref<10000x128xf32, #tpu.memory_space<hbm>>
          tpu.enqueue_indirect_dma source(%dma_start3A_298 : memref<10000x128xf32, #tpu.memory_space<hbm>>) target(%arg11 : memref<80x128xf32, #tpu.memory_space<vmem>>) offsets(%dma_start3A_295 : memref<80xi32, #tpu.memory_space<vmem>>) semaphore(%arg15 : memref<!tpu.dma_semaphore, #tpu.memory_space<semaphore_mem>>)
        } else {
        }
        %add3A_265 = arith.constant 1 : i32
        %add3A_266 = arith.addi %add3A_231, %add3A_265 : i32
        %lt3A_267 = arith.constant 32 : i32
        %lt3A_268 = arith.cmpi slt, %add3A_266, %lt3A_267 : i32
        %convert_element_type3A_269 = arith.extui %lt3A_268 : i1 to i32
        %cond3A_270 = arith.constant 0 : i32
        %cond3A_271 = arith.cmpi ne, %convert_element_type3A_269, %cond3A_270 : i32
        scf.if %cond3A_271 {
          %dma_wait3A_291 = arith.constant 0 : i32
          %dma_wait3A_292 = arith.constant 0 : i32
          %dma_wait3A_293 = tpu.memref_slice %arg8[%dma_wait3A_291, %dma_wait3A_292] : memref<32x80xi32, #tpu.memory_space<vmem>> -> memref<1x80xi32, #tpu.memory_space<vmem>>
          %dma_wait3A_294 = tpu.memref_squeeze %dma_wait3A_293 : memref<1x80xi32, #tpu.memory_space<vmem>> -> memref<80xi32, #tpu.memory_space<vmem>>
          %dma_wait3A_295 = arith.constant 0 : i32
          %dma_wait3A_296 = arith.constant 0 : i32
          %dma_wait3A_297 = tpu.memref_slice %arg3[%dma_wait3A_295, %dma_wait3A_296] : memref<10000x128xf32, #tpu.memory_space<hbm>> -> memref<10000x128xf32, #tpu.memory_space<hbm>>
          tpu.wait_indirect_dma semaphore(%arg14 : memref<!tpu.dma_semaphore, #tpu.memory_space<semaphore_mem>>) src(%dma_wait3A_297 : memref<10000x128xf32, #tpu.memory_space<hbm>>) dst(%arg10 : memref<80x128xf32, #tpu.memory_space<vmem>>)
          %add3A_298 = arith.constant 1 : i32
          %add3A_299 = arith.addi %add3A_231, %add3A_298 : i32
          %dma_start3A_300 = arith.constant 0 : i32
          %dma_start3A_301 = tpu.memref_slice %arg7[%add3A_299, %dma_start3A_300] : memref<32x80xi32, #tpu.memory_space<vmem>> -> memref<1x80xi32, #tpu.memory_space<vmem>>
          %dma_start3A_302 = tpu.memref_squeeze %dma_start3A_301 : memref<1x80xi32, #tpu.memory_space<vmem>> -> memref<80xi32, #tpu.memory_space<vmem>>
          %dma_start3A_303 = arith.constant 0 : i32
          %dma_start3A_304 = arith.constant 0 : i32
          %dma_start3A_305 = tpu.memref_slice %arg2[%dma_start3A_303, %dma_start3A_304] : memref<10000x128xf32, #tpu.memory_space<hbm>> -> memref<10000x128xf32, #tpu.memory_space<hbm>>
          tpu.enqueue_indirect_dma source(%dma_start3A_305 : memref<10000x128xf32, #tpu.memory_space<hbm>>) target(%arg10 : memref<80x128xf32, #tpu.memory_space<vmem>>) offsets(%dma_start3A_302 : memref<80xi32, #tpu.memory_space<vmem>>) semaphore(%arg17 : memref<!tpu.dma_semaphore, #tpu.memory_space<semaphore_mem>>) {add = true}
        } else {
        }
        %dma_wait3A_272 = arith.constant 0 : i32
        %dma_wait3A_273 = arith.constant 0 : i32
        %dma_wait3A_274 = tpu.memref_slice %arg7[%dma_wait3A_272, %dma_wait3A_273] : memref<32x80xi32, #tpu.memory_space<vmem>> -> memref<1x80xi32, #tpu.memory_space<vmem>>
        %dma_wait3A_275 = tpu.memref_squeeze %dma_wait3A_274 : memref<1x80xi32, #tpu.memory_space<vmem>> -> memref<80xi32, #tpu.memory_space<vmem>>
        %dma_wait3A_276 = arith.constant 0 : i32
        %dma_wait3A_277 = arith.constant 0 : i32
        %dma_wait3A_278 = tpu.memref_slice %arg2[%dma_wait3A_276, %dma_wait3A_277] : memref<10000x128xf32, #tpu.memory_space<hbm>> -> memref<10000x128xf32, #tpu.memory_space<hbm>>
        tpu.wait_indirect_dma semaphore(%arg16 : memref<!tpu.dma_semaphore, #tpu.memory_space<semaphore_mem>>) src(%dma_wait3A_278 : memref<10000x128xf32, #tpu.memory_space<hbm>>) dst(%arg9 : memref<80x128xf32, #tpu.memory_space<vmem>>)
        %scan3A_279 = arith.constant 0 : i32
        %scan3A_280 = arith.constant 0 : i32
        %scan3A_281 = arith.constant 80 : i32
        %scan3A_282 = arith.addi %scan3A_280, %scan3A_281 : i32
        %scan3A_283 = arith.constant 1 : i32
        scf.for %scan3A_291 = %scan3A_280 to %scan3A_282 step %scan3A_283  : i32 {
          %get3A = arith.index_cast %scan3A_291 : i32 to index
          %get3A_292 = arith.constant 0 : index
          %get3A_293 = tpu.vector_load %arg9[%get3A, %get3A_292] {strides = array<i32>} : memref<80x128xf32, #tpu.memory_space<vmem>>, vector<1x16xf32>,
          %get3A_294 = vector.shape_cast %get3A_293 : vector<1x16xf32> to vector<16xf32>
          %max3A = arith.constant 0.000000e+00 : f32
          %max3A_295 = vector.broadcast %max3A : f32 to vector<16xf32>
          %max3A_296 = arith.maximumf %get3A_294, %max3A_295 : vector<16xf32>
          %swap3A = arith.index_cast %scan3A_291 : i32 to index
          %swap3A_297 = arith.constant 0 : index
          %swap3A_298 = tpu.vector_load %arg9[%swap3A, %swap3A_297] {strides = array<i32>} : memref<80x128xf32, #tpu.memory_space<vmem>>, vector<1x16xf32>,
          %swap3A_299 = vector.shape_cast %swap3A_298 : vector<1x16xf32> to vector<16xf32>
          %swap3A_300 = vector.shape_cast %max3A_296 : vector<16xf32> to vector<1x16xf32>
          tpu.vector_store %arg9[%swap3A, %swap3A_297], %swap3A_300 {strides = array<i32>} : memref<80x128xf32, #tpu.memory_space<vmem>>, vector<1x16xf32>,
          %get3A_301 = arith.index_cast %scan3A_291 : i32 to index
          %get3A_302 = arith.constant 16 : index
          %get3A_303 = tpu.vector_load %arg9[%get3A_301, %get3A_302] {strides = array<i32>} : memref<80x128xf32, #tpu.memory_space<vmem>>, vector<1x16xf32>,
          %get3A_304 = vector.shape_cast %get3A_303 : vector<1x16xf32> to vector<16xf32>
          %max3A_305 = arith.constant 0.000000e+00 : f32
          %max3A_306 = vector.broadcast %max3A_305 : f32 to vector<16xf32>
          %max3A_307 = arith.maximumf %get3A_304, %max3A_306 : vector<16xf32>
          %swap3A_308 = arith.index_cast %scan3A_291 : i32 to index
          %swap3A_309 = arith.constant 16 : index
          %swap3A_310 = tpu.vector_load %arg9[%swap3A_308, %swap3A_309] {strides = array<i32>} : memref<80x128xf32, #tpu.memory_space<vmem>>, vector<1x16xf32>,
          %swap3A_311 = vector.shape_cast %swap3A_310 : vector<1x16xf32> to vector<16xf32>
          %swap3A_312 = vector.shape_cast %max3A_307 : vector<16xf32> to vector<1x16xf32>
          tpu.vector_store %arg9[%swap3A_308, %swap3A_309], %swap3A_312 {strides = array<i32>} : memref<80x128xf32, #tpu.memory_space<vmem>>, vector<1x16xf32>,
          %get3A_313 = arith.index_cast %scan3A_291 : i32 to index
          %get3A_314 = arith.constant 32 : index
          %get3A_315 = tpu.vector_load %arg9[%get3A_313, %get3A_314] {strides = array<i32>} : memref<80x128xf32, #tpu.memory_space<vmem>>, vector<1x16xf32>,
          %get3A_316 = vector.shape_cast %get3A_315 : vector<1x16xf32> to vector<16xf32>
          %max3A_317 = arith.constant 0.000000e+00 : f32
          %max3A_318 = vector.broadcast %max3A_317 : f32 to vector<16xf32>
          %max3A_319 = arith.maximumf %get3A_316, %max3A_318 : vector<16xf32>
          %swap3A_320 = arith.index_cast %scan3A_291 : i32 to index
          %swap3A_321 = arith.constant 32 : index
          %swap3A_322 = tpu.vector_load %arg9[%swap3A_320, %swap3A_321] {strides = array<i32>} : memref<80x128xf32, #tpu.memory_space<vmem>>, vector<1x16xf32>,
          %swap3A_323 = vector.shape_cast %swap3A_322 : vector<1x16xf32> to vector<16xf32>
          %swap3A_324 = vector.shape_cast %max3A_319 : vector<16xf32> to vector<1x16xf32>
          tpu.vector_store %arg9[%swap3A_320, %swap3A_321], %swap3A_324 {strides = array<i32>} : memref<80x128xf32, #tpu.memory_space<vmem>>, vector<1x16xf32>,
          %get3A_325 = arith.index_cast %scan3A_291 : i32 to index
          %get3A_326 = arith.constant 48 : index
          %get3A_327 = tpu.vector_load %arg9[%get3A_325, %get3A_326] {strides = array<i32>} : memref<80x128xf32, #tpu.memory_space<vmem>>, vector<1x16xf32>,
          %get3A_328 = vector.shape_cast %get3A_327 : vector<1x16xf32> to vector<16xf32>
          %max3A_329 = arith.constant 0.000000e+00 : f32
          %max3A_330 = vector.broadcast %max3A_329 : f32 to vector<16xf32>
          %max3A_331 = arith.maximumf %get3A_328, %max3A_330 : vector<16xf32>
          %swap3A_332 = arith.index_cast %scan3A_291 : i32 to index
          %swap3A_333 = arith.constant 48 : index
          %swap3A_334 = tpu.vector_load %arg9[%swap3A_332, %swap3A_333] {strides = array<i32>} : memref<80x128xf32, #tpu.memory_space<vmem>>, vector<1x16xf32>,
          %swap3A_335 = vector.shape_cast %swap3A_334 : vector<1x16xf32> to vector<16xf32>
          %swap3A_336 = vector.shape_cast %max3A_331 : vector<16xf32> to vector<1x16xf32>
          tpu.vector_store %arg9[%swap3A_332, %swap3A_333], %swap3A_336 {strides = array<i32>} : memref<80x128xf32, #tpu.memory_space<vmem>>, vector<1x16xf32>,
          %get3A_337 = arith.index_cast %scan3A_291 : i32 to index
          %get3A_338 = arith.constant 64 : index
          %get3A_339 = tpu.vector_load %arg9[%get3A_337, %get3A_338] {strides = array<i32>} : memref<80x128xf32, #tpu.memory_space<vmem>>, vector<1x16xf32>,
          %get3A_340 = vector.shape_cast %get3A_339 : vector<1x16xf32> to vector<16xf32>
          %max3A_341 = arith.constant 0.000000e+00 : f32
          %max3A_342 = vector.broadcast %max3A_341 : f32 to vector<16xf32>
          %max3A_343 = arith.maximumf %get3A_340, %max3A_342 : vector<16xf32>
          %swap3A_344 = arith.index_cast %scan3A_291 : i32 to index
          %swap3A_345 = arith.constant 64 : index
          %swap3A_346 = tpu.vector_load %arg9[%swap3A_344, %swap3A_345] {strides = array<i32>} : memref<80x128xf32, #tpu.memory_space<vmem>>, vector<1x16xf32>,
          %swap3A_347 = vector.shape_cast %swap3A_346 : vector<1x16xf32> to vector<16xf32>
          %swap3A_348 = vector.shape_cast %max3A_343 : vector<16xf32> to vector<1x16xf32>
          tpu.vector_store %arg9[%swap3A_344, %swap3A_345], %swap3A_348 {strides = array<i32>} : memref<80x128xf32, #tpu.memory_space<vmem>>, vector<1x16xf32>,
          %get3A_349 = arith.index_cast %scan3A_291 : i32 to index
          %get3A_350 = arith.constant 80 : index
          %get3A_351 = tpu.vector_load %arg9[%get3A_349, %get3A_350] {strides = array<i32>} : memref<80x128xf32, #tpu.memory_space<vmem>>, vector<1x16xf32>,
          %get3A_352 = vector.shape_cast %get3A_351 : vector<1x16xf32> to vector<16xf32>
          %max3A_353 = arith.constant 0.000000e+00 : f32
          %max3A_354 = vector.broadcast %max3A_353 : f32 to vector<16xf32>
          %max3A_355 = arith.maximumf %get3A_352, %max3A_354 : vector<16xf32>
          %swap3A_356 = arith.index_cast %scan3A_291 : i32 to index
          %swap3A_357 = arith.constant 80 : index
          %swap3A_358 = tpu.vector_load %arg9[%swap3A_356, %swap3A_357] {strides = array<i32>} : memref<80x128xf32, #tpu.memory_space<vmem>>, vector<1x16xf32>,
          %swap3A_359 = vector.shape_cast %swap3A_358 : vector<1x16xf32> to vector<16xf32>
          %swap3A_360 = vector.shape_cast %max3A_355 : vector<16xf32> to vector<1x16xf32>
          tpu.vector_store %arg9[%swap3A_356, %swap3A_357], %swap3A_360 {strides = array<i32>} : memref<80x128xf32, #tpu.memory_space<vmem>>, vector<1x16xf32>,
          %get3A_361 = arith.index_cast %scan3A_291 : i32 to index
          %get3A_362 = arith.constant 96 : index
          %get3A_363 = tpu.vector_load %arg9[%get3A_361, %get3A_362] {strides = array<i32>} : memref<80x128xf32, #tpu.memory_space<vmem>>, vector<1x16xf32>,
          %get3A_364 = vector.shape_cast %get3A_363 : vector<1x16xf32> to vector<16xf32>
          %max3A_365 = arith.constant 0.000000e+00 : f32
          %max3A_366 = vector.broadcast %max3A_365 : f32 to vector<16xf32>
          %max3A_367 = arith.maximumf %get3A_364, %max3A_366 : vector<16xf32>
          %swap3A_368 = arith.index_cast %scan3A_291 : i32 to index
          %swap3A_369 = arith.constant 96 : index
          %swap3A_370 = tpu.vector_load %arg9[%swap3A_368, %swap3A_369] {strides = array<i32>} : memref<80x128xf32, #tpu.memory_space<vmem>>, vector<1x16xf32>,
          %swap3A_371 = vector.shape_cast %swap3A_370 : vector<1x16xf32> to vector<16xf32>
          %swap3A_372 = vector.shape_cast %max3A_367 : vector<16xf32> to vector<1x16xf32>
          tpu.vector_store %arg9[%swap3A_368, %swap3A_369], %swap3A_372 {strides = array<i32>} : memref<80x128xf32, #tpu.memory_space<vmem>>, vector<1x16xf32>,
          %get3A_373 = arith.index_cast %scan3A_291 : i32 to index
          %get3A_374 = arith.constant 112 : index
          %get3A_375 = tpu.vector_load %arg9[%get3A_373, %get3A_374] {strides = array<i32>} : memref<80x128xf32, #tpu.memory_space<vmem>>, vector<1x16xf32>,
          %get3A_376 = vector.shape_cast %get3A_375 : vector<1x16xf32> to vector<16xf32>
          %max3A_377 = arith.constant 0.000000e+00 : f32
          %max3A_378 = vector.broadcast %max3A_377 : f32 to vector<16xf32>
          %max3A_379 = arith.maximumf %get3A_376, %max3A_378 : vector<16xf32>
          %swap3A_380 = arith.index_cast %scan3A_291 : i32 to index
          %swap3A_381 = arith.constant 112 : index
          %swap3A_382 = tpu.vector_load %arg9[%swap3A_380, %swap3A_381] {strides = array<i32>} : memref<80x128xf32, #tpu.memory_space<vmem>>, vector<1x16xf32>,
          %swap3A_383 = vector.shape_cast %swap3A_382 : vector<1x16xf32> to vector<16xf32>
          %swap3A_384 = vector.shape_cast %max3A_379 : vector<16xf32> to vector<1x16xf32>
          tpu.vector_store %arg9[%swap3A_380, %swap3A_381], %swap3A_384 {strides = array<i32>} : memref<80x128xf32, #tpu.memory_space<vmem>>, vector<1x16xf32>,
        }
        %scan3A_284 = arith.constant 80 : i32
        %dma_start3A_285 = arith.constant 0 : i32
        %dma_start3A_286 = tpu.memref_slice %arg8[%add3A_231, %dma_start3A_285] : memref<32x80xi32, #tpu.memory_space<vmem>> -> memref<1x80xi32, #tpu.memory_space<vmem>>
        %dma_start3A_287 = tpu.memref_squeeze %dma_start3A_286 : memref<1x80xi32, #tpu.memory_space<vmem>> -> memref<80xi32, #tpu.memory_space<vmem>>
        %dma_start3A_288 = arith.constant 0 : i32
        %dma_start3A_289 = arith.constant 0 : i32
        %dma_start3A_290 = tpu.memref_slice %arg12[%dma_start3A_288, %dma_start3A_289] : memref<10000x128xf32, #tpu.memory_space<vmem_shared>> -> memref<10000x128xf32, #tpu.memory_space<vmem_shared>>
        tpu.enqueue_indirect_dma source(%arg9 : memref<80x128xf32, #tpu.memory_space<vmem>>) target(%dma_start3A_290 : memref<10000x128xf32, #tpu.memory_space<vmem_shared>>) offsets(%dma_start3A_287 : memref<80xi32, #tpu.memory_space<vmem>>) semaphore(%arg19 : memref<!tpu.dma_semaphore, #tpu.memory_space<semaphore_mem>>) {add = true}
      } else {
      }
      %mul3A_236 = arith.constant 3 : i32
      %mul3A_237 = arith.muli %mul3A_236, %scan3A_227 : i32
      %add3A_238 = arith.constant 1 : i32
      %add3A_239 = arith.addi %mul3A_237, %add3A_238 : i32
      %lt3A_240 = arith.constant 32 : i32
      %lt3A_241 = arith.cmpi slt, %add3A_239, %lt3A_240 : i32
      %convert_element_type3A_242 = arith.extui %lt3A_241 : i1 to i32
      %cond3A_243 = arith.constant 0 : i32
      %cond3A_244 = arith.cmpi ne, %convert_element_type3A_242, %cond3A_243 : i32
      scf.if %cond3A_244 {
        %ge3A = arith.constant 1 : i32
        %ge3A_254 = arith.cmpi sge, %add3A_239, %ge3A : i32
        %convert_element_type3A_255 = arith.extui %ge3A_254 : i1 to i32
        %cond3A_256 = arith.constant 0 : i32
        %cond3A_257 = arith.cmpi ne, %convert_element_type3A_255, %cond3A_256 : i32
        scf.if %cond3A_257 {
          %dma_wait3A_291 = arith.constant 0 : i32
          %dma_wait3A_292 = arith.constant 0 : i32
          %dma_wait3A_293 = tpu.memref_slice %arg8[%dma_wait3A_291, %dma_wait3A_292] : memref<32x80xi32, #tpu.memory_space<vmem>> -> memref<1x80xi32, #tpu.memory_space<vmem>>
          %dma_wait3A_294 = tpu.memref_squeeze %dma_wait3A_293 : memref<1x80xi32, #tpu.memory_space<vmem>> -> memref<80xi32, #tpu.memory_space<vmem>>
          %dma_wait3A_295 = arith.constant 0 : i32
          %dma_wait3A_296 = arith.constant 0 : i32
          %dma_wait3A_297 = tpu.memref_slice %arg12[%dma_wait3A_295, %dma_wait3A_296] : memref<10000x128xf32, #tpu.memory_space<vmem_shared>> -> memref<10000x128xf32, #tpu.memory_space<vmem_shared>>
          tpu.wait_indirect_dma semaphore(%arg19 : memref<!tpu.dma_semaphore, #tpu.memory_space<semaphore_mem>>) src(%arg9 : memref<80x128xf32, #tpu.memory_space<vmem>>) dst(%dma_wait3A_297 : memref<10000x128xf32, #tpu.memory_space<vmem_shared>>)
        } else {
        }
        %add3A_258 = arith.constant 2 : i32
        %add3A_259 = arith.addi %add3A_239, %add3A_258 : i32
        %lt3A_260 = arith.constant 32 : i32
        %lt3A_261 = arith.cmpi slt, %add3A_259, %lt3A_260 : i32
        %convert_element_type3A_262 = arith.extui %lt3A_261 : i1 to i32
        %cond3A_263 = arith.constant 0 : i32
        %cond3A_264 = arith.cmpi ne, %convert_element_type3A_262, %cond3A_263 : i32
        scf.if %cond3A_264 {
          %add3A_291 = arith.constant 2 : i32
          %add3A_292 = arith.addi %add3A_239, %add3A_291 : i32
          %dma_start3A_293 = arith.constant 0 : i32
          %dma_start3A_294 = tpu.memref_slice %arg8[%add3A_292, %dma_start3A_293] : memref<32x80xi32, #tpu.memory_space<vmem>> -> memref<1x80xi32, #tpu.memory_space<vmem>>
          %dma_start3A_295 = tpu.memref_squeeze %dma_start3A_294 : memref<1x80xi32, #tpu.memory_space<vmem>> -> memref<80xi32, #tpu.memory_space<vmem>>
          %dma_start3A_296 = arith.constant 0 : i32
          %dma_start3A_297 = arith.constant 0 : i32
          %dma_start3A_298 = tpu.memref_slice %arg3[%dma_start3A_296, %dma_start3A_297] : memref<10000x128xf32, #tpu.memory_space<hbm>> -> memref<10000x128xf32, #tpu.memory_space<hbm>>
          tpu.enqueue_indirect_dma source(%dma_start3A_298 : memref<10000x128xf32, #tpu.memory_space<hbm>>) target(%arg9 : memref<80x128xf32, #tpu.memory_space<vmem>>) offsets(%dma_start3A_295 : memref<80xi32, #tpu.memory_space<vmem>>) semaphore(%arg13 : memref<!tpu.dma_semaphore, #tpu.memory_space<semaphore_mem>>)
        } else {
        }
        %add3A_265 = arith.constant 1 : i32
        %add3A_266 = arith.addi %add3A_239, %add3A_265 : i32
        %lt3A_267 = arith.constant 32 : i32
        %lt3A_268 = arith.cmpi slt, %add3A_266, %lt3A_267 : i32
        %convert_element_type3A_269 = arith.extui %lt3A_268 : i1 to i32
        %cond3A_270 = arith.constant 0 : i32
        %cond3A_271 = arith.cmpi ne, %convert_element_type3A_269, %cond3A_270 : i32
        scf.if %cond3A_271 {
          %dma_wait3A_291 = arith.constant 0 : i32
          %dma_wait3A_292 = arith.constant 0 : i32
          %dma_wait3A_293 = tpu.memref_slice %arg8[%dma_wait3A_291, %dma_wait3A_292] : memref<32x80xi32, #tpu.memory_space<vmem>> -> memref<1x80xi32, #tpu.memory_space<vmem>>
          %dma_wait3A_294 = tpu.memref_squeeze %dma_wait3A_293 : memref<1x80xi32, #tpu.memory_space<vmem>> -> memref<80xi32, #tpu.memory_space<vmem>>
          %dma_wait3A_295 = arith.constant 0 : i32
          %dma_wait3A_296 = arith.constant 0 : i32
          %dma_wait3A_297 = tpu.memref_slice %arg3[%dma_wait3A_295, %dma_wait3A_296] : memref<10000x128xf32, #tpu.memory_space<hbm>> -> memref<10000x128xf32, #tpu.memory_space<hbm>>
          tpu.wait_indirect_dma semaphore(%arg15 : memref<!tpu.dma_semaphore, #tpu.memory_space<semaphore_mem>>) src(%dma_wait3A_297 : memref<10000x128xf32, #tpu.memory_space<hbm>>) dst(%arg11 : memref<80x128xf32, #tpu.memory_space<vmem>>)
          %add3A_298 = arith.constant 1 : i32
          %add3A_299 = arith.addi %add3A_239, %add3A_298 : i32
          %dma_start3A_300 = arith.constant 0 : i32
          %dma_start3A_301 = tpu.memref_slice %arg7[%add3A_299, %dma_start3A_300] : memref<32x80xi32, #tpu.memory_space<vmem>> -> memref<1x80xi32, #tpu.memory_space<vmem>>
          %dma_start3A_302 = tpu.memref_squeeze %dma_start3A_301 : memref<1x80xi32, #tpu.memory_space<vmem>> -> memref<80xi32, #tpu.memory_space<vmem>>
          %dma_start3A_303 = arith.constant 0 : i32
          %dma_start3A_304 = arith.constant 0 : i32
          %dma_start3A_305 = tpu.memref_slice %arg2[%dma_start3A_303, %dma_start3A_304] : memref<10000x128xf32, #tpu.memory_space<hbm>> -> memref<10000x128xf32, #tpu.memory_space<hbm>>
          tpu.enqueue_indirect_dma source(%dma_start3A_305 : memref<10000x128xf32, #tpu.memory_space<hbm>>) target(%arg11 : memref<80x128xf32, #tpu.memory_space<vmem>>) offsets(%dma_start3A_302 : memref<80xi32, #tpu.memory_space<vmem>>) semaphore(%arg18 : memref<!tpu.dma_semaphore, #tpu.memory_space<semaphore_mem>>) {add = true}
        } else {
        }
        %dma_wait3A_272 = arith.constant 0 : i32
        %dma_wait3A_273 = arith.constant 0 : i32
        %dma_wait3A_274 = tpu.memref_slice %arg7[%dma_wait3A_272, %dma_wait3A_273] : memref<32x80xi32, #tpu.memory_space<vmem>> -> memref<1x80xi32, #tpu.memory_space<vmem>>
        %dma_wait3A_275 = tpu.memref_squeeze %dma_wait3A_274 : memref<1x80xi32, #tpu.memory_space<vmem>> -> memref<80xi32, #tpu.memory_space<vmem>>
        %dma_wait3A_276 = arith.constant 0 : i32
        %dma_wait3A_277 = arith.constant 0 : i32
        %dma_wait3A_278 = tpu.memref_slice %arg2[%dma_wait3A_276, %dma_wait3A_277] : memref<10000x128xf32, #tpu.memory_space<hbm>> -> memref<10000x128xf32, #tpu.memory_space<hbm>>
        tpu.wait_indirect_dma semaphore(%arg17 : memref<!tpu.dma_semaphore, #tpu.memory_space<semaphore_mem>>) src(%dma_wait3A_278 : memref<10000x128xf32, #tpu.memory_space<hbm>>) dst(%arg10 : memref<80x128xf32, #tpu.memory_space<vmem>>)
        %scan3A_279 = arith.constant 0 : i32
        %scan3A_280 = arith.constant 0 : i32
        %scan3A_281 = arith.constant 80 : i32
        %scan3A_282 = arith.addi %scan3A_280, %scan3A_281 : i32
        %scan3A_283 = arith.constant 1 : i32
        scf.for %scan3A_291 = %scan3A_280 to %scan3A_282 step %scan3A_283  : i32 {
          %get3A = arith.index_cast %scan3A_291 : i32 to index
          %get3A_292 = arith.constant 0 : index
          %get3A_293 = tpu.vector_load %arg10[%get3A, %get3A_292] {strides = array<i32>} : memref<80x128xf32, #tpu.memory_space<vmem>>, vector<1x16xf32>,
          %get3A_294 = vector.shape_cast %get3A_293 : vector<1x16xf32> to vector<16xf32>
          %max3A = arith.constant 0.000000e+00 : f32
          %max3A_295 = vector.broadcast %max3A : f32 to vector<16xf32>
          %max3A_296 = arith.maximumf %get3A_294, %max3A_295 : vector<16xf32>
          %swap3A = arith.index_cast %scan3A_291 : i32 to index
          %swap3A_297 = arith.constant 0 : index
          %swap3A_298 = tpu.vector_load %arg10[%swap3A, %swap3A_297] {strides = array<i32>} : memref<80x128xf32, #tpu.memory_space<vmem>>, vector<1x16xf32>,
          %swap3A_299 = vector.shape_cast %swap3A_298 : vector<1x16xf32> to vector<16xf32>
          %swap3A_300 = vector.shape_cast %max3A_296 : vector<16xf32> to vector<1x16xf32>
          tpu.vector_store %arg10[%swap3A, %swap3A_297], %swap3A_300 {strides = array<i32>} : memref<80x128xf32, #tpu.memory_space<vmem>>, vector<1x16xf32>,
          %get3A_301 = arith.index_cast %scan3A_291 : i32 to index
          %get3A_302 = arith.constant 16 : index
          %get3A_303 = tpu.vector_load %arg10[%get3A_301, %get3A_302] {strides = array<i32>} : memref<80x128xf32, #tpu.memory_space<vmem>>, vector<1x16xf32>,
          %get3A_304 = vector.shape_cast %get3A_303 : vector<1x16xf32> to vector<16xf32>
          %max3A_305 = arith.constant 0.000000e+00 : f32
          %max3A_306 = vector.broadcast %max3A_305 : f32 to vector<16xf32>
          %max3A_307 = arith.maximumf %get3A_304, %max3A_306 : vector<16xf32>
          %swap3A_308 = arith.index_cast %scan3A_291 : i32 to index
          %swap3A_309 = arith.constant 16 : index
          %swap3A_310 = tpu.vector_load %arg10[%swap3A_308, %swap3A_309] {strides = array<i32>} : memref<80x128xf32, #tpu.memory_space<vmem>>, vector<1x16xf32>,
          %swap3A_311 = vector.shape_cast %swap3A_310 : vector<1x16xf32> to vector<16xf32>
          %swap3A_312 = vector.shape_cast %max3A_307 : vector<16xf32> to vector<1x16xf32>
          tpu.vector_store %arg10[%swap3A_308, %swap3A_309], %swap3A_312 {strides = array<i32>} : memref<80x128xf32, #tpu.memory_space<vmem>>, vector<1x16xf32>,
          %get3A_313 = arith.index_cast %scan3A_291 : i32 to index
          %get3A_314 = arith.constant 32 : index
          %get3A_315 = tpu.vector_load %arg10[%get3A_313, %get3A_314] {strides = array<i32>} : memref<80x128xf32, #tpu.memory_space<vmem>>, vector<1x16xf32>,
          %get3A_316 = vector.shape_cast %get3A_315 : vector<1x16xf32> to vector<16xf32>
          %max3A_317 = arith.constant 0.000000e+00 : f32
          %max3A_318 = vector.broadcast %max3A_317 : f32 to vector<16xf32>
          %max3A_319 = arith.maximumf %get3A_316, %max3A_318 : vector<16xf32>
          %swap3A_320 = arith.index_cast %scan3A_291 : i32 to index
          %swap3A_321 = arith.constant 32 : index
          %swap3A_322 = tpu.vector_load %arg10[%swap3A_320, %swap3A_321] {strides = array<i32>} : memref<80x128xf32, #tpu.memory_space<vmem>>, vector<1x16xf32>,
          %swap3A_323 = vector.shape_cast %swap3A_322 : vector<1x16xf32> to vector<16xf32>
          %swap3A_324 = vector.shape_cast %max3A_319 : vector<16xf32> to vector<1x16xf32>
          tpu.vector_store %arg10[%swap3A_320, %swap3A_321], %swap3A_324 {strides = array<i32>} : memref<80x128xf32, #tpu.memory_space<vmem>>, vector<1x16xf32>,
          %get3A_325 = arith.index_cast %scan3A_291 : i32 to index
          %get3A_326 = arith.constant 48 : index
          %get3A_327 = tpu.vector_load %arg10[%get3A_325, %get3A_326] {strides = array<i32>} : memref<80x128xf32, #tpu.memory_space<vmem>>, vector<1x16xf32>,
          %get3A_328 = vector.shape_cast %get3A_327 : vector<1x16xf32> to vector<16xf32>
          %max3A_329 = arith.constant 0.000000e+00 : f32
          %max3A_330 = vector.broadcast %max3A_329 : f32 to vector<16xf32>
          %max3A_331 = arith.maximumf %get3A_328, %max3A_330 : vector<16xf32>
          %swap3A_332 = arith.index_cast %scan3A_291 : i32 to index
          %swap3A_333 = arith.constant 48 : index
          %swap3A_334 = tpu.vector_load %arg10[%swap3A_332, %swap3A_333] {strides = array<i32>} : memref<80x128xf32, #tpu.memory_space<vmem>>, vector<1x16xf32>,
          %swap3A_335 = vector.shape_cast %swap3A_334 : vector<1x16xf32> to vector<16xf32>
          %swap3A_336 = vector.shape_cast %max3A_331 : vector<16xf32> to vector<1x16xf32>
          tpu.vector_store %arg10[%swap3A_332, %swap3A_333], %swap3A_336 {strides = array<i32>} : memref<80x128xf32, #tpu.memory_space<vmem>>, vector<1x16xf32>,
          %get3A_337 = arith.index_cast %scan3A_291 : i32 to index
          %get3A_338 = arith.constant 64 : index
          %get3A_339 = tpu.vector_load %arg10[%get3A_337, %get3A_338] {strides = array<i32>} : memref<80x128xf32, #tpu.memory_space<vmem>>, vector<1x16xf32>,
          %get3A_340 = vector.shape_cast %get3A_339 : vector<1x16xf32> to vector<16xf32>
          %max3A_341 = arith.constant 0.000000e+00 : f32
          %max3A_342 = vector.broadcast %max3A_341 : f32 to vector<16xf32>
          %max3A_343 = arith.maximumf %get3A_340, %max3A_342 : vector<16xf32>
          %swap3A_344 = arith.index_cast %scan3A_291 : i32 to index
          %swap3A_345 = arith.constant 64 : index
          %swap3A_346 = tpu.vector_load %arg10[%swap3A_344, %swap3A_345] {strides = array<i32>} : memref<80x128xf32, #tpu.memory_space<vmem>>, vector<1x16xf32>,
          %swap3A_347 = vector.shape_cast %swap3A_346 : vector<1x16xf32> to vector<16xf32>
          %swap3A_348 = vector.shape_cast %max3A_343 : vector<16xf32> to vector<1x16xf32>
          tpu.vector_store %arg10[%swap3A_344, %swap3A_345], %swap3A_348 {strides = array<i32>} : memref<80x128xf32, #tpu.memory_space<vmem>>, vector<1x16xf32>,
          %get3A_349 = arith.index_cast %scan3A_291 : i32 to index
          %get3A_350 = arith.constant 80 : index
          %get3A_351 = tpu.vector_load %arg10[%get3A_349, %get3A_350] {strides = array<i32>} : memref<80x128xf32, #tpu.memory_space<vmem>>, vector<1x16xf32>,
          %get3A_352 = vector.shape_cast %get3A_351 : vector<1x16xf32> to vector<16xf32>
          %max3A_353 = arith.constant 0.000000e+00 : f32
          %max3A_354 = vector.broadcast %max3A_353 : f32 to vector<16xf32>
          %max3A_355 = arith.maximumf %get3A_352, %max3A_354 : vector<16xf32>
          %swap3A_356 = arith.index_cast %scan3A_291 : i32 to index
          %swap3A_357 = arith.constant 80 : index
          %swap3A_358 = tpu.vector_load %arg10[%swap3A_356, %swap3A_357] {strides = array<i32>} : memref<80x128xf32, #tpu.memory_space<vmem>>, vector<1x16xf32>,
          %swap3A_359 = vector.shape_cast %swap3A_358 : vector<1x16xf32> to vector<16xf32>
          %swap3A_360 = vector.shape_cast %max3A_355 : vector<16xf32> to vector<1x16xf32>
          tpu.vector_store %arg10[%swap3A_356, %swap3A_357], %swap3A_360 {strides = array<i32>} : memref<80x128xf32, #tpu.memory_space<vmem>>, vector<1x16xf32>,
          %get3A_361 = arith.index_cast %scan3A_291 : i32 to index
          %get3A_362 = arith.constant 96 : index
          %get3A_363 = tpu.vector_load %arg10[%get3A_361, %get3A_362] {strides = array<i32>} : memref<80x128xf32, #tpu.memory_space<vmem>>, vector<1x16xf32>,
          %get3A_364 = vector.shape_cast %get3A_363 : vector<1x16xf32> to vector<16xf32>
          %max3A_365 = arith.constant 0.000000e+00 : f32
          %max3A_366 = vector.broadcast %max3A_365 : f32 to vector<16xf32>
          %max3A_367 = arith.maximumf %get3A_364, %max3A_366 : vector<16xf32>
          %swap3A_368 = arith.index_cast %scan3A_291 : i32 to index
          %swap3A_369 = arith.constant 96 : index
          %swap3A_370 = tpu.vector_load %arg10[%swap3A_368, %swap3A_369] {strides = array<i32>} : memref<80x128xf32, #tpu.memory_space<vmem>>, vector<1x16xf32>,
          %swap3A_371 = vector.shape_cast %swap3A_370 : vector<1x16xf32> to vector<16xf32>
          %swap3A_372 = vector.shape_cast %max3A_367 : vector<16xf32> to vector<1x16xf32>
          tpu.vector_store %arg10[%swap3A_368, %swap3A_369], %swap3A_372 {strides = array<i32>} : memref<80x128xf32, #tpu.memory_space<vmem>>, vector<1x16xf32>,
          %get3A_373 = arith.index_cast %scan3A_291 : i32 to index
          %get3A_374 = arith.constant 112 : index
          %get3A_375 = tpu.vector_load %arg10[%get3A_373, %get3A_374] {strides = array<i32>} : memref<80x128xf32, #tpu.memory_space<vmem>>, vector<1x16xf32>,
          %get3A_376 = vector.shape_cast %get3A_375 : vector<1x16xf32> to vector<16xf32>
          %max3A_377 = arith.constant 0.000000e+00 : f32
          %max3A_378 = vector.broadcast %max3A_377 : f32 to vector<16xf32>
          %max3A_379 = arith.maximumf %get3A_376, %max3A_378 : vector<16xf32>
          %swap3A_380 = arith.index_cast %scan3A_291 : i32 to index
          %swap3A_381 = arith.constant 112 : index
          %swap3A_382 = tpu.vector_load %arg10[%swap3A_380, %swap3A_381] {strides = array<i32>} : memref<80x128xf32, #tpu.memory_space<vmem>>, vector<1x16xf32>,
          %swap3A_383 = vector.shape_cast %swap3A_382 : vector<1x16xf32> to vector<16xf32>
          %swap3A_384 = vector.shape_cast %max3A_379 : vector<16xf32> to vector<1x16xf32>
          tpu.vector_store %arg10[%swap3A_380, %swap3A_381], %swap3A_384 {strides = array<i32>} : memref<80x128xf32, #tpu.memory_space<vmem>>, vector<1x16xf32>,
        }
        %scan3A_284 = arith.constant 80 : i32
        %dma_start3A_285 = arith.constant 0 : i32
        %dma_start3A_286 = tpu.memref_slice %arg8[%add3A_239, %dma_start3A_285] : memref<32x80xi32, #tpu.memory_space<vmem>> -> memref<1x80xi32, #tpu.memory_space<vmem>>
        %dma_start3A_287 = tpu.memref_squeeze %dma_start3A_286 : memref<1x80xi32, #tpu.memory_space<vmem>> -> memref<80xi32, #tpu.memory_space<vmem>>
        %dma_start3A_288 = arith.constant 0 : i32
        %dma_start3A_289 = arith.constant 0 : i32
        %dma_start3A_290 = tpu.memref_slice %arg12[%dma_start3A_288, %dma_start3A_289] : memref<10000x128xf32, #tpu.memory_space<vmem_shared>> -> memref<10000x128xf32, #tpu.memory_space<vmem_shared>>
        tpu.enqueue_indirect_dma source(%arg10 : memref<80x128xf32, #tpu.memory_space<vmem>>) target(%dma_start3A_290 : memref<10000x128xf32, #tpu.memory_space<vmem_shared>>) offsets(%dma_start3A_287 : memref<80xi32, #tpu.memory_space<vmem>>) semaphore(%arg20 : memref<!tpu.dma_semaphore, #tpu.memory_space<semaphore_mem>>) {add = true}
      } else {
      }
      %mul3A_245 = arith.constant 3 : i32
      %mul3A_246 = arith.muli %mul3A_245, %scan3A_227 : i32
      %add3A_247 = arith.constant 2 : i32
      %add3A_248 = arith.addi %mul3A_246, %add3A_247 : i32
      %lt3A_249 = arith.constant 32 : i32
      %lt3A_250 = arith.cmpi slt, %add3A_248, %lt3A_249 : i32
      %convert_element_type3A_251 = arith.extui %lt3A_250 : i1 to i32
      %cond3A_252 = arith.constant 0 : i32
      %cond3A_253 = arith.cmpi ne, %convert_element_type3A_251, %cond3A_252 : i32
      scf.if %cond3A_253 {
        %ge3A = arith.constant 1 : i32
        %ge3A_254 = arith.cmpi sge, %add3A_248, %ge3A : i32
        %convert_element_type3A_255 = arith.extui %ge3A_254 : i1 to i32
        %cond3A_256 = arith.constant 0 : i32
        %cond3A_257 = arith.cmpi ne, %convert_element_type3A_255, %cond3A_256 : i32
        scf.if %cond3A_257 {
          %dma_wait3A_291 = arith.constant 0 : i32
          %dma_wait3A_292 = arith.constant 0 : i32
          %dma_wait3A_293 = tpu.memref_slice %arg8[%dma_wait3A_291, %dma_wait3A_292] : memref<32x80xi32, #tpu.memory_space<vmem>> -> memref<1x80xi32, #tpu.memory_space<vmem>>
          %dma_wait3A_294 = tpu.memref_squeeze %dma_wait3A_293 : memref<1x80xi32, #tpu.memory_space<vmem>> -> memref<80xi32, #tpu.memory_space<vmem>>
          %dma_wait3A_295 = arith.constant 0 : i32
          %dma_wait3A_296 = arith.constant 0 : i32
          %dma_wait3A_297 = tpu.memref_slice %arg12[%dma_wait3A_295, %dma_wait3A_296] : memref<10000x128xf32, #tpu.memory_space<vmem_shared>> -> memref<10000x128xf32, #tpu.memory_space<vmem_shared>>
          tpu.wait_indirect_dma semaphore(%arg20 : memref<!tpu.dma_semaphore, #tpu.memory_space<semaphore_mem>>) src(%arg10 : memref<80x128xf32, #tpu.memory_space<vmem>>) dst(%dma_wait3A_297 : memref<10000x128xf32, #tpu.memory_space<vmem_shared>>)
        } else {
        }
        %add3A_258 = arith.constant 2 : i32
        %add3A_259 = arith.addi %add3A_248, %add3A_258 : i32
        %lt3A_260 = arith.constant 32 : i32
        %lt3A_261 = arith.cmpi slt, %add3A_259, %lt3A_260 : i32
        %convert_element_type3A_262 = arith.extui %lt3A_261 : i1 to i32
        %cond3A_263 = arith.constant 0 : i32
        %cond3A_264 = arith.cmpi ne, %convert_element_type3A_262, %cond3A_263 : i32
        scf.if %cond3A_264 {
          %add3A_291 = arith.constant 2 : i32
          %add3A_292 = arith.addi %add3A_248, %add3A_291 : i32
          %dma_start3A_293 = arith.constant 0 : i32
          %dma_start3A_294 = tpu.memref_slice %arg8[%add3A_292, %dma_start3A_293] : memref<32x80xi32, #tpu.memory_space<vmem>> -> memref<1x80xi32, #tpu.memory_space<vmem>>
          %dma_start3A_295 = tpu.memref_squeeze %dma_start3A_294 : memref<1x80xi32, #tpu.memory_space<vmem>> -> memref<80xi32, #tpu.memory_space<vmem>>
          %dma_start3A_296 = arith.constant 0 : i32
          %dma_start3A_297 = arith.constant 0 : i32
          %dma_start3A_298 = tpu.memref_slice %arg3[%dma_start3A_296, %dma_start3A_297] : memref<10000x128xf32, #tpu.memory_space<hbm>> -> memref<10000x128xf32, #tpu.memory_space<hbm>>
          tpu.enqueue_indirect_dma source(%dma_start3A_298 : memref<10000x128xf32, #tpu.memory_space<hbm>>) target(%arg10 : memref<80x128xf32, #tpu.memory_space<vmem>>) offsets(%dma_start3A_295 : memref<80xi32, #tpu.memory_space<vmem>>) semaphore(%arg14 : memref<!tpu.dma_semaphore, #tpu.memory_space<semaphore_mem>>)
        } else {
        }
        %add3A_265 = arith.constant 1 : i32
        %add3A_266 = arith.addi %add3A_248, %add3A_265 : i32
        %lt3A_267 = arith.constant 32 : i32
        %lt3A_268 = arith.cmpi slt, %add3A_266, %lt3A_267 : i32
        %convert_element_type3A_269 = arith.extui %lt3A_268 : i1 to i32
        %cond3A_270 = arith.constant 0 : i32
        %cond3A_271 = arith.cmpi ne, %convert_element_type3A_269, %cond3A_270 : i32
        scf.if %cond3A_271 {
          %dma_wait3A_291 = arith.constant 0 : i32
          %dma_wait3A_292 = arith.constant 0 : i32
          %dma_wait3A_293 = tpu.memref_slice %arg8[%dma_wait3A_291, %dma_wait3A_292] : memref<32x80xi32, #tpu.memory_space<vmem>> -> memref<1x80xi32, #tpu.memory_space<vmem>>
          %dma_wait3A_294 = tpu.memref_squeeze %dma_wait3A_293 : memref<1x80xi32, #tpu.memory_space<vmem>> -> memref<80xi32, #tpu.memory_space<vmem>>
          %dma_wait3A_295 = arith.constant 0 : i32
          %dma_wait3A_296 = arith.constant 0 : i32
          %dma_wait3A_297 = tpu.memref_slice %arg3[%dma_wait3A_295, %dma_wait3A_296] : memref<10000x128xf32, #tpu.memory_space<hbm>> -> memref<10000x128xf32, #tpu.memory_space<hbm>>
          tpu.wait_indirect_dma semaphore(%arg13 : memref<!tpu.dma_semaphore, #tpu.memory_space<semaphore_mem>>) src(%dma_wait3A_297 : memref<10000x128xf32, #tpu.memory_space<hbm>>) dst(%arg9 : memref<80x128xf32, #tpu.memory_space<vmem>>)
          %add3A_298 = arith.constant 1 : i32
          %add3A_299 = arith.addi %add3A_248, %add3A_298 : i32
          %dma_start3A_300 = arith.constant 0 : i32
          %dma_start3A_301 = tpu.memref_slice %arg7[%add3A_299, %dma_start3A_300] : memref<32x80xi32, #tpu.memory_space<vmem>> -> memref<1x80xi32, #tpu.memory_space<vmem>>
          %dma_start3A_302 = tpu.memref_squeeze %dma_start3A_301 : memref<1x80xi32, #tpu.memory_space<vmem>> -> memref<80xi32, #tpu.memory_space<vmem>>
          %dma_start3A_303 = arith.constant 0 : i32
          %dma_start3A_304 = arith.constant 0 : i32
          %dma_start3A_305 = tpu.memref_slice %arg2[%dma_start3A_303, %dma_start3A_304] : memref<10000x128xf32, #tpu.memory_space<hbm>> -> memref<10000x128xf32, #tpu.memory_space<hbm>>
          tpu.enqueue_indirect_dma source(%dma_start3A_305 : memref<10000x128xf32, #tpu.memory_space<hbm>>) target(%arg9 : memref<80x128xf32, #tpu.memory_space<vmem>>) offsets(%dma_start3A_302 : memref<80xi32, #tpu.memory_space<vmem>>) semaphore(%arg16 : memref<!tpu.dma_semaphore, #tpu.memory_space<semaphore_mem>>) {add = true}
        } else {
        }
        %dma_wait3A_272 = arith.constant 0 : i32
        %dma_wait3A_273 = arith.constant 0 : i32
        %dma_wait3A_274 = tpu.memref_slice %arg7[%dma_wait3A_272, %dma_wait3A_273] : memref<32x80xi32, #tpu.memory_space<vmem>> -> memref<1x80xi32, #tpu.memory_space<vmem>>
        %dma_wait3A_275 = tpu.memref_squeeze %dma_wait3A_274 : memref<1x80xi32, #tpu.memory_space<vmem>> -> memref<80xi32, #tpu.memory_space<vmem>>
        %dma_wait3A_276 = arith.constant 0 : i32
        %dma_wait3A_277 = arith.constant 0 : i32
        %dma_wait3A_278 = tpu.memref_slice %arg2[%dma_wait3A_276, %dma_wait3A_277] : memref<10000x128xf32, #tpu.memory_space<hbm>> -> memref<10000x128xf32, #tpu.memory_space<hbm>>
        tpu.wait_indirect_dma semaphore(%arg18 : memref<!tpu.dma_semaphore, #tpu.memory_space<semaphore_mem>>) src(%dma_wait3A_278 : memref<10000x128xf32, #tpu.memory_space<hbm>>) dst(%arg11 : memref<80x128xf32, #tpu.memory_space<vmem>>)
        %scan3A_279 = arith.constant 0 : i32
        %scan3A_280 = arith.constant 0 : i32
        %scan3A_281 = arith.constant 80 : i32
        %scan3A_282 = arith.addi %scan3A_280, %scan3A_281 : i32
        %scan3A_283 = arith.constant 1 : i32
        scf.for %scan3A_291 = %scan3A_280 to %scan3A_282 step %scan3A_283  : i32 {
          %get3A = arith.index_cast %scan3A_291 : i32 to index
          %get3A_292 = arith.constant 0 : index
          %get3A_293 = tpu.vector_load %arg11[%get3A, %get3A_292] {strides = array<i32>} : memref<80x128xf32, #tpu.memory_space<vmem>>, vector<1x16xf32>,
          %get3A_294 = vector.shape_cast %get3A_293 : vector<1x16xf32> to vector<16xf32>
          %max3A = arith.constant 0.000000e+00 : f32
          %max3A_295 = vector.broadcast %max3A : f32 to vector<16xf32>
          %max3A_296 = arith.maximumf %get3A_294, %max3A_295 : vector<16xf32>
          %swap3A = arith.index_cast %scan3A_291 : i32 to index
          %swap3A_297 = arith.constant 0 : index
          %swap3A_298 = tpu.vector_load %arg11[%swap3A, %swap3A_297] {strides = array<i32>} : memref<80x128xf32, #tpu.memory_space<vmem>>, vector<1x16xf32>,
          %swap3A_299 = vector.shape_cast %swap3A_298 : vector<1x16xf32> to vector<16xf32>
          %swap3A_300 = vector.shape_cast %max3A_296 : vector<16xf32> to vector<1x16xf32>
          tpu.vector_store %arg11[%swap3A, %swap3A_297], %swap3A_300 {strides = array<i32>} : memref<80x128xf32, #tpu.memory_space<vmem>>, vector<1x16xf32>,
          %get3A_301 = arith.index_cast %scan3A_291 : i32 to index
          %get3A_302 = arith.constant 16 : index
          %get3A_303 = tpu.vector_load %arg11[%get3A_301, %get3A_302] {strides = array<i32>} : memref<80x128xf32, #tpu.memory_space<vmem>>, vector<1x16xf32>,
          %get3A_304 = vector.shape_cast %get3A_303 : vector<1x16xf32> to vector<16xf32>
          %max3A_305 = arith.constant 0.000000e+00 : f32
          %max3A_306 = vector.broadcast %max3A_305 : f32 to vector<16xf32>
          %max3A_307 = arith.maximumf %get3A_304, %max3A_306 : vector<16xf32>
          %swap3A_308 = arith.index_cast %scan3A_291 : i32 to index
          %swap3A_309 = arith.constant 16 : index
          %swap3A_310 = tpu.vector_load %arg11[%swap3A_308, %swap3A_309] {strides = array<i32>} : memref<80x128xf32, #tpu.memory_space<vmem>>, vector<1x16xf32>,
          %swap3A_311 = vector.shape_cast %swap3A_310 : vector<1x16xf32> to vector<16xf32>
          %swap3A_312 = vector.shape_cast %max3A_307 : vector<16xf32> to vector<1x16xf32>
          tpu.vector_store %arg11[%swap3A_308, %swap3A_309], %swap3A_312 {strides = array<i32>} : memref<80x128xf32, #tpu.memory_space<vmem>>, vector<1x16xf32>,
          %get3A_313 = arith.index_cast %scan3A_291 : i32 to index
          %get3A_314 = arith.constant 32 : index
          %get3A_315 = tpu.vector_load %arg11[%get3A_313, %get3A_314] {strides = array<i32>} : memref<80x128xf32, #tpu.memory_space<vmem>>, vector<1x16xf32>,
          %get3A_316 = vector.shape_cast %get3A_315 : vector<1x16xf32> to vector<16xf32>
          %max3A_317 = arith.constant 0.000000e+00 : f32
          %max3A_318 = vector.broadcast %max3A_317 : f32 to vector<16xf32>
          %max3A_319 = arith.maximumf %get3A_316, %max3A_318 : vector<16xf32>
          %swap3A_320 = arith.index_cast %scan3A_291 : i32 to index
          %swap3A_321 = arith.constant 32 : index
          %swap3A_322 = tpu.vector_load %arg11[%swap3A_320, %swap3A_321] {strides = array<i32>} : memref<80x128xf32, #tpu.memory_space<vmem>>, vector<1x16xf32>,
          %swap3A_323 = vector.shape_cast %swap3A_322 : vector<1x16xf32> to vector<16xf32>
          %swap3A_324 = vector.shape_cast %max3A_319 : vector<16xf32> to vector<1x16xf32>
          tpu.vector_store %arg11[%swap3A_320, %swap3A_321], %swap3A_324 {strides = array<i32>} : memref<80x128xf32, #tpu.memory_space<vmem>>, vector<1x16xf32>,
          %get3A_325 = arith.index_cast %scan3A_291 : i32 to index
          %get3A_326 = arith.constant 48 : index
          %get3A_327 = tpu.vector_load %arg11[%get3A_325, %get3A_326] {strides = array<i32>} : memref<80x128xf32, #tpu.memory_space<vmem>>, vector<1x16xf32>,
          %get3A_328 = vector.shape_cast %get3A_327 : vector<1x16xf32> to vector<16xf32>
          %max3A_329 = arith.constant 0.000000e+00 : f32
          %max3A_330 = vector.broadcast %max3A_329 : f32 to vector<16xf32>
          %max3A_331 = arith.maximumf %get3A_328, %max3A_330 : vector<16xf32>
          %swap3A_332 = arith.index_cast %scan3A_291 : i32 to index
          %swap3A_333 = arith.constant 48 : index
          %swap3A_334 = tpu.vector_load %arg11[%swap3A_332, %swap3A_333] {strides = array<i32>} : memref<80x128xf32, #tpu.memory_space<vmem>>, vector<1x16xf32>,
          %swap3A_335 = vector.shape_cast %swap3A_334 : vector<1x16xf32> to vector<16xf32>
          %swap3A_336 = vector.shape_cast %max3A_331 : vector<16xf32> to vector<1x16xf32>
          tpu.vector_store %arg11[%swap3A_332, %swap3A_333], %swap3A_336 {strides = array<i32>} : memref<80x128xf32, #tpu.memory_space<vmem>>, vector<1x16xf32>,
          %get3A_337 = arith.index_cast %scan3A_291 : i32 to index
          %get3A_338 = arith.constant 64 : index
          %get3A_339 = tpu.vector_load %arg11[%get3A_337, %get3A_338] {strides = array<i32>} : memref<80x128xf32, #tpu.memory_space<vmem>>, vector<1x16xf32>,
          %get3A_340 = vector.shape_cast %get3A_339 : vector<1x16xf32> to vector<16xf32>
          %max3A_341 = arith.constant 0.000000e+00 : f32
          %max3A_342 = vector.broadcast %max3A_341 : f32 to vector<16xf32>
          %max3A_343 = arith.maximumf %get3A_340, %max3A_342 : vector<16xf32>
          %swap3A_344 = arith.index_cast %scan3A_291 : i32 to index
          %swap3A_345 = arith.constant 64 : index
          %swap3A_346 = tpu.vector_load %arg11[%swap3A_344, %swap3A_345] {strides = array<i32>} : memref<80x128xf32, #tpu.memory_space<vmem>>, vector<1x16xf32>,
          %swap3A_347 = vector.shape_cast %swap3A_346 : vector<1x16xf32> to vector<16xf32>
          %swap3A_348 = vector.shape_cast %max3A_343 : vector<16xf32> to vector<1x16xf32>
          tpu.vector_store %arg11[%swap3A_344, %swap3A_345], %swap3A_348 {strides = array<i32>} : memref<80x128xf32, #tpu.memory_space<vmem>>, vector<1x16xf32>,
          %get3A_349 = arith.index_cast %scan3A_291 : i32 to index
          %get3A_350 = arith.constant 80 : index
          %get3A_351 = tpu.vector_load %arg11[%get3A_349, %get3A_350] {strides = array<i32>} : memref<80x128xf32, #tpu.memory_space<vmem>>, vector<1x16xf32>,
          %get3A_352 = vector.shape_cast %get3A_351 : vector<1x16xf32> to vector<16xf32>
          %max3A_353 = arith.constant 0.000000e+00 : f32
          %max3A_354 = vector.broadcast %max3A_353 : f32 to vector<16xf32>
          %max3A_355 = arith.maximumf %get3A_352, %max3A_354 : vector<16xf32>
          %swap3A_356 = arith.index_cast %scan3A_291 : i32 to index
          %swap3A_357 = arith.constant 80 : index
          %swap3A_358 = tpu.vector_load %arg11[%swap3A_356, %swap3A_357] {strides = array<i32>} : memref<80x128xf32, #tpu.memory_space<vmem>>, vector<1x16xf32>,
          %swap3A_359 = vector.shape_cast %swap3A_358 : vector<1x16xf32> to vector<16xf32>
          %swap3A_360 = vector.shape_cast %max3A_355 : vector<16xf32> to vector<1x16xf32>
          tpu.vector_store %arg11[%swap3A_356, %swap3A_357], %swap3A_360 {strides = array<i32>} : memref<80x128xf32, #tpu.memory_space<vmem>>, vector<1x16xf32>,
          %get3A_361 = arith.index_cast %scan3A_291 : i32 to index
          %get3A_362 = arith.constant 96 : index
          %get3A_363 = tpu.vector_load %arg11[%get3A_361, %get3A_362] {strides = array<i32>} : memref<80x128xf32, #tpu.memory_space<vmem>>, vector<1x16xf32>,
          %get3A_364 = vector.shape_cast %get3A_363 : vector<1x16xf32> to vector<16xf32>
          %max3A_365 = arith.constant 0.000000e+00 : f32
          %max3A_366 = vector.broadcast %max3A_365 : f32 to vector<16xf32>
          %max3A_367 = arith.maximumf %get3A_364, %max3A_366 : vector<16xf32>
          %swap3A_368 = arith.index_cast %scan3A_291 : i32 to index
          %swap3A_369 = arith.constant 96 : index
          %swap3A_370 = tpu.vector_load %arg11[%swap3A_368, %swap3A_369] {strides = array<i32>} : memref<80x128xf32, #tpu.memory_space<vmem>>, vector<1x16xf32>,
          %swap3A_371 = vector.shape_cast %swap3A_370 : vector<1x16xf32> to vector<16xf32>
          %swap3A_372 = vector.shape_cast %max3A_367 : vector<16xf32> to vector<1x16xf32>
          tpu.vector_store %arg11[%swap3A_368, %swap3A_369], %swap3A_372 {strides = array<i32>} : memref<80x128xf32, #tpu.memory_space<vmem>>, vector<1x16xf32>,
          %get3A_373 = arith.index_cast %scan3A_291 : i32 to index
          %get3A_374 = arith.constant 112 : index
          %get3A_375 = tpu.vector_load %arg11[%get3A_373, %get3A_374] {strides = array<i32>} : memref<80x128xf32, #tpu.memory_space<vmem>>, vector<1x16xf32>,
          %get3A_376 = vector.shape_cast %get3A_375 : vector<1x16xf32> to vector<16xf32>
          %max3A_377 = arith.constant 0.000000e+00 : f32
          %max3A_378 = vector.broadcast %max3A_377 : f32 to vector<16xf32>
          %max3A_379 = arith.maximumf %get3A_376, %max3A_378 : vector<16xf32>
          %swap3A_380 = arith.index_cast %scan3A_291 : i32 to index
          %swap3A_381 = arith.constant 112 : index
          %swap3A_382 = tpu.vector_load %arg11[%swap3A_380, %swap3A_381] {strides = array<i32>} : memref<80x128xf32, #tpu.memory_space<vmem>>, vector<1x16xf32>,
          %swap3A_383 = vector.shape_cast %swap3A_382 : vector<1x16xf32> to vector<16xf32>
          %swap3A_384 = vector.shape_cast %max3A_379 : vector<16xf32> to vector<1x16xf32>
          tpu.vector_store %arg11[%swap3A_380, %swap3A_381], %swap3A_384 {strides = array<i32>} : memref<80x128xf32, #tpu.memory_space<vmem>>, vector<1x16xf32>,
        }
        %scan3A_284 = arith.constant 80 : i32
        %dma_start3A_285 = arith.constant 0 : i32
        %dma_start3A_286 = tpu.memref_slice %arg8[%add3A_248, %dma_start3A_285] : memref<32x80xi32, #tpu.memory_space<vmem>> -> memref<1x80xi32, #tpu.memory_space<vmem>>
        %dma_start3A_287 = tpu.memref_squeeze %dma_start3A_286 : memref<1x80xi32, #tpu.memory_space<vmem>> -> memref<80xi32, #tpu.memory_space<vmem>>
        %dma_start3A_288 = arith.constant 0 : i32
        %dma_start3A_289 = arith.constant 0 : i32
        %dma_start3A_290 = tpu.memref_slice %arg12[%dma_start3A_288, %dma_start3A_289] : memref<10000x128xf32, #tpu.memory_space<vmem_shared>> -> memref<10000x128xf32, #tpu.memory_space<vmem_shared>>
        tpu.enqueue_indirect_dma source(%arg11 : memref<80x128xf32, #tpu.memory_space<vmem>>) target(%dma_start3A_290 : memref<10000x128xf32, #tpu.memory_space<vmem_shared>>) offsets(%dma_start3A_287 : memref<80xi32, #tpu.memory_space<vmem>>) semaphore(%arg21 : memref<!tpu.dma_semaphore, #tpu.memory_space<semaphore_mem>>) {add = true}
      } else {
      }
    }
    %scan3A_140 = arith.constant 11 : i32
    %dma_wait3A_141 = arith.constant 0 : i32
    %dma_wait3A_142 = arith.constant 0 : i32
    %dma_wait3A_143 = tpu.memref_slice %arg8[%dma_wait3A_141, %dma_wait3A_142] : memref<32x80xi32, #tpu.memory_space<vmem>> -> memref<1x80xi32, #tpu.memory_space<vmem>>
    %dma_wait3A_144 = tpu.memref_squeeze %dma_wait3A_143 : memref<1x80xi32, #tpu.memory_space<vmem>> -> memref<80xi32, #tpu.memory_space<vmem>>
    %dma_wait3A_145 = arith.constant 0 : i32
    %dma_wait3A_146 = arith.constant 0 : i32
    %dma_wait3A_147 = tpu.memref_slice %arg12[%dma_wait3A_145, %dma_wait3A_146] : memref<10000x128xf32, #tpu.memory_space<vmem_shared>> -> memref<10000x128xf32, #tpu.memory_space<vmem_shared>>
    tpu.wait_indirect_dma semaphore(%arg20 : memref<!tpu.dma_semaphore, #tpu.memory_space<semaphore_mem>>) src(%arg10 : memref<80x128xf32, #tpu.memory_space<vmem>>) dst(%dma_wait3A_147 : memref<10000x128xf32, #tpu.memory_space<vmem_shared>>)
    "tpu.region"() ({
      %run_scoped3A = tpu.sem_alloc : memref<!tpu.dma_semaphore, #tpu.memory_space<semaphore_mem>>
      %dma_start3A_227 = arith.constant 0 : i32
      %dma_start3A_228 = arith.constant 0 : i32
      %dma_start3A_229 = tpu.memref_slice %arg7[%dma_start3A_227, %dma_start3A_228] : memref<32x80xi32, #tpu.memory_space<vmem>> -> memref<29x80xi32, #tpu.memory_space<vmem>>
      %dma_start3A_230 = arith.constant 0 : i32
      %dma_start3A_231 = arith.constant 0 : i32
      %dma_start3A_232 = tpu.memref_slice %arg4[%add3A, %dma_start3A_230, %dma_start3A_231] : memref<32x125x80xi32, #tpu.memory_space<hbm>> -> memref<1x125x80xi32, #tpu.memory_space<hbm>>
      %dma_start3A_233 = tpu.memref_squeeze %dma_start3A_232 : memref<1x125x80xi32, #tpu.memory_space<hbm>> -> memref<125x80xi32, #tpu.memory_space<hbm>>
      %dma_start3A_234 = arith.constant 96 : i32
      %dma_start3A_235 = arith.constant 0 : i32
      %dma_start3A_236 = tpu.memref_slice %dma_start3A_233[%dma_start3A_234, %dma_start3A_235] : memref<125x80xi32, #tpu.memory_space<hbm>> -> memref<29x80xi32, #tpu.memory_space<hbm>>
      %dma_start3A_237 = arith.constant 0 : i32
      %dma_start3A_238 = arith.constant 0 : i32
      %dma_start3A_239 = tpu.memref_slice %arg7[%dma_start3A_237, %dma_start3A_238] : memref<32x80xi32, #tpu.memory_space<vmem>> -> memref<29x80xi32, #tpu.memory_space<vmem>>
      %dma_start3A_240 = arith.constant 0 : i32
      %dma_start3A_241 = arith.constant 0 : i32
      %dma_start3A_242 = tpu.memref_slice %arg4[%add3A, %dma_start3A_240, %dma_start3A_241] : memref<32x125x80xi32, #tpu.memory_space<hbm>> -> memref<1x125x80xi32, #tpu.memory_space<hbm>>
      %dma_start3A_243 = tpu.memref_squeeze %dma_start3A_242 : memref<1x125x80xi32, #tpu.memory_space<hbm>> -> memref<125x80xi32, #tpu.memory_space<hbm>>
      %dma_start3A_244 = arith.constant 96 : i32
      %dma_start3A_245 = arith.constant 0 : i32
      %dma_start3A_246 = tpu.memref_slice %dma_start3A_243[%dma_start3A_244, %dma_start3A_245] : memref<125x80xi32, #tpu.memory_space<hbm>> -> memref<29x80xi32, #tpu.memory_space<hbm>>
      tpu.enqueue_dma source(%dma_start3A_246 : memref<29x80xi32, #tpu.memory_space<hbm>>) target(%dma_start3A_239 : memref<29x80xi32, #tpu.memory_space<vmem>>) target_semaphore(%run_scoped3A : memref<!tpu.dma_semaphore, #tpu.memory_space<semaphore_mem>>)
      %dma_wait3A_247 = arith.constant 0 : i32
      %dma_wait3A_248 = arith.constant 0 : i32
      %dma_wait3A_249 = tpu.memref_slice %arg7[%dma_wait3A_247, %dma_wait3A_248] : memref<32x80xi32, #tpu.memory_space<vmem>> -> memref<29x80xi32, #tpu.memory_space<vmem>>
      %dma_wait3A_250 = arith.constant 0 : i32
      %dma_wait3A_251 = arith.constant 0 : i32
      %dma_wait3A_252 = tpu.memref_slice %arg4[%add3A, %dma_wait3A_250, %dma_wait3A_251] : memref<32x125x80xi32, #tpu.memory_space<hbm>> -> memref<1x125x80xi32, #tpu.memory_space<hbm>>
      %dma_wait3A_253 = tpu.memref_squeeze %dma_wait3A_252 : memref<1x125x80xi32, #tpu.memory_space<hbm>> -> memref<125x80xi32, #tpu.memory_space<hbm>>
      %dma_wait3A_254 = arith.constant 96 : i32
      %dma_wait3A_255 = arith.constant 0 : i32
      %dma_wait3A_256 = tpu.memref_slice %dma_wait3A_253[%dma_wait3A_254, %dma_wait3A_255] : memref<125x80xi32, #tpu.memory_space<hbm>> -> memref<29x80xi32, #tpu.memory_space<hbm>>
      %dma_wait3A_257 = arith.constant 0 : i32
      %dma_wait3A_258 = arith.constant 0 : i32
      %dma_wait3A_259 = tpu.memref_slice %arg7[%dma_wait3A_257, %dma_wait3A_258] : memref<32x80xi32, #tpu.memory_space<vmem>> -> memref<29x80xi32, #tpu.memory_space<vmem>>
      %dma_wait3A_260 = arith.constant 0 : i32
      %dma_wait3A_261 = arith.constant 0 : i32
      %dma_wait3A_262 = tpu.memref_slice %arg4[%add3A, %dma_wait3A_260, %dma_wait3A_261] : memref<32x125x80xi32, #tpu.memory_space<hbm>> -> memref<1x125x80xi32, #tpu.memory_space<hbm>>
      %dma_wait3A_263 = tpu.memref_squeeze %dma_wait3A_262 : memref<1x125x80xi32, #tpu.memory_space<hbm>> -> memref<125x80xi32, #tpu.memory_space<hbm>>
      %dma_wait3A_264 = arith.constant 96 : i32
      %dma_wait3A_265 = arith.constant 0 : i32
      %dma_wait3A_266 = tpu.memref_slice %dma_wait3A_263[%dma_wait3A_264, %dma_wait3A_265] : memref<125x80xi32, #tpu.memory_space<hbm>> -> memref<29x80xi32, #tpu.memory_space<hbm>>
      tpu.wait_dma2 semaphore(%run_scoped3A : memref<!tpu.dma_semaphore, #tpu.memory_space<semaphore_mem>>) src(%dma_wait3A_266 : memref<29x80xi32, #tpu.memory_space<hbm>>) dst(%dma_wait3A_259 : memref<29x80xi32, #tpu.memory_space<vmem>>)
      tpu.yield
    }) : () -> ()
    "tpu.region"() ({
      %run_scoped3A = tpu.sem_alloc : memref<!tpu.dma_semaphore, #tpu.memory_space<semaphore_mem>>
      %dma_start3A_227 = arith.constant 0 : i32
      %dma_start3A_228 = arith.constant 0 : i32
      %dma_start3A_229 = tpu.memref_slice %arg8[%dma_start3A_227, %dma_start3A_228] : memref<32x80xi32, #tpu.memory_space<vmem>> -> memref<29x80xi32, #tpu.memory_space<vmem>>
      %dma_start3A_230 = arith.constant 0 : i32
      %dma_start3A_231 = arith.constant 0 : i32
      %dma_start3A_232 = tpu.memref_slice %arg5[%add3A, %dma_start3A_230, %dma_start3A_231] : memref<32x125x80xi32, #tpu.memory_space<hbm>> -> memref<1x125x80xi32, #tpu.memory_space<hbm>>
      %dma_start3A_233 = tpu.memref_squeeze %dma_start3A_232 : memref<1x125x80xi32, #tpu.memory_space<hbm>> -> memref<125x80xi32, #tpu.memory_space<hbm>>
      %dma_start3A_234 = arith.constant 96 : i32
      %dma_start3A_235 = arith.constant 0 : i32
      %dma_start3A_236 = tpu.memref_slice %dma_start3A_233[%dma_start3A_234, %dma_start3A_235] : memref<125x80xi32, #tpu.memory_space<hbm>> -> memref<29x80xi32, #tpu.memory_space<hbm>>
      %dma_start3A_237 = arith.constant 0 : i32
      %dma_start3A_238 = arith.constant 0 : i32
      %dma_start3A_239 = tpu.memref_slice %arg8[%dma_start3A_237, %dma_start3A_238] : memref<32x80xi32, #tpu.memory_space<vmem>> -> memref<29x80xi32, #tpu.memory_space<vmem>>
      %dma_start3A_240 = arith.constant 0 : i32
      %dma_start3A_241 = arith.constant 0 : i32
      %dma_start3A_242 = tpu.memref_slice %arg5[%add3A, %dma_start3A_240, %dma_start3A_241] : memref<32x125x80xi32, #tpu.memory_space<hbm>> -> memref<1x125x80xi32, #tpu.memory_space<hbm>>
      %dma_start3A_243 = tpu.memref_squeeze %dma_start3A_242 : memref<1x125x80xi32, #tpu.memory_space<hbm>> -> memref<125x80xi32, #tpu.memory_space<hbm>>
      %dma_start3A_244 = arith.constant 96 : i32
      %dma_start3A_245 = arith.constant 0 : i32
      %dma_start3A_246 = tpu.memref_slice %dma_start3A_243[%dma_start3A_244, %dma_start3A_245] : memref<125x80xi32, #tpu.memory_space<hbm>> -> memref<29x80xi32, #tpu.memory_space<hbm>>
      tpu.enqueue_dma source(%dma_start3A_246 : memref<29x80xi32, #tpu.memory_space<hbm>>) target(%dma_start3A_239 : memref<29x80xi32, #tpu.memory_space<vmem>>) target_semaphore(%run_scoped3A : memref<!tpu.dma_semaphore, #tpu.memory_space<semaphore_mem>>)
      %dma_wait3A_247 = arith.constant 0 : i32
      %dma_wait3A_248 = arith.constant 0 : i32
      %dma_wait3A_249 = tpu.memref_slice %arg8[%dma_wait3A_247, %dma_wait3A_248] : memref<32x80xi32, #tpu.memory_space<vmem>> -> memref<29x80xi32, #tpu.memory_space<vmem>>
      %dma_wait3A_250 = arith.constant 0 : i32
      %dma_wait3A_251 = arith.constant 0 : i32
      %dma_wait3A_252 = tpu.memref_slice %arg5[%add3A, %dma_wait3A_250, %dma_wait3A_251] : memref<32x125x80xi32, #tpu.memory_space<hbm>> -> memref<1x125x80xi32, #tpu.memory_space<hbm>>
      %dma_wait3A_253 = tpu.memref_squeeze %dma_wait3A_252 : memref<1x125x80xi32, #tpu.memory_space<hbm>> -> memref<125x80xi32, #tpu.memory_space<hbm>>
      %dma_wait3A_254 = arith.constant 96 : i32
      %dma_wait3A_255 = arith.constant 0 : i32
      %dma_wait3A_256 = tpu.memref_slice %dma_wait3A_253[%dma_wait3A_254, %dma_wait3A_255] : memref<125x80xi32, #tpu.memory_space<hbm>> -> memref<29x80xi32, #tpu.memory_space<hbm>>
      %dma_wait3A_257 = arith.constant 0 : i32
      %dma_wait3A_258 = arith.constant 0 : i32
      %dma_wait3A_259 = tpu.memref_slice %arg8[%dma_wait3A_257, %dma_wait3A_258] : memref<32x80xi32, #tpu.memory_space<vmem>> -> memref<29x80xi32, #tpu.memory_space<vmem>>
      %dma_wait3A_260 = arith.constant 0 : i32
      %dma_wait3A_261 = arith.constant 0 : i32
      %dma_wait3A_262 = tpu.memref_slice %arg5[%add3A, %dma_wait3A_260, %dma_wait3A_261] : memref<32x125x80xi32, #tpu.memory_space<hbm>> -> memref<1x125x80xi32, #tpu.memory_space<hbm>>
      %dma_wait3A_263 = tpu.memref_squeeze %dma_wait3A_262 : memref<1x125x80xi32, #tpu.memory_space<hbm>> -> memref<125x80xi32, #tpu.memory_space<hbm>>
      %dma_wait3A_264 = arith.constant 96 : i32
      %dma_wait3A_265 = arith.constant 0 : i32
      %dma_wait3A_266 = tpu.memref_slice %dma_wait3A_263[%dma_wait3A_264, %dma_wait3A_265] : memref<125x80xi32, #tpu.memory_space<hbm>> -> memref<29x80xi32, #tpu.memory_space<hbm>>
      tpu.wait_dma2 semaphore(%run_scoped3A : memref<!tpu.dma_semaphore, #tpu.memory_space<semaphore_mem>>) src(%dma_wait3A_266 : memref<29x80xi32, #tpu.memory_space<hbm>>) dst(%dma_wait3A_259 : memref<29x80xi32, #tpu.memory_space<vmem>>)
      tpu.yield
    }) : () -> ()
    %dma_start3A_148 = arith.constant 0 : i32
    %dma_start3A_149 = arith.constant 0 : i32
    %dma_start3A_150 = tpu.memref_slice %arg8[%dma_start3A_148, %dma_start3A_149] : memref<32x80xi32, #tpu.memory_space<vmem>> -> memref<1x80xi32, #tpu.memory_space<vmem>>
    %dma_start3A_151 = tpu.memref_squeeze %dma_start3A_150 : memref<1x80xi32, #tpu.memory_space<vmem>> -> memref<80xi32, #tpu.memory_space<vmem>>
    %dma_start3A_152 = arith.constant 0 : i32
    %dma_start3A_153 = arith.constant 0 : i32
    %dma_start3A_154 = tpu.memref_slice %arg3[%dma_start3A_152, %dma_start3A_153] : memref<10000x128xf32, #tpu.memory_space<hbm>> -> memref<10000x128xf32, #tpu.memory_space<hbm>>
    tpu.enqueue_indirect_dma source(%dma_start3A_154 : memref<10000x128xf32, #tpu.memory_space<hbm>>) target(%arg9 : memref<80x128xf32, #tpu.memory_space<vmem>>) offsets(%dma_start3A_151 : memref<80xi32, #tpu.memory_space<vmem>>) semaphore(%arg13 : memref<!tpu.dma_semaphore, #tpu.memory_space<semaphore_mem>>)
    %dma_start3A_155 = arith.constant 1 : i32
    %dma_start3A_156 = arith.constant 0 : i32
    %dma_start3A_157 = tpu.memref_slice %arg8[%dma_start3A_155, %dma_start3A_156] : memref<32x80xi32, #tpu.memory_space<vmem>> -> memref<1x80xi32, #tpu.memory_space<vmem>>
    %dma_start3A_158 = tpu.memref_squeeze %dma_start3A_157 : memref<1x80xi32, #tpu.memory_space<vmem>> -> memref<80xi32, #tpu.memory_space<vmem>>
    %dma_start3A_159 = arith.constant 0 : i32
    %dma_start3A_160 = arith.constant 0 : i32
    %dma_start3A_161 = tpu.memref_slice %arg3[%dma_start3A_159, %dma_start3A_160] : memref<10000x128xf32, #tpu.memory_space<hbm>> -> memref<10000x128xf32, #tpu.memory_space<hbm>>
    tpu.enqueue_indirect_dma source(%dma_start3A_161 : memref<10000x128xf32, #tpu.memory_space<hbm>>) target(%arg10 : memref<80x128xf32, #tpu.memory_space<vmem>>) offsets(%dma_start3A_158 : memref<80xi32, #tpu.memory_space<vmem>>) semaphore(%arg14 : memref<!tpu.dma_semaphore, #tpu.memory_space<semaphore_mem>>)
    %dma_wait3A_162 = arith.constant 0 : i32
    %dma_wait3A_163 = arith.constant 0 : i32
    %dma_wait3A_164 = tpu.memref_slice %arg8[%dma_wait3A_162, %dma_wait3A_163] : memref<32x80xi32, #tpu.memory_space<vmem>> -> memref<1x80xi32, #tpu.memory_space<vmem>>
    %dma_wait3A_165 = tpu.memref_squeeze %dma_wait3A_164 : memref<1x80xi32, #tpu.memory_space<vmem>> -> memref<80xi32, #tpu.memory_space<vmem>>
    %dma_wait3A_166 = arith.constant 0 : i32
    %dma_wait3A_167 = arith.constant 0 : i32
    %dma_wait3A_168 = tpu.memref_slice %arg3[%dma_wait3A_166, %dma_wait3A_167] : memref<10000x128xf32, #tpu.memory_space<hbm>> -> memref<10000x128xf32, #tpu.memory_space<hbm>>
    tpu.wait_indirect_dma semaphore(%arg13 : memref<!tpu.dma_semaphore, #tpu.memory_space<semaphore_mem>>) src(%dma_wait3A_168 : memref<10000x128xf32, #tpu.memory_space<hbm>>) dst(%arg9 : memref<80x128xf32, #tpu.memory_space<vmem>>)
    %dma_start3A_169 = arith.constant 0 : i32
    %dma_start3A_170 = arith.constant 0 : i32
    %dma_start3A_171 = tpu.memref_slice %arg7[%dma_start3A_169, %dma_start3A_170] : memref<32x80xi32, #tpu.memory_space<vmem>> -> memref<1x80xi32, #tpu.memory_space<vmem>>
    %dma_start3A_172 = tpu.memref_squeeze %dma_start3A_171 : memref<1x80xi32, #tpu.memory_space<vmem>> -> memref<80xi32, #tpu.memory_space<vmem>>
    %dma_start3A_173 = arith.constant 0 : i32
    %dma_start3A_174 = arith.constant 0 : i32
    %dma_start3A_175 = tpu.memref_slice %arg2[%dma_start3A_173, %dma_start3A_174] : memref<10000x128xf32, #tpu.memory_space<hbm>> -> memref<10000x128xf32, #tpu.memory_space<hbm>>
    tpu.enqueue_indirect_dma source(%dma_start3A_175 : memref<10000x128xf32, #tpu.memory_space<hbm>>) target(%arg9 : memref<80x128xf32, #tpu.memory_space<vmem>>) offsets(%dma_start3A_172 : memref<80xi32, #tpu.memory_space<vmem>>) semaphore(%arg16 : memref<!tpu.dma_semaphore, #tpu.memory_space<semaphore_mem>>) {add = true}
    %scan3A_176 = arith.constant 0 : i32
    %scan3A_177 = arith.constant 0 : i32
    %scan3A_178 = arith.constant 10 : i32
    %scan3A_179 = arith.addi %scan3A_177, %scan3A_178 : i32
    %scan3A_180 = arith.constant 1 : i32
    scf.for %scan3A_227 = %scan3A_177 to %scan3A_179 step %scan3A_180  : i32 {
      %mul3A_228 = arith.constant 3 : i32
      %mul3A_229 = arith.muli %mul3A_228, %scan3A_227 : i32
      %add3A_230 = arith.constant 0 : i32
      %add3A_231 = arith.addi %mul3A_229, %add3A_230 : i32
      %lt3A = arith.constant 29 : i32
      %lt3A_232 = arith.cmpi slt, %add3A_231, %lt3A : i32
      %convert_element_type3A_233 = arith.extui %lt3A_232 : i1 to i32
      %cond3A_234 = arith.constant 0 : i32
      %cond3A_235 = arith.cmpi ne, %convert_element_type3A_233, %cond3A_234 : i32
      scf.if %cond3A_235 {
        %ge3A = arith.constant 1 : i32
        %ge3A_254 = arith.cmpi sge, %add3A_231, %ge3A : i32
        %convert_element_type3A_255 = arith.extui %ge3A_254 : i1 to i32
        %cond3A_256 = arith.constant 0 : i32
        %cond3A_257 = arith.cmpi ne, %convert_element_type3A_255, %cond3A_256 : i32
        scf.if %cond3A_257 {
          %dma_wait3A_291 = arith.constant 0 : i32
          %dma_wait3A_292 = arith.constant 0 : i32
          %dma_wait3A_293 = tpu.memref_slice %arg8[%dma_wait3A_291, %dma_wait3A_292] : memref<32x80xi32, #tpu.memory_space<vmem>> -> memref<1x80xi32, #tpu.memory_space<vmem>>
          %dma_wait3A_294 = tpu.memref_squeeze %dma_wait3A_293 : memref<1x80xi32, #tpu.memory_space<vmem>> -> memref<80xi32, #tpu.memory_space<vmem>>
          %dma_wait3A_295 = arith.constant 0 : i32
          %dma_wait3A_296 = arith.constant 0 : i32
          %dma_wait3A_297 = tpu.memref_slice %arg12[%dma_wait3A_295, %dma_wait3A_296] : memref<10000x128xf32, #tpu.memory_space<vmem_shared>> -> memref<10000x128xf32, #tpu.memory_space<vmem_shared>>
          tpu.wait_indirect_dma semaphore(%arg21 : memref<!tpu.dma_semaphore, #tpu.memory_space<semaphore_mem>>) src(%arg11 : memref<80x128xf32, #tpu.memory_space<vmem>>) dst(%dma_wait3A_297 : memref<10000x128xf32, #tpu.memory_space<vmem_shared>>)
        } else {
        }
        %add3A_258 = arith.constant 2 : i32
        %add3A_259 = arith.addi %add3A_231, %add3A_258 : i32
        %lt3A_260 = arith.constant 29 : i32
        %lt3A_261 = arith.cmpi slt, %add3A_259, %lt3A_260 : i32
        %convert_element_type3A_262 = arith.extui %lt3A_261 : i1 to i32
        %cond3A_263 = arith.constant 0 : i32
        %cond3A_264 = arith.cmpi ne, %convert_element_type3A_262, %cond3A_263 : i32
        scf.if %cond3A_264 {
          %add3A_291 = arith.constant 2 : i32
          %add3A_292 = arith.addi %add3A_231, %add3A_291 : i32
          %dma_start3A_293 = arith.constant 0 : i32
          %dma_start3A_294 = tpu.memref_slice %arg8[%add3A_292, %dma_start3A_293] : memref<32x80xi32, #tpu.memory_space<vmem>> -> memref<1x80xi32, #tpu.memory_space<vmem>>
          %dma_start3A_295 = tpu.memref_squeeze %dma_start3A_294 : memref<1x80xi32, #tpu.memory_space<vmem>> -> memref<80xi32, #tpu.memory_space<vmem>>
          %dma_start3A_296 = arith.constant 0 : i32
          %dma_start3A_297 = arith.constant 0 : i32
          %dma_start3A_298 = tpu.memref_slice %arg3[%dma_start3A_296, %dma_start3A_297] : memref<10000x128xf32, #tpu.memory_space<hbm>> -> memref<10000x128xf32, #tpu.memory_space<hbm>>
          tpu.enqueue_indirect_dma source(%dma_start3A_298 : memref<10000x128xf32, #tpu.memory_space<hbm>>) target(%arg11 : memref<80x128xf32, #tpu.memory_space<vmem>>) offsets(%dma_start3A_295 : memref<80xi32, #tpu.memory_space<vmem>>) semaphore(%arg15 : memref<!tpu.dma_semaphore, #tpu.memory_space<semaphore_mem>>)
        } else {
        }
        %add3A_265 = arith.constant 1 : i32
        %add3A_266 = arith.addi %add3A_231, %add3A_265 : i32
        %lt3A_267 = arith.constant 29 : i32
        %lt3A_268 = arith.cmpi slt, %add3A_266, %lt3A_267 : i32
        %convert_element_type3A_269 = arith.extui %lt3A_268 : i1 to i32
        %cond3A_270 = arith.constant 0 : i32
        %cond3A_271 = arith.cmpi ne, %convert_element_type3A_269, %cond3A_270 : i32
        scf.if %cond3A_271 {
          %dma_wait3A_291 = arith.constant 0 : i32
          %dma_wait3A_292 = arith.constant 0 : i32
          %dma_wait3A_293 = tpu.memref_slice %arg8[%dma_wait3A_291, %dma_wait3A_292] : memref<32x80xi32, #tpu.memory_space<vmem>> -> memref<1x80xi32, #tpu.memory_space<vmem>>
          %dma_wait3A_294 = tpu.memref_squeeze %dma_wait3A_293 : memref<1x80xi32, #tpu.memory_space<vmem>> -> memref<80xi32, #tpu.memory_space<vmem>>
          %dma_wait3A_295 = arith.constant 0 : i32
          %dma_wait3A_296 = arith.constant 0 : i32
          %dma_wait3A_297 = tpu.memref_slice %arg3[%dma_wait3A_295, %dma_wait3A_296] : memref<10000x128xf32, #tpu.memory_space<hbm>> -> memref<10000x128xf32, #tpu.memory_space<hbm>>
          tpu.wait_indirect_dma semaphore(%arg14 : memref<!tpu.dma_semaphore, #tpu.memory_space<semaphore_mem>>) src(%dma_wait3A_297 : memref<10000x128xf32, #tpu.memory_space<hbm>>) dst(%arg10 : memref<80x128xf32, #tpu.memory_space<vmem>>)
          %add3A_298 = arith.constant 1 : i32
          %add3A_299 = arith.addi %add3A_231, %add3A_298 : i32
          %dma_start3A_300 = arith.constant 0 : i32
          %dma_start3A_301 = tpu.memref_slice %arg7[%add3A_299, %dma_start3A_300] : memref<32x80xi32, #tpu.memory_space<vmem>> -> memref<1x80xi32, #tpu.memory_space<vmem>>
          %dma_start3A_302 = tpu.memref_squeeze %dma_start3A_301 : memref<1x80xi32, #tpu.memory_space<vmem>> -> memref<80xi32, #tpu.memory_space<vmem>>
          %dma_start3A_303 = arith.constant 0 : i32
          %dma_start3A_304 = arith.constant 0 : i32
          %dma_start3A_305 = tpu.memref_slice %arg2[%dma_start3A_303, %dma_start3A_304] : memref<10000x128xf32, #tpu.memory_space<hbm>> -> memref<10000x128xf32, #tpu.memory_space<hbm>>
          tpu.enqueue_indirect_dma source(%dma_start3A_305 : memref<10000x128xf32, #tpu.memory_space<hbm>>) target(%arg10 : memref<80x128xf32, #tpu.memory_space<vmem>>) offsets(%dma_start3A_302 : memref<80xi32, #tpu.memory_space<vmem>>) semaphore(%arg17 : memref<!tpu.dma_semaphore, #tpu.memory_space<semaphore_mem>>) {add = true}
        } else {
        }
        %dma_wait3A_272 = arith.constant 0 : i32
        %dma_wait3A_273 = arith.constant 0 : i32
        %dma_wait3A_274 = tpu.memref_slice %arg7[%dma_wait3A_272, %dma_wait3A_273] : memref<32x80xi32, #tpu.memory_space<vmem>> -> memref<1x80xi32, #tpu.memory_space<vmem>>
        %dma_wait3A_275 = tpu.memref_squeeze %dma_wait3A_274 : memref<1x80xi32, #tpu.memory_space<vmem>> -> memref<80xi32, #tpu.memory_space<vmem>>
        %dma_wait3A_276 = arith.constant 0 : i32
        %dma_wait3A_277 = arith.constant 0 : i32
        %dma_wait3A_278 = tpu.memref_slice %arg2[%dma_wait3A_276, %dma_wait3A_277] : memref<10000x128xf32, #tpu.memory_space<hbm>> -> memref<10000x128xf32, #tpu.memory_space<hbm>>
        tpu.wait_indirect_dma semaphore(%arg16 : memref<!tpu.dma_semaphore, #tpu.memory_space<semaphore_mem>>) src(%dma_wait3A_278 : memref<10000x128xf32, #tpu.memory_space<hbm>>) dst(%arg9 : memref<80x128xf32, #tpu.memory_space<vmem>>)
        %scan3A_279 = arith.constant 0 : i32
        %scan3A_280 = arith.constant 0 : i32
        %scan3A_281 = arith.constant 80 : i32
        %scan3A_282 = arith.addi %scan3A_280, %scan3A_281 : i32
        %scan3A_283 = arith.constant 1 : i32
        scf.for %scan3A_291 = %scan3A_280 to %scan3A_282 step %scan3A_283  : i32 {
          %get3A = arith.index_cast %scan3A_291 : i32 to index
          %get3A_292 = arith.constant 0 : index
          %get3A_293 = tpu.vector_load %arg9[%get3A, %get3A_292] {strides = array<i32>} : memref<80x128xf32, #tpu.memory_space<vmem>>, vector<1x16xf32>,
          %get3A_294 = vector.shape_cast %get3A_293 : vector<1x16xf32> to vector<16xf32>
          %max3A = arith.constant 0.000000e+00 : f32
          %max3A_295 = vector.broadcast %max3A : f32 to vector<16xf32>
          %max3A_296 = arith.maximumf %get3A_294, %max3A_295 : vector<16xf32>
          %swap3A = arith.index_cast %scan3A_291 : i32 to index
          %swap3A_297 = arith.constant 0 : index
          %swap3A_298 = tpu.vector_load %arg9[%swap3A, %swap3A_297] {strides = array<i32>} : memref<80x128xf32, #tpu.memory_space<vmem>>, vector<1x16xf32>,
          %swap3A_299 = vector.shape_cast %swap3A_298 : vector<1x16xf32> to vector<16xf32>
          %swap3A_300 = vector.shape_cast %max3A_296 : vector<16xf32> to vector<1x16xf32>
          tpu.vector_store %arg9[%swap3A, %swap3A_297], %swap3A_300 {strides = array<i32>} : memref<80x128xf32, #tpu.memory_space<vmem>>, vector<1x16xf32>,
          %get3A_301 = arith.index_cast %scan3A_291 : i32 to index
          %get3A_302 = arith.constant 16 : index
          %get3A_303 = tpu.vector_load %arg9[%get3A_301, %get3A_302] {strides = array<i32>} : memref<80x128xf32, #tpu.memory_space<vmem>>, vector<1x16xf32>,
          %get3A_304 = vector.shape_cast %get3A_303 : vector<1x16xf32> to vector<16xf32>
          %max3A_305 = arith.constant 0.000000e+00 : f32
          %max3A_306 = vector.broadcast %max3A_305 : f32 to vector<16xf32>
          %max3A_307 = arith.maximumf %get3A_304, %max3A_306 : vector<16xf32>
          %swap3A_308 = arith.index_cast %scan3A_291 : i32 to index
          %swap3A_309 = arith.constant 16 : index
          %swap3A_310 = tpu.vector_load %arg9[%swap3A_308, %swap3A_309] {strides = array<i32>} : memref<80x128xf32, #tpu.memory_space<vmem>>, vector<1x16xf32>,
          %swap3A_311 = vector.shape_cast %swap3A_310 : vector<1x16xf32> to vector<16xf32>
          %swap3A_312 = vector.shape_cast %max3A_307 : vector<16xf32> to vector<1x16xf32>
          tpu.vector_store %arg9[%swap3A_308, %swap3A_309], %swap3A_312 {strides = array<i32>} : memref<80x128xf32, #tpu.memory_space<vmem>>, vector<1x16xf32>,
          %get3A_313 = arith.index_cast %scan3A_291 : i32 to index
          %get3A_314 = arith.constant 32 : index
          %get3A_315 = tpu.vector_load %arg9[%get3A_313, %get3A_314] {strides = array<i32>} : memref<80x128xf32, #tpu.memory_space<vmem>>, vector<1x16xf32>,
          %get3A_316 = vector.shape_cast %get3A_315 : vector<1x16xf32> to vector<16xf32>
          %max3A_317 = arith.constant 0.000000e+00 : f32
          %max3A_318 = vector.broadcast %max3A_317 : f32 to vector<16xf32>
          %max3A_319 = arith.maximumf %get3A_316, %max3A_318 : vector<16xf32>
          %swap3A_320 = arith.index_cast %scan3A_291 : i32 to index
          %swap3A_321 = arith.constant 32 : index
          %swap3A_322 = tpu.vector_load %arg9[%swap3A_320, %swap3A_321] {strides = array<i32>} : memref<80x128xf32, #tpu.memory_space<vmem>>, vector<1x16xf32>,
          %swap3A_323 = vector.shape_cast %swap3A_322 : vector<1x16xf32> to vector<16xf32>
          %swap3A_324 = vector.shape_cast %max3A_319 : vector<16xf32> to vector<1x16xf32>
          tpu.vector_store %arg9[%swap3A_320, %swap3A_321], %swap3A_324 {strides = array<i32>} : memref<80x128xf32, #tpu.memory_space<vmem>>, vector<1x16xf32>,
          %get3A_325 = arith.index_cast %scan3A_291 : i32 to index
          %get3A_326 = arith.constant 48 : index
          %get3A_327 = tpu.vector_load %arg9[%get3A_325, %get3A_326] {strides = array<i32>} : memref<80x128xf32, #tpu.memory_space<vmem>>, vector<1x16xf32>,
          %get3A_328 = vector.shape_cast %get3A_327 : vector<1x16xf32> to vector<16xf32>
          %max3A_329 = arith.constant 0.000000e+00 : f32
          %max3A_330 = vector.broadcast %max3A_329 : f32 to vector<16xf32>
          %max3A_331 = arith.maximumf %get3A_328, %max3A_330 : vector<16xf32>
          %swap3A_332 = arith.index_cast %scan3A_291 : i32 to index
          %swap3A_333 = arith.constant 48 : index
          %swap3A_334 = tpu.vector_load %arg9[%swap3A_332, %swap3A_333] {strides = array<i32>} : memref<80x128xf32, #tpu.memory_space<vmem>>, vector<1x16xf32>,
          %swap3A_335 = vector.shape_cast %swap3A_334 : vector<1x16xf32> to vector<16xf32>
          %swap3A_336 = vector.shape_cast %max3A_331 : vector<16xf32> to vector<1x16xf32>
          tpu.vector_store %arg9[%swap3A_332, %swap3A_333], %swap3A_336 {strides = array<i32>} : memref<80x128xf32, #tpu.memory_space<vmem>>, vector<1x16xf32>,
          %get3A_337 = arith.index_cast %scan3A_291 : i32 to index
          %get3A_338 = arith.constant 64 : index
          %get3A_339 = tpu.vector_load %arg9[%get3A_337, %get3A_338] {strides = array<i32>} : memref<80x128xf32, #tpu.memory_space<vmem>>, vector<1x16xf32>,
          %get3A_340 = vector.shape_cast %get3A_339 : vector<1x16xf32> to vector<16xf32>
          %max3A_341 = arith.constant 0.000000e+00 : f32
          %max3A_342 = vector.broadcast %max3A_341 : f32 to vector<16xf32>
          %max3A_343 = arith.maximumf %get3A_340, %max3A_342 : vector<16xf32>
          %swap3A_344 = arith.index_cast %scan3A_291 : i32 to index
          %swap3A_345 = arith.constant 64 : index
          %swap3A_346 = tpu.vector_load %arg9[%swap3A_344, %swap3A_345] {strides = array<i32>} : memref<80x128xf32, #tpu.memory_space<vmem>>, vector<1x16xf32>,
          %swap3A_347 = vector.shape_cast %swap3A_346 : vector<1x16xf32> to vector<16xf32>
          %swap3A_348 = vector.shape_cast %max3A_343 : vector<16xf32> to vector<1x16xf32>
          tpu.vector_store %arg9[%swap3A_344, %swap3A_345], %swap3A_348 {strides = array<i32>} : memref<80x128xf32, #tpu.memory_space<vmem>>, vector<1x16xf32>,
          %get3A_349 = arith.index_cast %scan3A_291 : i32 to index
          %get3A_350 = arith.constant 80 : index
          %get3A_351 = tpu.vector_load %arg9[%get3A_349, %get3A_350] {strides = array<i32>} : memref<80x128xf32, #tpu.memory_space<vmem>>, vector<1x16xf32>,
          %get3A_352 = vector.shape_cast %get3A_351 : vector<1x16xf32> to vector<16xf32>
          %max3A_353 = arith.constant 0.000000e+00 : f32
          %max3A_354 = vector.broadcast %max3A_353 : f32 to vector<16xf32>
          %max3A_355 = arith.maximumf %get3A_352, %max3A_354 : vector<16xf32>
          %swap3A_356 = arith.index_cast %scan3A_291 : i32 to index
          %swap3A_357 = arith.constant 80 : index
          %swap3A_358 = tpu.vector_load %arg9[%swap3A_356, %swap3A_357] {strides = array<i32>} : memref<80x128xf32, #tpu.memory_space<vmem>>, vector<1x16xf32>,
          %swap3A_359 = vector.shape_cast %swap3A_358 : vector<1x16xf32> to vector<16xf32>
          %swap3A_360 = vector.shape_cast %max3A_355 : vector<16xf32> to vector<1x16xf32>
          tpu.vector_store %arg9[%swap3A_356, %swap3A_357], %swap3A_360 {strides = array<i32>} : memref<80x128xf32, #tpu.memory_space<vmem>>, vector<1x16xf32>,
          %get3A_361 = arith.index_cast %scan3A_291 : i32 to index
          %get3A_362 = arith.constant 96 : index
          %get3A_363 = tpu.vector_load %arg9[%get3A_361, %get3A_362] {strides = array<i32>} : memref<80x128xf32, #tpu.memory_space<vmem>>, vector<1x16xf32>,
          %get3A_364 = vector.shape_cast %get3A_363 : vector<1x16xf32> to vector<16xf32>
          %max3A_365 = arith.constant 0.000000e+00 : f32
          %max3A_366 = vector.broadcast %max3A_365 : f32 to vector<16xf32>
          %max3A_367 = arith.maximumf %get3A_364, %max3A_366 : vector<16xf32>
          %swap3A_368 = arith.index_cast %scan3A_291 : i32 to index
          %swap3A_369 = arith.constant 96 : index
          %swap3A_370 = tpu.vector_load %arg9[%swap3A_368, %swap3A_369] {strides = array<i32>} : memref<80x128xf32, #tpu.memory_space<vmem>>, vector<1x16xf32>,
          %swap3A_371 = vector.shape_cast %swap3A_370 : vector<1x16xf32> to vector<16xf32>
          %swap3A_372 = vector.shape_cast %max3A_367 : vector<16xf32> to vector<1x16xf32>
          tpu.vector_store %arg9[%swap3A_368, %swap3A_369], %swap3A_372 {strides = array<i32>} : memref<80x128xf32, #tpu.memory_space<vmem>>, vector<1x16xf32>,
          %get3A_373 = arith.index_cast %scan3A_291 : i32 to index
          %get3A_374 = arith.constant 112 : index
          %get3A_375 = tpu.vector_load %arg9[%get3A_373, %get3A_374] {strides = array<i32>} : memref<80x128xf32, #tpu.memory_space<vmem>>, vector<1x16xf32>,
          %get3A_376 = vector.shape_cast %get3A_375 : vector<1x16xf32> to vector<16xf32>
          %max3A_377 = arith.constant 0.000000e+00 : f32
          %max3A_378 = vector.broadcast %max3A_377 : f32 to vector<16xf32>
          %max3A_379 = arith.maximumf %get3A_376, %max3A_378 : vector<16xf32>
          %swap3A_380 = arith.index_cast %scan3A_291 : i32 to index
          %swap3A_381 = arith.constant 112 : index
          %swap3A_382 = tpu.vector_load %arg9[%swap3A_380, %swap3A_381] {strides = array<i32>} : memref<80x128xf32, #tpu.memory_space<vmem>>, vector<1x16xf32>,
          %swap3A_383 = vector.shape_cast %swap3A_382 : vector<1x16xf32> to vector<16xf32>
          %swap3A_384 = vector.shape_cast %max3A_379 : vector<16xf32> to vector<1x16xf32>
          tpu.vector_store %arg9[%swap3A_380, %swap3A_381], %swap3A_384 {strides = array<i32>} : memref<80x128xf32, #tpu.memory_space<vmem>>, vector<1x16xf32>,
        }
        %scan3A_284 = arith.constant 80 : i32
        %dma_start3A_285 = arith.constant 0 : i32
        %dma_start3A_286 = tpu.memref_slice %arg8[%add3A_231, %dma_start3A_285] : memref<32x80xi32, #tpu.memory_space<vmem>> -> memref<1x80xi32, #tpu.memory_space<vmem>>
        %dma_start3A_287 = tpu.memref_squeeze %dma_start3A_286 : memref<1x80xi32, #tpu.memory_space<vmem>> -> memref<80xi32, #tpu.memory_space<vmem>>
        %dma_start3A_288 = arith.constant 0 : i32
        %dma_start3A_289 = arith.constant 0 : i32
        %dma_start3A_290 = tpu.memref_slice %arg12[%dma_start3A_288, %dma_start3A_289] : memref<10000x128xf32, #tpu.memory_space<vmem_shared>> -> memref<10000x128xf32, #tpu.memory_space<vmem_shared>>
        tpu.enqueue_indirect_dma source(%arg9 : memref<80x128xf32, #tpu.memory_space<vmem>>) target(%dma_start3A_290 : memref<10000x128xf32, #tpu.memory_space<vmem_shared>>) offsets(%dma_start3A_287 : memref<80xi32, #tpu.memory_space<vmem>>) semaphore(%arg19 : memref<!tpu.dma_semaphore, #tpu.memory_space<semaphore_mem>>) {add = true}
      } else {
      }
      %mul3A_236 = arith.constant 3 : i32
      %mul3A_237 = arith.muli %mul3A_236, %scan3A_227 : i32
      %add3A_238 = arith.constant 1 : i32
      %add3A_239 = arith.addi %mul3A_237, %add3A_238 : i32
      %lt3A_240 = arith.constant 29 : i32
      %lt3A_241 = arith.cmpi slt, %add3A_239, %lt3A_240 : i32
      %convert_element_type3A_242 = arith.extui %lt3A_241 : i1 to i32
      %cond3A_243 = arith.constant 0 : i32
      %cond3A_244 = arith.cmpi ne, %convert_element_type3A_242, %cond3A_243 : i32
      scf.if %cond3A_244 {
        %ge3A = arith.constant 1 : i32
        %ge3A_254 = arith.cmpi sge, %add3A_239, %ge3A : i32
        %convert_element_type3A_255 = arith.extui %ge3A_254 : i1 to i32
        %cond3A_256 = arith.constant 0 : i32
        %cond3A_257 = arith.cmpi ne, %convert_element_type3A_255, %cond3A_256 : i32
        scf.if %cond3A_257 {
          %dma_wait3A_291 = arith.constant 0 : i32
          %dma_wait3A_292 = arith.constant 0 : i32
          %dma_wait3A_293 = tpu.memref_slice %arg8[%dma_wait3A_291, %dma_wait3A_292] : memref<32x80xi32, #tpu.memory_space<vmem>> -> memref<1x80xi32, #tpu.memory_space<vmem>>
          %dma_wait3A_294 = tpu.memref_squeeze %dma_wait3A_293 : memref<1x80xi32, #tpu.memory_space<vmem>> -> memref<80xi32, #tpu.memory_space<vmem>>
          %dma_wait3A_295 = arith.constant 0 : i32
          %dma_wait3A_296 = arith.constant 0 : i32
          %dma_wait3A_297 = tpu.memref_slice %arg12[%dma_wait3A_295, %dma_wait3A_296] : memref<10000x128xf32, #tpu.memory_space<vmem_shared>> -> memref<10000x128xf32, #tpu.memory_space<vmem_shared>>
          tpu.wait_indirect_dma semaphore(%arg19 : memref<!tpu.dma_semaphore, #tpu.memory_space<semaphore_mem>>) src(%arg9 : memref<80x128xf32, #tpu.memory_space<vmem>>) dst(%dma_wait3A_297 : memref<10000x128xf32, #tpu.memory_space<vmem_shared>>)
        } else {
        }
        %add3A_258 = arith.constant 2 : i32
        %add3A_259 = arith.addi %add3A_239, %add3A_258 : i32
        %lt3A_260 = arith.constant 29 : i32
        %lt3A_261 = arith.cmpi slt, %add3A_259, %lt3A_260 : i32
        %convert_element_type3A_262 = arith.extui %lt3A_261 : i1 to i32
        %cond3A_263 = arith.constant 0 : i32
        %cond3A_264 = arith.cmpi ne, %convert_element_type3A_262, %cond3A_263 : i32
        scf.if %cond3A_264 {
          %add3A_291 = arith.constant 2 : i32
          %add3A_292 = arith.addi %add3A_239, %add3A_291 : i32
          %dma_start3A_293 = arith.constant 0 : i32
          %dma_start3A_294 = tpu.memref_slice %arg8[%add3A_292, %dma_start3A_293] : memref<32x80xi32, #tpu.memory_space<vmem>> -> memref<1x80xi32, #tpu.memory_space<vmem>>
          %dma_start3A_295 = tpu.memref_squeeze %dma_start3A_294 : memref<1x80xi32, #tpu.memory_space<vmem>> -> memref<80xi32, #tpu.memory_space<vmem>>
          %dma_start3A_296 = arith.constant 0 : i32
          %dma_start3A_297 = arith.constant 0 : i32
          %dma_start3A_298 = tpu.memref_slice %arg3[%dma_start3A_296, %dma_start3A_297] : memref<10000x128xf32, #tpu.memory_space<hbm>> -> memref<10000x128xf32, #tpu.memory_space<hbm>>
          tpu.enqueue_indirect_dma source(%dma_start3A_298 : memref<10000x128xf32, #tpu.memory_space<hbm>>) target(%arg9 : memref<80x128xf32, #tpu.memory_space<vmem>>) offsets(%dma_start3A_295 : memref<80xi32, #tpu.memory_space<vmem>>) semaphore(%arg13 : memref<!tpu.dma_semaphore, #tpu.memory_space<semaphore_mem>>)
        } else {
        }
        %add3A_265 = arith.constant 1 : i32
        %add3A_266 = arith.addi %add3A_239, %add3A_265 : i32
        %lt3A_267 = arith.constant 29 : i32
        %lt3A_268 = arith.cmpi slt, %add3A_266, %lt3A_267 : i32
        %convert_element_type3A_269 = arith.extui %lt3A_268 : i1 to i32
        %cond3A_270 = arith.constant 0 : i32
        %cond3A_271 = arith.cmpi ne, %convert_element_type3A_269, %cond3A_270 : i32
        scf.if %cond3A_271 {
          %dma_wait3A_291 = arith.constant 0 : i32
          %dma_wait3A_292 = arith.constant 0 : i32
          %dma_wait3A_293 = tpu.memref_slice %arg8[%dma_wait3A_291, %dma_wait3A_292] : memref<32x80xi32, #tpu.memory_space<vmem>> -> memref<1x80xi32, #tpu.memory_space<vmem>>
          %dma_wait3A_294 = tpu.memref_squeeze %dma_wait3A_293 : memref<1x80xi32, #tpu.memory_space<vmem>> -> memref<80xi32, #tpu.memory_space<vmem>>
          %dma_wait3A_295 = arith.constant 0 : i32
          %dma_wait3A_296 = arith.constant 0 : i32
          %dma_wait3A_297 = tpu.memref_slice %arg3[%dma_wait3A_295, %dma_wait3A_296] : memref<10000x128xf32, #tpu.memory_space<hbm>> -> memref<10000x128xf32, #tpu.memory_space<hbm>>
          tpu.wait_indirect_dma semaphore(%arg15 : memref<!tpu.dma_semaphore, #tpu.memory_space<semaphore_mem>>) src(%dma_wait3A_297 : memref<10000x128xf32, #tpu.memory_space<hbm>>) dst(%arg11 : memref<80x128xf32, #tpu.memory_space<vmem>>)
          %add3A_298 = arith.constant 1 : i32
          %add3A_299 = arith.addi %add3A_239, %add3A_298 : i32
          %dma_start3A_300 = arith.constant 0 : i32
          %dma_start3A_301 = tpu.memref_slice %arg7[%add3A_299, %dma_start3A_300] : memref<32x80xi32, #tpu.memory_space<vmem>> -> memref<1x80xi32, #tpu.memory_space<vmem>>
          %dma_start3A_302 = tpu.memref_squeeze %dma_start3A_301 : memref<1x80xi32, #tpu.memory_space<vmem>> -> memref<80xi32, #tpu.memory_space<vmem>>
          %dma_start3A_303 = arith.constant 0 : i32
          %dma_start3A_304 = arith.constant 0 : i32
          %dma_start3A_305 = tpu.memref_slice %arg2[%dma_start3A_303, %dma_start3A_304] : memref<10000x128xf32, #tpu.memory_space<hbm>> -> memref<10000x128xf32, #tpu.memory_space<hbm>>
          tpu.enqueue_indirect_dma source(%dma_start3A_305 : memref<10000x128xf32, #tpu.memory_space<hbm>>) target(%arg11 : memref<80x128xf32, #tpu.memory_space<vmem>>) offsets(%dma_start3A_302 : memref<80xi32, #tpu.memory_space<vmem>>) semaphore(%arg18 : memref<!tpu.dma_semaphore, #tpu.memory_space<semaphore_mem>>) {add = true}
        } else {
        }
        %dma_wait3A_272 = arith.constant 0 : i32
        %dma_wait3A_273 = arith.constant 0 : i32
        %dma_wait3A_274 = tpu.memref_slice %arg7[%dma_wait3A_272, %dma_wait3A_273] : memref<32x80xi32, #tpu.memory_space<vmem>> -> memref<1x80xi32, #tpu.memory_space<vmem>>
        %dma_wait3A_275 = tpu.memref_squeeze %dma_wait3A_274 : memref<1x80xi32, #tpu.memory_space<vmem>> -> memref<80xi32, #tpu.memory_space<vmem>>
        %dma_wait3A_276 = arith.constant 0 : i32
        %dma_wait3A_277 = arith.constant 0 : i32
        %dma_wait3A_278 = tpu.memref_slice %arg2[%dma_wait3A_276, %dma_wait3A_277] : memref<10000x128xf32, #tpu.memory_space<hbm>> -> memref<10000x128xf32, #tpu.memory_space<hbm>>
        tpu.wait_indirect_dma semaphore(%arg17 : memref<!tpu.dma_semaphore, #tpu.memory_space<semaphore_mem>>) src(%dma_wait3A_278 : memref<10000x128xf32, #tpu.memory_space<hbm>>) dst(%arg10 : memref<80x128xf32, #tpu.memory_space<vmem>>)
        %scan3A_279 = arith.constant 0 : i32
        %scan3A_280 = arith.constant 0 : i32
        %scan3A_281 = arith.constant 80 : i32
        %scan3A_282 = arith.addi %scan3A_280, %scan3A_281 : i32
        %scan3A_283 = arith.constant 1 : i32
        scf.for %scan3A_291 = %scan3A_280 to %scan3A_282 step %scan3A_283  : i32 {
          %get3A = arith.index_cast %scan3A_291 : i32 to index
          %get3A_292 = arith.constant 0 : index
          %get3A_293 = tpu.vector_load %arg10[%get3A, %get3A_292] {strides = array<i32>} : memref<80x128xf32, #tpu.memory_space<vmem>>, vector<1x16xf32>,
          %get3A_294 = vector.shape_cast %get3A_293 : vector<1x16xf32> to vector<16xf32>
          %max3A = arith.constant 0.000000e+00 : f32
          %max3A_295 = vector.broadcast %max3A : f32 to vector<16xf32>
          %max3A_296 = arith.maximumf %get3A_294, %max3A_295 : vector<16xf32>
          %swap3A = arith.index_cast %scan3A_291 : i32 to index
          %swap3A_297 = arith.constant 0 : index
          %swap3A_298 = tpu.vector_load %arg10[%swap3A, %swap3A_297] {strides = array<i32>} : memref<80x128xf32, #tpu.memory_space<vmem>>, vector<1x16xf32>,
          %swap3A_299 = vector.shape_cast %swap3A_298 : vector<1x16xf32> to vector<16xf32>
          %swap3A_300 = vector.shape_cast %max3A_296 : vector<16xf32> to vector<1x16xf32>
          tpu.vector_store %arg10[%swap3A, %swap3A_297], %swap3A_300 {strides = array<i32>} : memref<80x128xf32, #tpu.memory_space<vmem>>, vector<1x16xf32>,
          %get3A_301 = arith.index_cast %scan3A_291 : i32 to index
          %get3A_302 = arith.constant 16 : index
          %get3A_303 = tpu.vector_load %arg10[%get3A_301, %get3A_302] {strides = array<i32>} : memref<80x128xf32, #tpu.memory_space<vmem>>, vector<1x16xf32>,
          %get3A_304 = vector.shape_cast %get3A_303 : vector<1x16xf32> to vector<16xf32>
          %max3A_305 = arith.constant 0.000000e+00 : f32
          %max3A_306 = vector.broadcast %max3A_305 : f32 to vector<16xf32>
          %max3A_307 = arith.maximumf %get3A_304, %max3A_306 : vector<16xf32>
          %swap3A_308 = arith.index_cast %scan3A_291 : i32 to index
          %swap3A_309 = arith.constant 16 : index
          %swap3A_310 = tpu.vector_load %arg10[%swap3A_308, %swap3A_309] {strides = array<i32>} : memref<80x128xf32, #tpu.memory_space<vmem>>, vector<1x16xf32>,
          %swap3A_311 = vector.shape_cast %swap3A_310 : vector<1x16xf32> to vector<16xf32>
          %swap3A_312 = vector.shape_cast %max3A_307 : vector<16xf32> to vector<1x16xf32>
          tpu.vector_store %arg10[%swap3A_308, %swap3A_309], %swap3A_312 {strides = array<i32>} : memref<80x128xf32, #tpu.memory_space<vmem>>, vector<1x16xf32>,
          %get3A_313 = arith.index_cast %scan3A_291 : i32 to index
          %get3A_314 = arith.constant 32 : index
          %get3A_315 = tpu.vector_load %arg10[%get3A_313, %get3A_314] {strides = array<i32>} : memref<80x128xf32, #tpu.memory_space<vmem>>, vector<1x16xf32>,
          %get3A_316 = vector.shape_cast %get3A_315 : vector<1x16xf32> to vector<16xf32>
          %max3A_317 = arith.constant 0.000000e+00 : f32
          %max3A_318 = vector.broadcast %max3A_317 : f32 to vector<16xf32>
          %max3A_319 = arith.maximumf %get3A_316, %max3A_318 : vector<16xf32>
          %swap3A_320 = arith.index_cast %scan3A_291 : i32 to index
          %swap3A_321 = arith.constant 32 : index
          %swap3A_322 = tpu.vector_load %arg10[%swap3A_320, %swap3A_321] {strides = array<i32>} : memref<80x128xf32, #tpu.memory_space<vmem>>, vector<1x16xf32>,
          %swap3A_323 = vector.shape_cast %swap3A_322 : vector<1x16xf32> to vector<16xf32>
          %swap3A_324 = vector.shape_cast %max3A_319 : vector<16xf32> to vector<1x16xf32>
          tpu.vector_store %arg10[%swap3A_320, %swap3A_321], %swap3A_324 {strides = array<i32>} : memref<80x128xf32, #tpu.memory_space<vmem>>, vector<1x16xf32>,
          %get3A_325 = arith.index_cast %scan3A_291 : i32 to index
          %get3A_326 = arith.constant 48 : index
          %get3A_327 = tpu.vector_load %arg10[%get3A_325, %get3A_326] {strides = array<i32>} : memref<80x128xf32, #tpu.memory_space<vmem>>, vector<1x16xf32>,
          %get3A_328 = vector.shape_cast %get3A_327 : vector<1x16xf32> to vector<16xf32>
          %max3A_329 = arith.constant 0.000000e+00 : f32
          %max3A_330 = vector.broadcast %max3A_329 : f32 to vector<16xf32>
          %max3A_331 = arith.maximumf %get3A_328, %max3A_330 : vector<16xf32>
          %swap3A_332 = arith.index_cast %scan3A_291 : i32 to index
          %swap3A_333 = arith.constant 48 : index
          %swap3A_334 = tpu.vector_load %arg10[%swap3A_332, %swap3A_333] {strides = array<i32>} : memref<80x128xf32, #tpu.memory_space<vmem>>, vector<1x16xf32>,
          %swap3A_335 = vector.shape_cast %swap3A_334 : vector<1x16xf32> to vector<16xf32>
          %swap3A_336 = vector.shape_cast %max3A_331 : vector<16xf32> to vector<1x16xf32>
          tpu.vector_store %arg10[%swap3A_332, %swap3A_333], %swap3A_336 {strides = array<i32>} : memref<80x128xf32, #tpu.memory_space<vmem>>, vector<1x16xf32>,
          %get3A_337 = arith.index_cast %scan3A_291 : i32 to index
          %get3A_338 = arith.constant 64 : index
          %get3A_339 = tpu.vector_load %arg10[%get3A_337, %get3A_338] {strides = array<i32>} : memref<80x128xf32, #tpu.memory_space<vmem>>, vector<1x16xf32>,
          %get3A_340 = vector.shape_cast %get3A_339 : vector<1x16xf32> to vector<16xf32>
          %max3A_341 = arith.constant 0.000000e+00 : f32
          %max3A_342 = vector.broadcast %max3A_341 : f32 to vector<16xf32>
          %max3A_343 = arith.maximumf %get3A_340, %max3A_342 : vector<16xf32>
          %swap3A_344 = arith.index_cast %scan3A_291 : i32 to index
          %swap3A_345 = arith.constant 64 : index
          %swap3A_346 = tpu.vector_load %arg10[%swap3A_344, %swap3A_345] {strides = array<i32>} : memref<80x128xf32, #tpu.memory_space<vmem>>, vector<1x16xf32>,
          %swap3A_347 = vector.shape_cast %swap3A_346 : vector<1x16xf32> to vector<16xf32>
          %swap3A_348 = vector.shape_cast %max3A_343 : vector<16xf32> to vector<1x16xf32>
          tpu.vector_store %arg10[%swap3A_344, %swap3A_345], %swap3A_348 {strides = array<i32>} : memref<80x128xf32, #tpu.memory_space<vmem>>, vector<1x16xf32>,
          %get3A_349 = arith.index_cast %scan3A_291 : i32 to index
          %get3A_350 = arith.constant 80 : index
          %get3A_351 = tpu.vector_load %arg10[%get3A_349, %get3A_350] {strides = array<i32>} : memref<80x128xf32, #tpu.memory_space<vmem>>, vector<1x16xf32>,
          %get3A_352 = vector.shape_cast %get3A_351 : vector<1x16xf32> to vector<16xf32>
          %max3A_353 = arith.constant 0.000000e+00 : f32
          %max3A_354 = vector.broadcast %max3A_353 : f32 to vector<16xf32>
          %max3A_355 = arith.maximumf %get3A_352, %max3A_354 : vector<16xf32>
          %swap3A_356 = arith.index_cast %scan3A_291 : i32 to index
          %swap3A_357 = arith.constant 80 : index
          %swap3A_358 = tpu.vector_load %arg10[%swap3A_356, %swap3A_357] {strides = array<i32>} : memref<80x128xf32, #tpu.memory_space<vmem>>, vector<1x16xf32>,
          %swap3A_359 = vector.shape_cast %swap3A_358 : vector<1x16xf32> to vector<16xf32>
          %swap3A_360 = vector.shape_cast %max3A_355 : vector<16xf32> to vector<1x16xf32>
          tpu.vector_store %arg10[%swap3A_356, %swap3A_357], %swap3A_360 {strides = array<i32>} : memref<80x128xf32, #tpu.memory_space<vmem>>, vector<1x16xf32>,
          %get3A_361 = arith.index_cast %scan3A_291 : i32 to index
          %get3A_362 = arith.constant 96 : index
          %get3A_363 = tpu.vector_load %arg10[%get3A_361, %get3A_362] {strides = array<i32>} : memref<80x128xf32, #tpu.memory_space<vmem>>, vector<1x16xf32>,
          %get3A_364 = vector.shape_cast %get3A_363 : vector<1x16xf32> to vector<16xf32>
          %max3A_365 = arith.constant 0.000000e+00 : f32
          %max3A_366 = vector.broadcast %max3A_365 : f32 to vector<16xf32>
          %max3A_367 = arith.maximumf %get3A_364, %max3A_366 : vector<16xf32>
          %swap3A_368 = arith.index_cast %scan3A_291 : i32 to index
          %swap3A_369 = arith.constant 96 : index
          %swap3A_370 = tpu.vector_load %arg10[%swap3A_368, %swap3A_369] {strides = array<i32>} : memref<80x128xf32, #tpu.memory_space<vmem>>, vector<1x16xf32>,
          %swap3A_371 = vector.shape_cast %swap3A_370 : vector<1x16xf32> to vector<16xf32>
          %swap3A_372 = vector.shape_cast %max3A_367 : vector<16xf32> to vector<1x16xf32>
          tpu.vector_store %arg10[%swap3A_368, %swap3A_369], %swap3A_372 {strides = array<i32>} : memref<80x128xf32, #tpu.memory_space<vmem>>, vector<1x16xf32>,
          %get3A_373 = arith.index_cast %scan3A_291 : i32 to index
          %get3A_374 = arith.constant 112 : index
          %get3A_375 = tpu.vector_load %arg10[%get3A_373, %get3A_374] {strides = array<i32>} : memref<80x128xf32, #tpu.memory_space<vmem>>, vector<1x16xf32>,
          %get3A_376 = vector.shape_cast %get3A_375 : vector<1x16xf32> to vector<16xf32>
          %max3A_377 = arith.constant 0.000000e+00 : f32
          %max3A_378 = vector.broadcast %max3A_377 : f32 to vector<16xf32>
          %max3A_379 = arith.maximumf %get3A_376, %max3A_378 : vector<16xf32>
          %swap3A_380 = arith.index_cast %scan3A_291 : i32 to index
          %swap3A_381 = arith.constant 112 : index
          %swap3A_382 = tpu.vector_load %arg10[%swap3A_380, %swap3A_381] {strides = array<i32>} : memref<80x128xf32, #tpu.memory_space<vmem>>, vector<1x16xf32>,
          %swap3A_383 = vector.shape_cast %swap3A_382 : vector<1x16xf32> to vector<16xf32>
          %swap3A_384 = vector.shape_cast %max3A_379 : vector<16xf32> to vector<1x16xf32>
          tpu.vector_store %arg10[%swap3A_380, %swap3A_381], %swap3A_384 {strides = array<i32>} : memref<80x128xf32, #tpu.memory_space<vmem>>, vector<1x16xf32>,
        }
        %scan3A_284 = arith.constant 80 : i32
        %dma_start3A_285 = arith.constant 0 : i32
        %dma_start3A_286 = tpu.memref_slice %arg8[%add3A_239, %dma_start3A_285] : memref<32x80xi32, #tpu.memory_space<vmem>> -> memref<1x80xi32, #tpu.memory_space<vmem>>
        %dma_start3A_287 = tpu.memref_squeeze %dma_start3A_286 : memref<1x80xi32, #tpu.memory_space<vmem>> -> memref<80xi32, #tpu.memory_space<vmem>>
        %dma_start3A_288 = arith.constant 0 : i32
        %dma_start3A_289 = arith.constant 0 : i32
        %dma_start3A_290 = tpu.memref_slice %arg12[%dma_start3A_288, %dma_start3A_289] : memref<10000x128xf32, #tpu.memory_space<vmem_shared>> -> memref<10000x128xf32, #tpu.memory_space<vmem_shared>>
        tpu.enqueue_indirect_dma source(%arg10 : memref<80x128xf32, #tpu.memory_space<vmem>>) target(%dma_start3A_290 : memref<10000x128xf32, #tpu.memory_space<vmem_shared>>) offsets(%dma_start3A_287 : memref<80xi32, #tpu.memory_space<vmem>>) semaphore(%arg20 : memref<!tpu.dma_semaphore, #tpu.memory_space<semaphore_mem>>) {add = true}
      } else {
      }
      %mul3A_245 = arith.constant 3 : i32
      %mul3A_246 = arith.muli %mul3A_245, %scan3A_227 : i32
      %add3A_247 = arith.constant 2 : i32
      %add3A_248 = arith.addi %mul3A_246, %add3A_247 : i32
      %lt3A_249 = arith.constant 29 : i32
      %lt3A_250 = arith.cmpi slt, %add3A_248, %lt3A_249 : i32
      %convert_element_type3A_251 = arith.extui %lt3A_250 : i1 to i32
      %cond3A_252 = arith.constant 0 : i32
      %cond3A_253 = arith.cmpi ne, %convert_element_type3A_251, %cond3A_252 : i32
      scf.if %cond3A_253 {
        %ge3A = arith.constant 1 : i32
        %ge3A_254 = arith.cmpi sge, %add3A_248, %ge3A : i32
        %convert_element_type3A_255 = arith.extui %ge3A_254 : i1 to i32
        %cond3A_256 = arith.constant 0 : i32
        %cond3A_257 = arith.cmpi ne, %convert_element_type3A_255, %cond3A_256 : i32
        scf.if %cond3A_257 {
          %dma_wait3A_291 = arith.constant 0 : i32
          %dma_wait3A_292 = arith.constant 0 : i32
          %dma_wait3A_293 = tpu.memref_slice %arg8[%dma_wait3A_291, %dma_wait3A_292] : memref<32x80xi32, #tpu.memory_space<vmem>> -> memref<1x80xi32, #tpu.memory_space<vmem>>
          %dma_wait3A_294 = tpu.memref_squeeze %dma_wait3A_293 : memref<1x80xi32, #tpu.memory_space<vmem>> -> memref<80xi32, #tpu.memory_space<vmem>>
          %dma_wait3A_295 = arith.constant 0 : i32
          %dma_wait3A_296 = arith.constant 0 : i32
          %dma_wait3A_297 = tpu.memref_slice %arg12[%dma_wait3A_295, %dma_wait3A_296] : memref<10000x128xf32, #tpu.memory_space<vmem_shared>> -> memref<10000x128xf32, #tpu.memory_space<vmem_shared>>
          tpu.wait_indirect_dma semaphore(%arg20 : memref<!tpu.dma_semaphore, #tpu.memory_space<semaphore_mem>>) src(%arg10 : memref<80x128xf32, #tpu.memory_space<vmem>>) dst(%dma_wait3A_297 : memref<10000x128xf32, #tpu.memory_space<vmem_shared>>)
        } else {
        }
        %add3A_258 = arith.constant 2 : i32
        %add3A_259 = arith.addi %add3A_248, %add3A_258 : i32
        %lt3A_260 = arith.constant 29 : i32
        %lt3A_261 = arith.cmpi slt, %add3A_259, %lt3A_260 : i32
        %convert_element_type3A_262 = arith.extui %lt3A_261 : i1 to i32
        %cond3A_263 = arith.constant 0 : i32
        %cond3A_264 = arith.cmpi ne, %convert_element_type3A_262, %cond3A_263 : i32
        scf.if %cond3A_264 {
          %add3A_291 = arith.constant 2 : i32
          %add3A_292 = arith.addi %add3A_248, %add3A_291 : i32
          %dma_start3A_293 = arith.constant 0 : i32
          %dma_start3A_294 = tpu.memref_slice %arg8[%add3A_292, %dma_start3A_293] : memref<32x80xi32, #tpu.memory_space<vmem>> -> memref<1x80xi32, #tpu.memory_space<vmem>>
          %dma_start3A_295 = tpu.memref_squeeze %dma_start3A_294 : memref<1x80xi32, #tpu.memory_space<vmem>> -> memref<80xi32, #tpu.memory_space<vmem>>
          %dma_start3A_296 = arith.constant 0 : i32
          %dma_start3A_297 = arith.constant 0 : i32
          %dma_start3A_298 = tpu.memref_slice %arg3[%dma_start3A_296, %dma_start3A_297] : memref<10000x128xf32, #tpu.memory_space<hbm>> -> memref<10000x128xf32, #tpu.memory_space<hbm>>
          tpu.enqueue_indirect_dma source(%dma_start3A_298 : memref<10000x128xf32, #tpu.memory_space<hbm>>) target(%arg10 : memref<80x128xf32, #tpu.memory_space<vmem>>) offsets(%dma_start3A_295 : memref<80xi32, #tpu.memory_space<vmem>>) semaphore(%arg14 : memref<!tpu.dma_semaphore, #tpu.memory_space<semaphore_mem>>)
        } else {
        }
        %add3A_265 = arith.constant 1 : i32
        %add3A_266 = arith.addi %add3A_248, %add3A_265 : i32
        %lt3A_267 = arith.constant 29 : i32
        %lt3A_268 = arith.cmpi slt, %add3A_266, %lt3A_267 : i32
        %convert_element_type3A_269 = arith.extui %lt3A_268 : i1 to i32
        %cond3A_270 = arith.constant 0 : i32
        %cond3A_271 = arith.cmpi ne, %convert_element_type3A_269, %cond3A_270 : i32
        scf.if %cond3A_271 {
          %dma_wait3A_291 = arith.constant 0 : i32
          %dma_wait3A_292 = arith.constant 0 : i32
          %dma_wait3A_293 = tpu.memref_slice %arg8[%dma_wait3A_291, %dma_wait3A_292] : memref<32x80xi32, #tpu.memory_space<vmem>> -> memref<1x80xi32, #tpu.memory_space<vmem>>
          %dma_wait3A_294 = tpu.memref_squeeze %dma_wait3A_293 : memref<1x80xi32, #tpu.memory_space<vmem>> -> memref<80xi32, #tpu.memory_space<vmem>>
          %dma_wait3A_295 = arith.constant 0 : i32
          %dma_wait3A_296 = arith.constant 0 : i32
          %dma_wait3A_297 = tpu.memref_slice %arg3[%dma_wait3A_295, %dma_wait3A_296] : memref<10000x128xf32, #tpu.memory_space<hbm>> -> memref<10000x128xf32, #tpu.memory_space<hbm>>
          tpu.wait_indirect_dma semaphore(%arg13 : memref<!tpu.dma_semaphore, #tpu.memory_space<semaphore_mem>>) src(%dma_wait3A_297 : memref<10000x128xf32, #tpu.memory_space<hbm>>) dst(%arg9 : memref<80x128xf32, #tpu.memory_space<vmem>>)
          %add3A_298 = arith.constant 1 : i32
          %add3A_299 = arith.addi %add3A_248, %add3A_298 : i32
          %dma_start3A_300 = arith.constant 0 : i32
          %dma_start3A_301 = tpu.memref_slice %arg7[%add3A_299, %dma_start3A_300] : memref<32x80xi32, #tpu.memory_space<vmem>> -> memref<1x80xi32, #tpu.memory_space<vmem>>
          %dma_start3A_302 = tpu.memref_squeeze %dma_start3A_301 : memref<1x80xi32, #tpu.memory_space<vmem>> -> memref<80xi32, #tpu.memory_space<vmem>>
          %dma_start3A_303 = arith.constant 0 : i32
          %dma_start3A_304 = arith.constant 0 : i32
          %dma_start3A_305 = tpu.memref_slice %arg2[%dma_start3A_303, %dma_start3A_304] : memref<10000x128xf32, #tpu.memory_space<hbm>> -> memref<10000x128xf32, #tpu.memory_space<hbm>>
          tpu.enqueue_indirect_dma source(%dma_start3A_305 : memref<10000x128xf32, #tpu.memory_space<hbm>>) target(%arg9 : memref<80x128xf32, #tpu.memory_space<vmem>>) offsets(%dma_start3A_302 : memref<80xi32, #tpu.memory_space<vmem>>) semaphore(%arg16 : memref<!tpu.dma_semaphore, #tpu.memory_space<semaphore_mem>>) {add = true}
        } else {
        }
        %dma_wait3A_272 = arith.constant 0 : i32
        %dma_wait3A_273 = arith.constant 0 : i32
        %dma_wait3A_274 = tpu.memref_slice %arg7[%dma_wait3A_272, %dma_wait3A_273] : memref<32x80xi32, #tpu.memory_space<vmem>> -> memref<1x80xi32, #tpu.memory_space<vmem>>
        %dma_wait3A_275 = tpu.memref_squeeze %dma_wait3A_274 : memref<1x80xi32, #tpu.memory_space<vmem>> -> memref<80xi32, #tpu.memory_space<vmem>>
        %dma_wait3A_276 = arith.constant 0 : i32
        %dma_wait3A_277 = arith.constant 0 : i32
        %dma_wait3A_278 = tpu.memref_slice %arg2[%dma_wait3A_276, %dma_wait3A_277] : memref<10000x128xf32, #tpu.memory_space<hbm>> -> memref<10000x128xf32, #tpu.memory_space<hbm>>
        tpu.wait_indirect_dma semaphore(%arg18 : memref<!tpu.dma_semaphore, #tpu.memory_space<semaphore_mem>>) src(%dma_wait3A_278 : memref<10000x128xf32, #tpu.memory_space<hbm>>) dst(%arg11 : memref<80x128xf32, #tpu.memory_space<vmem>>)
        %scan3A_279 = arith.constant 0 : i32
        %scan3A_280 = arith.constant 0 : i32
        %scan3A_281 = arith.constant 80 : i32
        %scan3A_282 = arith.addi %scan3A_280, %scan3A_281 : i32
        %scan3A_283 = arith.constant 1 : i32
        scf.for %scan3A_291 = %scan3A_280 to %scan3A_282 step %scan3A_283  : i32 {
          %get3A = arith.index_cast %scan3A_291 : i32 to index
          %get3A_292 = arith.constant 0 : index
          %get3A_293 = tpu.vector_load %arg11[%get3A, %get3A_292] {strides = array<i32>} : memref<80x128xf32, #tpu.memory_space<vmem>>, vector<1x16xf32>,
          %get3A_294 = vector.shape_cast %get3A_293 : vector<1x16xf32> to vector<16xf32>
          %max3A = arith.constant 0.000000e+00 : f32
          %max3A_295 = vector.broadcast %max3A : f32 to vector<16xf32>
          %max3A_296 = arith.maximumf %get3A_294, %max3A_295 : vector<16xf32>
          %swap3A = arith.index_cast %scan3A_291 : i32 to index
          %swap3A_297 = arith.constant 0 : index
          %swap3A_298 = tpu.vector_load %arg11[%swap3A, %swap3A_297] {strides = array<i32>} : memref<80x128xf32, #tpu.memory_space<vmem>>, vector<1x16xf32>,
          %swap3A_299 = vector.shape_cast %swap3A_298 : vector<1x16xf32> to vector<16xf32>
          %swap3A_300 = vector.shape_cast %max3A_296 : vector<16xf32> to vector<1x16xf32>
          tpu.vector_store %arg11[%swap3A, %swap3A_297], %swap3A_300 {strides = array<i32>} : memref<80x128xf32, #tpu.memory_space<vmem>>, vector<1x16xf32>,
          %get3A_301 = arith.index_cast %scan3A_291 : i32 to index
          %get3A_302 = arith.constant 16 : index
          %get3A_303 = tpu.vector_load %arg11[%get3A_301, %get3A_302] {strides = array<i32>} : memref<80x128xf32, #tpu.memory_space<vmem>>, vector<1x16xf32>,
          %get3A_304 = vector.shape_cast %get3A_303 : vector<1x16xf32> to vector<16xf32>
          %max3A_305 = arith.constant 0.000000e+00 : f32
          %max3A_306 = vector.broadcast %max3A_305 : f32 to vector<16xf32>
          %max3A_307 = arith.maximumf %get3A_304, %max3A_306 : vector<16xf32>
          %swap3A_308 = arith.index_cast %scan3A_291 : i32 to index
          %swap3A_309 = arith.constant 16 : index
          %swap3A_310 = tpu.vector_load %arg11[%swap3A_308, %swap3A_309] {strides = array<i32>} : memref<80x128xf32, #tpu.memory_space<vmem>>, vector<1x16xf32>,
          %swap3A_311 = vector.shape_cast %swap3A_310 : vector<1x16xf32> to vector<16xf32>
          %swap3A_312 = vector.shape_cast %max3A_307 : vector<16xf32> to vector<1x16xf32>
          tpu.vector_store %arg11[%swap3A_308, %swap3A_309], %swap3A_312 {strides = array<i32>} : memref<80x128xf32, #tpu.memory_space<vmem>>, vector<1x16xf32>,
          %get3A_313 = arith.index_cast %scan3A_291 : i32 to index
          %get3A_314 = arith.constant 32 : index
          %get3A_315 = tpu.vector_load %arg11[%get3A_313, %get3A_314] {strides = array<i32>} : memref<80x128xf32, #tpu.memory_space<vmem>>, vector<1x16xf32>,
          %get3A_316 = vector.shape_cast %get3A_315 : vector<1x16xf32> to vector<16xf32>
          %max3A_317 = arith.constant 0.000000e+00 : f32
          %max3A_318 = vector.broadcast %max3A_317 : f32 to vector<16xf32>
          %max3A_319 = arith.maximumf %get3A_316, %max3A_318 : vector<16xf32>
          %swap3A_320 = arith.index_cast %scan3A_291 : i32 to index
          %swap3A_321 = arith.constant 32 : index
          %swap3A_322 = tpu.vector_load %arg11[%swap3A_320, %swap3A_321] {strides = array<i32>} : memref<80x128xf32, #tpu.memory_space<vmem>>, vector<1x16xf32>,
          %swap3A_323 = vector.shape_cast %swap3A_322 : vector<1x16xf32> to vector<16xf32>
          %swap3A_324 = vector.shape_cast %max3A_319 : vector<16xf32> to vector<1x16xf32>
          tpu.vector_store %arg11[%swap3A_320, %swap3A_321], %swap3A_324 {strides = array<i32>} : memref<80x128xf32, #tpu.memory_space<vmem>>, vector<1x16xf32>,
          %get3A_325 = arith.index_cast %scan3A_291 : i32 to index
          %get3A_326 = arith.constant 48 : index
          %get3A_327 = tpu.vector_load %arg11[%get3A_325, %get3A_326] {strides = array<i32>} : memref<80x128xf32, #tpu.memory_space<vmem>>, vector<1x16xf32>,
          %get3A_328 = vector.shape_cast %get3A_327 : vector<1x16xf32> to vector<16xf32>
          %max3A_329 = arith.constant 0.000000e+00 : f32
          %max3A_330 = vector.broadcast %max3A_329 : f32 to vector<16xf32>
          %max3A_331 = arith.maximumf %get3A_328, %max3A_330 : vector<16xf32>
          %swap3A_332 = arith.index_cast %scan3A_291 : i32 to index
          %swap3A_333 = arith.constant 48 : index
          %swap3A_334 = tpu.vector_load %arg11[%swap3A_332, %swap3A_333] {strides = array<i32>} : memref<80x128xf32, #tpu.memory_space<vmem>>, vector<1x16xf32>,
          %swap3A_335 = vector.shape_cast %swap3A_334 : vector<1x16xf32> to vector<16xf32>
          %swap3A_336 = vector.shape_cast %max3A_331 : vector<16xf32> to vector<1x16xf32>
          tpu.vector_store %arg11[%swap3A_332, %swap3A_333], %swap3A_336 {strides = array<i32>} : memref<80x128xf32, #tpu.memory_space<vmem>>, vector<1x16xf32>,
          %get3A_337 = arith.index_cast %scan3A_291 : i32 to index
          %get3A_338 = arith.constant 64 : index
          %get3A_339 = tpu.vector_load %arg11[%get3A_337, %get3A_338] {strides = array<i32>} : memref<80x128xf32, #tpu.memory_space<vmem>>, vector<1x16xf32>,
          %get3A_340 = vector.shape_cast %get3A_339 : vector<1x16xf32> to vector<16xf32>
          %max3A_341 = arith.constant 0.000000e+00 : f32
          %max3A_342 = vector.broadcast %max3A_341 : f32 to vector<16xf32>
          %max3A_343 = arith.maximumf %get3A_340, %max3A_342 : vector<16xf32>
          %swap3A_344 = arith.index_cast %scan3A_291 : i32 to index
          %swap3A_345 = arith.constant 64 : index
          %swap3A_346 = tpu.vector_load %arg11[%swap3A_344, %swap3A_345] {strides = array<i32>} : memref<80x128xf32, #tpu.memory_space<vmem>>, vector<1x16xf32>,
          %swap3A_347 = vector.shape_cast %swap3A_346 : vector<1x16xf32> to vector<16xf32>
          %swap3A_348 = vector.shape_cast %max3A_343 : vector<16xf32> to vector<1x16xf32>
          tpu.vector_store %arg11[%swap3A_344, %swap3A_345], %swap3A_348 {strides = array<i32>} : memref<80x128xf32, #tpu.memory_space<vmem>>, vector<1x16xf32>,
          %get3A_349 = arith.index_cast %scan3A_291 : i32 to index
          %get3A_350 = arith.constant 80 : index
          %get3A_351 = tpu.vector_load %arg11[%get3A_349, %get3A_350] {strides = array<i32>} : memref<80x128xf32, #tpu.memory_space<vmem>>, vector<1x16xf32>,
          %get3A_352 = vector.shape_cast %get3A_351 : vector<1x16xf32> to vector<16xf32>
          %max3A_353 = arith.constant 0.000000e+00 : f32
          %max3A_354 = vector.broadcast %max3A_353 : f32 to vector<16xf32>
          %max3A_355 = arith.maximumf %get3A_352, %max3A_354 : vector<16xf32>
          %swap3A_356 = arith.index_cast %scan3A_291 : i32 to index
          %swap3A_357 = arith.constant 80 : index
          %swap3A_358 = tpu.vector_load %arg11[%swap3A_356, %swap3A_357] {strides = array<i32>} : memref<80x128xf32, #tpu.memory_space<vmem>>, vector<1x16xf32>,
          %swap3A_359 = vector.shape_cast %swap3A_358 : vector<1x16xf32> to vector<16xf32>
          %swap3A_360 = vector.shape_cast %max3A_355 : vector<16xf32> to vector<1x16xf32>
          tpu.vector_store %arg11[%swap3A_356, %swap3A_357], %swap3A_360 {strides = array<i32>} : memref<80x128xf32, #tpu.memory_space<vmem>>, vector<1x16xf32>,
          %get3A_361 = arith.index_cast %scan3A_291 : i32 to index
          %get3A_362 = arith.constant 96 : index
          %get3A_363 = tpu.vector_load %arg11[%get3A_361, %get3A_362] {strides = array<i32>} : memref<80x128xf32, #tpu.memory_space<vmem>>, vector<1x16xf32>,
          %get3A_364 = vector.shape_cast %get3A_363 : vector<1x16xf32> to vector<16xf32>
          %max3A_365 = arith.constant 0.000000e+00 : f32
          %max3A_366 = vector.broadcast %max3A_365 : f32 to vector<16xf32>
          %max3A_367 = arith.maximumf %get3A_364, %max3A_366 : vector<16xf32>
          %swap3A_368 = arith.index_cast %scan3A_291 : i32 to index
          %swap3A_369 = arith.constant 96 : index
          %swap3A_370 = tpu.vector_load %arg11[%swap3A_368, %swap3A_369] {strides = array<i32>} : memref<80x128xf32, #tpu.memory_space<vmem>>, vector<1x16xf32>,
          %swap3A_371 = vector.shape_cast %swap3A_370 : vector<1x16xf32> to vector<16xf32>
          %swap3A_372 = vector.shape_cast %max3A_367 : vector<16xf32> to vector<1x16xf32>
          tpu.vector_store %arg11[%swap3A_368, %swap3A_369], %swap3A_372 {strides = array<i32>} : memref<80x128xf32, #tpu.memory_space<vmem>>, vector<1x16xf32>,
          %get3A_373 = arith.index_cast %scan3A_291 : i32 to index
          %get3A_374 = arith.constant 112 : index
          %get3A_375 = tpu.vector_load %arg11[%get3A_373, %get3A_374] {strides = array<i32>} : memref<80x128xf32, #tpu.memory_space<vmem>>, vector<1x16xf32>,
          %get3A_376 = vector.shape_cast %get3A_375 : vector<1x16xf32> to vector<16xf32>
          %max3A_377 = arith.constant 0.000000e+00 : f32
          %max3A_378 = vector.broadcast %max3A_377 : f32 to vector<16xf32>
          %max3A_379 = arith.maximumf %get3A_376, %max3A_378 : vector<16xf32>
          %swap3A_380 = arith.index_cast %scan3A_291 : i32 to index
          %swap3A_381 = arith.constant 112 : index
          %swap3A_382 = tpu.vector_load %arg11[%swap3A_380, %swap3A_381] {strides = array<i32>} : memref<80x128xf32, #tpu.memory_space<vmem>>, vector<1x16xf32>,
          %swap3A_383 = vector.shape_cast %swap3A_382 : vector<1x16xf32> to vector<16xf32>
          %swap3A_384 = vector.shape_cast %max3A_379 : vector<16xf32> to vector<1x16xf32>
          tpu.vector_store %arg11[%swap3A_380, %swap3A_381], %swap3A_384 {strides = array<i32>} : memref<80x128xf32, #tpu.memory_space<vmem>>, vector<1x16xf32>,
        }
        %scan3A_284 = arith.constant 80 : i32
        %dma_start3A_285 = arith.constant 0 : i32
        %dma_start3A_286 = tpu.memref_slice %arg8[%add3A_248, %dma_start3A_285] : memref<32x80xi32, #tpu.memory_space<vmem>> -> memref<1x80xi32, #tpu.memory_space<vmem>>
        %dma_start3A_287 = tpu.memref_squeeze %dma_start3A_286 : memref<1x80xi32, #tpu.memory_space<vmem>> -> memref<80xi32, #tpu.memory_space<vmem>>
        %dma_start3A_288 = arith.constant 0 : i32
        %dma_start3A_289 = arith.constant 0 : i32
        %dma_start3A_290 = tpu.memref_slice %arg12[%dma_start3A_288, %dma_start3A_289] : memref<10000x128xf32, #tpu.memory_space<vmem_shared>> -> memref<10000x128xf32, #tpu.memory_space<vmem_shared>>
        tpu.enqueue_indirect_dma source(%arg11 : memref<80x128xf32, #tpu.memory_space<vmem>>) target(%dma_start3A_290 : memref<10000x128xf32, #tpu.memory_space<vmem_shared>>) offsets(%dma_start3A_287 : memref<80xi32, #tpu.memory_space<vmem>>) semaphore(%arg21 : memref<!tpu.dma_semaphore, #tpu.memory_space<semaphore_mem>>) {add = true}
      } else {
      }
    }
    %scan3A_181 = arith.constant 10 : i32
    %dma_wait3A_182 = arith.constant 0 : i32
    %dma_wait3A_183 = arith.constant 0 : i32
    %dma_wait3A_184 = tpu.memref_slice %arg8[%dma_wait3A_182, %dma_wait3A_183] : memref<32x80xi32, #tpu.memory_space<vmem>> -> memref<1x80xi32, #tpu.memory_space<vmem>>
    %dma_wait3A_185 = tpu.memref_squeeze %dma_wait3A_184 : memref<1x80xi32, #tpu.memory_space<vmem>> -> memref<80xi32, #tpu.memory_space<vmem>>
    %dma_wait3A_186 = arith.constant 0 : i32
    %dma_wait3A_187 = arith.constant 0 : i32
    %dma_wait3A_188 = tpu.memref_slice %arg12[%dma_wait3A_186, %dma_wait3A_187] : memref<10000x128xf32, #tpu.memory_space<vmem_shared>> -> memref<10000x128xf32, #tpu.memory_space<vmem_shared>>
    tpu.wait_indirect_dma semaphore(%arg20 : memref<!tpu.dma_semaphore, #tpu.memory_space<semaphore_mem>>) src(%arg10 : memref<80x128xf32, #tpu.memory_space<vmem>>) dst(%dma_wait3A_188 : memref<10000x128xf32, #tpu.memory_space<vmem_shared>>)
    %barrier3A_189 = arith.constant 0 : index
    tpu.barrier barrier_id(%barrier3A_189)
    %add3A_190 = arith.constant 0 : i32
    %add3A_191 = arith.addi %mul3A_2, %add3A_190 : i32
    "tpu.region"() ({
      %run_scoped3A = tpu.sem_alloc : memref<!tpu.dma_semaphore, #tpu.memory_space<semaphore_mem>>
      %dma_start3A_227 = arith.constant 0 : i32
      %dma_start3A_228 = arith.constant 0 : i32
      %dma_start3A_229 = tpu.memref_slice %arg9[%dma_start3A_227, %dma_start3A_228] : memref<80x128xf32, #tpu.memory_space<vmem>> -> memref<80x128xf32, #tpu.memory_space<vmem>>
      %dma_start3A_230 = arith.constant 0 : i32
      %dma_start3A_231 = tpu.memref_slice %arg12[%add3A_191, %dma_start3A_230] : memref<10000x128xf32, #tpu.memory_space<vmem_shared>> -> memref<80x128xf32, #tpu.memory_space<vmem_shared>>
      %dma_start3A_232 = arith.constant 0 : i32
      %dma_start3A_233 = arith.constant 0 : i32
      %dma_start3A_234 = tpu.memref_slice %arg9[%dma_start3A_232, %dma_start3A_233] : memref<80x128xf32, #tpu.memory_space<vmem>> -> memref<80x128xf32, #tpu.memory_space<vmem>>
      %dma_start3A_235 = arith.constant 0 : i32
      %dma_start3A_236 = tpu.memref_slice %arg12[%add3A_191, %dma_start3A_235] : memref<10000x128xf32, #tpu.memory_space<vmem_shared>> -> memref<80x128xf32, #tpu.memory_space<vmem_shared>>
      tpu.enqueue_dma source(%dma_start3A_236 : memref<80x128xf32, #tpu.memory_space<vmem_shared>>) target(%dma_start3A_234 : memref<80x128xf32, #tpu.memory_space<vmem>>) target_semaphore(%run_scoped3A : memref<!tpu.dma_semaphore, #tpu.memory_space<semaphore_mem>>)
      %dma_wait3A_237 = arith.constant 0 : i32
      %dma_wait3A_238 = arith.constant 0 : i32
      %dma_wait3A_239 = tpu.memref_slice %arg9[%dma_wait3A_237, %dma_wait3A_238] : memref<80x128xf32, #tpu.memory_space<vmem>> -> memref<80x128xf32, #tpu.memory_space<vmem>>
      %dma_wait3A_240 = arith.constant 0 : i32
      %dma_wait3A_241 = tpu.memref_slice %arg12[%add3A_191, %dma_wait3A_240] : memref<10000x128xf32, #tpu.memory_space<vmem_shared>> -> memref<80x128xf32, #tpu.memory_space<vmem_shared>>
      %dma_wait3A_242 = arith.constant 0 : i32
      %dma_wait3A_243 = arith.constant 0 : i32
      %dma_wait3A_244 = tpu.memref_slice %arg9[%dma_wait3A_242, %dma_wait3A_243] : memref<80x128xf32, #tpu.memory_space<vmem>> -> memref<80x128xf32, #tpu.memory_space<vmem>>
      %dma_wait3A_245 = arith.constant 0 : i32
      %dma_wait3A_246 = tpu.memref_slice %arg12[%add3A_191, %dma_wait3A_245] : memref<10000x128xf32, #tpu.memory_space<vmem_shared>> -> memref<80x128xf32, #tpu.memory_space<vmem_shared>>
      tpu.wait_dma2 semaphore(%run_scoped3A : memref<!tpu.dma_semaphore, #tpu.memory_space<semaphore_mem>>) src(%dma_wait3A_246 : memref<80x128xf32, #tpu.memory_space<vmem_shared>>) dst(%dma_wait3A_244 : memref<80x128xf32, #tpu.memory_space<vmem>>)
      tpu.yield
    }) : () -> ()
    %add3A_192 = arith.constant 0 : i32
    %add3A_193 = arith.addi %mul3A_2, %add3A_192 : i32
    "tpu.region"() ({
      %run_scoped3A = tpu.sem_alloc : memref<!tpu.dma_semaphore, #tpu.memory_space<semaphore_mem>>
      %dma_start3A_227 = arith.constant 0 : i32
      %dma_start3A_228 = arith.constant 0 : i32
      %dma_start3A_229 = tpu.memref_slice %arg9[%dma_start3A_227, %dma_start3A_228] : memref<80x128xf32, #tpu.memory_space<vmem>> -> memref<80x128xf32, #tpu.memory_space<vmem>>
      %dma_start3A_230 = arith.constant 0 : i32
      %dma_start3A_231 = arith.constant 0 : i32
      %dma_start3A_232 = tpu.memref_slice %arg6[%arg0, %dma_start3A_230, %dma_start3A_231] : memref<2x10000x128xf32, #tpu.memory_space<hbm>> -> memref<1x10000x128xf32, #tpu.memory_space<hbm>>
      %dma_start3A_233 = tpu.memref_squeeze %dma_start3A_232 : memref<1x10000x128xf32, #tpu.memory_space<hbm>> -> memref<10000x128xf32, #tpu.memory_space<hbm>>
      %dma_start3A_234 = arith.constant 0 : i32
      %dma_start3A_235 = tpu.memref_slice %dma_start3A_233[%add3A_193, %dma_start3A_234] : memref<10000x128xf32, #tpu.memory_space<hbm>> -> memref<80x128xf32, #tpu.memory_space<hbm>>
      %dma_start3A_236 = arith.constant 0 : i32
      %dma_start3A_237 = arith.constant 0 : i32
      %dma_start3A_238 = tpu.memref_slice %arg6[%arg0, %dma_start3A_236, %dma_start3A_237] : memref<2x10000x128xf32, #tpu.memory_space<hbm>> -> memref<1x10000x128xf32, #tpu.memory_space<hbm>>
      %dma_start3A_239 = tpu.memref_squeeze %dma_start3A_238 : memref<1x10000x128xf32, #tpu.memory_space<hbm>> -> memref<10000x128xf32, #tpu.memory_space<hbm>>
      %dma_start3A_240 = arith.constant 0 : i32
      %dma_start3A_241 = tpu.memref_slice %dma_start3A_239[%add3A_193, %dma_start3A_240] : memref<10000x128xf32, #tpu.memory_space<hbm>> -> memref<80x128xf32, #tpu.memory_space<hbm>>
      %dma_start3A_242 = arith.constant 0 : i32
      %dma_start3A_243 = arith.constant 0 : i32
      %dma_start3A_244 = tpu.memref_slice %arg9[%dma_start3A_242, %dma_start3A_243] : memref<80x128xf32, #tpu.memory_space<vmem>> -> memref<80x128xf32, #tpu.memory_space<vmem>>
      tpu.enqueue_dma source(%dma_start3A_244 : memref<80x128xf32, #tpu.memory_space<vmem>>) target(%dma_start3A_241 : memref<80x128xf32, #tpu.memory_space<hbm>>) target_semaphore(%run_scoped3A : memref<!tpu.dma_semaphore, #tpu.memory_space<semaphore_mem>>)
      %dma_wait3A_245 = arith.constant 0 : i32
      %dma_wait3A_246 = arith.constant 0 : i32
      %dma_wait3A_247 = tpu.memref_slice %arg9[%dma_wait3A_245, %dma_wait3A_246] : memref<80x128xf32, #tpu.memory_space<vmem>> -> memref<80x128xf32, #tpu.memory_space<vmem>>
      %dma_wait3A_248 = arith.constant 0 : i32
      %dma_wait3A_249 = arith.constant 0 : i32
      %dma_wait3A_250 = tpu.memref_slice %arg6[%arg0, %dma_wait3A_248, %dma_wait3A_249] : memref<2x10000x128xf32, #tpu.memory_space<hbm>> -> memref<1x10000x128xf32, #tpu.memory_space<hbm>>
      %dma_wait3A_251 = tpu.memref_squeeze %dma_wait3A_250 : memref<1x10000x128xf32, #tpu.memory_space<hbm>> -> memref<10000x128xf32, #tpu.memory_space<hbm>>
      %dma_wait3A_252 = arith.constant 0 : i32
      %dma_wait3A_253 = tpu.memref_slice %dma_wait3A_251[%add3A_193, %dma_wait3A_252] : memref<10000x128xf32, #tpu.memory_space<hbm>> -> memref<80x128xf32, #tpu.memory_space<hbm>>
      %dma_wait3A_254 = arith.constant 0 : i32
      %dma_wait3A_255 = arith.constant 0 : i32
      %dma_wait3A_256 = tpu.memref_slice %arg6[%arg0, %dma_wait3A_254, %dma_wait3A_255] : memref<2x10000x128xf32, #tpu.memory_space<hbm>> -> memref<1x10000x128xf32, #tpu.memory_space<hbm>>
      %dma_wait3A_257 = tpu.memref_squeeze %dma_wait3A_256 : memref<1x10000x128xf32, #tpu.memory_space<hbm>> -> memref<10000x128xf32, #tpu.memory_space<hbm>>
      %dma_wait3A_258 = arith.constant 0 : i32
      %dma_wait3A_259 = tpu.memref_slice %dma_wait3A_257[%add3A_193, %dma_wait3A_258] : memref<10000x128xf32, #tpu.memory_space<hbm>> -> memref<80x128xf32, #tpu.memory_space<hbm>>
      %dma_wait3A_260 = arith.constant 0 : i32
      %dma_wait3A_261 = arith.constant 0 : i32
      %dma_wait3A_262 = tpu.memref_slice %arg9[%dma_wait3A_260, %dma_wait3A_261] : memref<80x128xf32, #tpu.memory_space<vmem>> -> memref<80x128xf32, #tpu.memory_space<vmem>>
      tpu.wait_dma2 semaphore(%run_scoped3A : memref<!tpu.dma_semaphore, #tpu.memory_space<semaphore_mem>>) src(%dma_wait3A_262 : memref<80x128xf32, #tpu.memory_space<vmem>>) dst(%dma_wait3A_259 : memref<80x128xf32, #tpu.memory_space<hbm>>)
      tpu.yield
    }) : () -> ()
    %add3A_194 = arith.constant 80 : i32
    %add3A_195 = arith.addi %mul3A_2, %add3A_194 : i32
    "tpu.region"() ({
      %run_scoped3A = tpu.sem_alloc : memref<!tpu.dma_semaphore, #tpu.memory_space<semaphore_mem>>
      %dma_start3A_227 = arith.constant 0 : i32
      %dma_start3A_228 = arith.constant 0 : i32
      %dma_start3A_229 = tpu.memref_slice %arg9[%dma_start3A_227, %dma_start3A_228] : memref<80x128xf32, #tpu.memory_space<vmem>> -> memref<80x128xf32, #tpu.memory_space<vmem>>
      %dma_start3A_230 = arith.constant 0 : i32
      %dma_start3A_231 = tpu.memref_slice %arg12[%add3A_195, %dma_start3A_230] : memref<10000x128xf32, #tpu.memory_space<vmem_shared>> -> memref<80x128xf32, #tpu.memory_space<vmem_shared>>
      %dma_start3A_232 = arith.constant 0 : i32
      %dma_start3A_233 = arith.constant 0 : i32
      %dma_start3A_234 = tpu.memref_slice %arg9[%dma_start3A_232, %dma_start3A_233] : memref<80x128xf32, #tpu.memory_space<vmem>> -> memref<80x128xf32, #tpu.memory_space<vmem>>
      %dma_start3A_235 = arith.constant 0 : i32
      %dma_start3A_236 = tpu.memref_slice %arg12[%add3A_195, %dma_start3A_235] : memref<10000x128xf32, #tpu.memory_space<vmem_shared>> -> memref<80x128xf32, #tpu.memory_space<vmem_shared>>
      tpu.enqueue_dma source(%dma_start3A_236 : memref<80x128xf32, #tpu.memory_space<vmem_shared>>) target(%dma_start3A_234 : memref<80x128xf32, #tpu.memory_space<vmem>>) target_semaphore(%run_scoped3A : memref<!tpu.dma_semaphore, #tpu.memory_space<semaphore_mem>>)
      %dma_wait3A_237 = arith.constant 0 : i32
      %dma_wait3A_238 = arith.constant 0 : i32
      %dma_wait3A_239 = tpu.memref_slice %arg9[%dma_wait3A_237, %dma_wait3A_238] : memref<80x128xf32, #tpu.memory_space<vmem>> -> memref<80x128xf32, #tpu.memory_space<vmem>>
      %dma_wait3A_240 = arith.constant 0 : i32
      %dma_wait3A_241 = tpu.memref_slice %arg12[%add3A_195, %dma_wait3A_240] : memref<10000x128xf32, #tpu.memory_space<vmem_shared>> -> memref<80x128xf32, #tpu.memory_space<vmem_shared>>
      %dma_wait3A_242 = arith.constant 0 : i32
      %dma_wait3A_243 = arith.constant 0 : i32
      %dma_wait3A_244 = tpu.memref_slice %arg9[%dma_wait3A_242, %dma_wait3A_243] : memref<80x128xf32, #tpu.memory_space<vmem>> -> memref<80x128xf32, #tpu.memory_space<vmem>>
      %dma_wait3A_245 = arith.constant 0 : i32
      %dma_wait3A_246 = tpu.memref_slice %arg12[%add3A_195, %dma_wait3A_245] : memref<10000x128xf32, #tpu.memory_space<vmem_shared>> -> memref<80x128xf32, #tpu.memory_space<vmem_shared>>
      tpu.wait_dma2 semaphore(%run_scoped3A : memref<!tpu.dma_semaphore, #tpu.memory_space<semaphore_mem>>) src(%dma_wait3A_246 : memref<80x128xf32, #tpu.memory_space<vmem_shared>>) dst(%dma_wait3A_244 : memref<80x128xf32, #tpu.memory_space<vmem>>)
      tpu.yield
    }) : () -> ()
    %add3A_196 = arith.constant 80 : i32
    %add3A_197 = arith.addi %mul3A_2, %add3A_196 : i32
    "tpu.region"() ({
      %run_scoped3A = tpu.sem_alloc : memref<!tpu.dma_semaphore, #tpu.memory_space<semaphore_mem>>
      %dma_start3A_227 = arith.constant 0 : i32
      %dma_start3A_228 = arith.constant 0 : i32
      %dma_start3A_229 = tpu.memref_slice %arg9[%dma_start3A_227, %dma_start3A_228] : memref<80x128xf32, #tpu.memory_space<vmem>> -> memref<80x128xf32, #tpu.memory_space<vmem>>
      %dma_start3A_230 = arith.constant 0 : i32
      %dma_start3A_231 = arith.constant 0 : i32
      %dma_start3A_232 = tpu.memref_slice %arg6[%arg0, %dma_start3A_230, %dma_start3A_231] : memref<2x10000x128xf32, #tpu.memory_space<hbm>> -> memref<1x10000x128xf32, #tpu.memory_space<hbm>>
      %dma_start3A_233 = tpu.memref_squeeze %dma_start3A_232 : memref<1x10000x128xf32, #tpu.memory_space<hbm>> -> memref<10000x128xf32, #tpu.memory_space<hbm>>
      %dma_start3A_234 = arith.constant 0 : i32
      %dma_start3A_235 = tpu.memref_slice %dma_start3A_233[%add3A_197, %dma_start3A_234] : memref<10000x128xf32, #tpu.memory_space<hbm>> -> memref<80x128xf32, #tpu.memory_space<hbm>>
      %dma_start3A_236 = arith.constant 0 : i32
      %dma_start3A_237 = arith.constant 0 : i32
      %dma_start3A_238 = tpu.memref_slice %arg6[%arg0, %dma_start3A_236, %dma_start3A_237] : memref<2x10000x128xf32, #tpu.memory_space<hbm>> -> memref<1x10000x128xf32, #tpu.memory_space<hbm>>
      %dma_start3A_239 = tpu.memref_squeeze %dma_start3A_238 : memref<1x10000x128xf32, #tpu.memory_space<hbm>> -> memref<10000x128xf32, #tpu.memory_space<hbm>>
      %dma_start3A_240 = arith.constant 0 : i32
      %dma_start3A_241 = tpu.memref_slice %dma_start3A_239[%add3A_197, %dma_start3A_240] : memref<10000x128xf32, #tpu.memory_space<hbm>> -> memref<80x128xf32, #tpu.memory_space<hbm>>
      %dma_start3A_242 = arith.constant 0 : i32
      %dma_start3A_243 = arith.constant 0 : i32
      %dma_start3A_244 = tpu.memref_slice %arg9[%dma_start3A_242, %dma_start3A_243] : memref<80x128xf32, #tpu.memory_space<vmem>> -> memref<80x128xf32, #tpu.memory_space<vmem>>
      tpu.enqueue_dma source(%dma_start3A_244 : memref<80x128xf32, #tpu.memory_space<vmem>>) target(%dma_start3A_241 : memref<80x128xf32, #tpu.memory_space<hbm>>) target_semaphore(%run_scoped3A : memref<!tpu.dma_semaphore, #tpu.memory_space<semaphore_mem>>)
      %dma_wait3A_245 = arith.constant 0 : i32
      %dma_wait3A_246 = arith.constant 0 : i32
      %dma_wait3A_247 = tpu.memref_slice %arg9[%dma_wait3A_245, %dma_wait3A_246] : memref<80x128xf32, #tpu.memory_space<vmem>> -> memref<80x128xf32, #tpu.memory_space<vmem>>
      %dma_wait3A_248 = arith.constant 0 : i32
      %dma_wait3A_249 = arith.constant 0 : i32
      %dma_wait3A_250 = tpu.memref_slice %arg6[%arg0, %dma_wait3A_248, %dma_wait3A_249] : memref<2x10000x128xf32, #tpu.memory_space<hbm>> -> memref<1x10000x128xf32, #tpu.memory_space<hbm>>
      %dma_wait3A_251 = tpu.memref_squeeze %dma_wait3A_250 : memref<1x10000x128xf32, #tpu.memory_space<hbm>> -> memref<10000x128xf32, #tpu.memory_space<hbm>>
      %dma_wait3A_252 = arith.constant 0 : i32
      %dma_wait3A_253 = tpu.memref_slice %dma_wait3A_251[%add3A_197, %dma_wait3A_252] : memref<10000x128xf32, #tpu.memory_space<hbm>> -> memref<80x128xf32, #tpu.memory_space<hbm>>
      %dma_wait3A_254 = arith.constant 0 : i32
      %dma_wait3A_255 = arith.constant 0 : i32
      %dma_wait3A_256 = tpu.memref_slice %arg6[%arg0, %dma_wait3A_254, %dma_wait3A_255] : memref<2x10000x128xf32, #tpu.memory_space<hbm>> -> memref<1x10000x128xf32, #tpu.memory_space<hbm>>
      %dma_wait3A_257 = tpu.memref_squeeze %dma_wait3A_256 : memref<1x10000x128xf32, #tpu.memory_space<hbm>> -> memref<10000x128xf32, #tpu.memory_space<hbm>>
      %dma_wait3A_258 = arith.constant 0 : i32
      %dma_wait3A_259 = tpu.memref_slice %dma_wait3A_257[%add3A_197, %dma_wait3A_258] : memref<10000x128xf32, #tpu.memory_space<hbm>> -> memref<80x128xf32, #tpu.memory_space<hbm>>
      %dma_wait3A_260 = arith.constant 0 : i32
      %dma_wait3A_261 = arith.constant 0 : i32
      %dma_wait3A_262 = tpu.memref_slice %arg9[%dma_wait3A_260, %dma_wait3A_261] : memref<80x128xf32, #tpu.memory_space<vmem>> -> memref<80x128xf32, #tpu.memory_space<vmem>>
      tpu.wait_dma2 semaphore(%run_scoped3A : memref<!tpu.dma_semaphore, #tpu.memory_space<semaphore_mem>>) src(%dma_wait3A_262 : memref<80x128xf32, #tpu.memory_space<vmem>>) dst(%dma_wait3A_259 : memref<80x128xf32, #tpu.memory_space<hbm>>)
      tpu.yield
    }) : () -> ()
    %add3A_198 = arith.constant 160 : i32
    %add3A_199 = arith.addi %mul3A_2, %add3A_198 : i32
    "tpu.region"() ({
      %run_scoped3A = tpu.sem_alloc : memref<!tpu.dma_semaphore, #tpu.memory_space<semaphore_mem>>
      %dma_start3A_227 = arith.constant 0 : i32
      %dma_start3A_228 = arith.constant 0 : i32
      %dma_start3A_229 = tpu.memref_slice %arg9[%dma_start3A_227, %dma_start3A_228] : memref<80x128xf32, #tpu.memory_space<vmem>> -> memref<80x128xf32, #tpu.memory_space<vmem>>
      %dma_start3A_230 = arith.constant 0 : i32
      %dma_start3A_231 = tpu.memref_slice %arg12[%add3A_199, %dma_start3A_230] : memref<10000x128xf32, #tpu.memory_space<vmem_shared>> -> memref<80x128xf32, #tpu.memory_space<vmem_shared>>
      %dma_start3A_232 = arith.constant 0 : i32
      %dma_start3A_233 = arith.constant 0 : i32
      %dma_start3A_234 = tpu.memref_slice %arg9[%dma_start3A_232, %dma_start3A_233] : memref<80x128xf32, #tpu.memory_space<vmem>> -> memref<80x128xf32, #tpu.memory_space<vmem>>
      %dma_start3A_235 = arith.constant 0 : i32
      %dma_start3A_236 = tpu.memref_slice %arg12[%add3A_199, %dma_start3A_235] : memref<10000x128xf32, #tpu.memory_space<vmem_shared>> -> memref<80x128xf32, #tpu.memory_space<vmem_shared>>
      tpu.enqueue_dma source(%dma_start3A_236 : memref<80x128xf32, #tpu.memory_space<vmem_shared>>) target(%dma_start3A_234 : memref<80x128xf32, #tpu.memory_space<vmem>>) target_semaphore(%run_scoped3A : memref<!tpu.dma_semaphore, #tpu.memory_space<semaphore_mem>>)
      %dma_wait3A_237 = arith.constant 0 : i32
      %dma_wait3A_238 = arith.constant 0 : i32
      %dma_wait3A_239 = tpu.memref_slice %arg9[%dma_wait3A_237, %dma_wait3A_238] : memref<80x128xf32, #tpu.memory_space<vmem>> -> memref<80x128xf32, #tpu.memory_space<vmem>>
      %dma_wait3A_240 = arith.constant 0 : i32
      %dma_wait3A_241 = tpu.memref_slice %arg12[%add3A_199, %dma_wait3A_240] : memref<10000x128xf32, #tpu.memory_space<vmem_shared>> -> memref<80x128xf32, #tpu.memory_space<vmem_shared>>
      %dma_wait3A_242 = arith.constant 0 : i32
      %dma_wait3A_243 = arith.constant 0 : i32
      %dma_wait3A_244 = tpu.memref_slice %arg9[%dma_wait3A_242, %dma_wait3A_243] : memref<80x128xf32, #tpu.memory_space<vmem>> -> memref<80x128xf32, #tpu.memory_space<vmem>>
      %dma_wait3A_245 = arith.constant 0 : i32
      %dma_wait3A_246 = tpu.memref_slice %arg12[%add3A_199, %dma_wait3A_245] : memref<10000x128xf32, #tpu.memory_space<vmem_shared>> -> memref<80x128xf32, #tpu.memory_space<vmem_shared>>
      tpu.wait_dma2 semaphore(%run_scoped3A : memref<!tpu.dma_semaphore, #tpu.memory_space<semaphore_mem>>) src(%dma_wait3A_246 : memref<80x128xf32, #tpu.memory_space<vmem_shared>>) dst(%dma_wait3A_244 : memref<80x128xf32, #tpu.memory_space<vmem>>)
      tpu.yield
    }) : () -> ()
    %add3A_200 = arith.constant 160 : i32
    %add3A_201 = arith.addi %mul3A_2, %add3A_200 : i32
    "tpu.region"() ({
      %run_scoped3A = tpu.sem_alloc : memref<!tpu.dma_semaphore, #tpu.memory_space<semaphore_mem>>
      %dma_start3A_227 = arith.constant 0 : i32
      %dma_start3A_228 = arith.constant 0 : i32
      %dma_start3A_229 = tpu.memref_slice %arg9[%dma_start3A_227, %dma_start3A_228] : memref<80x128xf32, #tpu.memory_space<vmem>> -> memref<80x128xf32, #tpu.memory_space<vmem>>
      %dma_start3A_230 = arith.constant 0 : i32
      %dma_start3A_231 = arith.constant 0 : i32
      %dma_start3A_232 = tpu.memref_slice %arg6[%arg0, %dma_start3A_230, %dma_start3A_231] : memref<2x10000x128xf32, #tpu.memory_space<hbm>> -> memref<1x10000x128xf32, #tpu.memory_space<hbm>>
      %dma_start3A_233 = tpu.memref_squeeze %dma_start3A_232 : memref<1x10000x128xf32, #tpu.memory_space<hbm>> -> memref<10000x128xf32, #tpu.memory_space<hbm>>
      %dma_start3A_234 = arith.constant 0 : i32
      %dma_start3A_235 = tpu.memref_slice %dma_start3A_233[%add3A_201, %dma_start3A_234] : memref<10000x128xf32, #tpu.memory_space<hbm>> -> memref<80x128xf32, #tpu.memory_space<hbm>>
      %dma_start3A_236 = arith.constant 0 : i32
      %dma_start3A_237 = arith.constant 0 : i32
      %dma_start3A_238 = tpu.memref_slice %arg6[%arg0, %dma_start3A_236, %dma_start3A_237] : memref<2x10000x128xf32, #tpu.memory_space<hbm>> -> memref<1x10000x128xf32, #tpu.memory_space<hbm>>
      %dma_start3A_239 = tpu.memref_squeeze %dma_start3A_238 : memref<1x10000x128xf32, #tpu.memory_space<hbm>> -> memref<10000x128xf32, #tpu.memory_space<hbm>>
      %dma_start3A_240 = arith.constant 0 : i32
      %dma_start3A_241 = tpu.memref_slice %dma_start3A_239[%add3A_201, %dma_start3A_240] : memref<10000x128xf32, #tpu.memory_space<hbm>> -> memref<80x128xf32, #tpu.memory_space<hbm>>
      %dma_start3A_242 = arith.constant 0 : i32
      %dma_start3A_243 = arith.constant 0 : i32
      %dma_start3A_244 = tpu.memref_slice %arg9[%dma_start3A_242, %dma_start3A_243] : memref<80x128xf32, #tpu.memory_space<vmem>> -> memref<80x128xf32, #tpu.memory_space<vmem>>
      tpu.enqueue_dma source(%dma_start3A_244 : memref<80x128xf32, #tpu.memory_space<vmem>>) target(%dma_start3A_241 : memref<80x128xf32, #tpu.memory_space<hbm>>) target_semaphore(%run_scoped3A : memref<!tpu.dma_semaphore, #tpu.memory_space<semaphore_mem>>)
      %dma_wait3A_245 = arith.constant 0 : i32
      %dma_wait3A_246 = arith.constant 0 : i32
      %dma_wait3A_247 = tpu.memref_slice %arg9[%dma_wait3A_245, %dma_wait3A_246] : memref<80x128xf32, #tpu.memory_space<vmem>> -> memref<80x128xf32, #tpu.memory_space<vmem>>
      %dma_wait3A_248 = arith.constant 0 : i32
      %dma_wait3A_249 = arith.constant 0 : i32
      %dma_wait3A_250 = tpu.memref_slice %arg6[%arg0, %dma_wait3A_248, %dma_wait3A_249] : memref<2x10000x128xf32, #tpu.memory_space<hbm>> -> memref<1x10000x128xf32, #tpu.memory_space<hbm>>
      %dma_wait3A_251 = tpu.memref_squeeze %dma_wait3A_250 : memref<1x10000x128xf32, #tpu.memory_space<hbm>> -> memref<10000x128xf32, #tpu.memory_space<hbm>>
      %dma_wait3A_252 = arith.constant 0 : i32
      %dma_wait3A_253 = tpu.memref_slice %dma_wait3A_251[%add3A_201, %dma_wait3A_252] : memref<10000x128xf32, #tpu.memory_space<hbm>> -> memref<80x128xf32, #tpu.memory_space<hbm>>
      %dma_wait3A_254 = arith.constant 0 : i32
      %dma_wait3A_255 = arith.constant 0 : i32
      %dma_wait3A_256 = tpu.memref_slice %arg6[%arg0, %dma_wait3A_254, %dma_wait3A_255] : memref<2x10000x128xf32, #tpu.memory_space<hbm>> -> memref<1x10000x128xf32, #tpu.memory_space<hbm>>
      %dma_wait3A_257 = tpu.memref_squeeze %dma_wait3A_256 : memref<1x10000x128xf32, #tpu.memory_space<hbm>> -> memref<10000x128xf32, #tpu.memory_space<hbm>>
      %dma_wait3A_258 = arith.constant 0 : i32
      %dma_wait3A_259 = tpu.memref_slice %dma_wait3A_257[%add3A_201, %dma_wait3A_258] : memref<10000x128xf32, #tpu.memory_space<hbm>> -> memref<80x128xf32, #tpu.memory_space<hbm>>
      %dma_wait3A_260 = arith.constant 0 : i32
      %dma_wait3A_261 = arith.constant 0 : i32
      %dma_wait3A_262 = tpu.memref_slice %arg9[%dma_wait3A_260, %dma_wait3A_261] : memref<80x128xf32, #tpu.memory_space<vmem>> -> memref<80x128xf32, #tpu.memory_space<vmem>>
      tpu.wait_dma2 semaphore(%run_scoped3A : memref<!tpu.dma_semaphore, #tpu.memory_space<semaphore_mem>>) src(%dma_wait3A_262 : memref<80x128xf32, #tpu.memory_space<vmem>>) dst(%dma_wait3A_259 : memref<80x128xf32, #tpu.memory_space<hbm>>)
      tpu.yield
    }) : () -> ()
    %add3A_202 = arith.constant 240 : i32
    %add3A_203 = arith.addi %mul3A_2, %add3A_202 : i32
    "tpu.region"() ({
      %run_scoped3A = tpu.sem_alloc : memref<!tpu.dma_semaphore, #tpu.memory_space<semaphore_mem>>
      %dma_start3A_227 = arith.constant 0 : i32
      %dma_start3A_228 = arith.constant 0 : i32
      %dma_start3A_229 = tpu.memref_slice %arg9[%dma_start3A_227, %dma_start3A_228] : memref<80x128xf32, #tpu.memory_space<vmem>> -> memref<80x128xf32, #tpu.memory_space<vmem>>
      %dma_start3A_230 = arith.constant 0 : i32
      %dma_start3A_231 = tpu.memref_slice %arg12[%add3A_203, %dma_start3A_230] : memref<10000x128xf32, #tpu.memory_space<vmem_shared>> -> memref<80x128xf32, #tpu.memory_space<vmem_shared>>
      %dma_start3A_232 = arith.constant 0 : i32
      %dma_start3A_233 = arith.constant 0 : i32
      %dma_start3A_234 = tpu.memref_slice %arg9[%dma_start3A_232, %dma_start3A_233] : memref<80x128xf32, #tpu.memory_space<vmem>> -> memref<80x128xf32, #tpu.memory_space<vmem>>
      %dma_start3A_235 = arith.constant 0 : i32
      %dma_start3A_236 = tpu.memref_slice %arg12[%add3A_203, %dma_start3A_235] : memref<10000x128xf32, #tpu.memory_space<vmem_shared>> -> memref<80x128xf32, #tpu.memory_space<vmem_shared>>
      tpu.enqueue_dma source(%dma_start3A_236 : memref<80x128xf32, #tpu.memory_space<vmem_shared>>) target(%dma_start3A_234 : memref<80x128xf32, #tpu.memory_space<vmem>>) target_semaphore(%run_scoped3A : memref<!tpu.dma_semaphore, #tpu.memory_space<semaphore_mem>>)
      %dma_wait3A_237 = arith.constant 0 : i32
      %dma_wait3A_238 = arith.constant 0 : i32
      %dma_wait3A_239 = tpu.memref_slice %arg9[%dma_wait3A_237, %dma_wait3A_238] : memref<80x128xf32, #tpu.memory_space<vmem>> -> memref<80x128xf32, #tpu.memory_space<vmem>>
      %dma_wait3A_240 = arith.constant 0 : i32
      %dma_wait3A_241 = tpu.memref_slice %arg12[%add3A_203, %dma_wait3A_240] : memref<10000x128xf32, #tpu.memory_space<vmem_shared>> -> memref<80x128xf32, #tpu.memory_space<vmem_shared>>
      %dma_wait3A_242 = arith.constant 0 : i32
      %dma_wait3A_243 = arith.constant 0 : i32
      %dma_wait3A_244 = tpu.memref_slice %arg9[%dma_wait3A_242, %dma_wait3A_243] : memref<80x128xf32, #tpu.memory_space<vmem>> -> memref<80x128xf32, #tpu.memory_space<vmem>>
      %dma_wait3A_245 = arith.constant 0 : i32
      %dma_wait3A_246 = tpu.memref_slice %arg12[%add3A_203, %dma_wait3A_245] : memref<10000x128xf32, #tpu.memory_space<vmem_shared>> -> memref<80x128xf32, #tpu.memory_space<vmem_shared>>
      tpu.wait_dma2 semaphore(%run_scoped3A : memref<!tpu.dma_semaphore, #tpu.memory_space<semaphore_mem>>) src(%dma_wait3A_246 : memref<80x128xf32, #tpu.memory_space<vmem_shared>>) dst(%dma_wait3A_244 : memref<80x128xf32, #tpu.memory_space<vmem>>)
      tpu.yield
    }) : () -> ()
    %add3A_204 = arith.constant 240 : i32
    %add3A_205 = arith.addi %mul3A_2, %add3A_204 : i32
    "tpu.region"() ({
      %run_scoped3A = tpu.sem_alloc : memref<!tpu.dma_semaphore, #tpu.memory_space<semaphore_mem>>
      %dma_start3A_227 = arith.constant 0 : i32
      %dma_start3A_228 = arith.constant 0 : i32
      %dma_start3A_229 = tpu.memref_slice %arg9[%dma_start3A_227, %dma_start3A_228] : memref<80x128xf32, #tpu.memory_space<vmem>> -> memref<80x128xf32, #tpu.memory_space<vmem>>
      %dma_start3A_230 = arith.constant 0 : i32
      %dma_start3A_231 = arith.constant 0 : i32
      %dma_start3A_232 = tpu.memref_slice %arg6[%arg0, %dma_start3A_230, %dma_start3A_231] : memref<2x10000x128xf32, #tpu.memory_space<hbm>> -> memref<1x10000x128xf32, #tpu.memory_space<hbm>>
      %dma_start3A_233 = tpu.memref_squeeze %dma_start3A_232 : memref<1x10000x128xf32, #tpu.memory_space<hbm>> -> memref<10000x128xf32, #tpu.memory_space<hbm>>
      %dma_start3A_234 = arith.constant 0 : i32
      %dma_start3A_235 = tpu.memref_slice %dma_start3A_233[%add3A_205, %dma_start3A_234] : memref<10000x128xf32, #tpu.memory_space<hbm>> -> memref<80x128xf32, #tpu.memory_space<hbm>>
      %dma_start3A_236 = arith.constant 0 : i32
      %dma_start3A_237 = arith.constant 0 : i32
      %dma_start3A_238 = tpu.memref_slice %arg6[%arg0, %dma_start3A_236, %dma_start3A_237] : memref<2x10000x128xf32, #tpu.memory_space<hbm>> -> memref<1x10000x128xf32, #tpu.memory_space<hbm>>
      %dma_start3A_239 = tpu.memref_squeeze %dma_start3A_238 : memref<1x10000x128xf32, #tpu.memory_space<hbm>> -> memref<10000x128xf32, #tpu.memory_space<hbm>>
      %dma_start3A_240 = arith.constant 0 : i32
      %dma_start3A_241 = tpu.memref_slice %dma_start3A_239[%add3A_205, %dma_start3A_240] : memref<10000x128xf32, #tpu.memory_space<hbm>> -> memref<80x128xf32, #tpu.memory_space<hbm>>
      %dma_start3A_242 = arith.constant 0 : i32
      %dma_start3A_243 = arith.constant 0 : i32
      %dma_start3A_244 = tpu.memref_slice %arg9[%dma_start3A_242, %dma_start3A_243] : memref<80x128xf32, #tpu.memory_space<vmem>> -> memref<80x128xf32, #tpu.memory_space<vmem>>
      tpu.enqueue_dma source(%dma_start3A_244 : memref<80x128xf32, #tpu.memory_space<vmem>>) target(%dma_start3A_241 : memref<80x128xf32, #tpu.memory_space<hbm>>) target_semaphore(%run_scoped3A : memref<!tpu.dma_semaphore, #tpu.memory_space<semaphore_mem>>)
      %dma_wait3A_245 = arith.constant 0 : i32
      %dma_wait3A_246 = arith.constant 0 : i32
      %dma_wait3A_247 = tpu.memref_slice %arg9[%dma_wait3A_245, %dma_wait3A_246] : memref<80x128xf32, #tpu.memory_space<vmem>> -> memref<80x128xf32, #tpu.memory_space<vmem>>
      %dma_wait3A_248 = arith.constant 0 : i32
      %dma_wait3A_249 = arith.constant 0 : i32
      %dma_wait3A_250 = tpu.memref_slice %arg6[%arg0, %dma_wait3A_248, %dma_wait3A_249] : memref<2x10000x128xf32, #tpu.memory_space<hbm>> -> memref<1x10000x128xf32, #tpu.memory_space<hbm>>
      %dma_wait3A_251 = tpu.memref_squeeze %dma_wait3A_250 : memref<1x10000x128xf32, #tpu.memory_space<hbm>> -> memref<10000x128xf32, #tpu.memory_space<hbm>>
      %dma_wait3A_252 = arith.constant 0 : i32
      %dma_wait3A_253 = tpu.memref_slice %dma_wait3A_251[%add3A_205, %dma_wait3A_252] : memref<10000x128xf32, #tpu.memory_space<hbm>> -> memref<80x128xf32, #tpu.memory_space<hbm>>
      %dma_wait3A_254 = arith.constant 0 : i32
      %dma_wait3A_255 = arith.constant 0 : i32
      %dma_wait3A_256 = tpu.memref_slice %arg6[%arg0, %dma_wait3A_254, %dma_wait3A_255] : memref<2x10000x128xf32, #tpu.memory_space<hbm>> -> memref<1x10000x128xf32, #tpu.memory_space<hbm>>
      %dma_wait3A_257 = tpu.memref_squeeze %dma_wait3A_256 : memref<1x10000x128xf32, #tpu.memory_space<hbm>> -> memref<10000x128xf32, #tpu.memory_space<hbm>>
      %dma_wait3A_258 = arith.constant 0 : i32
      %dma_wait3A_259 = tpu.memref_slice %dma_wait3A_257[%add3A_205, %dma_wait3A_258] : memref<10000x128xf32, #tpu.memory_space<hbm>> -> memref<80x128xf32, #tpu.memory_space<hbm>>
      %dma_wait3A_260 = arith.constant 0 : i32
      %dma_wait3A_261 = arith.constant 0 : i32
      %dma_wait3A_262 = tpu.memref_slice %arg9[%dma_wait3A_260, %dma_wait3A_261] : memref<80x128xf32, #tpu.memory_space<vmem>> -> memref<80x128xf32, #tpu.memory_space<vmem>>
      tpu.wait_dma2 semaphore(%run_scoped3A : memref<!tpu.dma_semaphore, #tpu.memory_space<semaphore_mem>>) src(%dma_wait3A_262 : memref<80x128xf32, #tpu.memory_space<vmem>>) dst(%dma_wait3A_259 : memref<80x128xf32, #tpu.memory_space<hbm>>)
      tpu.yield
    }) : () -> ()
    %add3A_206 = arith.constant 320 : i32
    %add3A_207 = arith.addi %mul3A_2, %add3A_206 : i32
    "tpu.region"() ({
      %run_scoped3A = tpu.sem_alloc : memref<!tpu.dma_semaphore, #tpu.memory_space<semaphore_mem>>
      %dma_start3A_227 = arith.constant 0 : i32
      %dma_start3A_228 = arith.constant 0 : i32
      %dma_start3A_229 = tpu.memref_slice %arg9[%dma_start3A_227, %dma_start3A_228] : memref<80x128xf32, #tpu.memory_space<vmem>> -> memref<80x128xf32, #tpu.memory_space<vmem>>
      %dma_start3A_230 = arith.constant 0 : i32
      %dma_start3A_231 = tpu.memref_slice %arg12[%add3A_207, %dma_start3A_230] : memref<10000x128xf32, #tpu.memory_space<vmem_shared>> -> memref<80x128xf32, #tpu.memory_space<vmem_shared>>
      %dma_start3A_232 = arith.constant 0 : i32
      %dma_start3A_233 = arith.constant 0 : i32
      %dma_start3A_234 = tpu.memref_slice %arg9[%dma_start3A_232, %dma_start3A_233] : memref<80x128xf32, #tpu.memory_space<vmem>> -> memref<80x128xf32, #tpu.memory_space<vmem>>
      %dma_start3A_235 = arith.constant 0 : i32
      %dma_start3A_236 = tpu.memref_slice %arg12[%add3A_207, %dma_start3A_235] : memref<10000x128xf32, #tpu.memory_space<vmem_shared>> -> memref<80x128xf32, #tpu.memory_space<vmem_shared>>
      tpu.enqueue_dma source(%dma_start3A_236 : memref<80x128xf32, #tpu.memory_space<vmem_shared>>) target(%dma_start3A_234 : memref<80x128xf32, #tpu.memory_space<vmem>>) target_semaphore(%run_scoped3A : memref<!tpu.dma_semaphore, #tpu.memory_space<semaphore_mem>>)
      %dma_wait3A_237 = arith.constant 0 : i32
      %dma_wait3A_238 = arith.constant 0 : i32
      %dma_wait3A_239 = tpu.memref_slice %arg9[%dma_wait3A_237, %dma_wait3A_238] : memref<80x128xf32, #tpu.memory_space<vmem>> -> memref<80x128xf32, #tpu.memory_space<vmem>>
      %dma_wait3A_240 = arith.constant 0 : i32
      %dma_wait3A_241 = tpu.memref_slice %arg12[%add3A_207, %dma_wait3A_240] : memref<10000x128xf32, #tpu.memory_space<vmem_shared>> -> memref<80x128xf32, #tpu.memory_space<vmem_shared>>
      %dma_wait3A_242 = arith.constant 0 : i32
      %dma_wait3A_243 = arith.constant 0 : i32
      %dma_wait3A_244 = tpu.memref_slice %arg9[%dma_wait3A_242, %dma_wait3A_243] : memref<80x128xf32, #tpu.memory_space<vmem>> -> memref<80x128xf32, #tpu.memory_space<vmem>>
      %dma_wait3A_245 = arith.constant 0 : i32
      %dma_wait3A_246 = tpu.memref_slice %arg12[%add3A_207, %dma_wait3A_245] : memref<10000x128xf32, #tpu.memory_space<vmem_shared>> -> memref<80x128xf32, #tpu.memory_space<vmem_shared>>
      tpu.wait_dma2 semaphore(%run_scoped3A : memref<!tpu.dma_semaphore, #tpu.memory_space<semaphore_mem>>) src(%dma_wait3A_246 : memref<80x128xf32, #tpu.memory_space<vmem_shared>>) dst(%dma_wait3A_244 : memref<80x128xf32, #tpu.memory_space<vmem>>)
      tpu.yield
    }) : () -> ()
    %add3A_208 = arith.constant 320 : i32
    %add3A_209 = arith.addi %mul3A_2, %add3A_208 : i32
    "tpu.region"() ({
      %run_scoped3A = tpu.sem_alloc : memref<!tpu.dma_semaphore, #tpu.memory_space<semaphore_mem>>
      %dma_start3A_227 = arith.constant 0 : i32
      %dma_start3A_228 = arith.constant 0 : i32
      %dma_start3A_229 = tpu.memref_slice %arg9[%dma_start3A_227, %dma_start3A_228] : memref<80x128xf32, #tpu.memory_space<vmem>> -> memref<80x128xf32, #tpu.memory_space<vmem>>
      %dma_start3A_230 = arith.constant 0 : i32
      %dma_start3A_231 = arith.constant 0 : i32
      %dma_start3A_232 = tpu.memref_slice %arg6[%arg0, %dma_start3A_230, %dma_start3A_231] : memref<2x10000x128xf32, #tpu.memory_space<hbm>> -> memref<1x10000x128xf32, #tpu.memory_space<hbm>>
      %dma_start3A_233 = tpu.memref_squeeze %dma_start3A_232 : memref<1x10000x128xf32, #tpu.memory_space<hbm>> -> memref<10000x128xf32, #tpu.memory_space<hbm>>
      %dma_start3A_234 = arith.constant 0 : i32
      %dma_start3A_235 = tpu.memref_slice %dma_start3A_233[%add3A_209, %dma_start3A_234] : memref<10000x128xf32, #tpu.memory_space<hbm>> -> memref<80x128xf32, #tpu.memory_space<hbm>>
      %dma_start3A_236 = arith.constant 0 : i32
      %dma_start3A_237 = arith.constant 0 : i32
      %dma_start3A_238 = tpu.memref_slice %arg6[%arg0, %dma_start3A_236, %dma_start3A_237] : memref<2x10000x128xf32, #tpu.memory_space<hbm>> -> memref<1x10000x128xf32, #tpu.memory_space<hbm>>
      %dma_start3A_239 = tpu.memref_squeeze %dma_start3A_238 : memref<1x10000x128xf32, #tpu.memory_space<hbm>> -> memref<10000x128xf32, #tpu.memory_space<hbm>>
      %dma_start3A_240 = arith.constant 0 : i32
      %dma_start3A_241 = tpu.memref_slice %dma_start3A_239[%add3A_209, %dma_start3A_240] : memref<10000x128xf32, #tpu.memory_space<hbm>> -> memref<80x128xf32, #tpu.memory_space<hbm>>
      %dma_start3A_242 = arith.constant 0 : i32
      %dma_start3A_243 = arith.constant 0 : i32
      %dma_start3A_244 = tpu.memref_slice %arg9[%dma_start3A_242, %dma_start3A_243] : memref<80x128xf32, #tpu.memory_space<vmem>> -> memref<80x128xf32, #tpu.memory_space<vmem>>
      tpu.enqueue_dma source(%dma_start3A_244 : memref<80x128xf32, #tpu.memory_space<vmem>>) target(%dma_start3A_241 : memref<80x128xf32, #tpu.memory_space<hbm>>) target_semaphore(%run_scoped3A : memref<!tpu.dma_semaphore, #tpu.memory_space<semaphore_mem>>)
      %dma_wait3A_245 = arith.constant 0 : i32
      %dma_wait3A_246 = arith.constant 0 : i32
      %dma_wait3A_247 = tpu.memref_slice %arg9[%dma_wait3A_245, %dma_wait3A_246] : memref<80x128xf32, #tpu.memory_space<vmem>> -> memref<80x128xf32, #tpu.memory_space<vmem>>
      %dma_wait3A_248 = arith.constant 0 : i32
      %dma_wait3A_249 = arith.constant 0 : i32
      %dma_wait3A_250 = tpu.memref_slice %arg6[%arg0, %dma_wait3A_248, %dma_wait3A_249] : memref<2x10000x128xf32, #tpu.memory_space<hbm>> -> memref<1x10000x128xf32, #tpu.memory_space<hbm>>
      %dma_wait3A_251 = tpu.memref_squeeze %dma_wait3A_250 : memref<1x10000x128xf32, #tpu.memory_space<hbm>> -> memref<10000x128xf32, #tpu.memory_space<hbm>>
      %dma_wait3A_252 = arith.constant 0 : i32
      %dma_wait3A_253 = tpu.memref_slice %dma_wait3A_251[%add3A_209, %dma_wait3A_252] : memref<10000x128xf32, #tpu.memory_space<hbm>> -> memref<80x128xf32, #tpu.memory_space<hbm>>
      %dma_wait3A_254 = arith.constant 0 : i32
      %dma_wait3A_255 = arith.constant 0 : i32
      %dma_wait3A_256 = tpu.memref_slice %arg6[%arg0, %dma_wait3A_254, %dma_wait3A_255] : memref<2x10000x128xf32, #tpu.memory_space<hbm>> -> memref<1x10000x128xf32, #tpu.memory_space<hbm>>
      %dma_wait3A_257 = tpu.memref_squeeze %dma_wait3A_256 : memref<1x10000x128xf32, #tpu.memory_space<hbm>> -> memref<10000x128xf32, #tpu.memory_space<hbm>>
      %dma_wait3A_258 = arith.constant 0 : i32
      %dma_wait3A_259 = tpu.memref_slice %dma_wait3A_257[%add3A_209, %dma_wait3A_258] : memref<10000x128xf32, #tpu.memory_space<hbm>> -> memref<80x128xf32, #tpu.memory_space<hbm>>
      %dma_wait3A_260 = arith.constant 0 : i32
      %dma_wait3A_261 = arith.constant 0 : i32
      %dma_wait3A_262 = tpu.memref_slice %arg9[%dma_wait3A_260, %dma_wait3A_261] : memref<80x128xf32, #tpu.memory_space<vmem>> -> memref<80x128xf32, #tpu.memory_space<vmem>>
      tpu.wait_dma2 semaphore(%run_scoped3A : memref<!tpu.dma_semaphore, #tpu.memory_space<semaphore_mem>>) src(%dma_wait3A_262 : memref<80x128xf32, #tpu.memory_space<vmem>>) dst(%dma_wait3A_259 : memref<80x128xf32, #tpu.memory_space<hbm>>)
      tpu.yield
    }) : () -> ()
    %add3A_210 = arith.constant 400 : i32
    %add3A_211 = arith.addi %mul3A_2, %add3A_210 : i32
    "tpu.region"() ({
      %run_scoped3A = tpu.sem_alloc : memref<!tpu.dma_semaphore, #tpu.memory_space<semaphore_mem>>
      %dma_start3A_227 = arith.constant 0 : i32
      %dma_start3A_228 = arith.constant 0 : i32
      %dma_start3A_229 = tpu.memref_slice %arg9[%dma_start3A_227, %dma_start3A_228] : memref<80x128xf32, #tpu.memory_space<vmem>> -> memref<80x128xf32, #tpu.memory_space<vmem>>
      %dma_start3A_230 = arith.constant 0 : i32
      %dma_start3A_231 = tpu.memref_slice %arg12[%add3A_211, %dma_start3A_230] : memref<10000x128xf32, #tpu.memory_space<vmem_shared>> -> memref<80x128xf32, #tpu.memory_space<vmem_shared>>
      %dma_start3A_232 = arith.constant 0 : i32
      %dma_start3A_233 = arith.constant 0 : i32
      %dma_start3A_234 = tpu.memref_slice %arg9[%dma_start3A_232, %dma_start3A_233] : memref<80x128xf32, #tpu.memory_space<vmem>> -> memref<80x128xf32, #tpu.memory_space<vmem>>
      %dma_start3A_235 = arith.constant 0 : i32
      %dma_start3A_236 = tpu.memref_slice %arg12[%add3A_211, %dma_start3A_235] : memref<10000x128xf32, #tpu.memory_space<vmem_shared>> -> memref<80x128xf32, #tpu.memory_space<vmem_shared>>
      tpu.enqueue_dma source(%dma_start3A_236 : memref<80x128xf32, #tpu.memory_space<vmem_shared>>) target(%dma_start3A_234 : memref<80x128xf32, #tpu.memory_space<vmem>>) target_semaphore(%run_scoped3A : memref<!tpu.dma_semaphore, #tpu.memory_space<semaphore_mem>>)
      %dma_wait3A_237 = arith.constant 0 : i32
      %dma_wait3A_238 = arith.constant 0 : i32
      %dma_wait3A_239 = tpu.memref_slice %arg9[%dma_wait3A_237, %dma_wait3A_238] : memref<80x128xf32, #tpu.memory_space<vmem>> -> memref<80x128xf32, #tpu.memory_space<vmem>>
      %dma_wait3A_240 = arith.constant 0 : i32
      %dma_wait3A_241 = tpu.memref_slice %arg12[%add3A_211, %dma_wait3A_240] : memref<10000x128xf32, #tpu.memory_space<vmem_shared>> -> memref<80x128xf32, #tpu.memory_space<vmem_shared>>
      %dma_wait3A_242 = arith.constant 0 : i32
      %dma_wait3A_243 = arith.constant 0 : i32
      %dma_wait3A_244 = tpu.memref_slice %arg9[%dma_wait3A_242, %dma_wait3A_243] : memref<80x128xf32, #tpu.memory_space<vmem>> -> memref<80x128xf32, #tpu.memory_space<vmem>>
      %dma_wait3A_245 = arith.constant 0 : i32
      %dma_wait3A_246 = tpu.memref_slice %arg12[%add3A_211, %dma_wait3A_245] : memref<10000x128xf32, #tpu.memory_space<vmem_shared>> -> memref<80x128xf32, #tpu.memory_space<vmem_shared>>
      tpu.wait_dma2 semaphore(%run_scoped3A : memref<!tpu.dma_semaphore, #tpu.memory_space<semaphore_mem>>) src(%dma_wait3A_246 : memref<80x128xf32, #tpu.memory_space<vmem_shared>>) dst(%dma_wait3A_244 : memref<80x128xf32, #tpu.memory_space<vmem>>)
      tpu.yield
    }) : () -> ()
    %add3A_212 = arith.constant 400 : i32
    %add3A_213 = arith.addi %mul3A_2, %add3A_212 : i32
    "tpu.region"() ({
      %run_scoped3A = tpu.sem_alloc : memref<!tpu.dma_semaphore, #tpu.memory_space<semaphore_mem>>
      %dma_start3A_227 = arith.constant 0 : i32
      %dma_start3A_228 = arith.constant 0 : i32
      %dma_start3A_229 = tpu.memref_slice %arg9[%dma_start3A_227, %dma_start3A_228] : memref<80x128xf32, #tpu.memory_space<vmem>> -> memref<80x128xf32, #tpu.memory_space<vmem>>
      %dma_start3A_230 = arith.constant 0 : i32
      %dma_start3A_231 = arith.constant 0 : i32
      %dma_start3A_232 = tpu.memref_slice %arg6[%arg0, %dma_start3A_230, %dma_start3A_231] : memref<2x10000x128xf32, #tpu.memory_space<hbm>> -> memref<1x10000x128xf32, #tpu.memory_space<hbm>>
      %dma_start3A_233 = tpu.memref_squeeze %dma_start3A_232 : memref<1x10000x128xf32, #tpu.memory_space<hbm>> -> memref<10000x128xf32, #tpu.memory_space<hbm>>
      %dma_start3A_234 = arith.constant 0 : i32
      %dma_start3A_235 = tpu.memref_slice %dma_start3A_233[%add3A_213, %dma_start3A_234] : memref<10000x128xf32, #tpu.memory_space<hbm>> -> memref<80x128xf32, #tpu.memory_space<hbm>>
      %dma_start3A_236 = arith.constant 0 : i32
      %dma_start3A_237 = arith.constant 0 : i32
      %dma_start3A_238 = tpu.memref_slice %arg6[%arg0, %dma_start3A_236, %dma_start3A_237] : memref<2x10000x128xf32, #tpu.memory_space<hbm>> -> memref<1x10000x128xf32, #tpu.memory_space<hbm>>
      %dma_start3A_239 = tpu.memref_squeeze %dma_start3A_238 : memref<1x10000x128xf32, #tpu.memory_space<hbm>> -> memref<10000x128xf32, #tpu.memory_space<hbm>>
      %dma_start3A_240 = arith.constant 0 : i32
      %dma_start3A_241 = tpu.memref_slice %dma_start3A_239[%add3A_213, %dma_start3A_240] : memref<10000x128xf32, #tpu.memory_space<hbm>> -> memref<80x128xf32, #tpu.memory_space<hbm>>
      %dma_start3A_242 = arith.constant 0 : i32
      %dma_start3A_243 = arith.constant 0 : i32
      %dma_start3A_244 = tpu.memref_slice %arg9[%dma_start3A_242, %dma_start3A_243] : memref<80x128xf32, #tpu.memory_space<vmem>> -> memref<80x128xf32, #tpu.memory_space<vmem>>
      tpu.enqueue_dma source(%dma_start3A_244 : memref<80x128xf32, #tpu.memory_space<vmem>>) target(%dma_start3A_241 : memref<80x128xf32, #tpu.memory_space<hbm>>) target_semaphore(%run_scoped3A : memref<!tpu.dma_semaphore, #tpu.memory_space<semaphore_mem>>)
      %dma_wait3A_245 = arith.constant 0 : i32
      %dma_wait3A_246 = arith.constant 0 : i32
      %dma_wait3A_247 = tpu.memref_slice %arg9[%dma_wait3A_245, %dma_wait3A_246] : memref<80x128xf32, #tpu.memory_space<vmem>> -> memref<80x128xf32, #tpu.memory_space<vmem>>
      %dma_wait3A_248 = arith.constant 0 : i32
      %dma_wait3A_249 = arith.constant 0 : i32
      %dma_wait3A_250 = tpu.memref_slice %arg6[%arg0, %dma_wait3A_248, %dma_wait3A_249] : memref<2x10000x128xf32, #tpu.memory_space<hbm>> -> memref<1x10000x128xf32, #tpu.memory_space<hbm>>
      %dma_wait3A_251 = tpu.memref_squeeze %dma_wait3A_250 : memref<1x10000x128xf32, #tpu.memory_space<hbm>> -> memref<10000x128xf32, #tpu.memory_space<hbm>>
      %dma_wait3A_252 = arith.constant 0 : i32
      %dma_wait3A_253 = tpu.memref_slice %dma_wait3A_251[%add3A_213, %dma_wait3A_252] : memref<10000x128xf32, #tpu.memory_space<hbm>> -> memref<80x128xf32, #tpu.memory_space<hbm>>
      %dma_wait3A_254 = arith.constant 0 : i32
      %dma_wait3A_255 = arith.constant 0 : i32
      %dma_wait3A_256 = tpu.memref_slice %arg6[%arg0, %dma_wait3A_254, %dma_wait3A_255] : memref<2x10000x128xf32, #tpu.memory_space<hbm>> -> memref<1x10000x128xf32, #tpu.memory_space<hbm>>
      %dma_wait3A_257 = tpu.memref_squeeze %dma_wait3A_256 : memref<1x10000x128xf32, #tpu.memory_space<hbm>> -> memref<10000x128xf32, #tpu.memory_space<hbm>>
      %dma_wait3A_258 = arith.constant 0 : i32
      %dma_wait3A_259 = tpu.memref_slice %dma_wait3A_257[%add3A_213, %dma_wait3A_258] : memref<10000x128xf32, #tpu.memory_space<hbm>> -> memref<80x128xf32, #tpu.memory_space<hbm>>
      %dma_wait3A_260 = arith.constant 0 : i32
      %dma_wait3A_261 = arith.constant 0 : i32
      %dma_wait3A_262 = tpu.memref_slice %arg9[%dma_wait3A_260, %dma_wait3A_261] : memref<80x128xf32, #tpu.memory_space<vmem>> -> memref<80x128xf32, #tpu.memory_space<vmem>>
      tpu.wait_dma2 semaphore(%run_scoped3A : memref<!tpu.dma_semaphore, #tpu.memory_space<semaphore_mem>>) src(%dma_wait3A_262 : memref<80x128xf32, #tpu.memory_space<vmem>>) dst(%dma_wait3A_259 : memref<80x128xf32, #tpu.memory_space<hbm>>)
      tpu.yield
    }) : () -> ()
    %add3A_214 = arith.constant 480 : i32
    %add3A_215 = arith.addi %mul3A_2, %add3A_214 : i32
    "tpu.region"() ({
      %run_scoped3A = tpu.sem_alloc : memref<!tpu.dma_semaphore, #tpu.memory_space<semaphore_mem>>
      %dma_start3A_227 = arith.constant 0 : i32
      %dma_start3A_228 = arith.constant 0 : i32
      %dma_start3A_229 = tpu.memref_slice %arg9[%dma_start3A_227, %dma_start3A_228] : memref<80x128xf32, #tpu.memory_space<vmem>> -> memref<80x128xf32, #tpu.memory_space<vmem>>
      %dma_start3A_230 = arith.constant 0 : i32
      %dma_start3A_231 = tpu.memref_slice %arg12[%add3A_215, %dma_start3A_230] : memref<10000x128xf32, #tpu.memory_space<vmem_shared>> -> memref<80x128xf32, #tpu.memory_space<vmem_shared>>
      %dma_start3A_232 = arith.constant 0 : i32
      %dma_start3A_233 = arith.constant 0 : i32
      %dma_start3A_234 = tpu.memref_slice %arg9[%dma_start3A_232, %dma_start3A_233] : memref<80x128xf32, #tpu.memory_space<vmem>> -> memref<80x128xf32, #tpu.memory_space<vmem>>
      %dma_start3A_235 = arith.constant 0 : i32
      %dma_start3A_236 = tpu.memref_slice %arg12[%add3A_215, %dma_start3A_235] : memref<10000x128xf32, #tpu.memory_space<vmem_shared>> -> memref<80x128xf32, #tpu.memory_space<vmem_shared>>
      tpu.enqueue_dma source(%dma_start3A_236 : memref<80x128xf32, #tpu.memory_space<vmem_shared>>) target(%dma_start3A_234 : memref<80x128xf32, #tpu.memory_space<vmem>>) target_semaphore(%run_scoped3A : memref<!tpu.dma_semaphore, #tpu.memory_space<semaphore_mem>>)
      %dma_wait3A_237 = arith.constant 0 : i32
      %dma_wait3A_238 = arith.constant 0 : i32
      %dma_wait3A_239 = tpu.memref_slice %arg9[%dma_wait3A_237, %dma_wait3A_238] : memref<80x128xf32, #tpu.memory_space<vmem>> -> memref<80x128xf32, #tpu.memory_space<vmem>>
      %dma_wait3A_240 = arith.constant 0 : i32
      %dma_wait3A_241 = tpu.memref_slice %arg12[%add3A_215, %dma_wait3A_240] : memref<10000x128xf32, #tpu.memory_space<vmem_shared>> -> memref<80x128xf32, #tpu.memory_space<vmem_shared>>
      %dma_wait3A_242 = arith.constant 0 : i32
      %dma_wait3A_243 = arith.constant 0 : i32
      %dma_wait3A_244 = tpu.memref_slice %arg9[%dma_wait3A_242, %dma_wait3A_243] : memref<80x128xf32, #tpu.memory_space<vmem>> -> memref<80x128xf32, #tpu.memory_space<vmem>>
      %dma_wait3A_245 = arith.constant 0 : i32
      %dma_wait3A_246 = tpu.memref_slice %arg12[%add3A_215, %dma_wait3A_245] : memref<10000x128xf32, #tpu.memory_space<vmem_shared>> -> memref<80x128xf32, #tpu.memory_space<vmem_shared>>
      tpu.wait_dma2 semaphore(%run_scoped3A : memref<!tpu.dma_semaphore, #tpu.memory_space<semaphore_mem>>) src(%dma_wait3A_246 : memref<80x128xf32, #tpu.memory_space<vmem_shared>>) dst(%dma_wait3A_244 : memref<80x128xf32, #tpu.memory_space<vmem>>)
      tpu.yield
    }) : () -> ()
    %add3A_216 = arith.constant 480 : i32
    %add3A_217 = arith.addi %mul3A_2, %add3A_216 : i32
    "tpu.region"() ({
      %run_scoped3A = tpu.sem_alloc : memref<!tpu.dma_semaphore, #tpu.memory_space<semaphore_mem>>
      %dma_start3A_227 = arith.constant 0 : i32
      %dma_start3A_228 = arith.constant 0 : i32
      %dma_start3A_229 = tpu.memref_slice %arg9[%dma_start3A_227, %dma_start3A_228] : memref<80x128xf32, #tpu.memory_space<vmem>> -> memref<80x128xf32, #tpu.memory_space<vmem>>
      %dma_start3A_230 = arith.constant 0 : i32
      %dma_start3A_231 = arith.constant 0 : i32
      %dma_start3A_232 = tpu.memref_slice %arg6[%arg0, %dma_start3A_230, %dma_start3A_231] : memref<2x10000x128xf32, #tpu.memory_space<hbm>> -> memref<1x10000x128xf32, #tpu.memory_space<hbm>>
      %dma_start3A_233 = tpu.memref_squeeze %dma_start3A_232 : memref<1x10000x128xf32, #tpu.memory_space<hbm>> -> memref<10000x128xf32, #tpu.memory_space<hbm>>
      %dma_start3A_234 = arith.constant 0 : i32
      %dma_start3A_235 = tpu.memref_slice %dma_start3A_233[%add3A_217, %dma_start3A_234] : memref<10000x128xf32, #tpu.memory_space<hbm>> -> memref<80x128xf32, #tpu.memory_space<hbm>>
      %dma_start3A_236 = arith.constant 0 : i32
      %dma_start3A_237 = arith.constant 0 : i32
      %dma_start3A_238 = tpu.memref_slice %arg6[%arg0, %dma_start3A_236, %dma_start3A_237] : memref<2x10000x128xf32, #tpu.memory_space<hbm>> -> memref<1x10000x128xf32, #tpu.memory_space<hbm>>
      %dma_start3A_239 = tpu.memref_squeeze %dma_start3A_238 : memref<1x10000x128xf32, #tpu.memory_space<hbm>> -> memref<10000x128xf32, #tpu.memory_space<hbm>>
      %dma_start3A_240 = arith.constant 0 : i32
      %dma_start3A_241 = tpu.memref_slice %dma_start3A_239[%add3A_217, %dma_start3A_240] : memref<10000x128xf32, #tpu.memory_space<hbm>> -> memref<80x128xf32, #tpu.memory_space<hbm>>
      %dma_start3A_242 = arith.constant 0 : i32
      %dma_start3A_243 = arith.constant 0 : i32
      %dma_start3A_244 = tpu.memref_slice %arg9[%dma_start3A_242, %dma_start3A_243] : memref<80x128xf32, #tpu.memory_space<vmem>> -> memref<80x128xf32, #tpu.memory_space<vmem>>
      tpu.enqueue_dma source(%dma_start3A_244 : memref<80x128xf32, #tpu.memory_space<vmem>>) target(%dma_start3A_241 : memref<80x128xf32, #tpu.memory_space<hbm>>) target_semaphore(%run_scoped3A : memref<!tpu.dma_semaphore, #tpu.memory_space<semaphore_mem>>)
      %dma_wait3A_245 = arith.constant 0 : i32
      %dma_wait3A_246 = arith.constant 0 : i32
      %dma_wait3A_247 = tpu.memref_slice %arg9[%dma_wait3A_245, %dma_wait3A_246] : memref<80x128xf32, #tpu.memory_space<vmem>> -> memref<80x128xf32, #tpu.memory_space<vmem>>
      %dma_wait3A_248 = arith.constant 0 : i32
      %dma_wait3A_249 = arith.constant 0 : i32
      %dma_wait3A_250 = tpu.memref_slice %arg6[%arg0, %dma_wait3A_248, %dma_wait3A_249] : memref<2x10000x128xf32, #tpu.memory_space<hbm>> -> memref<1x10000x128xf32, #tpu.memory_space<hbm>>
      %dma_wait3A_251 = tpu.memref_squeeze %dma_wait3A_250 : memref<1x10000x128xf32, #tpu.memory_space<hbm>> -> memref<10000x128xf32, #tpu.memory_space<hbm>>
      %dma_wait3A_252 = arith.constant 0 : i32
      %dma_wait3A_253 = tpu.memref_slice %dma_wait3A_251[%add3A_217, %dma_wait3A_252] : memref<10000x128xf32, #tpu.memory_space<hbm>> -> memref<80x128xf32, #tpu.memory_space<hbm>>
      %dma_wait3A_254 = arith.constant 0 : i32
      %dma_wait3A_255 = arith.constant 0 : i32
      %dma_wait3A_256 = tpu.memref_slice %arg6[%arg0, %dma_wait3A_254, %dma_wait3A_255] : memref<2x10000x128xf32, #tpu.memory_space<hbm>> -> memref<1x10000x128xf32, #tpu.memory_space<hbm>>
      %dma_wait3A_257 = tpu.memref_squeeze %dma_wait3A_256 : memref<1x10000x128xf32, #tpu.memory_space<hbm>> -> memref<10000x128xf32, #tpu.memory_space<hbm>>
      %dma_wait3A_258 = arith.constant 0 : i32
      %dma_wait3A_259 = tpu.memref_slice %dma_wait3A_257[%add3A_217, %dma_wait3A_258] : memref<10000x128xf32, #tpu.memory_space<hbm>> -> memref<80x128xf32, #tpu.memory_space<hbm>>
      %dma_wait3A_260 = arith.constant 0 : i32
      %dma_wait3A_261 = arith.constant 0 : i32
      %dma_wait3A_262 = tpu.memref_slice %arg9[%dma_wait3A_260, %dma_wait3A_261] : memref<80x128xf32, #tpu.memory_space<vmem>> -> memref<80x128xf32, #tpu.memory_space<vmem>>
      tpu.wait_dma2 semaphore(%run_scoped3A : memref<!tpu.dma_semaphore, #tpu.memory_space<semaphore_mem>>) src(%dma_wait3A_262 : memref<80x128xf32, #tpu.memory_space<vmem>>) dst(%dma_wait3A_259 : memref<80x128xf32, #tpu.memory_space<hbm>>)
      tpu.yield
    }) : () -> ()
    %add3A_218 = arith.constant 560 : i32
    %add3A_219 = arith.addi %mul3A_2, %add3A_218 : i32
    "tpu.region"() ({
      %run_scoped3A = tpu.sem_alloc : memref<!tpu.dma_semaphore, #tpu.memory_space<semaphore_mem>>
      %dma_start3A_227 = arith.constant 0 : i32
      %dma_start3A_228 = arith.constant 0 : i32
      %dma_start3A_229 = tpu.memref_slice %arg9[%dma_start3A_227, %dma_start3A_228] : memref<80x128xf32, #tpu.memory_space<vmem>> -> memref<64x128xf32, #tpu.memory_space<vmem>>
      %dma_start3A_230 = arith.constant 0 : i32
      %dma_start3A_231 = tpu.memref_slice %arg12[%add3A_219, %dma_start3A_230] : memref<10000x128xf32, #tpu.memory_space<vmem_shared>> -> memref<64x128xf32, #tpu.memory_space<vmem_shared>>
      %dma_start3A_232 = arith.constant 0 : i32
      %dma_start3A_233 = arith.constant 0 : i32
      %dma_start3A_234 = tpu.memref_slice %arg9[%dma_start3A_232, %dma_start3A_233] : memref<80x128xf32, #tpu.memory_space<vmem>> -> memref<64x128xf32, #tpu.memory_space<vmem>>
      %dma_start3A_235 = arith.constant 0 : i32
      %dma_start3A_236 = tpu.memref_slice %arg12[%add3A_219, %dma_start3A_235] : memref<10000x128xf32, #tpu.memory_space<vmem_shared>> -> memref<64x128xf32, #tpu.memory_space<vmem_shared>>
      tpu.enqueue_dma source(%dma_start3A_236 : memref<64x128xf32, #tpu.memory_space<vmem_shared>>) target(%dma_start3A_234 : memref<64x128xf32, #tpu.memory_space<vmem>>) target_semaphore(%run_scoped3A : memref<!tpu.dma_semaphore, #tpu.memory_space<semaphore_mem>>)
      %dma_wait3A_237 = arith.constant 0 : i32
      %dma_wait3A_238 = arith.constant 0 : i32
      %dma_wait3A_239 = tpu.memref_slice %arg9[%dma_wait3A_237, %dma_wait3A_238] : memref<80x128xf32, #tpu.memory_space<vmem>> -> memref<64x128xf32, #tpu.memory_space<vmem>>
      %dma_wait3A_240 = arith.constant 0 : i32
      %dma_wait3A_241 = tpu.memref_slice %arg12[%add3A_219, %dma_wait3A_240] : memref<10000x128xf32, #tpu.memory_space<vmem_shared>> -> memref<64x128xf32, #tpu.memory_space<vmem_shared>>
      %dma_wait3A_242 = arith.constant 0 : i32
      %dma_wait3A_243 = arith.constant 0 : i32
      %dma_wait3A_244 = tpu.memref_slice %arg9[%dma_wait3A_242, %dma_wait3A_243] : memref<80x128xf32, #tpu.memory_space<vmem>> -> memref<64x128xf32, #tpu.memory_space<vmem>>
      %dma_wait3A_245 = arith.constant 0 : i32
      %dma_wait3A_246 = tpu.memref_slice %arg12[%add3A_219, %dma_wait3A_245] : memref<10000x128xf32, #tpu.memory_space<vmem_shared>> -> memref<64x128xf32, #tpu.memory_space<vmem_shared>>
      tpu.wait_dma2 semaphore(%run_scoped3A : memref<!tpu.dma_semaphore, #tpu.memory_space<semaphore_mem>>) src(%dma_wait3A_246 : memref<64x128xf32, #tpu.memory_space<vmem_shared>>) dst(%dma_wait3A_244 : memref<64x128xf32, #tpu.memory_space<vmem>>)
      tpu.yield
    }) : () -> ()
    %add3A_220 = arith.constant 560 : i32
    %add3A_221 = arith.addi %mul3A_2, %add3A_220 : i32
    "tpu.region"() ({
      %run_scoped3A = tpu.sem_alloc : memref<!tpu.dma_semaphore, #tpu.memory_space<semaphore_mem>>
      %dma_start3A_227 = arith.constant 0 : i32
      %dma_start3A_228 = arith.constant 0 : i32
      %dma_start3A_229 = tpu.memref_slice %arg9[%dma_start3A_227, %dma_start3A_228] : memref<80x128xf32, #tpu.memory_space<vmem>> -> memref<64x128xf32, #tpu.memory_space<vmem>>
      %dma_start3A_230 = arith.constant 0 : i32
      %dma_start3A_231 = arith.constant 0 : i32
      %dma_start3A_232 = tpu.memref_slice %arg6[%arg0, %dma_start3A_230, %dma_start3A_231] : memref<2x10000x128xf32, #tpu.memory_space<hbm>> -> memref<1x10000x128xf32, #tpu.memory_space<hbm>>
      %dma_start3A_233 = tpu.memref_squeeze %dma_start3A_232 : memref<1x10000x128xf32, #tpu.memory_space<hbm>> -> memref<10000x128xf32, #tpu.memory_space<hbm>>
      %dma_start3A_234 = arith.constant 0 : i32
      %dma_start3A_235 = tpu.memref_slice %dma_start3A_233[%add3A_221, %dma_start3A_234] : memref<10000x128xf32, #tpu.memory_space<hbm>> -> memref<64x128xf32, #tpu.memory_space<hbm>>
      %dma_start3A_236 = arith.constant 0 : i32
      %dma_start3A_237 = arith.constant 0 : i32
      %dma_start3A_238 = tpu.memref_slice %arg6[%arg0, %dma_start3A_236, %dma_start3A_237] : memref<2x10000x128xf32, #tpu.memory_space<hbm>> -> memref<1x10000x128xf32, #tpu.memory_space<hbm>>
      %dma_start3A_239 = tpu.memref_squeeze %dma_start3A_238 : memref<1x10000x128xf32, #tpu.memory_space<hbm>> -> memref<10000x128xf32, #tpu.memory_space<hbm>>
      %dma_start3A_240 = arith.constant 0 : i32
      %dma_start3A_241 = tpu.memref_slice %dma_start3A_239[%add3A_221, %dma_start3A_240] : memref<10000x128xf32, #tpu.memory_space<hbm>> -> memref<64x128xf32, #tpu.memory_space<hbm>>
      %dma_start3A_242 = arith.constant 0 : i32
      %dma_start3A_243 = arith.constant 0 : i32
      %dma_start3A_244 = tpu.memref_slice %arg9[%dma_start3A_242, %dma_start3A_243] : memref<80x128xf32, #tpu.memory_space<vmem>> -> memref<64x128xf32, #tpu.memory_space<vmem>>
      tpu.enqueue_dma source(%dma_start3A_244 : memref<64x128xf32, #tpu.memory_space<vmem>>) target(%dma_start3A_241 : memref<64x128xf32, #tpu.memory_space<hbm>>) target_semaphore(%run_scoped3A : memref<!tpu.dma_semaphore, #tpu.memory_space<semaphore_mem>>)
      %dma_wait3A_245 = arith.constant 0 : i32
      %dma_wait3A_246 = arith.constant 0 : i32
      %dma_wait3A_247 = tpu.memref_slice %arg9[%dma_wait3A_245, %dma_wait3A_246] : memref<80x128xf32, #tpu.memory_space<vmem>> -> memref<64x128xf32, #tpu.memory_space<vmem>>
      %dma_wait3A_248 = arith.constant 0 : i32
      %dma_wait3A_249 = arith.constant 0 : i32
      %dma_wait3A_250 = tpu.memref_slice %arg6[%arg0, %dma_wait3A_248, %dma_wait3A_249] : memref<2x10000x128xf32, #tpu.memory_space<hbm>> -> memref<1x10000x128xf32, #tpu.memory_space<hbm>>
      %dma_wait3A_251 = tpu.memref_squeeze %dma_wait3A_250 : memref<1x10000x128xf32, #tpu.memory_space<hbm>> -> memref<10000x128xf32, #tpu.memory_space<hbm>>
      %dma_wait3A_252 = arith.constant 0 : i32
      %dma_wait3A_253 = tpu.memref_slice %dma_wait3A_251[%add3A_221, %dma_wait3A_252] : memref<10000x128xf32, #tpu.memory_space<hbm>> -> memref<64x128xf32, #tpu.memory_space<hbm>>
      %dma_wait3A_254 = arith.constant 0 : i32
      %dma_wait3A_255 = arith.constant 0 : i32
      %dma_wait3A_256 = tpu.memref_slice %arg6[%arg0, %dma_wait3A_254, %dma_wait3A_255] : memref<2x10000x128xf32, #tpu.memory_space<hbm>> -> memref<1x10000x128xf32, #tpu.memory_space<hbm>>
      %dma_wait3A_257 = tpu.memref_squeeze %dma_wait3A_256 : memref<1x10000x128xf32, #tpu.memory_space<hbm>> -> memref<10000x128xf32, #tpu.memory_space<hbm>>
      %dma_wait3A_258 = arith.constant 0 : i32
      %dma_wait3A_259 = tpu.memref_slice %dma_wait3A_257[%add3A_221, %dma_wait3A_258] : memref<10000x128xf32, #tpu.memory_space<hbm>> -> memref<64x128xf32, #tpu.memory_space<hbm>>
      %dma_wait3A_260 = arith.constant 0 : i32
      %dma_wait3A_261 = arith.constant 0 : i32
      %dma_wait3A_262 = tpu.memref_slice %arg9[%dma_wait3A_260, %dma_wait3A_261] : memref<80x128xf32, #tpu.memory_space<vmem>> -> memref<64x128xf32, #tpu.memory_space<vmem>>
      tpu.wait_dma2 semaphore(%run_scoped3A : memref<!tpu.dma_semaphore, #tpu.memory_space<semaphore_mem>>) src(%dma_wait3A_262 : memref<64x128xf32, #tpu.memory_space<vmem>>) dst(%dma_wait3A_259 : memref<64x128xf32, #tpu.memory_space<hbm>>)
      tpu.yield
    }) : () -> ()
    %eq3A_222 = arith.constant 15 : i32
    %eq3A_223 = arith.cmpi eq, %arg1, %eq3A_222 : i32
    %convert_element_type3A_224 = arith.extui %eq3A_223 : i1 to i32
    %cond3A_225 = arith.constant 0 : i32
    %cond3A_226 = arith.cmpi ne, %convert_element_type3A_224, %cond3A_225 : i32
    scf.if %cond3A_226 {
      "tpu.region"() ({
        %run_scoped3A = tpu.sem_alloc : memref<!tpu.dma_semaphore, #tpu.memory_space<semaphore_mem>>
        %dma_start3A_227 = arith.constant 0 : i32
        %dma_start3A_228 = arith.constant 0 : i32
        %dma_start3A_229 = tpu.memref_slice %arg9[%dma_start3A_227, %dma_start3A_228] : memref<80x128xf32, #tpu.memory_space<vmem>> -> memref<16x128xf32, #tpu.memory_space<vmem>>
        %dma_start3A_230 = arith.constant 9984 : i32
        %dma_start3A_231 = arith.constant 0 : i32
        %dma_start3A_232 = tpu.memref_slice %arg12[%dma_start3A_230, %dma_start3A_231] : memref<10000x128xf32, #tpu.memory_space<vmem_shared>> -> memref<16x128xf32, #tpu.memory_space<vmem_shared>>
        %dma_start3A_233 = arith.constant 0 : i32
        %dma_start3A_234 = arith.constant 0 : i32
        %dma_start3A_235 = tpu.memref_slice %arg9[%dma_start3A_233, %dma_start3A_234] : memref<80x128xf32, #tpu.memory_space<vmem>> -> memref<16x128xf32, #tpu.memory_space<vmem>>
        %dma_start3A_236 = arith.constant 9984 : i32
        %dma_start3A_237 = arith.constant 0 : i32
        %dma_start3A_238 = tpu.memref_slice %arg12[%dma_start3A_236, %dma_start3A_237] : memref<10000x128xf32, #tpu.memory_space<vmem_shared>> -> memref<16x128xf32, #tpu.memory_space<vmem_shared>>
        tpu.enqueue_dma source(%dma_start3A_238 : memref<16x128xf32, #tpu.memory_space<vmem_shared>>) target(%dma_start3A_235 : memref<16x128xf32, #tpu.memory_space<vmem>>) target_semaphore(%run_scoped3A : memref<!tpu.dma_semaphore, #tpu.memory_space<semaphore_mem>>)
        %dma_wait3A_239 = arith.constant 0 : i32
        %dma_wait3A_240 = arith.constant 0 : i32
        %dma_wait3A_241 = tpu.memref_slice %arg9[%dma_wait3A_239, %dma_wait3A_240] : memref<80x128xf32, #tpu.memory_space<vmem>> -> memref<16x128xf32, #tpu.memory_space<vmem>>
        %dma_wait3A_242 = arith.constant 9984 : i32
        %dma_wait3A_243 = arith.constant 0 : i32
        %dma_wait3A_244 = tpu.memref_slice %arg12[%dma_wait3A_242, %dma_wait3A_243] : memref<10000x128xf32, #tpu.memory_space<vmem_shared>> -> memref<16x128xf32, #tpu.memory_space<vmem_shared>>
        %dma_wait3A_245 = arith.constant 0 : i32
        %dma_wait3A_246 = arith.constant 0 : i32
        %dma_wait3A_247 = tpu.memref_slice %arg9[%dma_wait3A_245, %dma_wait3A_246] : memref<80x128xf32, #tpu.memory_space<vmem>> -> memref<16x128xf32, #tpu.memory_space<vmem>>
        %dma_wait3A_248 = arith.constant 9984 : i32
        %dma_wait3A_249 = arith.constant 0 : i32
        %dma_wait3A_250 = tpu.memref_slice %arg12[%dma_wait3A_248, %dma_wait3A_249] : memref<10000x128xf32, #tpu.memory_space<vmem_shared>> -> memref<16x128xf32, #tpu.memory_space<vmem_shared>>
        tpu.wait_dma2 semaphore(%run_scoped3A : memref<!tpu.dma_semaphore, #tpu.memory_space<semaphore_mem>>) src(%dma_wait3A_250 : memref<16x128xf32, #tpu.memory_space<vmem_shared>>) dst(%dma_wait3A_247 : memref<16x128xf32, #tpu.memory_space<vmem>>)
        tpu.yield
      }) : () -> ()
      "tpu.region"() ({
        %run_scoped3A = tpu.sem_alloc : memref<!tpu.dma_semaphore, #tpu.memory_space<semaphore_mem>>
        %dma_start3A_227 = arith.constant 0 : i32
        %dma_start3A_228 = arith.constant 0 : i32
        %dma_start3A_229 = tpu.memref_slice %arg9[%dma_start3A_227, %dma_start3A_228] : memref<80x128xf32, #tpu.memory_space<vmem>> -> memref<16x128xf32, #tpu.memory_space<vmem>>
        %dma_start3A_230 = arith.constant 0 : i32
        %dma_start3A_231 = arith.constant 0 : i32
        %dma_start3A_232 = tpu.memref_slice %arg6[%arg0, %dma_start3A_230, %dma_start3A_231] : memref<2x10000x128xf32, #tpu.memory_space<hbm>> -> memref<1x10000x128xf32, #tpu.memory_space<hbm>>
        %dma_start3A_233 = tpu.memref_squeeze %dma_start3A_232 : memref<1x10000x128xf32, #tpu.memory_space<hbm>> -> memref<10000x128xf32, #tpu.memory_space<hbm>>
        %dma_start3A_234 = arith.constant 9984 : i32
        %dma_start3A_235 = arith.constant 0 : i32
        %dma_start3A_236 = tpu.memref_slice %dma_start3A_233[%dma_start3A_234, %dma_start3A_235] : memref<10000x128xf32, #tpu.memory_space<hbm>> -> memref<16x128xf32, #tpu.memory_space<hbm>>
        %dma_start3A_237 = arith.constant 0 : i32
        %dma_start3A_238 = arith.constant 0 : i32
        %dma_start3A_239 = tpu.memref_slice %arg6[%arg0, %dma_start3A_237, %dma_start3A_238] : memref<2x10000x128xf32, #tpu.memory_space<hbm>> -> memref<1x10000x128xf32, #tpu.memory_space<hbm>>
        %dma_start3A_240 = tpu.memref_squeeze %dma_start3A_239 : memref<1x10000x128xf32, #tpu.memory_space<hbm>> -> memref<10000x128xf32, #tpu.memory_space<hbm>>
        %dma_start3A_241 = arith.constant 9984 : i32
        %dma_start3A_242 = arith.constant 0 : i32
        %dma_start3A_243 = tpu.memref_slice %dma_start3A_240[%dma_start3A_241, %dma_start3A_242] : memref<10000x128xf32, #tpu.memory_space<hbm>> -> memref<16x128xf32, #tpu.memory_space<hbm>>
        %dma_start3A_244 = arith.constant 0 : i32
        %dma_start3A_245 = arith.constant 0 : i32
        %dma_start3A_246 = tpu.memref_slice %arg9[%dma_start3A_244, %dma_start3A_245] : memref<80x128xf32, #tpu.memory_space<vmem>> -> memref<16x128xf32, #tpu.memory_space<vmem>>
        tpu.enqueue_dma source(%dma_start3A_246 : memref<16x128xf32, #tpu.memory_space<vmem>>) target(%dma_start3A_243 : memref<16x128xf32, #tpu.memory_space<hbm>>) target_semaphore(%run_scoped3A : memref<!tpu.dma_semaphore, #tpu.memory_space<semaphore_mem>>)
        %dma_wait3A_247 = arith.constant 0 : i32
        %dma_wait3A_248 = arith.constant 0 : i32
        %dma_wait3A_249 = tpu.memref_slice %arg9[%dma_wait3A_247, %dma_wait3A_248] : memref<80x128xf32, #tpu.memory_space<vmem>> -> memref<16x128xf32, #tpu.memory_space<vmem>>
        %dma_wait3A_250 = arith.constant 0 : i32
        %dma_wait3A_251 = arith.constant 0 : i32
        %dma_wait3A_252 = tpu.memref_slice %arg6[%arg0, %dma_wait3A_250, %dma_wait3A_251] : memref<2x10000x128xf32, #tpu.memory_space<hbm>> -> memref<1x10000x128xf32, #tpu.memory_space<hbm>>
        %dma_wait3A_253 = tpu.memref_squeeze %dma_wait3A_252 : memref<1x10000x128xf32, #tpu.memory_space<hbm>> -> memref<10000x128xf32, #tpu.memory_space<hbm>>
        %dma_wait3A_254 = arith.constant 9984 : i32
        %dma_wait3A_255 = arith.constant 0 : i32
        %dma_wait3A_256 = tpu.memref_slice %dma_wait3A_253[%dma_wait3A_254, %dma_wait3A_255] : memref<10000x128xf32, #tpu.memory_space<hbm>> -> memref<16x128xf32, #tpu.memory_space<hbm>>
        %dma_wait3A_257 = arith.constant 0 : i32
        %dma_wait3A_258 = arith.constant 0 : i32
        %dma_wait3A_259 = tpu.memref_slice %arg6[%arg0, %dma_wait3A_257, %dma_wait3A_258] : memref<2x10000x128xf32, #tpu.memory_space<hbm>> -> memref<1x10000x128xf32, #tpu.memory_space<hbm>>
        %dma_wait3A_260 = tpu.memref_squeeze %dma_wait3A_259 : memref<1x10000x128xf32, #tpu.memory_space<hbm>> -> memref<10000x128xf32, #tpu.memory_space<hbm>>
        %dma_wait3A_261 = arith.constant 9984 : i32
        %dma_wait3A_262 = arith.constant 0 : i32
        %dma_wait3A_263 = tpu.memref_slice %dma_wait3A_260[%dma_wait3A_261, %dma_wait3A_262] : memref<10000x128xf32, #tpu.memory_space<hbm>> -> memref<16x128xf32, #tpu.memory_space<hbm>>
        %dma_wait3A_264 = arith.constant 0 : i32
        %dma_wait3A_265 = arith.constant 0 : i32
        %dma_wait3A_266 = tpu.memref_slice %arg9[%dma_wait3A_264, %dma_wait3A_265] : memref<80x128xf32, #tpu.memory_space<vmem>> -> memref<16x128xf32, #tpu.memory_space<vmem>>
        tpu.wait_dma2 semaphore(%run_scoped3A : memref<!tpu.dma_semaphore, #tpu.memory_space<semaphore_mem>>) src(%dma_wait3A_266 : memref<16x128xf32, #tpu.memory_space<vmem>>) dst(%dma_wait3A_263 : memref<16x128xf32, #tpu.memory_space<hbm>>)
        tpu.yield
      }) : () -> ()
    } else {
    }
    return
  }
}

module attributes {stable_mosaic.version = 14 : i64} {
  func.func @_ab_body(%arg0: i32, %arg1: memref<1000x128xf32, #tpu.memory_space<vmem>>, %arg2: memref<128x128xf32, #tpu.memory_space<vmem>>, %arg3: memref<128x128xf32, #tpu.memory_space<vmem>>, %arg4: memref<1000x128xf32, #tpu.memory_space<vmem>>, %arg5: memref<1000x128xf32, #tpu.memory_space<vmem>>) attributes {dimension_semantics = [#tpu.dimension_semantics<arbitrary>], iteration_bounds = array<i64: 10>, scalar_prefetch = 0 : i64, scratch_operands = 0 : i64, tpu.core_type = #tpu.core_type<tc>, window_params = [{transform_indices = @transform_0, window_bounds = array<i64: 1000, 128>}, {pipeline_mode = #tpu.pipeline_mode<synchronous>, transform_indices = @transform_1, window_bounds = array<i64: 128, 128>}, {pipeline_mode = #tpu.pipeline_mode<synchronous>, transform_indices = @transform_2, window_bounds = array<i64: 128, 128>}, {transform_indices = @transform_3, window_bounds = array<i64: 1000, 128>}, {transform_indices = @transform_4, window_bounds = array<i64: 1000, 128>}]} {
    %get3A = arith.constant 0 : index
    %get3A_0 = arith.constant 0 : index
    %get3A_1 = vector.load %arg1[%get3A, %get3A_0] : memref<1000x128xf32, #tpu.memory_space<vmem>>, vector<1000x128xf32>
    %get3A_2 = arith.constant 0 : index
    %get3A_3 = arith.constant 0 : index
    %get3A_4 = vector.load %arg2[%get3A_2, %get3A_3] : memref<128x128xf32, #tpu.memory_space<vmem>>, vector<128x128xf32>
    %dot_general3A = arith.constant dense<0.000000e+00> : vector<1000x128xf32>
    %dot_general3A_5 = tpu.matmul %get3A_1, %get3A_4, %dot_general3A {dimension_numbers = #tpu.dot_dimension_numbers<[1], [0], [0], [1], [0, 0, 1, 1], [], []>, transpose_lhs_hint = false} : vector<1000x128xf32>, vector<128x128xf32>, vector<1000x128xf32> -> vector<1000x128xf32>
    %swap3A = arith.constant 0 : index
    %swap3A_6 = arith.constant 0 : index
    %swap3A_7 = vector.load %arg4[%swap3A, %swap3A_6] : memref<1000x128xf32, #tpu.memory_space<vmem>>, vector<1000x128xf32>
    tpu.vector_store %arg4[%swap3A, %swap3A_6], %dot_general3A_5 {strides = array<i32>} : memref<1000x128xf32, #tpu.memory_space<vmem>>, vector<1000x128xf32>,
    %get3A_8 = arith.constant 0 : index
    %get3A_9 = arith.constant 0 : index
    %get3A_10 = vector.load %arg3[%get3A_8, %get3A_9] : memref<128x128xf32, #tpu.memory_space<vmem>>, vector<128x128xf32>
    %dot_general3A_11 = arith.constant dense<0.000000e+00> : vector<1000x128xf32>
    %dot_general3A_12 = tpu.matmul %get3A_1, %get3A_10, %dot_general3A_11 {dimension_numbers = #tpu.dot_dimension_numbers<[1], [0], [0], [1], [0, 0, 1, 1], [], []>, transpose_lhs_hint = false} : vector<1000x128xf32>, vector<128x128xf32>, vector<1000x128xf32> -> vector<1000x128xf32>
    %swap3A_13 = arith.constant 0 : index
    %swap3A_14 = arith.constant 0 : index
    %swap3A_15 = vector.load %arg5[%swap3A_13, %swap3A_14] : memref<1000x128xf32, #tpu.memory_space<vmem>>, vector<1000x128xf32>
    tpu.vector_store %arg5[%swap3A_13, %swap3A_14], %dot_general3A_12 {strides = array<i32>} : memref<1000x128xf32, #tpu.memory_space<vmem>>, vector<1000x128xf32>,
    return
  }
  func.func @transform_0(%arg0: i32) -> (i32, i32) {
    %c0_i32 = arith.constant 0 : i32
    %c0_i32_0 = arith.constant 0 : i32
    return %arg0, %c0_i32 : i32, i32
  }
  func.func @transform_1(%arg0: i32) -> (i32, i32) {
    %c0_i32 = arith.constant 0 : i32
    %c0_i32_0 = arith.constant 0 : i32
    %c0_i32_1 = arith.constant 0 : i32
    return %c0_i32, %c0_i32_0 : i32, i32
  }
  func.func @transform_2(%arg0: i32) -> (i32, i32) {
    %c0_i32 = arith.constant 0 : i32
    %c0_i32_0 = arith.constant 0 : i32
    %c0_i32_1 = arith.constant 0 : i32
    return %c0_i32, %c0_i32_0 : i32, i32
  }
  func.func @transform_3(%arg0: i32) -> (i32, i32) {
    %c0_i32 = arith.constant 0 : i32
    %c0_i32_0 = arith.constant 0 : i32
    return %arg0, %c0_i32 : i32, i32
  }
  func.func @transform_4(%arg0: i32) -> (i32, i32) {
    %c0_i32 = arith.constant 0 : i32
    %c0_i32_0 = arith.constant 0 : i32
    return %arg0, %c0_i32 : i32, i32
  }
}

module attributes {stable_mosaic.version = 14 : i64} {
  func.func @_final_body(%arg0: i32, %arg1: memref<2x1000x128xf32, #tpu.memory_space<vmem>>, %arg2: memref<1000x128xf32, #tpu.memory_space<vmem>>, %arg3: memref<128x128xf32, #tpu.memory_space<vmem>>, %arg4: memref<128x128xf32, #tpu.memory_space<vmem>>, %arg5: memref<1x128xf32, #tpu.memory_space<vmem>>, %arg6: memref<1000x128xf32, #tpu.memory_space<vmem>>) attributes {dimension_semantics = [#tpu.dimension_semantics<arbitrary>], iteration_bounds = array<i64: 10>, scalar_prefetch = 0 : i64, scratch_operands = 0 : i64, tpu.core_type = #tpu.core_type<tc>, window_params = [{transform_indices = @transform_0, window_bounds = array<i64: 2, 1000, 128>}, {transform_indices = @transform_1, window_bounds = array<i64: 1000, 128>}, {pipeline_mode = #tpu.pipeline_mode<synchronous>, transform_indices = @transform_2, window_bounds = array<i64: 128, 128>}, {pipeline_mode = #tpu.pipeline_mode<synchronous>, transform_indices = @transform_3, window_bounds = array<i64: 128, 128>}, {pipeline_mode = #tpu.pipeline_mode<synchronous>, transform_indices = @transform_4, window_bounds = array<i64: 1, 128>}, {transform_indices = @transform_5, window_bounds = array<i64: 1000, 128>}]} {
    %get3A = arith.constant 0 : index
    %get3A_0 = arith.constant 0 : index
    %get3A_1 = arith.constant 0 : index
    %get3A_2 = vector.load %arg1[%get3A, %get3A_0, %get3A_1] : memref<2x1000x128xf32, #tpu.memory_space<vmem>>, vector<1x1000x128xf32>
    %get3A_3 = vector.shape_cast %get3A_2 : vector<1x1000x128xf32> to vector<1000x128xf32>
    %get3A_4 = arith.constant 1 : index
    %get3A_5 = arith.constant 0 : index
    %get3A_6 = arith.constant 0 : index
    %get3A_7 = vector.load %arg1[%get3A_4, %get3A_5, %get3A_6] : memref<2x1000x128xf32, #tpu.memory_space<vmem>>, vector<1x1000x128xf32>
    %get3A_8 = vector.shape_cast %get3A_7 : vector<1x1000x128xf32> to vector<1000x128xf32>
    %add3A = arith.addf %get3A_3, %get3A_8 : vector<1000x128xf32>
    %get3A_9 = arith.constant 0 : index
    %get3A_10 = arith.constant 0 : index
    %get3A_11 = vector.load %arg3[%get3A_9, %get3A_10] : memref<128x128xf32, #tpu.memory_space<vmem>>, vector<128x128xf32>
    %dot_general3A = arith.constant dense<0.000000e+00> : vector<1000x128xf32>
    %dot_general3A_12 = tpu.matmul %add3A, %get3A_11, %dot_general3A {dimension_numbers = #tpu.dot_dimension_numbers<[1], [0], [0], [1], [0, 0, 1, 1], [], []>, transpose_lhs_hint = false} : vector<1000x128xf32>, vector<128x128xf32>, vector<1000x128xf32> -> vector<1000x128xf32>
    %get3A_13 = arith.constant 0 : index
    %get3A_14 = arith.constant 0 : index
    %get3A_15 = vector.load %arg2[%get3A_13, %get3A_14] : memref<1000x128xf32, #tpu.memory_space<vmem>>, vector<1000x128xf32>
    %get3A_16 = arith.constant 0 : index
    %get3A_17 = arith.constant 0 : index
    %get3A_18 = vector.load %arg4[%get3A_16, %get3A_17] : memref<128x128xf32, #tpu.memory_space<vmem>>, vector<128x128xf32>
    %dot_general3A_19 = arith.constant dense<0.000000e+00> : vector<1000x128xf32>
    %dot_general3A_20 = tpu.matmul %get3A_15, %get3A_18, %dot_general3A_19 {dimension_numbers = #tpu.dot_dimension_numbers<[1], [0], [0], [1], [0, 0, 1, 1], [], []>, transpose_lhs_hint = false} : vector<1000x128xf32>, vector<128x128xf32>, vector<1000x128xf32> -> vector<1000x128xf32>
    %add3A_21 = arith.addf %dot_general3A_12, %dot_general3A_20 : vector<1000x128xf32>
    %get3A_22 = arith.constant 0 : index
    %get3A_23 = arith.constant 0 : index
    %get3A_24 = vector.load %arg5[%get3A_22, %get3A_23] : memref<1x128xf32, #tpu.memory_space<vmem>>, vector<1x128xf32>
    %add3A_25 = vector.broadcast %get3A_24 : vector<1x128xf32> to vector<1000x128xf32>
    %add3A_26 = arith.addf %add3A_21, %add3A_25 : vector<1000x128xf32>
    %swap3A = arith.constant 0 : index
    %swap3A_27 = arith.constant 0 : index
    %swap3A_28 = vector.load %arg6[%swap3A, %swap3A_27] : memref<1000x128xf32, #tpu.memory_space<vmem>>, vector<1000x128xf32>
    tpu.vector_store %arg6[%swap3A, %swap3A_27], %add3A_26 {strides = array<i32>} : memref<1000x128xf32, #tpu.memory_space<vmem>>, vector<1000x128xf32>,
    return
  }
  func.func @transform_0(%arg0: i32) -> (i32, i32, i32) {
    %c0_i32 = arith.constant 0 : i32
    %c0_i32_0 = arith.constant 0 : i32
    %c0_i32_1 = arith.constant 0 : i32
    return %c0_i32, %arg0, %c0_i32_0 : i32, i32, i32
  }
  func.func @transform_1(%arg0: i32) -> (i32, i32) {
    %c0_i32 = arith.constant 0 : i32
    %c0_i32_0 = arith.constant 0 : i32
    return %arg0, %c0_i32 : i32, i32
  }
  func.func @transform_2(%arg0: i32) -> (i32, i32) {
    %c0_i32 = arith.constant 0 : i32
    %c0_i32_0 = arith.constant 0 : i32
    %c0_i32_1 = arith.constant 0 : i32
    return %c0_i32, %c0_i32_0 : i32, i32
  }
  func.func @transform_3(%arg0: i32) -> (i32, i32) {
    %c0_i32 = arith.constant 0 : i32
    %c0_i32_0 = arith.constant 0 : i32
    %c0_i32_1 = arith.constant 0 : i32
    return %c0_i32, %c0_i32_0 : i32, i32
  }
  func.func @transform_4(%arg0: i32) -> (i32, i32) {
    %c0_i32 = arith.constant 0 : i32
    %c0_i32_0 = arith.constant 0 : i32
    %c0_i32_1 = arith.constant 0 : i32
    return %c0_i32, %c0_i32_0 : i32, i32
  }
  func.func @transform_5(%arg0: i32) -> (i32, i32) {
    %c0_i32 = arith.constant 0 : i32
    %c0_i32_0 = arith.constant 0 : i32
    return %arg0, %c0_i32 : i32, i32
  }
}

</mosaic_0001>

<sc_bundles>
// kernel: kernel.5.cloned.1.call-start
scs
__scs_entry_jumppad:
0x0: {  	(pc) =	sbr.rel $0x88, $3  }
0x1: {  	(tag) =	ssettag $0x0;
	lr =	simm.s32 $0x1  }
0x2: {  	[smem:$0x3F9B] =	sst lr;
	_ =	strace $0xD0000000  }
0x3: {  	_ = 	snop  }
0x4: {  	_ = 	snop  }
0x5: {  	_ = 	snop  }
0x6: {  	_ = 	snop  }
0x7: {  	_ = 	snop  }
__scs_overlays_trampoline_lowered:
0x8: {  	[smem:$0x3FAA] =	sst s0  }
0x9: {  	[smem:$0x3FAB] =	sst s1  }
0xa: {  	[smem:$0x3FAC] =	sst s2  }
0xb: {  	[smem:$0x3FAD] =	sst s3  }
0xc: {  	[smem:$0x3FAE] =	sst s4  }
0xd: {  	[smem:$0x3FAF] =	sst s5  }
0xe: {  	[smem:$0x3FB0] =	sst s6  }
0xf: {  	[smem:$0x3FB1] =	sst s7  }
0x10: {  	[smem:$0x3FB2] =	sst s8  }
0x11: {  	[smem:$0x3FB3] =	sst s9;
	s0 =	simm.s32 @!p0 $0x0  }
0x12: {  	s1 =	sld [smem:$0x3F99];
	s0 =	simm.s32 @p0 $0x1  }
0x13: {  	[smem:$0x3FB4] =	sst s0;
	s0 =	simm.s32 @!p1 $0x0  }
0x14: {  	s2 =	sld [smem:$0x3F98];
	s0 =	simm.s32 @p1 $0x1  }
0x15: {  	[smem:$0x3FB5] =	sst s0;
	s0 =	simm.s32 @!p2 $0x0  }
0x16: {  	s3 =	sld [smem:$0x3FDB];
	s0 =	simm.s32 @p2 $0x1  }
0x17: {  	s4 =	simm.s32 $0x1BF5;
	[smem:$0x3FB7] =	sst s0  }
0x18: {  	s0 =	sld [smem:$0x3F9A];
	_ =	swait.ge [sflag:s4], $0x0  }
0x19: {  	s7 =	sld [smem:$0x3F9B]  }
0x1a: {  	s8 =	sadd.s32 $0xFFFFE003, lr  }
0x1b: {  	s9 =	sadd.s32 $0xFFFFFEF7, lr;
	s5 =	simm.s32 $0xFFFFFFFF;
	p2 =	slt.u32 s8, $0xFFFFF086  }
0x1c: {  	p1 =	slt.u32 s9, $0xF7A;
	s5 =	simm.s32 @!p2 $0x0  }
0x1d: {  	s5 =	simm.s32 @p1 $0x1;
	p0 =	seq.s32 s7, s2  }
0x1e: {  	s7 =	smul.u32 @!p0 $0xF7A, s2;
	p2 =	seq.s32 @!p0 s5, $0x0  }
0x1f: {  	s9 =	smul.u32 $0xF7A, s1;
	s8 =	simm.s32 @!p0 $0x1BF5;
	p2 =	por !p2, p0  }
0x20: {  	[sflag:s8] =	ssyncset.s32 @!p0 $0xFFFFF086;
	s6 =	sadd.s32 @!p0 s3, s7;
	s7 =	simm.s32 @!p0 $0x108  }
0x21: {  	s3 =	sadd.s32 s3, s9;
	s6 =	sadd.s32 @!p0 $0x88, s6;
	s7 =	simm.s32 @p2 $0x1082  }
0x22: {  	[simem:s7], [sflag:s8] =	dma.local @!p0 [hbm:s6], $0xF7A  }
0x23: {  	s9 =	sor.u32 $0xD0000000, s2;
	s6 =	simm.s32 $0x108;
	_ =	swait.ge @!p0 [sflag:s8], $0x0  }
0x24: {  	s3 =	sadd.s32 $0x88, s3;
	s6 =	simm.s32 @!p1 $0x1082;
	[sflag:s4] =	ssyncset.s32 $0xFFFFF086  }
0x25: {  	[simem:s6], [sflag:s4] =	dma.local [hbm:s3], $0xF7A  }
0x26: {  	[smem:$0x3F9B] =	sst s1;
	(tag) =	ssettag s2;
	_ =	strace s9  }
0x27: {  	s1 =	sld [smem:$0x3FAB]  }
0x28: {  	s2 =	sld [smem:$0x3FAC]  }
0x29: {  	s4 =	sld [smem:$0x3FAE]  }
0x2a: {  	p0 =	seq.s32 s5, $0x0;
	s5 =	sld [smem:$0x3FAF]  }
0x2b: {  	s6 =	sld [smem:$0x3FB0]  }
0x2c: {  	s7 =	sld [smem:$0x3FB1]  }
0x2d: {  	s3 =	simm.s32 $0x108;
	s8 =	sld [smem:$0x3FB2]  }
0x2e: {  	s3 =	simm.s32 @!p0 $0x1082;
	s9 =	sld [smem:$0x3FB3]  }
0x2f: {  	lr =	sadd.s32 s0, s3;
	s0 =	sld [smem:$0x3FAA]  }
0x30: {  	s3 =	sld [smem:$0x3FAD]  }
0x31: {  	[smem:$0x3FB6] =	sst s10  }
0x32: {  	s10 =	sld [smem:$0x3FB4];
	_ =	sdelay $0x3  }
0x33: {  	p0 =	seq.s32 s10, $0x1;
	s10 =	sld [smem:$0x3FB6];
	_ =	sdelay $0x3  }
0x34: {  	[smem:$0x3FB6] =	sst s10  }
0x35: {  	s10 =	sld [smem:$0x3FB5];
	_ =	sdelay $0x3  }
0x36: {  	p1 =	seq.s32 s10, $0x1;
	s10 =	sld [smem:$0x3FB6];
	_ =	sdelay $0x3  }
0x37: {  	[smem:$0x3FB6] =	sst s10  }
0x38: {  	s10 =	sld [smem:$0x3FB7]  }
0x39: {  	_ = 	snop;
	(pc) =	sbr.ind lr, $3  }
0x3a: {  	_ = 	snop  }
0x3b: {  	_ = 	snop  }
0x3c: {  	p2 =	seq.s32 s10, $0x1;
	s10 =	sld [smem:$0x3FB6]  }
0x3d: {  	_ =	shalt  }
0x3e: {  	_ =	shalt  }
0x3f: {  	_ =	shalt  }
0x40: {  	_ =	shalt  }
0x41: {  	_ =	shalt  }
0x42: {  	_ =	shalt  }
0x43: {  	_ =	shalt  }
0x44: {  	_ =	shalt  }
0x45: {  	_ =	shalt  }
0x46: {  	_ =	shalt  }
0x47: {  	_ =	shalt  }
0x48: {  	_ =	shalt  }
0x49: {  	_ =	shalt  }
0x4a: {  	_ =	shalt  }
0x4b: {  	_ =	shalt  }
0x4c: {  	_ =	shalt  }
0x4d: {  	_ =	shalt  }
0x4e: {  	_ =	shalt  }
0x4f: {  	_ =	shalt  }
0x50: {  	_ =	shalt  }
0x51: {  	_ =	shalt  }
0x52: {  	_ =	shalt  }
0x53: {  	_ =	shalt  }
0x54: {  	_ =	shalt  }
0x55: {  	_ =	shalt  }
0x56: {  	_ =	shalt  }
0x57: {  	_ =	shalt  }
0x58: {  	_ =	shalt  }
0x59: {  	_ =	shalt  }
0x5a: {  	_ =	shalt  }
0x5b: {  	_ =	shalt  }
0x5c: {  	_ =	shalt  }
0x5d: {  	_ =	shalt  }
0x5e: {  	_ =	shalt  }
0x5f: {  	_ =	shalt  }
0x60: {  	_ =	shalt  }
0x61: {  	_ =	shalt  }
0x62: {  	_ =	shalt  }
0x63: {  	_ =	shalt  }
0x64: {  	_ =	shalt  }
0x65: {  	_ =	shalt  }
0x66: {  	_ =	shalt  }
0x67: {  	_ =	shalt  }
0x68: {  	_ =	shalt  }
0x69: {  	_ =	shalt  }
0x6a: {  	_ =	shalt  }
0x6b: {  	_ =	shalt  }
0x6c: {  	_ =	shalt  }
0x6d: {  	_ =	shalt  }
0x6e: {  	_ =	shalt  }
0x6f: {  	_ =	shalt  }
0x70: {  	_ =	shalt  }
0x71: {  	_ =	shalt  }
0x72: {  	_ =	shalt  }
0x73: {  	_ =	shalt  }
0x74: {  	_ =	shalt  }
0x75: {  	_ =	shalt  }
0x76: {  	_ =	shalt  }
0x77: {  	_ =	shalt  }
0x78: {  	_ =	shalt  }
0x79: {  	_ =	shalt  }
0x7a: {  	_ =	shalt  }
0x7b: {  	_ =	shalt  }
0x7c: {  	_ =	shalt  }
0x7d: {  	_ =	shalt  }
0x7e: {  	_ =	shalt  }
0x7f: {  	_ =	shalt  }
0x80: {  	_ =	shalt  }
0x81: {  	_ =	shalt  }
0x82: {  	_ =	shalt  }
0x83: {  	_ =	shalt  }
0x84: {  	_ =	shalt  }
0x85: {  	_ =	shalt  }
0x86: {  	_ =	shalt  }
0x87: {  	_ =	shalt  }
.Lfunc_end0:
.L_simem_size_0:
called_computation_lowered:
.L_overlay_start_0:
0x88: {  	s2 =	sld [smem:$0x3FD9]  }
0x89: {  	s3 =	sld [smem:$0x3FFE];
	_ =	sdelay $0x1  }
0x8a: {  	s1 =	srdreg.scid  }
0x8b: {  	s0 =	sand.u32 $0x1, s1  }
0x8c: {  	s17 =	sshll.u32 s0, $0xA;
	s2 =	sadd.s32 s3, s2  }
0x8d: {  	s2 =	sadd.s32 s2, s17  }
0x8e: {  	[smem:$0x3FC2] =	sst s2  }
0x8f: {  	_ = 	snop  }
0x90: {  	s2 =	sld [smem:$0x3FD0];
	(tm) =	ssettm $0x1  }
0x91: {  	s18 =	sld [smem:$0x3FFB];
	_ =	sdelay $0x3  }
0x92: {  	_ =	strace s18  }
0x93: {  	s3 =	sld [smem:$0x3FFC];
	_ =	sdelay $0x3  }
0x94: {  	_ =	strace s3  }
0x95: {  	s3 =	sld [smem:$0x3FFD];
	_ =	sdelay $0x3  }
0x96: {  	_ =	strace s3  }
0x97: {  	_ =	strace $0x8FFFFFFF  }
0x98: {  	s19 =	sld [smem:$0x3FDB];
	_ =	sdelay $0x1  }
0x99: {  	s4 =	simm.s32 $_scs_section_size  }
0x9a: {  	s5 =	simm.s32 $_size__tile_overlayer_lowered;
	s6 =	simm.s32 $_tile_overlayer_lowered  }
0x9b: {  	s22 =	simm.s32 $0x1BFF;
	s21 =	sshll.u32 s6, $0x1;
	s3 =	sadd.s32 s4, s19  }
0x9c: {  	s7 =	simm.s32 $0x0;
	s20 =	sshll.u32 s5, $0x1;
	s5 =	sadd.s32 s21, s3  }
0x9d: {  	[timem:s7], [sflag:s22] =	dma.local [hbm:s5], s20  }
0x9e: {  	_ =	swait.ge [sflag:s22], s20  }
0x9f: {  	s4 =	ssub.s32 $0x0, s20;
	[sflag:s22] =	ssyncset.done $0x0  }
0xa0: {  	[sflag:s22] =	ssyncadd.s32 s4;
	_ =	sdelay $0x1  }
0xa1: {  	s23 =	simm.s32 $0x1B8B  }
0xa2: {  	_ =	swait.ge [sflag:s23], $0x1  }
0xa3: {  	[sflag:s23] =	ssyncset.done $0x0  }
0xa4: {  	s25 =	simm.s32 $0x1B8E;
	s24 =	sld [smem:$0x3FFE];
	[sflag:s23] =	ssyncadd.s32 $0xFFFFFFFF  }
0xa5: {  	s26 =	simm.s32 $execute0_lowered;
	[smem:$0x3FD2] =	sst s25  }
0xa6: {  	s5 =	sshll.u32 s26, $0x1;
	_ =	strace $0x80000046;
	[dreg:$0x1] =	wrdreg $0xFFFFFFFF  }
0xa7: {  	s28 =	simm.s32 $_size_execute0_lowered;
	s3 =	sadd.s32 s3, s5;
	[dreg:$0x0] =	wrdreg $0x0  }
0xa8: {  	s5 =	sshll.u32 s28, $0x1;
	[dreg:$0x2] =	wrdreg s3  }
0xa9: {  	[dreg:$0x3] =	wrdreg s5  }
0xaa: {  	[dreg:$0x4] =	wrdreg $0xC0  }
0xab: {  	_ =	task [dreg:s7], $0x5FFFF  }
0xac: {  	[dreg:$0x1] =	wrdreg $0xFFFFFFFF  }
0xad: {  	[dreg:$0x0] =	wrdreg $0x60  }
0xae: {  	[dreg:$0x2] =	wrdreg s2  }
0xaf: {  	[dreg:$0x3] =	wrdreg s24  }
0xb0: {  	[dreg:$0x4] =	wrdreg $0x98000  }
0xb1: {  	[dreg:$0x5] =	wrdreg $0x9  }
0xb2: {  	_ =	task.clear_ibuf [dreg:s7], $0x6FFFF;
	_ =	strace $0x90000046  }
0xb3: {  	s29 =	simm.s32 $0x9;
	_ =	strace $0x80000048  }
0xb4: {  	_ =	swait.ge [sflag:s29], $0x1  }
0xb5: {  	[sflag:s29] =	ssyncadd.s32 $0xFFFFFFFF  }
0xb6: {  	_ =	strace $0x90000048  }
0xb7: {  	_ =	sfence  }
0xb8: {  	s30 =	sld [smem:$0x0];
	_ =	sdelay $0x2  }
0xb9: {  	s31 =	sshll.u32 s1, $0xD;
	s1 =	sshrl.u32 s1, $0x2  }
0xba: {  	s3 =	sand.u32 $0x4000, s31;
	s1 =	sadd.s32 s1, s30  }
0xbb: {  	s0 =	sor.u32 s3, s0;
	s1 =	sshll.u32 s1, $0x11  }
0xbc: {  	s0 =	sor.u32 s1, s0  }
0xbd: {  	s0 =	sadd.s32 $0x8F2B, s0  }
0xbe: {  	[sflag:s0] =	ssyncadd.remote.s32 $0x1  }
0xbf: {  	_ =	sfence.sel $0xFFFF  }
0xc0: {  	[dreg:$0x0] =	wrdreg $0xFFFFFFFF;
	(pc) =	sbr.abs _section_cstart, $3  }
0xc1: {  	[dreg:$0x1] =	wrdreg $0xFFFFFFFF  }
0xc2: {  	_ =	task.clear_ibuf [dreg:s7], $0x2FFFF;
	_ =	strace $0x9FFFFFFF  }
0xc3: {  	(tm) =	ssettm $0x7FFFFFFF  }
tec
execute0_lowered:
.L_overlay_start_1:
0x0: {  	(tag) =	ssettag $0x1  }
0x1: {  	s1 =	rddreg [dreg:$0x0]  }
0x2: {  	s0 =	rddreg [dreg:$0x1]  }
0x3: {  	s2 =	rddreg [dreg:$0x2]  }
0x4: {  	s4 =	simm.s32 $0x0;
	s3 =	srdreg.scid;
	s21 =	stileid.u32  }
0x5: {  	s28 =	simm.s32 $0x2000;
	s29 =	simm.s32 $0xA;
	s30 =	simm.s32 $0x1000  }
0x6: {  	s31 =	simm.s32 $0x50;
	[smem:$0x7FF] =	sst s4;
	s3 =	sand.u32 $0x1, s3  }
0x7: {  	s6 =	sshll.u32 s21, $0xC;
	s5 =	sadd.s32 $0x20E00, s0;
	s15 =	smul.u32 $0x270, s21  }
0x8: {  	s9 =	smul.u32 $0x4E000, s21;
	p0 =	sne.s32 s21, $0xF;
	_ =	strace $0x80000047  }
0x9: {  	s7 =	sshll.u32 s3, $0xB;
	s8 =	smul.u32 $0x27100, s3;
	s3 =	ssub.s32 $0x2, s3  }
0xa: {  	s6 =	sor.u32 s7, s6;
	s19 =	sshrl.u32 s3, $0x1;
	s16 =	sadd.s32 $0x50, s15  }
0xb: {  	s20 =	sshrl.u32 s9, $0x2;
	s24 =	sadd.s32 $0xA0, s15;
	s17 =	sadd.s32 $0xF0, s15  }
0xc: {  	s18 =	sadd.s32 $0x140, s15;
	s7 =	sadd.s32 $0x230, s15;
	s6 =	sadd.s32 s6, s0  }
0xd: {  	s0 =	sadd.s32 s8, s0;
	s3 =	ssub.s32 s3, s19;
	s22 =	sshll.u32 s16, $0x7  }
0xe: {  	s8 =	sadd.s32 s20, s2;
	s25 =	sshll.u32 s24, $0x7;
	s26 =	sshll.u32 s17, $0x7  }
0xf: {  	s10 =	sshll.u32 s18, $0x7;
	s19 =	sadd.s32 $0x190, s15;
	s20 =	sadd.s32 $0x1E0, s15  }
0x10: {  	s13 =	sshll.u32 s7, $0x7;
	s7 =	sshll.u32 s7, $0x4;
	[dreg:$0x4] =	wrdreg s8  }
0x11: {  	s23 =	sadd.s32 s22, s2;
	s9 =	sadd.s32 s25, s2;
	s10 =	sadd.s32 s10, s2  }
0x12: {  	s11 =	sshll.u32 s19, $0x7;
	s12 =	sshll.u32 s20, $0x7;
	s13 =	sadd.s32 s13, s2  }
0x13: {  	s14 =	sadd.s32 $0x10E00, s6;
	s15 =	sadd.s32 $0xE00, s6;
	s6 =	smul.u32 $0x2700, s21  }
0x14: {  	s22 =	sshll.u32 s16, $0x4;
	s8 =	sshll.u32 s24, $0x4;
	[dreg:$0x5] =	wrdreg s23  }
0x15: {  	s24 =	sshll.u32 s18, $0x4;
	s3 =	smax.u32 s3, $0x1;
	[dreg:$0x6] =	wrdreg s9  }
0x16: {  	s25 =	sshll.u32 s19, $0x4;
	s9 =	sadd.s32 s26, s2;
	[dreg:$0x9] =	wrdreg s3  }
0x17: {  	s18 =	simm.s32 $0x2;
	[dreg:$0x7] =	wrdreg s9;
	s9 =	sadd.s32 $0x48000, s0  }
0x18: {  	s19 =	simm.s32 $0x4;
	s0 =	sadd.s32 s6, s9;
	[dreg:$0x8] =	wrdreg s9  }
0x19: {  	s26 =	sshll.u32 s20, $0x4;
	s20 =	sadd.s32 s22, s9;
	[dreg:$0xa] =	wrdreg s0  }
0x1a: {  	s23 =	sshll.u32 s17, $0x4;
	s21 =	sadd.s32 s8, s9;
	[dreg:$0xb] =	wrdreg s20  }
0x1b: {  	s11 =	sadd.s32 s11, s2;
	s22 =	sadd.s32 s23, s9;
	[dreg:$0xc] =	wrdreg s21  }
0x1c: {  	s12 =	sadd.s32 s12, s2;
	s23 =	sadd.s32 s24, s9;
	[dreg:$0xd] =	wrdreg s22  }
0x1d: {  	s3 =	simm.s32 $0x4800;
	s24 =	sadd.s32 s25, s9;
	[dreg:$0xe] =	wrdreg s23  }
.Ltmp0:
0x1e: {  	s25 =	sadd.s32 s26, s9;
	[dreg:$0xf] =	wrdreg s24;
	(pc) =	sbr.rel .LBB2_1-.Ltmp0, $4  }
0x1f: {  	s17 =	simm.s32 $0x1;
	s26 =	sadd.s32 s7, s9;
	[dreg:$0x10] =	wrdreg s25  }
0x20: {  	[dreg:$0x11] =	wrdreg s26;
	s26 =	sadd.s32 $0x138000, s2;
	s0 =	simm.s32 $0x1080  }
0x21: {  	s20 =	simm.s32 $0x7;
	s21 =	simm.s32 $0x5;
	s22 =	simm.s32 $0x8  }
0x22: {  	v0 =	vimm.f32 $0.0e+00;
	s23 =	simm.s32 $0x6;
	s24 =	simm.s32 $0x7000;
	s25 =	simm.s32 $0x0  }
.LBB2_39:
0x23: {  	[bflag:$0x0] =	sbarrier.arrive $0xFFFF  }
0x24: {  	s6 =	rddreg [dreg:$0x4]  }
0x25: {  	[tilespmem:s28], [sflag:$0xA] =	stream.linear.gather [spmem:s6], $0x2800, $0x38;
	[tilespmem:$0x1D080] =	vst v63  }
0x26: {  	_ =	swait.ge [sflag:s29], $0x2800  }
0x27: {  	[sflag:s29] =	ssyncset.done $0x0  }
0x28: {  	s7 =	rddreg [dreg:$0xa];
	[sflag:s29] =	ssyncadd.s32 $0xFFFFD800  }
0x29: {  	[hbm4b:s7+s4] =	stream.linear.scatter [tilespmem:s28], [sflag:$0xA], $0x2800, $0x38;
	[tilespmem:$0x1D080] =	vst v63  }
0x2a: {  	_ =	swait.ge [sflag:s29], $0x2800  }
0x2b: {  	[sflag:s29] =	ssyncset.done $0x0  }
0x2c: {  	s8 =	rddreg [dreg:$0x5];
	[sflag:s29] =	ssyncadd.s32 $0xFFFFD800  }
0x2d: {  	[tilespmem:s28], [sflag:$0xA] =	stream.linear.gather [spmem:s8], $0x2800, $0x38;
	[tilespmem:$0x1D080] =	vst v63  }
0x2e: {  	_ =	swait.ge [sflag:s29], $0x2800  }
0x2f: {  	[sflag:s29] =	ssyncset.done $0x0  }
0x30: {  	s9 =	rddreg [dreg:$0xb];
	[sflag:s29] =	ssyncadd.s32 $0xFFFFD800  }
0x31: {  	[hbm4b:s9+s4] =	stream.linear.scatter [tilespmem:s28], [sflag:$0xA], $0x2800, $0x38;
	[tilespmem:$0x1D080] =	vst v63  }
0x32: {  	_ =	swait.ge [sflag:s29], $0x2800  }
0x33: {  	[sflag:s29] =	ssyncset.done $0x0  }
0x34: {  	s16 =	rddreg [dreg:$0x6];
	[sflag:s29] =	ssyncadd.s32 $0xFFFFD800  }
0x35: {  	[tilespmem:s28], [sflag:$0xA] =	stream.linear.gather [spmem:s16], $0x2800, $0x38;
	[tilespmem:$0x1D080] =	vst v63  }
0x36: {  	_ =	swait.ge [sflag:s29], $0x2800  }
0x37: {  	[sflag:s29] =	ssyncset.done $0x0  }
0x38: {  	s7 =	rddreg [dreg:$0xc];
	[sflag:s29] =	ssyncadd.s32 $0xFFFFD800  }
0x39: {  	[hbm4b:s7+s4] =	stream.linear.scatter [tilespmem:s28], [sflag:$0xA], $0x2800, $0x38;
	[tilespmem:$0x1D080] =	vst v63  }
0x3a: {  	_ =	swait.ge [sflag:s29], $0x2800  }
0x3b: {  	[sflag:s29] =	ssyncset.done $0x0  }
0x3c: {  	s8 =	rddreg [dreg:$0x7];
	[sflag:s29] =	ssyncadd.s32 $0xFFFFD800  }
0x3d: {  	[tilespmem:s28], [sflag:$0xA] =	stream.linear.gather [spmem:s8], $0x2800, $0x38;
	[tilespmem:$0x1D080] =	vst v63  }
0x3e: {  	_ =	swait.ge [sflag:s29], $0x2800  }
0x3f: {  	[sflag:s29] =	ssyncset.done $0x0  }
0x40: {  	s9 =	rddreg [dreg:$0xd];
	[sflag:s29] =	ssyncadd.s32 $0xFFFFD800  }
0x41: {  	[hbm4b:s9+s4] =	stream.linear.scatter [tilespmem:s28], [sflag:$0xA], $0x2800, $0x38;
	[tilespmem:$0x1D080] =	vst v63  }
0x42: {  	_ =	swait.ge [sflag:s29], $0x2800  }
0x43: {  	[sflag:s29] =	ssyncset.done $0x0  }
0x44: {  	[sflag:s29] =	ssyncadd.s32 $0xFFFFD800  }
0x45: {  	[tilespmem:s28], [sflag:$0xA] =	stream.linear.gather [spmem:s10], $0x2800, $0x38;
	[tilespmem:$0x1D080] =	vst v63  }
0x46: {  	_ =	swait.ge [sflag:s29], $0x2800  }
0x47: {  	[sflag:s29] =	ssyncset.done $0x0  }
0x48: {  	s16 =	rddreg [dreg:$0xe];
	[sflag:s29] =	ssyncadd.s32 $0xFFFFD800  }
0x49: {  	[hbm4b:s16+s4] =	stream.linear.scatter [tilespmem:s28], [sflag:$0xA], $0x2800, $0x38;
	[tilespmem:$0x1D080] =	vst v63  }
0x4a: {  	_ =	swait.ge [sflag:s29], $0x2800  }
0x4b: {  	[sflag:s29] =	ssyncset.done $0x0  }
0x4c: {  	[sflag:s29] =	ssyncadd.s32 $0xFFFFD800  }
0x4d: {  	[tilespmem:s28], [sflag:$0xA] =	stream.linear.gather [spmem:s11], $0x2800, $0x38;
	[tilespmem:$0x1D080] =	vst v63  }
0x4e: {  	_ =	swait.ge [sflag:s29], $0x2800  }
0x4f: {  	[sflag:s29] =	ssyncset.done $0x0  }
0x50: {  	s7 =	rddreg [dreg:$0xf];
	[sflag:s29] =	ssyncadd.s32 $0xFFFFD800  }
0x51: {  	[hbm4b:s7+s4] =	stream.linear.scatter [tilespmem:s28], [sflag:$0xA], $0x2800, $0x38;
	[tilespmem:$0x1D080] =	vst v63  }
0x52: {  	_ =	swait.ge [sflag:s29], $0x2800  }
0x53: {  	[sflag:s29] =	ssyncset.done $0x0  }
0x54: {  	[sflag:s29] =	ssyncadd.s32 $0xFFFFD800  }
0x55: {  	[tilespmem:s28], [sflag:$0xA] =	stream.linear.gather [spmem:s12], $0x2800, $0x38;
	[tilespmem:$0x1D080] =	vst v63  }
0x56: {  	_ =	swait.ge [sflag:s29], $0x2800  }
0x57: {  	[sflag:s29] =	ssyncset.done $0x0  }
0x58: {  	s8 =	rddreg [dreg:$0x10];
	[sflag:s29] =	ssyncadd.s32 $0xFFFFD800  }
0x59: {  	[hbm4b:s8+s4] =	stream.linear.scatter [tilespmem:s28], [sflag:$0xA], $0x2800, $0x38;
	[tilespmem:$0x1D080] =	vst v63  }
0x5a: {  	_ =	swait.ge [sflag:s29], $0x2800  }
0x5b: {  	[sflag:s29] =	ssyncset.done $0x0  }
0x5c: {  	[sflag:s29] =	ssyncadd.s32 $0xFFFFD800  }
0x5d: {  	[tilespmem:s28], [sflag:$0xA] =	stream.linear.gather [spmem:s13], $0x2000, $0x38;
	[tilespmem:$0x1D080] =	vst v63  }
0x5e: {  	_ =	swait.ge [sflag:s29], $0x2000  }
0x5f: {  	[sflag:s29] =	ssyncset.done $0x0  }
0x60: {  	s9 =	rddreg [dreg:$0x11];
	[sflag:s29] =	ssyncadd.s32 $0xFFFFE000  }
0x61: {  	[hbm4b:s9+s4] =	stream.linear.scatter [tilespmem:s28], [sflag:$0xA], $0x2000, $0x38;
	[tilespmem:$0x1D080] =	vst v63  }
0x62: {  	_ =	swait.ge [sflag:s29], $0x2000  }
0x63: {  	[sflag:s29] =	ssyncset.done $0x0  }
0x64: {  	s6 =	simm.s32 @!p0 $0x2000;
	s7 =	simm.s32 @!p0 $0xA;
	[sflag:s29] =	ssyncadd.s32 $0xFFFFE000  }
0x65: {  	[tilespmem:s6], [sflag:$0xA] =	stream.linear.gather @!p0 [spmem:s26], $0x800, $0x38;
	[tilespmem:$0x1D080] =	vst v63  }
0x66: {  	_ =	swait.ge @!p0 [sflag:s7], $0x800  }
0x67: {  	[sflag:s7] =	ssyncset.done @!p0 $0x0;
	s8 =	rddreg [dreg:$0x8]  }
0x68: {  	s9 =	simm.s32 @!p0 $0x0;
	[sflag:s7] =	ssyncadd.s32 @!p0 $0xFFFFF800;
	s8 =	sadd.s32 @!p0 $0x27000, s8  }
0x69: {  	[hbm4b:s8+s9] =	stream.linear.scatter @!p0 [tilespmem:s6], [sflag:$0xA], $0x800, $0x38;
	[tilespmem:$0x1D080] =	vst v63  }
0x6a: {  	_ =	swait.ge @!p0 [sflag:s7], $0x800  }
0x6b: {  	s25 =	sadd.s32 $0x1, s25;
	s16 =	rddreg [dreg:$0x9]  }
0x6c: {  	p1 =	sne.s32 s25, s16  }
.Ltmp1:
0x6d: {  	_ = 	snop;
	(pc) =	sbr.rel @!p1 .LBB2_40-.Ltmp1, $3  }
0x6e: {  	_ =	sdelay $0x1  }
0x6f: {  	[sflag:s7] =	ssyncset.done @!p0 $0x0  }
0x70: {  	[sflag:s7] =	ssyncadd.s32 @!p0 $0xFFFFF800  }
.LBB2_1:
0x71: {  	s6 =	simm.s32 $0x0;
	s7 =	simm.s32 $0x200  }
.LBB2_2:
0x72: {  	p1 =	sne.s32 s7, $0x9E00;
	[tilespmem:s6+$0x2070] =	vst v0  }
0x73: {  	[tilespmem:s6+$0x2000] =	vst v0  }
0x74: {  	[tilespmem:s6+$0x2010] =	vst v0  }
.Ltmp2:
0x75: {  	[tilespmem:s6+$0x2020] =	vst v0;
	(pc) =	sbr.rel @p1 .LBB2_2-.Ltmp2, $4  }
0x76: {  	[tilespmem:s6+$0x2030] =	vst v0  }
0x77: {  	[tilespmem:s6+$0x2040] =	vst v0  }
0x78: {  	[tilespmem:s6+$0x2050] =	vst v0  }
0x79: {  	[tilespmem:s6+$0x2060] =	vst v0;
	s6 =	sshra.s32 s7, $0x2;
	s7 =	sadd.s32 $0x200, s7  }
0x7a: {  	[tilespmem:s6+$0x2070] =	vst v0  }
0x7b: {  	[tilespmem:s6+$0x2000] =	vst v0  }
0x7c: {  	[tilespmem:s6+$0x2010] =	vst v0  }
0x7d: {  	[tilespmem:s6+$0x2020] =	vst v0  }
0x7e: {  	[tilespmem:s6+$0x2030] =	vst v0  }
0x7f: {  	[tilespmem:s6+$0x2040] =	vst v0  }
0x80: {  	[tilespmem:s6+$0x2050] =	vst v0  }
0x81: {  	[tilespmem:s6+$0x2060] =	vst v0;
	s7 =	rddreg [dreg:$0x4]  }
0x82: {  	[spmem:s7] =	stream.linear.scatter [tilespmem:s28], [sflag:$0xA], $0x2800, $0x38;
	[tilespmem:$0x1D080] =	vst v63  }
0x83: {  	_ =	swait.ge [sflag:s29], $0x2800  }
0x84: {  	[sflag:s29] =	ssyncset.done $0x0  }
0x85: {  	s8 =	rddreg [dreg:$0x5];
	[sflag:s29] =	ssyncadd.s32 $0xFFFFD800  }
0x86: {  	[spmem:s8] =	stream.linear.scatter [tilespmem:s28], [sflag:$0xA], $0x2800, $0x38;
	[tilespmem:$0x1D080] =	vst v63  }
0x87: {  	_ =	swait.ge [sflag:s29], $0x2800  }
0x88: {  	[sflag:s29] =	ssyncset.done $0x0  }
0x89: {  	s9 =	rddreg [dreg:$0x6];
	[sflag:s29] =	ssyncadd.s32 $0xFFFFD800  }
0x8a: {  	[spmem:s9] =	stream.linear.scatter [tilespmem:s28], [sflag:$0xA], $0x2800, $0x38;
	[tilespmem:$0x1D080] =	vst v63  }
0x8b: {  	_ =	swait.ge [sflag:s29], $0x2800  }
0x8c: {  	[sflag:s29] =	ssyncset.done $0x0  }
0x8d: {  	s16 =	rddreg [dreg:$0x7];
	[sflag:s29] =	ssyncadd.s32 $0xFFFFD800  }
0x8e: {  	[spmem:s16] =	stream.linear.scatter [tilespmem:s28], [sflag:$0xA], $0x2800, $0x38;
	[tilespmem:$0x1D080] =	vst v63  }
0x8f: {  	_ =	swait.ge [sflag:s29], $0x2800  }
0x90: {  	[sflag:s29] =	ssyncset.done $0x0  }
0x91: {  	[sflag:s29] =	ssyncadd.s32 $0xFFFFD800  }
0x92: {  	[spmem:s10] =	stream.linear.scatter [tilespmem:s28], [sflag:$0xA], $0x2800, $0x38;
	[tilespmem:$0x1D080] =	vst v63  }
0x93: {  	_ =	swait.ge [sflag:s29], $0x2800  }
0x94: {  	[sflag:s29] =	ssyncset.done $0x0  }
0x95: {  	[sflag:s29] =	ssyncadd.s32 $0xFFFFD800  }
0x96: {  	[spmem:s11] =	stream.linear.scatter [tilespmem:s28], [sflag:$0xA], $0x2800, $0x38;
	[tilespmem:$0x1D080] =	vst v63  }
0x97: {  	_ =	swait.ge [sflag:s29], $0x2800  }
0x98: {  	[sflag:s29] =	ssyncset.done $0x0  }
0x99: {  	[sflag:s29] =	ssyncadd.s32 $0xFFFFD800  }
0x9a: {  	[spmem:s12] =	stream.linear.scatter [tilespmem:s28], [sflag:$0xA], $0x2800, $0x38;
	[tilespmem:$0x1D080] =	vst v63  }
0x9b: {  	_ =	swait.ge [sflag:s29], $0x2800  }
0x9c: {  	[sflag:s29] =	ssyncset.done $0x0  }
0x9d: {  	[sflag:s29] =	ssyncadd.s32 $0xFFFFD800  }
0x9e: {  	[spmem:s13] =	stream.linear.scatter [tilespmem:s28], [sflag:$0xA], $0x2000, $0x38;
	[tilespmem:$0x1D080] =	vst v63  }
0x9f: {  	_ =	swait.ge [sflag:s29], $0x2000  }
0xa0: {  	[sflag:s29] =	ssyncset.done $0x0  }
0xa1: {  	s6 =	simm.s32 @!p0 $0x2000;
	[sflag:s29] =	ssyncadd.s32 $0xFFFFE000  }
0xa2: {  	[spmem:s26] =	stream.linear.scatter @!p0 [tilespmem:s6], [sflag:$0xA], $0x800, $0x38;
	[tilespmem:$0x1D080] =	vst v63  }
0xa3: {  	s6 =	simm.s32 @!p0 $0xA  }
0xa4: {  	_ =	swait.ge @!p0 [sflag:s6], $0x800  }
0xa5: {  	[sflag:s6] =	ssyncset.done @!p0 $0x0  }
0xa6: {  	[sflag:s6] =	ssyncadd.s32 @!p0 $0xFFFFF800  }
0xa7: {  	s16 =	simm.s32 $0x0;
	[bflag:$0x0] =	sbarrier.arrive $0xFFFF  }
0xa8: {  	[tilespmem:s16], [sflag:$0xA] =	stream.linear.gather [hbm4b:s14+s16], $0x1000, $0x38;
	[tilespmem:$0x1D080] =	vst v63  }
0xa9: {  	_ =	swait.ge [sflag:s29], $0x1000  }
0xaa: {  	[sflag:s29] =	ssyncset.done $0x0  }
0xab: {  	[sflag:s29] =	ssyncadd.s32 $0xFFFFF000  }
0xac: {  	[tilespmem:s30], [sflag:$0xA] =	stream.linear.gather [hbm4b:s15+s16], $0x1000, $0x38;
	[tilespmem:$0x1D080] =	vst v63  }
0xad: {  	_ =	swait.ge [sflag:s29], $0x1000  }
0xae: {  	[sflag:s29] =	ssyncset.done $0x0  }
0xaf: {  	[sflag:s29] =	ssyncadd.s32 $0xFFFFF000  }
0xb0: {  	[tilespmem:s28], [sflag:$0x1] =	stream.indirect.gather [hbm4b:s5+s31], $0x80, s30, s31, $0xb8;
	[tilespmem:$0x1D080] =	vst v63  }
0xb1: {  	_ = 	snop  }
0xb2: {  	[tilespmem:s3], [sflag:$0x2] =	stream.indirect.gather [hbm4b:s5+s31], $0x80, s0, s31, $0xb8;
	[tilespmem:$0x1D080] =	vst v63  }
0xb3: {  	_ =	swait.ge [sflag:s17], $0x2800  }
0xb4: {  	[sflag:s17] =	ssyncset.done $0x0  }
0xb5: {  	[sflag:s17] =	ssyncadd.s32 $0xFFFFD800  }
0xb6: {  	[tilespmem:s28], [sflag:$0x4] =	stream.indirect.gather.add.f32 [hbm:s1], $0x80, s16, s31, $0xb8;
	[tilespmem:$0x1D080] =	vst v63  }
.LBB2_4:
0xb7: {  	p1 =	seq.s32 s16, $0x0  }
0xb8: {  	s6 =	simm.s32 @!p1 $0x9  }
0xb9: {  	_ =	swait.ge @!p1 [sflag:s6], $0x2800  }
0xba: {  	p2 =	seq.s32 @!p1 s16, $0xA;
	[sflag:s6] =	ssyncset.done @!p1 $0x0  }
0xbb: {  	p2 =	por p1, !p2;
	[sflag:s6] =	ssyncadd.s32 @!p1 $0xFFFFD800;
	s6 =	simm.s32 @!p1 $0x3C00  }
0xbc: {  	s6 =	smul.u32 @p2 $0x600, s16;
	_ =	sdelay $0x1  }
0xbd: {  	s7 =	sshra.s32 @p2 s6, $0x2  }
0xbe: {  	s7 =	sadd.s32 @p2 $0x1100, s7  }
0xbf: {  	[tilespmem:s24], [sflag:$0x3] =	stream.indirect.gather @p2 [hbm4b:s5+s31], $0x80, s7, s31, $0xb8;
	[tilespmem:$0x1D080] =	vst v63  }
0xc0: {  	_ =	swait.ge [sflag:s18], $0x2800  }
0xc1: {  	s6 =	sshra.s32 s6, $0x2;
	[sflag:s18] =	ssyncset.done $0x0  }
0xc2: {  	s9 =	sadd.s32 $0x80, s6;
	[sflag:s18] =	ssyncadd.s32 $0xFFFFD800  }
0xc3: {  	[tilespmem:s3], [sflag:$0x5] =	stream.indirect.gather.add.f32 [hbm:s1], $0x80, s9, s31, $0xb8;
	[tilespmem:$0x1D080] =	vst v63  }
0xc4: {  	_ =	swait.ge [sflag:s19], $0x2800  }
0xc5: {  	[sflag:s19] =	ssyncset.done $0x0  }
0xc6: {  	s7 =	simm.s32 $0x0;
	[sflag:s19] =	ssyncadd.s32 $0xFFFFD800  }
0xc7: {  	v3 =	vld [tilespmem:s7+$0x2000]  }
0xc8: {  	v5 =	vld [tilespmem:s7+$0x2010]  }
0xc9: {  	v4 =	vld [tilespmem:s7+$0x2020]  }
0xca: {  	v2 =	vld [tilespmem:s7+$0x2030]  }
0xcb: {  	v1 =	vld [tilespmem:s7+$0x2040]  }
0xcc: {  	v6 =	vmax.f32 v3, $0.0e+00;
	v3 =	vld [tilespmem:s7+$0x2050]  }
0xcd: {  	s8 =	simm.s32 $0x200;
	[tilespmem:s7+$0x2000] =	vst v6;
	v6 =	vmax.f32 v5, $0.0e+00;
	v5 =	vld [tilespmem:s7+$0x2060]  }
.LBB2_5:
0xce: {  	s9 =	sshra.s32 s8, $0x2;
	p1 =	sne.s32 s8, $0x9E00;
	[tilespmem:s7+$0x2010] =	vst v6;
	v4 =	vmax.f32 v4, $0.0e+00;
	v6 =	vld [tilespmem:s7+$0x2070]  }
0xcf: {  	v7 =	vld [tilespmem:s9+$0x2000];
	[tilespmem:s7+$0x2020] =	vst v4;
	v2 =	vmax.f32 v2, $0.0e+00  }
0xd0: {  	v8 =	vld [tilespmem:s9+$0x2010];
	[tilespmem:s7+$0x2030] =	vst v2;
	v1 =	vmax.f32 v1, $0.0e+00  }
.Ltmp3:
0xd1: {  	v4 =	vld [tilespmem:s9+$0x2020];
	[tilespmem:s7+$0x2040] =	vst v1;
	v1 =	vmax.f32 v3, $0.0e+00;
	(pc) =	sbr.rel @p1 .LBB2_5-.Ltmp3, $4  }
0xd2: {  	v2 =	vld [tilespmem:s9+$0x2030];
	[tilespmem:s7+$0x2050] =	vst v1;
	v3 =	vmax.f32 v5, $0.0e+00  }
0xd3: {  	v1 =	vld [tilespmem:s9+$0x2040];
	[tilespmem:s7+$0x2060] =	vst v3;
	v5 =	vmax.f32 v6, $0.0e+00  }
0xd4: {  	v6 =	vmax.f32 v7, $0.0e+00;
	v3 =	vld [tilespmem:s9+$0x2050];
	[tilespmem:s7+$0x2070] =	vst v5;
	s7 =	smov.u32 s9  }
0xd5: {  	s8 =	sadd.s32 $0x200, s8;
	[tilespmem:s7+$0x2000] =	vst v6;
	v6 =	vmax.f32 v8, $0.0e+00;
	v5 =	vld [tilespmem:s7+$0x2060]  }
0xd6: {  	[tilespmem:s7+$0x2010] =	vst v6;
	v4 =	vmax.f32 v4, $0.0e+00;
	v6 =	vld [tilespmem:s7+$0x2070]  }
0xd7: {  	[tilespmem:s7+$0x2020] =	vst v4;
	v2 =	vmax.f32 v2, $0.0e+00  }
0xd8: {  	[tilespmem:s7+$0x2030] =	vst v2;
	v1 =	vmax.f32 v1, $0.0e+00  }
0xd9: {  	[tilespmem:s7+$0x2040] =	vst v1;
	v1 =	vmax.f32 v3, $0.0e+00  }
0xda: {  	[tilespmem:s7+$0x2050] =	vst v1;
	v1 =	vmax.f32 v5, $0.0e+00  }
0xdb: {  	[tilespmem:s7+$0x2060] =	vst v1;
	v1 =	vmax.f32 v6, $0.0e+00  }
0xdc: {  	s9 =	sadd.s32 $0x1000, s6;
	[tilespmem:s7+$0x2070] =	vst v1  }
0xdd: {  	[spmem:s2] =	stream.indirect.scatter.add.f32 [tilespmem:s28], [sflag:$0x7], $0x80, s9, s31, $0xb8;
	[tilespmem:$0x1D080] =	vst v63  }
0xde: {  	p1 =	seq.s32 s16, $0xA;
	_ =	swait.ge [sflag:s20], $0x2800  }
0xdf: {  	s8 =	simm.s32 @!p1 $0x50;
	[sflag:s20] =	ssyncset.done $0x0  }
0xe0: {  	s7 =	sadd.s32 @!p1 $0x1180, s6;
	s9 =	simm.s32 @!p1 $0x2000;
	[sflag:s20] =	ssyncadd.s32 $0xFFFFD800  }
0xe1: {  	[tilespmem:s9], [sflag:$0x1] =	stream.indirect.gather @!p1 [hbm4b:s5+s8], $0x80, s7, s8, $0xb8;
	[tilespmem:$0x1D080] =	vst v63  }
0xe2: {  	s7 =	simm.s32 @!p1 $0x3  }
0xe3: {  	_ =	swait.ge @!p1 [sflag:s7], $0x2800  }
0xe4: {  	[sflag:s7] =	ssyncset.done @!p1 $0x0  }
0xe5: {  	s9 =	simm.s32 @!p1 $0x7000;
	[sflag:s7] =	ssyncadd.s32 @!p1 $0xFFFFD800;
	s7 =	sadd.s32 @!p1 $0x100, s6  }
0xe6: {  	[tilespmem:s9], [sflag:$0x6] =	stream.indirect.gather.add.f32 @!p1 [hbm:s1], $0x80, s7, s8, $0xb8;
	[tilespmem:$0x1D080] =	vst v63  }
0xe7: {  	_ =	swait.ge [sflag:s21], $0x2800  }
0xe8: {  	[sflag:s21] =	ssyncset.done $0x0  }
0xe9: {  	s7 =	simm.s32 $0x0;
	[sflag:s21] =	ssyncadd.s32 $0xFFFFD800  }
0xea: {  	v3 =	vld [tilespmem:s7+$0x4800]  }
0xeb: {  	v5 =	vld [tilespmem:s7+$0x4810]  }
0xec: {  	v4 =	vld [tilespmem:s7+$0x4820]  }
0xed: {  	v2 =	vld [tilespmem:s7+$0x4830]  }
0xee: {  	v1 =	vld [tilespmem:s7+$0x4840]  }
0xef: {  	v6 =	vmax.f32 v3, $0.0e+00;
	v3 =	vld [tilespmem:s7+$0x4850]  }
0xf0: {  	s8 =	simm.s32 $0x200;
	[tilespmem:s7+$0x4800] =	vst v6;
	v6 =	vmax.f32 v5, $0.0e+00;
	v5 =	vld [tilespmem:s7+$0x4860]  }
.LBB2_7:
0xf1: {  	s9 =	sshra.s32 s8, $0x2;
	p2 =	sne.s32 s8, $0x9E00;
	[tilespmem:s7+$0x4810] =	vst v6;
	v4 =	vmax.f32 v4, $0.0e+00;
	v6 =	vld [tilespmem:s7+$0x4870]  }
0xf2: {  	v7 =	vld [tilespmem:s9+$0x4800];
	[tilespmem:s7+$0x4820] =	vst v4;
	v2 =	vmax.f32 v2, $0.0e+00  }
0xf3: {  	v8 =	vld [tilespmem:s9+$0x4810];
	[tilespmem:s7+$0x4830] =	vst v2;
	v1 =	vmax.f32 v1, $0.0e+00  }
.Ltmp4:
0xf4: {  	v4 =	vld [tilespmem:s9+$0x4820];
	[tilespmem:s7+$0x4840] =	vst v1;
	v1 =	vmax.f32 v3, $0.0e+00;
	(pc) =	sbr.rel @p2 .LBB2_7-.Ltmp4, $4  }
0xf5: {  	v2 =	vld [tilespmem:s9+$0x4830];
	[tilespmem:s7+$0x4850] =	vst v1;
	v3 =	vmax.f32 v5, $0.0e+00  }
0xf6: {  	v1 =	vld [tilespmem:s9+$0x4840];
	[tilespmem:s7+$0x4860] =	vst v3;
	v5 =	vmax.f32 v6, $0.0e+00  }
0xf7: {  	v6 =	vmax.f32 v7, $0.0e+00;
	v3 =	vld [tilespmem:s9+$0x4850];
	[tilespmem:s7+$0x4870] =	vst v5;
	s7 =	smov.u32 s9  }
0xf8: {  	s8 =	sadd.s32 $0x200, s8;
	[tilespmem:s7+$0x4800] =	vst v6;
	v6 =	vmax.f32 v8, $0.0e+00;
	v5 =	vld [tilespmem:s7+$0x4860]  }
0xf9: {  	[tilespmem:s7+$0x4810] =	vst v6;
	v4 =	vmax.f32 v4, $0.0e+00;
	v63 =	vld [tilespmem:s7+$0x4870]  }
0xfa: {  	[tilespmem:s7+$0x4820] =	vst v4;
	v2 =	vmax.f32 v2, $0.0e+00  }
0xfb: {  	[tilespmem:s7+$0x4830] =	vst v2;
	v1 =	vmax.f32 v1, $0.0e+00  }
0xfc: {  	[tilespmem:s7+$0x4840] =	vst v1;
	v1 =	vmax.f32 v3, $0.0e+00  }
0xfd: {  	[tilespmem:s7+$0x4850] =	vst v1;
	v1 =	vmax.f32 v5, $0.0e+00  }
0xfe: {  	[tilespmem:s7+$0x4860] =	vst v1;
	v1 =	vmax.f32 v63, $0.0e+00  }
.Ltmp5:
0xff: {  	s9 =	sadd.s32 $0x1080, s6;
	[tilespmem:s7+$0x4870] =	vst v1;
	(pc) =	sbr.rel @p1 .LBB2_12-.Ltmp5, $4  }
0x100: {  	[spmem:s2] =	stream.indirect.scatter.add.f32 [tilespmem:s3], [sflag:$0x8], $0x80, s9, s31, $0xb8;
	[tilespmem:$0x1D080] =	vst v63  }
0x101: {  	_ =	swait.ge [sflag:s22], $0x2800  }
0x102: {  	[sflag:s22] =	ssyncset.done $0x0  }
0x103: {  	[sflag:s22] =	ssyncadd.s32 $0xFFFFD800  }
0x104: {  	s7 =	sadd.s32 $0x1200, s6  }
0x105: {  	[tilespmem:s3], [sflag:$0x2] =	stream.indirect.gather [hbm4b:s5+s31], $0x80, s7, s31, $0xb8;
	[tilespmem:$0x1D080] =	vst v63  }
0x106: {  	_ =	swait.ge [sflag:s17], $0x2800  }
0x107: {  	[sflag:s17] =	ssyncset.done $0x0  }
0x108: {  	s9 =	sadd.s32 $0x180, s6;
	[sflag:s17] =	ssyncadd.s32 $0xFFFFD800  }
0x109: {  	[tilespmem:s28], [sflag:$0x4] =	stream.indirect.gather.add.f32 [hbm:s1], $0x80, s9, s31, $0xb8;
	[tilespmem:$0x1D080] =	vst v63  }
0x10a: {  	_ =	swait.ge [sflag:s23], $0x2800  }
0x10b: {  	[sflag:s23] =	ssyncset.done $0x0  }
0x10c: {  	s7 =	simm.s32 $0x0;
	[sflag:s23] =	ssyncadd.s32 $0xFFFFD800  }
0x10d: {  	v3 =	vld [tilespmem:s7+$0x7000]  }
0x10e: {  	v5 =	vld [tilespmem:s7+$0x7010]  }
0x10f: {  	v4 =	vld [tilespmem:s7+$0x7020]  }
0x110: {  	v2 =	vld [tilespmem:s7+$0x7030]  }
0x111: {  	v1 =	vld [tilespmem:s7+$0x7040]  }
0x112: {  	v6 =	vmax.f32 v3, $0.0e+00;
	v3 =	vld [tilespmem:s7+$0x7050]  }
0x113: {  	s8 =	simm.s32 $0x200;
	[tilespmem:s7+$0x7000] =	vst v6;
	v6 =	vmax.f32 v5, $0.0e+00;
	v5 =	vld [tilespmem:s7+$0x7060]  }
.LBB2_10:
0x114: {  	s9 =	sshra.s32 s8, $0x2;
	p1 =	sne.s32 s8, $0x9E00;
	[tilespmem:s7+$0x7010] =	vst v6;
	v4 =	vmax.f32 v4, $0.0e+00;
	v6 =	vld [tilespmem:s7+$0x7070]  }
0x115: {  	v7 =	vld [tilespmem:s9+$0x7000];
	[tilespmem:s7+$0x7020] =	vst v4;
	v2 =	vmax.f32 v2, $0.0e+00  }
0x116: {  	v8 =	vld [tilespmem:s9+$0x7010];
	[tilespmem:s7+$0x7030] =	vst v2;
	v1 =	vmax.f32 v1, $0.0e+00  }
.Ltmp6:
0x117: {  	v4 =	vld [tilespmem:s9+$0x7020];
	[tilespmem:s7+$0x7040] =	vst v1;
	v1 =	vmax.f32 v3, $0.0e+00;
	(pc) =	sbr.rel @p1 .LBB2_10-.Ltmp6, $4  }
0x118: {  	v2 =	vld [tilespmem:s9+$0x7030];
	[tilespmem:s7+$0x7050] =	vst v1;
	v3 =	vmax.f32 v5, $0.0e+00  }
0x119: {  	v1 =	vld [tilespmem:s9+$0x7040];
	[tilespmem:s7+$0x7060] =	vst v3;
	v5 =	vmax.f32 v6, $0.0e+00  }
0x11a: {  	v6 =	vmax.f32 v7, $0.0e+00;
	v3 =	vld [tilespmem:s9+$0x7050];
	[tilespmem:s7+$0x7070] =	vst v5;
	s7 =	smov.u32 s9  }
0x11b: {  	s8 =	sadd.s32 $0x200, s8;
	[tilespmem:s7+$0x7000] =	vst v6;
	v6 =	vmax.f32 v8, $0.0e+00;
	v5 =	vld [tilespmem:s7+$0x7060]  }
0x11c: {  	[tilespmem:s7+$0x7010] =	vst v6;
	v4 =	vmax.f32 v4, $0.0e+00;
	v63 =	vld [tilespmem:s7+$0x7070]  }
0x11d: {  	[tilespmem:s7+$0x7020] =	vst v4;
	v2 =	vmax.f32 v2, $0.0e+00  }
0x11e: {  	[tilespmem:s7+$0x7030] =	vst v2;
	v1 =	vmax.f32 v1, $0.0e+00  }
.Ltmp7:
0x11f: {  	[tilespmem:s7+$0x7040] =	vst v1;
	v1 =	vmax.f32 v3, $0.0e+00;
	(pc) =	sbr.rel .LBB2_4-.Ltmp7, $4  }
0x120: {  	[tilespmem:s7+$0x7050] =	vst v1;
	v1 =	vmax.f32 v5, $0.0e+00  }
0x121: {  	[tilespmem:s7+$0x7060] =	vst v1;
	v1 =	vmax.f32 v63, $0.0e+00  }
0x122: {  	s6 =	sadd.s32 $0x1100, s6;
	s16 =	sadd.s32 $0x1, s16;
	[tilespmem:s7+$0x7070] =	vst v1  }
0x123: {  	[spmem:s2] =	stream.indirect.scatter.add.f32 [tilespmem:s24], [sflag:$0x9], $0x80, s6, s31, $0xb8;
	[tilespmem:$0x1D080] =	vst v63  }
.LBB2_12:
0x124: {  	s6 =	sadd.s32 $0x200, s14;
	s16 =	simm.s32 $0x0  }
0x125: {  	[tilespmem:s16], [sflag:$0xA] =	stream.linear.gather [hbm4b:s6+s16], $0x1000, $0x38;
	[tilespmem:$0x1D080] =	vst v63  }
0x126: {  	_ =	swait.ge [sflag:s29], $0x1000  }
0x127: {  	[sflag:s29] =	ssyncset.done $0x0  }
0x128: {  	s9 =	sadd.s32 $0x200, s15;
	[sflag:s29] =	ssyncadd.s32 $0xFFFFF000  }
0x129: {  	[tilespmem:s30], [sflag:$0xA] =	stream.linear.gather [hbm4b:s9+s16], $0x1000, $0x38;
	[tilespmem:$0x1D080] =	vst v63  }
0x12a: {  	_ =	swait.ge [sflag:s29], $0x1000  }
0x12b: {  	[sflag:s29] =	ssyncset.done $0x0  }
0x12c: {  	[sflag:s29] =	ssyncadd.s32 $0xFFFFF000  }
0x12d: {  	[tilespmem:s28], [sflag:$0x1] =	stream.indirect.gather [hbm4b:s5+s31], $0x80, s30, s31, $0xb8;
	[tilespmem:$0x1D080] =	vst v63  }
0x12e: {  	_ = 	snop  }
0x12f: {  	[tilespmem:s3], [sflag:$0x2] =	stream.indirect.gather [hbm4b:s5+s31], $0x80, s0, s31, $0xb8;
	[tilespmem:$0x1D080] =	vst v63  }
0x130: {  	_ =	swait.ge [sflag:s17], $0x2800  }
0x131: {  	[sflag:s17] =	ssyncset.done $0x0  }
0x132: {  	[sflag:s17] =	ssyncadd.s32 $0xFFFFD800  }
0x133: {  	[tilespmem:s28], [sflag:$0x4] =	stream.indirect.gather.add.f32 [hbm:s1], $0x80, s16, s31, $0xb8;
	[tilespmem:$0x1D080] =	vst v63  }
.LBB2_13:
0x134: {  	p1 =	seq.s32 s16, $0x0  }
0x135: {  	s6 =	simm.s32 @!p1 $0x9  }
0x136: {  	_ =	swait.ge @!p1 [sflag:s6], $0x2800  }
0x137: {  	p2 =	seq.s32 @!p1 s16, $0xA;
	[sflag:s6] =	ssyncset.done @!p1 $0x0  }
0x138: {  	p2 =	por p1, !p2;
	[sflag:s6] =	ssyncadd.s32 @!p1 $0xFFFFD800;
	s6 =	simm.s32 @!p1 $0x3C00  }
0x139: {  	s6 =	smul.u32 @p2 $0x600, s16;
	_ =	sdelay $0x1  }
0x13a: {  	s7 =	sshra.s32 @p2 s6, $0x2  }
0x13b: {  	s7 =	sadd.s32 @p2 $0x1100, s7  }
0x13c: {  	[tilespmem:s24], [sflag:$0x3] =	stream.indirect.gather @p2 [hbm4b:s5+s31], $0x80, s7, s31, $0xb8;
	[tilespmem:$0x1D080] =	vst v63  }
0x13d: {  	_ =	swait.ge [sflag:s18], $0x2800  }
0x13e: {  	s6 =	sshra.s32 s6, $0x2;
	[sflag:s18] =	ssyncset.done $0x0  }
0x13f: {  	s9 =	sadd.s32 $0x80, s6;
	[sflag:s18] =	ssyncadd.s32 $0xFFFFD800  }
0x140: {  	[tilespmem:s3], [sflag:$0x5] =	stream.indirect.gather.add.f32 [hbm:s1], $0x80, s9, s31, $0xb8;
	[tilespmem:$0x1D080] =	vst v63  }
0x141: {  	_ =	swait.ge [sflag:s19], $0x2800  }
0x142: {  	[sflag:s19] =	ssyncset.done $0x0  }
0x143: {  	s7 =	simm.s32 $0x0;
	[sflag:s19] =	ssyncadd.s32 $0xFFFFD800  }
0x144: {  	v3 =	vld [tilespmem:s7+$0x2000]  }
0x145: {  	v5 =	vld [tilespmem:s7+$0x2010]  }
0x146: {  	v4 =	vld [tilespmem:s7+$0x2020]  }
0x147: {  	v2 =	vld [tilespmem:s7+$0x2030]  }
0x148: {  	v1 =	vld [tilespmem:s7+$0x2040]  }
0x149: {  	v6 =	vmax.f32 v3, $0.0e+00;
	v3 =	vld [tilespmem:s7+$0x2050]  }
0x14a: {  	s8 =	simm.s32 $0x200;
	[tilespmem:s7+$0x2000] =	vst v6;
	v6 =	vmax.f32 v5, $0.0e+00;
	v5 =	vld [tilespmem:s7+$0x2060]  }
.LBB2_14:
0x14b: {  	s9 =	sshra.s32 s8, $0x2;
	p1 =	sne.s32 s8, $0x9E00;
	[tilespmem:s7+$0x2010] =	vst v6;
	v4 =	vmax.f32 v4, $0.0e+00;
	v6 =	vld [tilespmem:s7+$0x2070]  }
0x14c: {  	v7 =	vld [tilespmem:s9+$0x2000];
	[tilespmem:s7+$0x2020] =	vst v4;
	v2 =	vmax.f32 v2, $0.0e+00  }
0x14d: {  	v8 =	vld [tilespmem:s9+$0x2010];
	[tilespmem:s7+$0x2030] =	vst v2;
	v1 =	vmax.f32 v1, $0.0e+00  }
.Ltmp8:
0x14e: {  	v4 =	vld [tilespmem:s9+$0x2020];
	[tilespmem:s7+$0x2040] =	vst v1;
	v1 =	vmax.f32 v3, $0.0e+00;
	(pc) =	sbr.rel @p1 .LBB2_14-.Ltmp8, $4  }
0x14f: {  	v2 =	vld [tilespmem:s9+$0x2030];
	[tilespmem:s7+$0x2050] =	vst v1;
	v3 =	vmax.f32 v5, $0.0e+00  }
0x150: {  	v1 =	vld [tilespmem:s9+$0x2040];
	[tilespmem:s7+$0x2060] =	vst v3;
	v5 =	vmax.f32 v6, $0.0e+00  }
0x151: {  	v6 =	vmax.f32 v7, $0.0e+00;
	v3 =	vld [tilespmem:s9+$0x2050];
	[tilespmem:s7+$0x2070] =	vst v5;
	s7 =	smov.u32 s9  }
0x152: {  	s8 =	sadd.s32 $0x200, s8;
	[tilespmem:s7+$0x2000] =	vst v6;
	v6 =	vmax.f32 v8, $0.0e+00;
	v5 =	vld [tilespmem:s7+$0x2060]  }
0x153: {  	[tilespmem:s7+$0x2010] =	vst v6;
	v4 =	vmax.f32 v4, $0.0e+00;
	v6 =	vld [tilespmem:s7+$0x2070]  }
0x154: {  	[tilespmem:s7+$0x2020] =	vst v4;
	v2 =	vmax.f32 v2, $0.0e+00  }
0x155: {  	[tilespmem:s7+$0x2030] =	vst v2;
	v1 =	vmax.f32 v1, $0.0e+00  }
0x156: {  	[tilespmem:s7+$0x2040] =	vst v1;
	v1 =	vmax.f32 v3, $0.0e+00  }
0x157: {  	[tilespmem:s7+$0x2050] =	vst v1;
	v1 =	vmax.f32 v5, $0.0e+00  }
0x158: {  	[tilespmem:s7+$0x2060] =	vst v1;
	v1 =	vmax.f32 v6, $0.0e+00  }
0x159: {  	s9 =	sadd.s32 $0x1000, s6;
	[tilespmem:s7+$0x2070] =	vst v1  }
0x15a: {  	[spmem:s2] =	stream.indirect.scatter.add.f32 [tilespmem:s28], [sflag:$0x7], $0x80, s9, s31, $0xb8;
	[tilespmem:$0x1D080] =	vst v63  }
0x15b: {  	p1 =	seq.s32 s16, $0xA;
	_ =	swait.ge [sflag:s20], $0x2800  }
0x15c: {  	s8 =	simm.s32 @!p1 $0x50;
	[sflag:s20] =	ssyncset.done $0x0  }
0x15d: {  	s7 =	sadd.s32 @!p1 $0x1180, s6;
	s9 =	simm.s32 @!p1 $0x2000;
	[sflag:s20] =	ssyncadd.s32 $0xFFFFD800  }
0x15e: {  	[tilespmem:s9], [sflag:$0x1] =	stream.indirect.gather @!p1 [hbm4b:s5+s8], $0x80, s7, s8, $0xb8;
	[tilespmem:$0x1D080] =	vst v63  }
0x15f: {  	s7 =	simm.s32 @!p1 $0x3  }
0x160: {  	_ =	swait.ge @!p1 [sflag:s7], $0x2800  }
0x161: {  	[sflag:s7] =	ssyncset.done @!p1 $0x0  }
0x162: {  	s9 =	simm.s32 @!p1 $0x7000;
	[sflag:s7] =	ssyncadd.s32 @!p1 $0xFFFFD800;
	s7 =	sadd.s32 @!p1 $0x100, s6  }
0x163: {  	[tilespmem:s9], [sflag:$0x6] =	stream.indirect.gather.add.f32 @!p1 [hbm:s1], $0x80, s7, s8, $0xb8;
	[tilespmem:$0x1D080] =	vst v63  }
0x164: {  	_ =	swait.ge [sflag:s21], $0x2800  }
0x165: {  	[sflag:s21] =	ssyncset.done $0x0  }
0x166: {  	s7 =	simm.s32 $0x0;
	[sflag:s21] =	ssyncadd.s32 $0xFFFFD800  }
0x167: {  	v3 =	vld [tilespmem:s7+$0x4800]  }
0x168: {  	v5 =	vld [tilespmem:s7+$0x4810]  }
0x169: {  	v4 =	vld [tilespmem:s7+$0x4820]  }
0x16a: {  	v2 =	vld [tilespmem:s7+$0x4830]  }
0x16b: {  	v1 =	vld [tilespmem:s7+$0x4840]  }
0x16c: {  	v6 =	vmax.f32 v3, $0.0e+00;
	v3 =	vld [tilespmem:s7+$0x4850]  }
0x16d: {  	s8 =	simm.s32 $0x200;
	[tilespmem:s7+$0x4800] =	vst v6;
	v6 =	vmax.f32 v5, $0.0e+00;
	v5 =	vld [tilespmem:s7+$0x4860]  }
.LBB2_16:
0x16e: {  	s9 =	sshra.s32 s8, $0x2;
	p2 =	sne.s32 s8, $0x9E00;
	[tilespmem:s7+$0x4810] =	vst v6;
	v4 =	vmax.f32 v4, $0.0e+00;
	v6 =	vld [tilespmem:s7+$0x4870]  }
0x16f: {  	v7 =	vld [tilespmem:s9+$0x4800];
	[tilespmem:s7+$0x4820] =	vst v4;
	v2 =	vmax.f32 v2, $0.0e+00  }
0x170: {  	v8 =	vld [tilespmem:s9+$0x4810];
	[tilespmem:s7+$0x4830] =	vst v2;
	v1 =	vmax.f32 v1, $0.0e+00  }
.Ltmp9:
0x171: {  	v4 =	vld [tilespmem:s9+$0x4820];
	[tilespmem:s7+$0x4840] =	vst v1;
	v1 =	vmax.f32 v3, $0.0e+00;
	(pc) =	sbr.rel @p2 .LBB2_16-.Ltmp9, $4  }
0x172: {  	v2 =	vld [tilespmem:s9+$0x4830];
	[tilespmem:s7+$0x4850] =	vst v1;
	v3 =	vmax.f32 v5, $0.0e+00  }
0x173: {  	v1 =	vld [tilespmem:s9+$0x4840];
	[tilespmem:s7+$0x4860] =	vst v3;
	v5 =	vmax.f32 v6, $0.0e+00  }
0x174: {  	v6 =	vmax.f32 v7, $0.0e+00;
	v3 =	vld [tilespmem:s9+$0x4850];
	[tilespmem:s7+$0x4870] =	vst v5;
	s7 =	smov.u32 s9  }
0x175: {  	s8 =	sadd.s32 $0x200, s8;
	[tilespmem:s7+$0x4800] =	vst v6;
	v6 =	vmax.f32 v8, $0.0e+00;
	v5 =	vld [tilespmem:s7+$0x4860]  }
0x176: {  	[tilespmem:s7+$0x4810] =	vst v6;
	v4 =	vmax.f32 v4, $0.0e+00;
	v63 =	vld [tilespmem:s7+$0x4870]  }
0x177: {  	[tilespmem:s7+$0x4820] =	vst v4;
	v2 =	vmax.f32 v2, $0.0e+00  }
0x178: {  	[tilespmem:s7+$0x4830] =	vst v2;
	v1 =	vmax.f32 v1, $0.0e+00  }
0x179: {  	[tilespmem:s7+$0x4840] =	vst v1;
	v1 =	vmax.f32 v3, $0.0e+00  }
0x17a: {  	[tilespmem:s7+$0x4850] =	vst v1;
	v1 =	vmax.f32 v5, $0.0e+00  }
0x17b: {  	[tilespmem:s7+$0x4860] =	vst v1;
	v1 =	vmax.f32 v63, $0.0e+00  }
.Ltmp10:
0x17c: {  	s9 =	sadd.s32 $0x1080, s6;
	[tilespmem:s7+$0x4870] =	vst v1;
	(pc) =	sbr.rel @p1 .LBB2_21-.Ltmp10, $4  }
0x17d: {  	[spmem:s2] =	stream.indirect.scatter.add.f32 [tilespmem:s3], [sflag:$0x8], $0x80, s9, s31, $0xb8;
	[tilespmem:$0x1D080] =	vst v63  }
0x17e: {  	_ =	swait.ge [sflag:s22], $0x2800  }
0x17f: {  	[sflag:s22] =	ssyncset.done $0x0  }
0x180: {  	[sflag:s22] =	ssyncadd.s32 $0xFFFFD800  }
0x181: {  	s7 =	sadd.s32 $0x1200, s6  }
0x182: {  	[tilespmem:s3], [sflag:$0x2] =	stream.indirect.gather [hbm4b:s5+s31], $0x80, s7, s31, $0xb8;
	[tilespmem:$0x1D080] =	vst v63  }
0x183: {  	_ =	swait.ge [sflag:s17], $0x2800  }
0x184: {  	[sflag:s17] =	ssyncset.done $0x0  }
0x185: {  	s9 =	sadd.s32 $0x180, s6;
	[sflag:s17] =	ssyncadd.s32 $0xFFFFD800  }
0x186: {  	[tilespmem:s28], [sflag:$0x4] =	stream.indirect.gather.add.f32 [hbm:s1], $0x80, s9, s31, $0xb8;
	[tilespmem:$0x1D080] =	vst v63  }
0x187: {  	_ =	swait.ge [sflag:s23], $0x2800  }
0x188: {  	[sflag:s23] =	ssyncset.done $0x0  }
0x189: {  	s7 =	simm.s32 $0x0;
	[sflag:s23] =	ssyncadd.s32 $0xFFFFD800  }
0x18a: {  	v3 =	vld [tilespmem:s7+$0x7000]  }
0x18b: {  	v5 =	vld [tilespmem:s7+$0x7010]  }
0x18c: {  	v4 =	vld [tilespmem:s7+$0x7020]  }
0x18d: {  	v2 =	vld [tilespmem:s7+$0x7030]  }
0x18e: {  	v1 =	vld [tilespmem:s7+$0x7040]  }
0x18f: {  	v6 =	vmax.f32 v3, $0.0e+00;
	v3 =	vld [tilespmem:s7+$0x7050]  }
0x190: {  	s8 =	simm.s32 $0x200;
	[tilespmem:s7+$0x7000] =	vst v6;
	v6 =	vmax.f32 v5, $0.0e+00;
	v5 =	vld [tilespmem:s7+$0x7060]  }
.LBB2_19:
0x191: {  	s9 =	sshra.s32 s8, $0x2;
	p1 =	sne.s32 s8, $0x9E00;
	[tilespmem:s7+$0x7010] =	vst v6;
	v4 =	vmax.f32 v4, $0.0e+00;
	v6 =	vld [tilespmem:s7+$0x7070]  }
0x192: {  	v7 =	vld [tilespmem:s9+$0x7000];
	[tilespmem:s7+$0x7020] =	vst v4;
	v2 =	vmax.f32 v2, $0.0e+00  }
0x193: {  	v8 =	vld [tilespmem:s9+$0x7010];
	[tilespmem:s7+$0x7030] =	vst v2;
	v1 =	vmax.f32 v1, $0.0e+00  }
.Ltmp11:
0x194: {  	v4 =	vld [tilespmem:s9+$0x7020];
	[tilespmem:s7+$0x7040] =	vst v1;
	v1 =	vmax.f32 v3, $0.0e+00;
	(pc) =	sbr.rel @p1 .LBB2_19-.Ltmp11, $4  }
0x195: {  	v2 =	vld [tilespmem:s9+$0x7030];
	[tilespmem:s7+$0x7050] =	vst v1;
	v3 =	vmax.f32 v5, $0.0e+00  }
0x196: {  	v1 =	vld [tilespmem:s9+$0x7040];
	[tilespmem:s7+$0x7060] =	vst v3;
	v5 =	vmax.f32 v6, $0.0e+00  }
0x197: {  	v6 =	vmax.f32 v7, $0.0e+00;
	v3 =	vld [tilespmem:s9+$0x7050];
	[tilespmem:s7+$0x7070] =	vst v5;
	s7 =	smov.u32 s9  }
0x198: {  	s8 =	sadd.s32 $0x200, s8;
	[tilespmem:s7+$0x7000] =	vst v6;
	v6 =	vmax.f32 v8, $0.0e+00;
	v5 =	vld [tilespmem:s7+$0x7060]  }
0x199: {  	[tilespmem:s7+$0x7010] =	vst v6;
	v4 =	vmax.f32 v4, $0.0e+00;
	v63 =	vld [tilespmem:s7+$0x7070]  }
0x19a: {  	[tilespmem:s7+$0x7020] =	vst v4;
	v2 =	vmax.f32 v2, $0.0e+00  }
0x19b: {  	[tilespmem:s7+$0x7030] =	vst v2;
	v1 =	vmax.f32 v1, $0.0e+00  }
.Ltmp12:
0x19c: {  	[tilespmem:s7+$0x7040] =	vst v1;
	v1 =	vmax.f32 v3, $0.0e+00;
	(pc) =	sbr.rel .LBB2_13-.Ltmp12, $4  }
0x19d: {  	[tilespmem:s7+$0x7050] =	vst v1;
	v1 =	vmax.f32 v5, $0.0e+00  }
0x19e: {  	[tilespmem:s7+$0x7060] =	vst v1;
	v1 =	vmax.f32 v63, $0.0e+00  }
0x19f: {  	s6 =	sadd.s32 $0x1100, s6;
	s16 =	sadd.s32 $0x1, s16;
	[tilespmem:s7+$0x7070] =	vst v1  }
0x1a0: {  	[spmem:s2] =	stream.indirect.scatter.add.f32 [tilespmem:s24], [sflag:$0x9], $0x80, s6, s31, $0xb8;
	[tilespmem:$0x1D080] =	vst v63  }
.LBB2_21:
0x1a1: {  	s6 =	sadd.s32 $0x400, s14;
	s16 =	simm.s32 $0x0  }
0x1a2: {  	[tilespmem:s16], [sflag:$0xA] =	stream.linear.gather [hbm4b:s6+s16], $0x1000, $0x38;
	[tilespmem:$0x1D080] =	vst v63  }
0x1a3: {  	_ =	swait.ge [sflag:s29], $0x1000  }
0x1a4: {  	[sflag:s29] =	ssyncset.done $0x0  }
0x1a5: {  	s9 =	sadd.s32 $0x400, s15;
	[sflag:s29] =	ssyncadd.s32 $0xFFFFF000  }
0x1a6: {  	[tilespmem:s30], [sflag:$0xA] =	stream.linear.gather [hbm4b:s9+s16], $0x1000, $0x38;
	[tilespmem:$0x1D080] =	vst v63  }
0x1a7: {  	_ =	swait.ge [sflag:s29], $0x1000  }
0x1a8: {  	[sflag:s29] =	ssyncset.done $0x0  }
0x1a9: {  	[sflag:s29] =	ssyncadd.s32 $0xFFFFF000  }
0x1aa: {  	[tilespmem:s28], [sflag:$0x1] =	stream.indirect.gather [hbm4b:s5+s31], $0x80, s30, s31, $0xb8;
	[tilespmem:$0x1D080] =	vst v63  }
0x1ab: {  	_ = 	snop  }
0x1ac: {  	[tilespmem:s3], [sflag:$0x2] =	stream.indirect.gather [hbm4b:s5+s31], $0x80, s0, s31, $0xb8;
	[tilespmem:$0x1D080] =	vst v63  }
0x1ad: {  	_ =	swait.ge [sflag:s17], $0x2800  }
0x1ae: {  	[sflag:s17] =	ssyncset.done $0x0  }
0x1af: {  	[sflag:s17] =	ssyncadd.s32 $0xFFFFD800  }
0x1b0: {  	[tilespmem:s28], [sflag:$0x4] =	stream.indirect.gather.add.f32 [hbm:s1], $0x80, s16, s31, $0xb8;
	[tilespmem:$0x1D080] =	vst v63  }
.LBB2_22:
0x1b1: {  	p1 =	seq.s32 s16, $0x0  }
0x1b2: {  	s6 =	simm.s32 @!p1 $0x9  }
0x1b3: {  	_ =	swait.ge @!p1 [sflag:s6], $0x2800  }
0x1b4: {  	p2 =	seq.s32 @!p1 s16, $0xA;
	[sflag:s6] =	ssyncset.done @!p1 $0x0  }
0x1b5: {  	p2 =	por p1, !p2;
	[sflag:s6] =	ssyncadd.s32 @!p1 $0xFFFFD800;
	s6 =	simm.s32 @!p1 $0x3C00  }
0x1b6: {  	s6 =	smul.u32 @p2 $0x600, s16;
	_ =	sdelay $0x1  }
0x1b7: {  	s7 =	sshra.s32 @p2 s6, $0x2  }
0x1b8: {  	s7 =	sadd.s32 @p2 $0x1100, s7  }
0x1b9: {  	[tilespmem:s24], [sflag:$0x3] =	stream.indirect.gather @p2 [hbm4b:s5+s31], $0x80, s7, s31, $0xb8;
	[tilespmem:$0x1D080] =	vst v63  }
0x1ba: {  	_ =	swait.ge [sflag:s18], $0x2800  }
0x1bb: {  	s6 =	sshra.s32 s6, $0x2;
	[sflag:s18] =	ssyncset.done $0x0  }
0x1bc: {  	s9 =	sadd.s32 $0x80, s6;
	[sflag:s18] =	ssyncadd.s32 $0xFFFFD800  }
0x1bd: {  	[tilespmem:s3], [sflag:$0x5] =	stream.indirect.gather.add.f32 [hbm:s1], $0x80, s9, s31, $0xb8;
	[tilespmem:$0x1D080] =	vst v63  }
0x1be: {  	_ =	swait.ge [sflag:s19], $0x2800  }
0x1bf: {  	[sflag:s19] =	ssyncset.done $0x0  }
0x1c0: {  	s7 =	simm.s32 $0x0;
	[sflag:s19] =	ssyncadd.s32 $0xFFFFD800  }
0x1c1: {  	v3 =	vld [tilespmem:s7+$0x2000]  }
0x1c2: {  	v5 =	vld [tilespmem:s7+$0x2010]  }
0x1c3: {  	v4 =	vld [tilespmem:s7+$0x2020]  }
0x1c4: {  	v2 =	vld [tilespmem:s7+$0x2030]  }
0x1c5: {  	v1 =	vld [tilespmem:s7+$0x2040]  }
0x1c6: {  	v6 =	vmax.f32 v3, $0.0e+00;
	v3 =	vld [tilespmem:s7+$0x2050]  }
0x1c7: {  	s8 =	simm.s32 $0x200;
	[tilespmem:s7+$0x2000] =	vst v6;
	v6 =	vmax.f32 v5, $0.0e+00;
	v5 =	vld [tilespmem:s7+$0x2060]  }
.LBB2_23:
0x1c8: {  	s9 =	sshra.s32 s8, $0x2;
	p1 =	sne.s32 s8, $0x9E00;
	[tilespmem:s7+$0x2010] =	vst v6;
	v4 =	vmax.f32 v4, $0.0e+00;
	v6 =	vld [tilespmem:s7+$0x2070]  }
0x1c9: {  	v7 =	vld [tilespmem:s9+$0x2000];
	[tilespmem:s7+$0x2020] =	vst v4;
	v2 =	vmax.f32 v2, $0.0e+00  }
0x1ca: {  	v8 =	vld [tilespmem:s9+$0x2010];
	[tilespmem:s7+$0x2030] =	vst v2;
	v1 =	vmax.f32 v1, $0.0e+00  }
.Ltmp13:
0x1cb: {  	v4 =	vld [tilespmem:s9+$0x2020];
	[tilespmem:s7+$0x2040] =	vst v1;
	v1 =	vmax.f32 v3, $0.0e+00;
	(pc) =	sbr.rel @p1 .LBB2_23-.Ltmp13, $4  }
0x1cc: {  	v2 =	vld [tilespmem:s9+$0x2030];
	[tilespmem:s7+$0x2050] =	vst v1;
	v3 =	vmax.f32 v5, $0.0e+00  }
0x1cd: {  	v1 =	vld [tilespmem:s9+$0x2040];
	[tilespmem:s7+$0x2060] =	vst v3;
	v5 =	vmax.f32 v6, $0.0e+00  }
0x1ce: {  	v6 =	vmax.f32 v7, $0.0e+00;
	v3 =	vld [tilespmem:s9+$0x2050];
	[tilespmem:s7+$0x2070] =	vst v5;
	s7 =	smov.u32 s9  }
0x1cf: {  	s8 =	sadd.s32 $0x200, s8;
	[tilespmem:s7+$0x2000] =	vst v6;
	v6 =	vmax.f32 v8, $0.0e+00;
	v5 =	vld [tilespmem:s7+$0x2060]  }
0x1d0: {  	[tilespmem:s7+$0x2010] =	vst v6;
	v4 =	vmax.f32 v4, $0.0e+00;
	v6 =	vld [tilespmem:s7+$0x2070]  }
0x1d1: {  	[tilespmem:s7+$0x2020] =	vst v4;
	v2 =	vmax.f32 v2, $0.0e+00  }
0x1d2: {  	[tilespmem:s7+$0x2030] =	vst v2;
	v1 =	vmax.f32 v1, $0.0e+00  }
0x1d3: {  	[tilespmem:s7+$0x2040] =	vst v1;
	v1 =	vmax.f32 v3, $0.0e+00  }
0x1d4: {  	[tilespmem:s7+$0x2050] =	vst v1;
	v1 =	vmax.f32 v5, $0.0e+00  }
0x1d5: {  	[tilespmem:s7+$0x2060] =	vst v1;
	v1 =	vmax.f32 v6, $0.0e+00  }
0x1d6: {  	s9 =	sadd.s32 $0x1000, s6;
	[tilespmem:s7+$0x2070] =	vst v1  }
0x1d7: {  	[spmem:s2] =	stream.indirect.scatter.add.f32 [tilespmem:s28], [sflag:$0x7], $0x80, s9, s31, $0xb8;
	[tilespmem:$0x1D080] =	vst v63  }
0x1d8: {  	p1 =	seq.s32 s16, $0xA;
	_ =	swait.ge [sflag:s20], $0x2800  }
0x1d9: {  	s8 =	simm.s32 @!p1 $0x50;
	[sflag:s20] =	ssyncset.done $0x0  }
0x1da: {  	s7 =	sadd.s32 @!p1 $0x1180, s6;
	s9 =	simm.s32 @!p1 $0x2000;
	[sflag:s20] =	ssyncadd.s32 $0xFFFFD800  }
0x1db: {  	[tilespmem:s9], [sflag:$0x1] =	stream.indirect.gather @!p1 [hbm4b:s5+s8], $0x80, s7, s8, $0xb8;
	[tilespmem:$0x1D080] =	vst v63  }
0x1dc: {  	s7 =	simm.s32 @!p1 $0x3  }
0x1dd: {  	_ =	swait.ge @!p1 [sflag:s7], $0x2800  }
0x1de: {  	[sflag:s7] =	ssyncset.done @!p1 $0x0  }
0x1df: {  	s9 =	simm.s32 @!p1 $0x7000;
	[sflag:s7] =	ssyncadd.s32 @!p1 $0xFFFFD800;
	s7 =	sadd.s32 @!p1 $0x100, s6  }
0x1e0: {  	[tilespmem:s9], [sflag:$0x6] =	stream.indirect.gather.add.f32 @!p1 [hbm:s1], $0x80, s7, s8, $0xb8;
	[tilespmem:$0x1D080] =	vst v63  }
0x1e1: {  	_ =	swait.ge [sflag:s21], $0x2800  }
0x1e2: {  	[sflag:s21] =	ssyncset.done $0x0  }
0x1e3: {  	s7 =	simm.s32 $0x0;
	[sflag:s21] =	ssyncadd.s32 $0xFFFFD800  }
0x1e4: {  	v3 =	vld [tilespmem:s7+$0x4800]  }
0x1e5: {  	v5 =	vld [tilespmem:s7+$0x4810]  }
0x1e6: {  	v4 =	vld [tilespmem:s7+$0x4820]  }
0x1e7: {  	v2 =	vld [tilespmem:s7+$0x4830]  }
0x1e8: {  	v1 =	vld [tilespmem:s7+$0x4840]  }
0x1e9: {  	v6 =	vmax.f32 v3, $0.0e+00;
	v3 =	vld [tilespmem:s7+$0x4850]  }
0x1ea: {  	s8 =	simm.s32 $0x200;
	[tilespmem:s7+$0x4800] =	vst v6;
	v6 =	vmax.f32 v5, $0.0e+00;
	v5 =	vld [tilespmem:s7+$0x4860]  }
.LBB2_25:
0x1eb: {  	s9 =	sshra.s32 s8, $0x2;
	p2 =	sne.s32 s8, $0x9E00;
	[tilespmem:s7+$0x4810] =	vst v6;
	v4 =	vmax.f32 v4, $0.0e+00;
	v6 =	vld [tilespmem:s7+$0x4870]  }
0x1ec: {  	v7 =	vld [tilespmem:s9+$0x4800];
	[tilespmem:s7+$0x4820] =	vst v4;
	v2 =	vmax.f32 v2, $0.0e+00  }
0x1ed: {  	v8 =	vld [tilespmem:s9+$0x4810];
	[tilespmem:s7+$0x4830] =	vst v2;
	v1 =	vmax.f32 v1, $0.0e+00  }
.Ltmp14:
0x1ee: {  	v4 =	vld [tilespmem:s9+$0x4820];
	[tilespmem:s7+$0x4840] =	vst v1;
	v1 =	vmax.f32 v3, $0.0e+00;
	(pc) =	sbr.rel @p2 .LBB2_25-.Ltmp14, $4  }
0x1ef: {  	v2 =	vld [tilespmem:s9+$0x4830];
	[tilespmem:s7+$0x4850] =	vst v1;
	v3 =	vmax.f32 v5, $0.0e+00  }
0x1f0: {  	v1 =	vld [tilespmem:s9+$0x4840];
	[tilespmem:s7+$0x4860] =	vst v3;
	v5 =	vmax.f32 v6, $0.0e+00  }
0x1f1: {  	v6 =	vmax.f32 v7, $0.0e+00;
	v3 =	vld [tilespmem:s9+$0x4850];
	[tilespmem:s7+$0x4870] =	vst v5;
	s7 =	smov.u32 s9  }
0x1f2: {  	s8 =	sadd.s32 $0x200, s8;
	[tilespmem:s7+$0x4800] =	vst v6;
	v6 =	vmax.f32 v8, $0.0e+00;
	v5 =	vld [tilespmem:s7+$0x4860]  }
0x1f3: {  	[tilespmem:s7+$0x4810] =	vst v6;
	v4 =	vmax.f32 v4, $0.0e+00;
	v63 =	vld [tilespmem:s7+$0x4870]  }
0x1f4: {  	[tilespmem:s7+$0x4820] =	vst v4;
	v2 =	vmax.f32 v2, $0.0e+00  }
0x1f5: {  	[tilespmem:s7+$0x4830] =	vst v2;
	v1 =	vmax.f32 v1, $0.0e+00  }
0x1f6: {  	[tilespmem:s7+$0x4840] =	vst v1;
	v1 =	vmax.f32 v3, $0.0e+00  }
0x1f7: {  	[tilespmem:s7+$0x4850] =	vst v1;
	v1 =	vmax.f32 v5, $0.0e+00  }
0x1f8: {  	[tilespmem:s7+$0x4860] =	vst v1;
	v1 =	vmax.f32 v63, $0.0e+00  }
.Ltmp15:
0x1f9: {  	s9 =	sadd.s32 $0x1080, s6;
	[tilespmem:s7+$0x4870] =	vst v1;
	(pc) =	sbr.rel @p1 .LBB2_30-.Ltmp15, $4  }
0x1fa: {  	[spmem:s2] =	stream.indirect.scatter.add.f32 [tilespmem:s3], [sflag:$0x8], $0x80, s9, s31, $0xb8;
	[tilespmem:$0x1D080] =	vst v63  }
0x1fb: {  	_ =	swait.ge [sflag:s22], $0x2800  }
0x1fc: {  	[sflag:s22] =	ssyncset.done $0x0  }
0x1fd: {  	[sflag:s22] =	ssyncadd.s32 $0xFFFFD800  }
0x1fe: {  	s7 =	sadd.s32 $0x1200, s6  }
0x1ff: {  	[tilespmem:s3], [sflag:$0x2] =	stream.indirect.gather [hbm4b:s5+s31], $0x80, s7, s31, $0xb8;
	[tilespmem:$0x1D080] =	vst v63  }
0x200: {  	_ =	swait.ge [sflag:s17], $0x2800  }
0x201: {  	[sflag:s17] =	ssyncset.done $0x0  }
0x202: {  	s9 =	sadd.s32 $0x180, s6;
	[sflag:s17] =	ssyncadd.s32 $0xFFFFD800  }
0x203: {  	[tilespmem:s28], [sflag:$0x4] =	stream.indirect.gather.add.f32 [hbm:s1], $0x80, s9, s31, $0xb8;
	[tilespmem:$0x1D080] =	vst v63  }
0x204: {  	_ =	swait.ge [sflag:s23], $0x2800  }
0x205: {  	[sflag:s23] =	ssyncset.done $0x0  }
0x206: {  	s7 =	simm.s32 $0x0;
	[sflag:s23] =	ssyncadd.s32 $0xFFFFD800  }
0x207: {  	v3 =	vld [tilespmem:s7+$0x7000]  }
0x208: {  	v5 =	vld [tilespmem:s7+$0x7010]  }
0x209: {  	v4 =	vld [tilespmem:s7+$0x7020]  }
0x20a: {  	v2 =	vld [tilespmem:s7+$0x7030]  }
0x20b: {  	v1 =	vld [tilespmem:s7+$0x7040]  }
0x20c: {  	v6 =	vmax.f32 v3, $0.0e+00;
	v3 =	vld [tilespmem:s7+$0x7050]  }
0x20d: {  	s8 =	simm.s32 $0x200;
	[tilespmem:s7+$0x7000] =	vst v6;
	v6 =	vmax.f32 v5, $0.0e+00;
	v5 =	vld [tilespmem:s7+$0x7060]  }
.LBB2_28:
0x20e: {  	s9 =	sshra.s32 s8, $0x2;
	p1 =	sne.s32 s8, $0x9E00;
	[tilespmem:s7+$0x7010] =	vst v6;
	v4 =	vmax.f32 v4, $0.0e+00;
	v6 =	vld [tilespmem:s7+$0x7070]  }
0x20f: {  	v7 =	vld [tilespmem:s9+$0x7000];
	[tilespmem:s7+$0x7020] =	vst v4;
	v2 =	vmax.f32 v2, $0.0e+00  }
0x210: {  	v8 =	vld [tilespmem:s9+$0x7010];
	[tilespmem:s7+$0x7030] =	vst v2;
	v1 =	vmax.f32 v1, $0.0e+00  }
.Ltmp16:
0x211: {  	v4 =	vld [tilespmem:s9+$0x7020];
	[tilespmem:s7+$0x7040] =	vst v1;
	v1 =	vmax.f32 v3, $0.0e+00;
	(pc) =	sbr.rel @p1 .LBB2_28-.Ltmp16, $4  }
0x212: {  	v2 =	vld [tilespmem:s9+$0x7030];
	[tilespmem:s7+$0x7050] =	vst v1;
	v3 =	vmax.f32 v5, $0.0e+00  }
0x213: {  	v1 =	vld [tilespmem:s9+$0x7040];
	[tilespmem:s7+$0x7060] =	vst v3;
	v5 =	vmax.f32 v6, $0.0e+00  }
0x214: {  	v6 =	vmax.f32 v7, $0.0e+00;
	v3 =	vld [tilespmem:s9+$0x7050];
	[tilespmem:s7+$0x7070] =	vst v5;
	s7 =	smov.u32 s9  }
0x215: {  	s8 =	sadd.s32 $0x200, s8;
	[tilespmem:s7+$0x7000] =	vst v6;
	v6 =	vmax.f32 v8, $0.0e+00;
	v5 =	vld [tilespmem:s7+$0x7060]  }
0x216: {  	[tilespmem:s7+$0x7010] =	vst v6;
	v4 =	vmax.f32 v4, $0.0e+00;
	v63 =	vld [tilespmem:s7+$0x7070]  }
0x217: {  	[tilespmem:s7+$0x7020] =	vst v4;
	v2 =	vmax.f32 v2, $0.0e+00  }
0x218: {  	[tilespmem:s7+$0x7030] =	vst v2;
	v1 =	vmax.f32 v1, $0.0e+00  }
.Ltmp17:
0x219: {  	[tilespmem:s7+$0x7040] =	vst v1;
	v1 =	vmax.f32 v3, $0.0e+00;
	(pc) =	sbr.rel .LBB2_22-.Ltmp17, $4  }
0x21a: {  	[tilespmem:s7+$0x7050] =	vst v1;
	v1 =	vmax.f32 v5, $0.0e+00  }
0x21b: {  	[tilespmem:s7+$0x7060] =	vst v1;
	v1 =	vmax.f32 v63, $0.0e+00  }
0x21c: {  	s6 =	sadd.s32 $0x1100, s6;
	s16 =	sadd.s32 $0x1, s16;
	[tilespmem:s7+$0x7070] =	vst v1  }
0x21d: {  	[spmem:s2] =	stream.indirect.scatter.add.f32 [tilespmem:s24], [sflag:$0x9], $0x80, s6, s31, $0xb8;
	[tilespmem:$0x1D080] =	vst v63  }
.LBB2_30:
0x21e: {  	s6 =	sadd.s32 $0x600, s14;
	s16 =	simm.s32 $0x0  }
0x21f: {  	[tilespmem:s16], [sflag:$0xA] =	stream.linear.gather [hbm4b:s6+s16], $0xE80, $0x38;
	[tilespmem:$0x1D080] =	vst v63  }
0x220: {  	_ =	swait.ge [sflag:s29], $0xE80  }
0x221: {  	[sflag:s29] =	ssyncset.done $0x0  }
0x222: {  	s9 =	sadd.s32 $0x600, s15;
	[sflag:s29] =	ssyncadd.s32 $0xFFFFF180  }
0x223: {  	[tilespmem:s30], [sflag:$0xA] =	stream.linear.gather [hbm4b:s9+s16], $0xE80, $0x38;
	[tilespmem:$0x1D080] =	vst v63  }
0x224: {  	_ =	swait.ge [sflag:s29], $0xE80  }
0x225: {  	[sflag:s29] =	ssyncset.done $0x0  }
0x226: {  	[sflag:s29] =	ssyncadd.s32 $0xFFFFF180  }
0x227: {  	[tilespmem:s28], [sflag:$0x1] =	stream.indirect.gather [hbm4b:s5+s31], $0x80, s30, s31, $0xb8;
	[tilespmem:$0x1D080] =	vst v63  }
0x228: {  	_ = 	snop  }
0x229: {  	[tilespmem:s3], [sflag:$0x2] =	stream.indirect.gather [hbm4b:s5+s31], $0x80, s0, s31, $0xb8;
	[tilespmem:$0x1D080] =	vst v63  }
0x22a: {  	_ =	swait.ge [sflag:s17], $0x2800  }
0x22b: {  	[sflag:s17] =	ssyncset.done $0x0  }
0x22c: {  	[sflag:s17] =	ssyncadd.s32 $0xFFFFD800  }
0x22d: {  	[tilespmem:s28], [sflag:$0x4] =	stream.indirect.gather.add.f32 [hbm:s1], $0x80, s16, s31, $0xb8;
	[tilespmem:$0x1D080] =	vst v63  }
.LBB2_31:
0x22e: {  	p1 =	seq.s32 s16, $0x0  }
0x22f: {  	s6 =	simm.s32 @!p1 $0x9  }
0x230: {  	_ =	swait.ge @!p1 [sflag:s6], $0x2800  }
0x231: {  	p2 =	seq.s32 @!p1 s16, $0x9;
	[sflag:s6] =	ssyncset.done @!p1 $0x0  }
0x232: {  	p2 =	por p1, !p2;
	[sflag:s6] =	ssyncadd.s32 @!p1 $0xFFFFD800;
	s6 =	simm.s32 @!p1 $0x3600  }
0x233: {  	s6 =	smul.u32 @p2 $0x600, s16;
	_ =	sdelay $0x1  }
0x234: {  	s7 =	sshra.s32 @p2 s6, $0x2  }
0x235: {  	s7 =	sadd.s32 @p2 $0x1100, s7  }
0x236: {  	[tilespmem:s24], [sflag:$0x3] =	stream.indirect.gather @p2 [hbm4b:s5+s31], $0x80, s7, s31, $0xb8;
	[tilespmem:$0x1D080] =	vst v63  }
0x237: {  	_ =	swait.ge [sflag:s18], $0x2800  }
0x238: {  	s6 =	sshra.s32 s6, $0x2;
	[sflag:s18] =	ssyncset.done $0x0  }
0x239: {  	s9 =	sadd.s32 $0x80, s6;
	[sflag:s18] =	ssyncadd.s32 $0xFFFFD800  }
0x23a: {  	[tilespmem:s3], [sflag:$0x5] =	stream.indirect.gather.add.f32 [hbm:s1], $0x80, s9, s31, $0xb8;
	[tilespmem:$0x1D080] =	vst v63  }
0x23b: {  	_ =	swait.ge [sflag:s19], $0x2800  }
0x23c: {  	[sflag:s19] =	ssyncset.done $0x0  }
0x23d: {  	s7 =	simm.s32 $0x0;
	[sflag:s19] =	ssyncadd.s32 $0xFFFFD800  }
0x23e: {  	v3 =	vld [tilespmem:s7+$0x2000]  }
0x23f: {  	v5 =	vld [tilespmem:s7+$0x2010]  }
0x240: {  	v4 =	vld [tilespmem:s7+$0x2020]  }
0x241: {  	v2 =	vld [tilespmem:s7+$0x2030]  }
0x242: {  	v1 =	vld [tilespmem:s7+$0x2040]  }
0x243: {  	v6 =	vmax.f32 v3, $0.0e+00;
	v3 =	vld [tilespmem:s7+$0x2050]  }
0x244: {  	s8 =	simm.s32 $0x200;
	[tilespmem:s7+$0x2000] =	vst v6;
	v6 =	vmax.f32 v5, $0.0e+00;
	v5 =	vld [tilespmem:s7+$0x2060]  }
.LBB2_32:
0x245: {  	s9 =	sshra.s32 s8, $0x2;
	p1 =	sne.s32 s8, $0x9E00;
	[tilespmem:s7+$0x2010] =	vst v6;
	v4 =	vmax.f32 v4, $0.0e+00;
	v6 =	vld [tilespmem:s7+$0x2070]  }
0x246: {  	v7 =	vld [tilespmem:s9+$0x2000];
	[tilespmem:s7+$0x2020] =	vst v4;
	v2 =	vmax.f32 v2, $0.0e+00  }
0x247: {  	v8 =	vld [tilespmem:s9+$0x2010];
	[tilespmem:s7+$0x2030] =	vst v2;
	v1 =	vmax.f32 v1, $0.0e+00  }
.Ltmp18:
0x248: {  	v4 =	vld [tilespmem:s9+$0x2020];
	[tilespmem:s7+$0x2040] =	vst v1;
	v1 =	vmax.f32 v3, $0.0e+00;
	(pc) =	sbr.rel @p1 .LBB2_32-.Ltmp18, $4  }
0x249: {  	v2 =	vld [tilespmem:s9+$0x2030];
	[tilespmem:s7+$0x2050] =	vst v1;
	v3 =	vmax.f32 v5, $0.0e+00  }
0x24a: {  	v1 =	vld [tilespmem:s9+$0x2040];
	[tilespmem:s7+$0x2060] =	vst v3;
	v5 =	vmax.f32 v6, $0.0e+00  }
0x24b: {  	v6 =	vmax.f32 v7, $0.0e+00;
	v3 =	vld [tilespmem:s9+$0x2050];
	[tilespmem:s7+$0x2070] =	vst v5;
	s7 =	smov.u32 s9  }
0x24c: {  	s8 =	sadd.s32 $0x200, s8;
	[tilespmem:s7+$0x2000] =	vst v6;
	v6 =	vmax.f32 v8, $0.0e+00;
	v5 =	vld [tilespmem:s7+$0x2060]  }
0x24d: {  	[tilespmem:s7+$0x2010] =	vst v6;
	v4 =	vmax.f32 v4, $0.0e+00;
	v6 =	vld [tilespmem:s7+$0x2070]  }
0x24e: {  	[tilespmem:s7+$0x2020] =	vst v4;
	v2 =	vmax.f32 v2, $0.0e+00  }
0x24f: {  	[tilespmem:s7+$0x2030] =	vst v2;
	v1 =	vmax.f32 v1, $0.0e+00  }
0x250: {  	[tilespmem:s7+$0x2040] =	vst v1;
	v1 =	vmax.f32 v3, $0.0e+00  }
0x251: {  	[tilespmem:s7+$0x2050] =	vst v1;
	v1 =	vmax.f32 v5, $0.0e+00  }
0x252: {  	[tilespmem:s7+$0x2060] =	vst v1;
	v1 =	vmax.f32 v6, $0.0e+00  }
0x253: {  	s9 =	sadd.s32 $0x1000, s6;
	[tilespmem:s7+$0x2070] =	vst v1  }
0x254: {  	[spmem:s2] =	stream.indirect.scatter.add.f32 [tilespmem:s28], [sflag:$0x7], $0x80, s9, s31, $0xb8;
	[tilespmem:$0x1D080] =	vst v63  }
0x255: {  	p1 =	seq.s32 s16, $0x9;
	_ =	swait.ge [sflag:s20], $0x2800  }
0x256: {  	s8 =	simm.s32 @!p1 $0x50;
	[sflag:s20] =	ssyncset.done $0x0  }
0x257: {  	s7 =	sadd.s32 @!p1 $0x1180, s6;
	s9 =	simm.s32 @!p1 $0x2000;
	[sflag:s20] =	ssyncadd.s32 $0xFFFFD800  }
0x258: {  	[tilespmem:s9], [sflag:$0x1] =	stream.indirect.gather @!p1 [hbm4b:s5+s8], $0x80, s7, s8, $0xb8;
	[tilespmem:$0x1D080] =	vst v63  }
0x259: {  	s7 =	simm.s32 @!p1 $0x3  }
0x25a: {  	_ =	swait.ge @!p1 [sflag:s7], $0x2800  }
0x25b: {  	[sflag:s7] =	ssyncset.done @!p1 $0x0  }
0x25c: {  	s9 =	simm.s32 @!p1 $0x7000;
	[sflag:s7] =	ssyncadd.s32 @!p1 $0xFFFFD800;
	s7 =	sadd.s32 @!p1 $0x100, s6  }
0x25d: {  	[tilespmem:s9], [sflag:$0x6] =	stream.indirect.gather.add.f32 @!p1 [hbm:s1], $0x80, s7, s8, $0xb8;
	[tilespmem:$0x1D080] =	vst v63  }
0x25e: {  	_ =	swait.ge [sflag:s21], $0x2800  }
0x25f: {  	[sflag:s21] =	ssyncset.done $0x0  }
0x260: {  	s7 =	simm.s32 $0x0;
	[sflag:s21] =	ssyncadd.s32 $0xFFFFD800  }
0x261: {  	v3 =	vld [tilespmem:s7+$0x4800]  }
0x262: {  	v5 =	vld [tilespmem:s7+$0x4810]  }
0x263: {  	v4 =	vld [tilespmem:s7+$0x4820]  }
0x264: {  	v2 =	vld [tilespmem:s7+$0x4830]  }
0x265: {  	v1 =	vld [tilespmem:s7+$0x4840]  }
0x266: {  	v6 =	vmax.f32 v3, $0.0e+00;
	v3 =	vld [tilespmem:s7+$0x4850]  }
0x267: {  	s8 =	simm.s32 $0x200;
	[tilespmem:s7+$0x4800] =	vst v6;
	v6 =	vmax.f32 v5, $0.0e+00;
	v5 =	vld [tilespmem:s7+$0x4860]  }
.LBB2_34:
0x268: {  	s9 =	sshra.s32 s8, $0x2;
	p2 =	sne.s32 s8, $0x9E00;
	[tilespmem:s7+$0x4810] =	vst v6;
	v4 =	vmax.f32 v4, $0.0e+00;
	v6 =	vld [tilespmem:s7+$0x4870]  }
0x269: {  	v7 =	vld [tilespmem:s9+$0x4800];
	[tilespmem:s7+$0x4820] =	vst v4;
	v2 =	vmax.f32 v2, $0.0e+00  }
0x26a: {  	v8 =	vld [tilespmem:s9+$0x4810];
	[tilespmem:s7+$0x4830] =	vst v2;
	v1 =	vmax.f32 v1, $0.0e+00  }
.Ltmp19:
0x26b: {  	v4 =	vld [tilespmem:s9+$0x4820];
	[tilespmem:s7+$0x4840] =	vst v1;
	v1 =	vmax.f32 v3, $0.0e+00;
	(pc) =	sbr.rel @p2 .LBB2_34-.Ltmp19, $4  }
0x26c: {  	v2 =	vld [tilespmem:s9+$0x4830];
	[tilespmem:s7+$0x4850] =	vst v1;
	v3 =	vmax.f32 v5, $0.0e+00  }
0x26d: {  	v1 =	vld [tilespmem:s9+$0x4840];
	[tilespmem:s7+$0x4860] =	vst v3;
	v5 =	vmax.f32 v6, $0.0e+00  }
0x26e: {  	v6 =	vmax.f32 v7, $0.0e+00;
	v3 =	vld [tilespmem:s9+$0x4850];
	[tilespmem:s7+$0x4870] =	vst v5;
	s7 =	smov.u32 s9  }
0x26f: {  	s8 =	sadd.s32 $0x200, s8;
	[tilespmem:s7+$0x4800] =	vst v6;
	v6 =	vmax.f32 v8, $0.0e+00;
	v5 =	vld [tilespmem:s7+$0x4860]  }
0x270: {  	[tilespmem:s7+$0x4810] =	vst v6;
	v4 =	vmax.f32 v4, $0.0e+00;
	v63 =	vld [tilespmem:s7+$0x4870]  }
0x271: {  	[tilespmem:s7+$0x4820] =	vst v4;
	v2 =	vmax.f32 v2, $0.0e+00  }
0x272: {  	[tilespmem:s7+$0x4830] =	vst v2;
	v1 =	vmax.f32 v1, $0.0e+00  }
0x273: {  	[tilespmem:s7+$0x4840] =	vst v1;
	v1 =	vmax.f32 v3, $0.0e+00  }
0x274: {  	[tilespmem:s7+$0x4850] =	vst v1;
	v1 =	vmax.f32 v5, $0.0e+00  }
0x275: {  	[tilespmem:s7+$0x4860] =	vst v1;
	v1 =	vmax.f32 v63, $0.0e+00  }
.Ltmp20:
0x276: {  	s9 =	sadd.s32 $0x1080, s6;
	[tilespmem:s7+$0x4870] =	vst v1;
	(pc) =	sbr.rel @p1 .LBB2_39-.Ltmp20, $4  }
0x277: {  	[spmem:s2] =	stream.indirect.scatter.add.f32 [tilespmem:s3], [sflag:$0x8], $0x80, s9, s31, $0xb8;
	[tilespmem:$0x1D080] =	vst v63  }
0x278: {  	_ =	swait.ge [sflag:s22], $0x2800  }
0x279: {  	[sflag:s22] =	ssyncset.done $0x0  }
0x27a: {  	[sflag:s22] =	ssyncadd.s32 $0xFFFFD800  }
0x27b: {  	s7 =	sadd.s32 $0x1200, s6  }
0x27c: {  	[tilespmem:s3], [sflag:$0x2] =	stream.indirect.gather [hbm4b:s5+s31], $0x80, s7, s31, $0xb8;
	[tilespmem:$0x1D080] =	vst v63  }
0x27d: {  	_ =	swait.ge [sflag:s17], $0x2800  }
0x27e: {  	[sflag:s17] =	ssyncset.done $0x0  }
0x27f: {  	s9 =	sadd.s32 $0x180, s6;
	[sflag:s17] =	ssyncadd.s32 $0xFFFFD800  }
0x280: {  	[tilespmem:s28], [sflag:$0x4] =	stream.indirect.gather.add.f32 [hbm:s1], $0x80, s9, s31, $0xb8;
	[tilespmem:$0x1D080] =	vst v63  }
0x281: {  	_ =	swait.ge [sflag:s23], $0x2800  }
0x282: {  	[sflag:s23] =	ssyncset.done $0x0  }
0x283: {  	s7 =	simm.s32 $0x0;
	[sflag:s23] =	ssyncadd.s32 $0xFFFFD800  }
0x284: {  	v3 =	vld [tilespmem:s7+$0x7000]  }
0x285: {  	v5 =	vld [tilespmem:s7+$0x7010]  }
0x286: {  	v4 =	vld [tilespmem:s7+$0x7020]  }
0x287: {  	v2 =	vld [tilespmem:s7+$0x7030]  }
0x288: {  	v1 =	vld [tilespmem:s7+$0x7040]  }
0x289: {  	v6 =	vmax.f32 v3, $0.0e+00;
	v3 =	vld [tilespmem:s7+$0x7050]  }
0x28a: {  	s8 =	simm.s32 $0x200;
	[tilespmem:s7+$0x7000] =	vst v6;
	v6 =	vmax.f32 v5, $0.0e+00;
	v5 =	vld [tilespmem:s7+$0x7060]  }
.LBB2_37:
0x28b: {  	s9 =	sshra.s32 s8, $0x2;
	p1 =	sne.s32 s8, $0x9E00;
	[tilespmem:s7+$0x7010] =	vst v6;
	v4 =	vmax.f32 v4, $0.0e+00;
	v6 =	vld [tilespmem:s7+$0x7070]  }
0x28c: {  	v7 =	vld [tilespmem:s9+$0x7000];
	[tilespmem:s7+$0x7020] =	vst v4;
	v2 =	vmax.f32 v2, $0.0e+00  }
0x28d: {  	v8 =	vld [tilespmem:s9+$0x7010];
	[tilespmem:s7+$0x7030] =	vst v2;
	v1 =	vmax.f32 v1, $0.0e+00  }
.Ltmp21:
0x28e: {  	v4 =	vld [tilespmem:s9+$0x7020];
	[tilespmem:s7+$0x7040] =	vst v1;
	v1 =	vmax.f32 v3, $0.0e+00;
	(pc) =	sbr.rel @p1 .LBB2_37-.Ltmp21, $4  }
0x28f: {  	v2 =	vld [tilespmem:s9+$0x7030];
	[tilespmem:s7+$0x7050] =	vst v1;
	v3 =	vmax.f32 v5, $0.0e+00  }
0x290: {  	v1 =	vld [tilespmem:s9+$0x7040];
	[tilespmem:s7+$0x7060] =	vst v3;
	v5 =	vmax.f32 v6, $0.0e+00  }
0x291: {  	v6 =	vmax.f32 v7, $0.0e+00;
	v3 =	vld [tilespmem:s9+$0x7050];
	[tilespmem:s7+$0x7070] =	vst v5;
	s7 =	smov.u32 s9  }
0x292: {  	s8 =	sadd.s32 $0x200, s8;
	[tilespmem:s7+$0x7000] =	vst v6;
	v6 =	vmax.f32 v8, $0.0e+00;
	v5 =	vld [tilespmem:s7+$0x7060]  }
0x293: {  	[tilespmem:s7+$0x7010] =	vst v6;
	v4 =	vmax.f32 v4, $0.0e+00;
	v63 =	vld [tilespmem:s7+$0x7070]  }
0x294: {  	[tilespmem:s7+$0x7020] =	vst v4;
	v2 =	vmax.f32 v2, $0.0e+00  }
0x295: {  	[tilespmem:s7+$0x7030] =	vst v2;
	v1 =	vmax.f32 v1, $0.0e+00  }
.Ltmp22:
0x296: {  	[tilespmem:s7+$0x7040] =	vst v1;
	v1 =	vmax.f32 v3, $0.0e+00;
	(pc) =	sbr.rel .LBB2_31-.Ltmp22, $4  }
0x297: {  	[tilespmem:s7+$0x7050] =	vst v1;
	v1 =	vmax.f32 v5, $0.0e+00  }
0x298: {  	[tilespmem:s7+$0x7060] =	vst v1;
	v1 =	vmax.f32 v63, $0.0e+00  }
0x299: {  	s6 =	sadd.s32 $0x1100, s6;
	s16 =	sadd.s32 $0x1, s16;
	[tilespmem:s7+$0x7070] =	vst v1  }
0x29a: {  	[spmem:s2] =	stream.indirect.scatter.add.f32 [tilespmem:s24], [sflag:$0x9], $0x80, s6, s31, $0xb8;
	[tilespmem:$0x1D080] =	vst v63  }
.LBB2_40:
0x29b: {  	_ =	sfence.sel $0x180000  }
0x29c: {  	[bflag:$0x0] =	sbarrier.arrive $0xFFFF  }
0x29d: {  	_ =	strace $0x90000047  }
0x29e: {  	s0 =	stileid.u32;
	[bflag:$0x2] =	sbarrier.arrive $0xFFFF  }
0x29f: {  	p0 =	sne.s32 s0, $0x0;
	s0 =	rddreg [dreg:$0x3]  }
0x2a0: {  	s0 =	sadd.s32 @!p0 $0x100000, s0  }
0x2a1: {  	[sflag:s0] =	ssyncadd.tile.s32 @!p0 $0x1;
	_ =	shalt  }
.Lfunc_end2:
_tile_overlayer_lowered:
.L_overlay_start_2:
0x2a2: {  	(tag) =	ssettag $0x2  }
0x2a3: {  	s0 =	rddreg [dreg:$0x0];
	s2 =	stileid.u32  }
0x2a4: {  	s1 =	rddreg [dreg:$0x1];
	p0 =	sne.s32 s2, $0x0  }
0x2a5: {  	s3 =	rddreg [dreg:$0x2];
	[bflag:$0x3] =	sbarrier.arrive $0xFFFF;
	s2 =	simm.s32 @!p0 $0x1C0A  }
0x2a6: {  	[timem:s3], [sflag:s2] =	dma.local @!p0 [hbm:s0], s1  }
0x2a7: {  	s0 =	simm.s32 @!p0 $0xA  }
0x2a8: {  	_ =	swait.ge @!p0 [sflag:s0], s1  }
0x2a9: {  	s1 =	ssub.s32 @!p0 $0x0, s1;
	[sflag:s0] =	ssyncset.done @!p0 $0x0  }
0x2aa: {  	[sflag:s0] =	ssyncadd.s32 @!p0 s1  }
0x2ab: {  	[bflag:$0x3] =	sbarrier.arrive $0xFFFF  }
0x2ac: {  	_ =	shalt  }

</sc_bundles>
